<compile_context>
chip_gen: v7x
topology: tpu7x:2x2x1
jax: 0.10.2.dev20260603
libtpu: 0.0.44.dev20260713+nightly
codegen_flags: <defaults>
</compile_context>

<pallas_src>
import functools

import jax
import jax.numpy as jnp
from jax import lax
from jax.experimental import pallas as pl
from jax.experimental.pallas import tpu as pltpu
from jax.experimental.pallas import tpu_sc as plsc

N = 10000
E = 320000
NPAD = 10240
NROWS = NPAD // 16
ALPHA = 0.2
NW = 32
EPT = E // NW
CH = 2000
NV = CH // 16
NCH = EPT // CH
RP = 128
NQP = 79
EPTP = NQP * RP
F = 64

def _mesh():
    return plsc.VectorSubcoreMesh(core_axis_name="c", subcore_axis_name="s")


_SC_PARAMS = pltpu.CompilerParams(needs_layout_passes=False,
                                  use_tc_tiling_on_sc=False)


def _f32(shape):
    return jax.ShapeDtypeStruct(shape, jnp.float32)


def _i32(shape):
    return jax.ShapeDtypeStruct(shape, jnp.int32)


def _tc_pre_body(nf_ref, efn_ref, wn_ref, we_ref, av_ref,
                 hv_ref, ev_ref, s_ref):
    hv = jnp.dot(nf_ref[...], wn_ref[...], preferred_element_type=jnp.float32)
    hv_ref[...] = hv
    ev_ref[...] = jnp.dot(efn_ref[...], we_ref[...],
                          preferred_element_type=jnp.float32)
    s_ref[...] = jnp.dot(hv, av_ref[...], preferred_element_type=jnp.float32)


def _tc_t2_body(ef_ref, ae2_ref, t2_ref):
    t2_ref[...] = jnp.dot(ef_ref[...], ae2_ref[...],
                          preferred_element_type=jnp.float32)


def _sc_edge_body(src_h, dst_h, t2_h, s1_h, s2_h, t1_h, rowidx_h,
                  na_h, ea_h, nasum_h, easum_h, cnt_h,
                  s1_v, s2_v, t1_v, acc_na, acc_ea, acc_cnt,
                  src_c, dst_c, t2_c, na_c, ea_c, idxr,
                  sh_na, sh_ea, sh_cnt):
    c = lax.axis_index("c")
    s = lax.axis_index("s")
    wid = c * 16 + s
    zf = jnp.zeros((16,), jnp.float32)
    zi = jnp.zeros((16,), jnp.int32)
    ones = jnp.ones((16,), jnp.int32)

    def zrow(r, carry):
        acc_na[r] = zf
        acc_ea[r] = zf
        acc_cnt[r] = zi
        return carry

    lax.fori_loop(0, NROWS, zrow, 0)
    pltpu.sync_copy(rowidx_h, idxr)
    pltpu.sync_copy(s1_h, s1_v.at[pl.ds(0, N)])
    pltpu.sync_copy(s2_h, s2_v.at[pl.ds(0, N)])
    pltpu.sync_copy(t1_h, t1_v.at[pl.ds(0, N)])

    @pl.when(s == 0)
    def _zero_shared():
        pltpu.sync_copy(acc_na, sh_na)
        pltpu.sync_copy(acc_ea, sh_ea)
        pltpu.sync_copy(acc_cnt, sh_cnt)

    plsc.subcore_barrier()

    for ch in range(NCH):
        base = wid * EPT + ch * CH
        pltpu.sync_copy(src_h.at[pl.ds(base, CH)], src_c)
        pltpu.sync_copy(dst_h.at[pl.ds(base, CH)], dst_c)
        pltpu.sync_copy(t2_h.at[pl.ds(base, CH)], t2_c)

        def body(i, carry):
            o = pl.multiple_of(i * 16, 16)
            isv = src_c[pl.ds(o, 16)]
            idv = dst_c[pl.ds(o, 16)]
            sv = plsc.load_gather(s1_v, [isv]) + plsc.load_gather(s2_v, [idv])
            sv = jnp.maximum(sv, ALPHA * sv)
            nav = jnp.exp(jnp.clip(sv, -2.0, 2.0))
            tv = plsc.load_gather(t1_v, [isv]) + t2_c[pl.ds(o, 16)]
            tv = jnp.maximum(tv, ALPHA * tv)
            eav = jnp.exp(jnp.clip(tv, -2.0, 2.0))
            na_c[pl.ds(o, 16)] = nav
            ea_c[pl.ds(o, 16)] = eav
            rows = lax.shift_right_logical(isv, 4)
            cols = lax.bitwise_and(isv, 15)
            plsc.addupdate_scatter(acc_na, [rows, cols], nav)
            plsc.addupdate_scatter(acc_ea, [rows, cols], eav)
            plsc.addupdate_scatter(acc_cnt, [rows, cols], ones)
            return carry

        lax.fori_loop(0, NV, body, 0)
        pltpu.sync_copy(na_c, na_h.at[pl.ds(base, CH)])
        pltpu.sync_copy(ea_c, ea_h.at[pl.ds(base, CH)])

    for j in range(NROWS // 128):
        sl = pl.ds(128 * j, 128)
        pltpu.sync_copy(acc_na.at[sl], sh_na.at[idxr.at[j]], add=True)
        pltpu.sync_copy(acc_ea.at[sl], sh_ea.at[idxr.at[j]], add=True)
        pltpu.sync_copy(acc_cnt.at[sl], sh_cnt.at[idxr.at[j]], add=True)

    plsc.subcore_barrier()

    @pl.when(s == 0)
    def _write_out():
        pltpu.sync_copy(sh_na, nasum_h.at[c])
        pltpu.sync_copy(sh_ea, easum_h.at[c])
        pltpu.sync_copy(sh_cnt, cnt_h.at[c])


def _sc_merge_body(nsa_h, nsb_h, esa_h, esb_h, ca_h, cb_h,
                   nasum_h, easum_h, off_h,
                   c0_v, c1_v, off_v, buf_a, buf_b):
    c = lax.axis_index("c")
    s = lax.axis_index("s")
    wid = c * 16 + s

    @pl.when(wid == 0)
    def _scan_counts():
        pltpu.sync_copy(ca_h, c0_v)
        pltpu.sync_copy(cb_h, c1_v)

        def body(i, carry):
            o = pl.multiple_of(i * 16, 16)
            v = c0_v[pl.ds(o, 16)] + c1_v[pl.ds(o, 16)]
            cs = plsc.cumsum(v)
            off_v[pl.ds(o, 16)] = (carry + cs) - v
            return carry + cs[15]

        lax.fori_loop(0, NPAD // 16, body, jnp.int32(0))
        pltpu.sync_copy(off_v, off_h)

    CHK = NPAD // 8

    @pl.when((wid >= 1) & (wid <= 8))
    def _merge_na():
        o = pl.multiple_of((wid - 1) * CHK, 8)
        pltpu.sync_copy(nsa_h.at[pl.ds(o, CHK)], buf_a)
        pltpu.sync_copy(nsb_h.at[pl.ds(o, CHK)], buf_b)

        def body(i, carry):
            sl = pl.ds(pl.multiple_of(i * 16, 16), 16)
            buf_a[sl] = buf_a[sl] + buf_b[sl]
            return carry

        lax.fori_loop(0, CHK // 16, body, 0)
        pltpu.sync_copy(buf_a, nasum_h.at[pl.ds(o, CHK)])

    @pl.when((wid >= 9) & (wid <= 16))
    def _merge_ea():
        o = pl.multiple_of((wid - 9) * CHK, 8)
        pltpu.sync_copy(esa_h.at[pl.ds(o, CHK)], buf_a)
        pltpu.sync_copy(esb_h.at[pl.ds(o, CHK)], buf_b)

        def body(i, carry):
            sl = pl.ds(pl.multiple_of(i * 16, 16), 16)
            buf_a[sl] = buf_a[sl] + buf_b[sl]
            return carry

        lax.fori_loop(0, CHK // 16, body, 0)
        pltpu.sync_copy(buf_a, easum_h.at[pl.ds(o, CHK)])


def _sc_norm_body(na_h, ea_h, nasum_h, easum_h, off_h,
                  nn_h, ne_h, varp_h,
                  nasum_v, easum_v, off_v, arr,
                  na_t, ea_t, nn_t, ne_t, varrow):
    c = lax.axis_index("c")
    s = lax.axis_index("s")
    wid = c * 16 + s
    base = wid * EPT
    zf = jnp.zeros((16,), jnp.float32)
    zi = jnp.zeros((16,), jnp.int32)
    ones = jnp.ones((16,), jnp.int32)

    pltpu.sync_copy(nasum_h, nasum_v)
    pltpu.sync_copy(easum_h, easum_v)
    pltpu.sync_copy(off_h, off_v)
    pltpu.sync_copy(na_h.at[pl.ds(base, EPT)], na_t)
    pltpu.sync_copy(ea_h.at[pl.ds(base, EPT)], ea_t)

    def bs(i, lohi):
        lo, hi = lohi
        mid = lax.div(lo + hi + 1, 2)
        p = off_v[pl.ds(mid, 16)][0] <= base
        return (jnp.where(p, mid, lo), jnp.where(p, hi, mid - 1))

    j0, _ = lax.fori_loop(0, 14, bs, (jnp.int32(0), jnp.int32(N - 1)))

    def za(i, carry):
        arr[pl.ds(pl.multiple_of(i * 16, 16), 16)] = zi
        return carry

    lax.fori_loop(0, EPT // 16, za, 0)

    def hb(k, carry):
        ov = off_v[pl.ds(pl.multiple_of(k * 16, 16), 16)]
        m = (ov > base) & (ov < base + EPT)
        plsc.addupdate_scatter(arr, [ov - base], ones, mask=m)
        return carry

    lax.fori_loop(0, NPAD // 16, hb, 0)

    def nb(i, carry):
        gcar, sn, qn, se, qe = carry
        o = pl.multiple_of(i * 16, 16)
        hv16 = arr[pl.ds(o, 16)]
        cs = plsc.cumsum(hv16)
        gv = (j0 + gcar) + cs
        rn = plsc.load_gather(nasum_v, [gv])
        re = plsc.load_gather(easum_v, [gv])
        nn = na_t[pl.ds(o, 16)] / rn
        ne = ea_t[pl.ds(o, 16)] / re
        nn_t[pl.ds(o, 16)] = nn
        ne_t[pl.ds(o, 16)] = ne
        return (gcar + cs[15], sn + nn, qn + nn * nn, se + ne, qe + ne * ne)

    _, sn, qn, se, qe = lax.fori_loop(
        0, EPT // 16, nb, (jnp.int32(0), zf, zf, zf, zf))
    varrow[0] = sn
    varrow[1] = qn
    varrow[2] = se
    varrow[3] = qe
    pltpu.sync_copy(nn_t, nn_h.at[pl.ds(base, EPT)])
    pltpu.sync_copy(ne_t, ne_h.at[pl.ds(base, EPT)])
    pltpu.sync_copy(varrow, varp_h.at[wid])


def _sc_aggr_body(src2d_h, dst2d_h, w_h, tab_h, outp_h,
                  src2_t, dst2_t, w_t, grows, wrows, sh_acc):
    c = lax.axis_index("c")
    s = lax.axis_index("s")
    wid = c * 16 + s
    zf = jnp.zeros((16,), jnp.float32)

    pltpu.sync_copy(src2d_h.at[pl.ds(wid * NQP, NQP)], src2_t)
    pltpu.sync_copy(dst2d_h.at[pl.ds(wid * NQP, NQP)], dst2_t)
    pltpu.sync_copy(w_h.at[pl.ds(wid * EPTP, EPTP)], w_t.at[pl.ds(0, EPTP)])

    def zr(k, carry):
        for m in range(F // 16):
            wrows[0, k, pl.ds(16 * m, 16)] = zf
        return carry

    lax.fori_loop(0, RP, zr, 0)
    for q in range(5):
        ro = pl.multiple_of(s * (N // 16) + q * 125, 125)
        pltpu.sync_copy(wrows.at[0].at[pl.ds(0, 125)],
                        sh_acc.at[pl.ds(ro, 125)])
    plsc.subcore_barrier()

    def outer(q, carry):
        pltpu.sync_copy(tab_h.at[dst2_t.at[q]], grows.at[0])

        def rowm(k, carry2):
            w = w_t[pl.ds(q * RP + k, 16)][0]
            for m in range(F // 16):
                sl = pl.ds(16 * m, 16)
                wrows[0, k, sl] = grows[0, k, sl] * w
            return carry2

        lax.fori_loop(0, RP, rowm, 0)
        pltpu.sync_copy(wrows.at[0], sh_acc.at[src2_t.at[q]], add=True)
        return carry

    lax.fori_loop(0, NQP, outer, 0)

    plsc.subcore_barrier()

    @pl.when(s == 0)
    def _write_out():
        pltpu.sync_copy(sh_acc, outp_h.at[c])


def _tc_merge_body(np_ref, ep_ref, vp_ref, nout_ref, eout_ref,
                   nav_ref, eav_ref):
    nout_ref[...] = np_ref[0] + np_ref[1]
    eout_ref[...] = ep_ref[0] + ep_ref[1]
    vp = vp_ref[...]
    sn = jnp.sum(vp[:, 0, :])
    qn = jnp.sum(vp[:, 1, :])
    se = jnp.sum(vp[:, 2, :])
    qe = jnp.sum(vp[:, 3, :])
    denom = 1.0 / (E - 1)
    nav_ref[...] = jnp.reshape((qn - sn * sn / E) * denom, (1, 1))
    eav_ref[...] = jnp.reshape((qe - se * se / E) * denom, (1, 1))


def kernel_staged(node_fts, edge_fts, edges, W_node, W_edge, a_node, a_edge,
                  stage=6):
    node_fts = jnp.squeeze(node_fts)
    edge_fts = jnp.squeeze(edge_fts)
    edges = jnp.squeeze(edges)
    er = edges.reshape(E, 2)
    src = er[:, 0]
    dst = er[:, 1]
    pad2 = ((0, 0), (0, EPTP - EPT))
    src2d = jnp.pad(src.reshape(NW, EPT), pad2).reshape(NW * NQP, RP)
    dst2d = jnp.pad(dst.reshape(NW, EPT), pad2).reshape(NW * NQP, RP)
    rowidx = jnp.arange(NROWS, dtype=jnp.int32).reshape(NROWS // 128, 128)

    avecs = jnp.concatenate([a_node[:F], a_node[F:], a_edge[:F]], axis=1)
    hv, ev, svec = pl.pallas_call(
        _tc_pre_body,
        out_shape=[_f32((N, F)), _f32((N, F)), _f32((N, 4))],
    )(node_fts, edge_fts[:N], W_node, W_edge,
      jnp.pad(avecs, ((0, 0), (0, 1))))
    s1 = svec[:, 0]
    s2 = svec[:, 1]
    t1 = svec[:, 2]

    BE = 8000
    t2 = pl.pallas_call(
        _tc_t2_body,
        grid=(E // BE,),
        in_specs=[pl.BlockSpec((BE, 16), lambda i: (i, 0)),
                  pl.BlockSpec((16, 1), lambda i: (0, 0))],
        out_specs=pl.BlockSpec((BE, 1), lambda i: (i, 0)),
        out_shape=_f32((E, 1)),
    )(edge_fts, a_edge[F:F + 16])
    t2 = t2.reshape(E)
    if stage == 1:
        return (hv, ev, s1, s2, t1, t2)

    k2 = pl.kernel(
        _sc_edge_body,
        out_type=[_f32((E,)), _f32((E,)),
                  _f32((2, NROWS, 16)), _f32((2, NROWS, 16)),
                  _i32((2, NROWS, 16))],
        mesh=_mesh(),
        compiler_params=_SC_PARAMS,
        scratch_types=[
            pltpu.VMEM((NPAD,), jnp.float32), pltpu.VMEM((NPAD,), jnp.float32),
            pltpu.VMEM((NPAD,), jnp.float32),
            pltpu.VMEM((NROWS, 16), jnp.float32),
            pltpu.VMEM((NROWS, 16), jnp.float32),
            pltpu.VMEM((NROWS, 16), jnp.int32),
            pltpu.VMEM((CH,), jnp.int32), pltpu.VMEM((CH,), jnp.int32),
            pltpu.VMEM((CH,), jnp.float32), pltpu.VMEM((CH,), jnp.float32),
            pltpu.VMEM((CH,), jnp.float32),
            pltpu.VMEM((NROWS // 128, 128), jnp.int32),
            pltpu.VMEM_SHARED((NROWS, 16), jnp.float32),
            pltpu.VMEM_SHARED((NROWS, 16), jnp.float32),
            pltpu.VMEM_SHARED((NROWS, 16), jnp.int32),
        ],
    )
    na, ea, nasum_p, easum_p, cnt_p = k2(src, dst, t2, s1, s2, t1, rowidx)
    nasum_p = nasum_p.reshape(2, NPAD)
    easum_p = easum_p.reshape(2, NPAD)
    cnt_p = cnt_p.reshape(2, NPAD)
    if stage == 2:
        return (na, ea, nasum_p, easum_p, cnt_p)

    k3 = pl.kernel(
        _sc_merge_body,
        out_type=[_f32((NPAD,)), _f32((NPAD,)), _i32((NPAD,))],
        mesh=_mesh(),
        compiler_params=_SC_PARAMS,
        scratch_types=[
            pltpu.VMEM((NPAD,), jnp.int32), pltpu.VMEM((NPAD,), jnp.int32),
            pltpu.VMEM((NPAD,), jnp.int32),
            pltpu.VMEM((NPAD // 8,), jnp.float32),
            pltpu.VMEM((NPAD // 8,), jnp.float32),
        ],
    )
    nasum, easum, off = k3(nasum_p[0], nasum_p[1], easum_p[0], easum_p[1],
                           cnt_p[0], cnt_p[1])
    if stage == 3:
        return (nasum, easum, off)

    k4 = pl.kernel(
        _sc_norm_body,
        out_type=[_f32((E,)), _f32((E,)), _f32((NW, 4, 16))],
        mesh=_mesh(),
        compiler_params=_SC_PARAMS,
        scratch_types=[
            pltpu.VMEM((NPAD,), jnp.float32), pltpu.VMEM((NPAD,), jnp.float32),
            pltpu.VMEM((NPAD,), jnp.int32), pltpu.VMEM((EPT + 240,), jnp.int32),
            pltpu.VMEM((EPT,), jnp.float32), pltpu.VMEM((EPT,), jnp.float32),
            pltpu.VMEM((EPT,), jnp.float32), pltpu.VMEM((EPT,), jnp.float32),
            pltpu.VMEM((4, 16), jnp.float32),
        ],
    )
    nn, ne, varp = k4(na, ea, nasum, easum, off)
    if stage == 4:
        return (nn, ne, varp)

    k5 = pl.kernel(
        _sc_aggr_body,
        out_type=_f32((2, N, F)),
        mesh=_mesh(),
        compiler_params=_SC_PARAMS,
        scratch_types=[
            pltpu.VMEM((NQP, RP), jnp.int32), pltpu.VMEM((NQP, RP), jnp.int32),
            pltpu.VMEM((EPTP + 16,), jnp.float32),
            pltpu.VMEM((2, RP, F), jnp.float32),
            pltpu.VMEM((2, RP, F), jnp.float32),
            pltpu.VMEM_SHARED((N, F), jnp.float32),
        ],
    )
    nnp = jnp.pad(nn.reshape(NW, EPT), pad2).reshape(NW * EPTP)
    nep = jnp.pad(ne.reshape(NW, EPT), pad2).reshape(NW * EPTP)
    noutp = k5(src2d, dst2d, nnp, hv)
    eoutp = k5(src2d, dst2d, nep, ev)
    if stage == 5:
        return (noutp, eoutp, varp)

    node_out, edge_out, nav, eav = pl.pallas_call(
        _tc_merge_body,
        out_shape=[_f32((N, F)), _f32((N, F)), _f32((1, 1)), _f32((1, 1))],
    )(noutp, eoutp, varp)
    return (node_out, edge_out, nav.reshape(()), eav.reshape(()))


def kernel(node_fts, edge_fts, edges, W_node, W_edge, a_node, a_edge):
    return kernel_staged(node_fts, edge_fts, edges, W_node, W_edge,
                         a_node, a_edge, stage=6)

# --- scband reference (transcript-rebuilt; emitter-appended) ---
"""Pipeline reference for scband-node-attention-head-1108101562611 (READ-ONLY COPY).

The authoritative reference and input builder live on the scoring server;
editing this copy changes nothing except your own understanding.
"""

import jax, jax.numpy as jnp
import numpy as np

N = 10000
E = 320000
D_IN = 128
D_OUT = 64
E_IN = 16
E_OUT = 64
ALPHA = 0.2


def _xavier(key, shape, gain=1.0):
    fan_in, fan_out = shape[0], shape[1]
    limit = gain * float(np.sqrt(6.0 / (fan_in + fan_out)))
    return jax.random.uniform(key, shape, jnp.float32, -limit, limit)


def setup_inputs(seed: int = 0) -> dict:
    key = jax.random.key(seed)
    ks = jax.random.split(key, 7)
    node_fts = jax.random.normal(ks[0], (N, D_IN), jnp.float32)
    edge_fts = jax.random.normal(ks[1], (E, E_IN), jnp.float32)
    edges = jax.random.randint(ks[2], (2, E), 0, N, dtype=jnp.int32)
    # guarantee every node id appears in edges[:, 0] after the module's [2,E]->[E,2] reshape
    # (the module assumes unique(edges[:,0]).shape[0] == bincount length)
    row0 = edges[0].at[0:2 * N:2].set(jnp.arange(N, dtype=jnp.int32))
    edges = edges.at[0].set(row0)
    W_node = _xavier(ks[3], (D_IN, D_OUT))
    W_edge = _xavier(ks[4], (E_IN, E_OUT))
    a_node = _xavier(ks[5], (2 * D_OUT, 1), gain=1.414)
    a_edge = _xavier(ks[6], (2 * D_OUT, 1), gain=1.414)
    return {"node_fts": node_fts, "edge_fts": edge_fts, "edges": edges,
            "W_node": W_node, "W_edge": W_edge, "a_node": a_node, "a_edge": a_edge}


def reference(node_fts, edge_fts, edges, W_node, W_edge, a_node, a_edge):
    node_fts = jnp.squeeze(node_fts)
    edge_fts = jnp.squeeze(edge_fts)
    node_ft_dim = 64
    edge_fts_padded = jnp.pad(edge_fts, ((0, 0), (0, node_ft_dim - edge_fts.shape[1])))
    edges = jnp.squeeze(edges)
    # faithful to torch: reshape (NOT transpose) of [2,E] into [E,2]
    edges = edges.reshape(edges.shape[1], 2)
    h_v = node_fts @ W_node
    e_v = edge_fts @ W_edge
    h_v_pairs = h_v[edges]  # [E, 2, D_OUT]
    h_v_expanded = h_v_pairs.reshape(-1, 2 * D_OUT)
    e_v_expanded = h_v_pairs.at[:, 1].set(edge_fts_padded)
    e_v_expanded = e_v_expanded.reshape(-1, 2 * D_OUT)
    node_attention = jnp.squeeze(jax.nn.leaky_relu(h_v_expanded @ a_node, ALPHA), -1)
    edge_attention = jnp.squeeze(jax.nn.leaky_relu(e_v_expanded @ a_edge, ALPHA), -1)
    seg = edges[:, 0]
    num_segments = node_fts.shape[0]
    counts = jnp.bincount(seg, length=num_segments)
    node_attention = jnp.exp(jnp.clip(node_attention, -2, 2))
    node_attention_sum = jax.ops.segment_sum(node_attention, seg, num_segments)
    node_attention_sum = jnp.repeat(node_attention_sum, counts, total_repeat_length=seg.shape[0])
    node_attention_norm = node_attention / node_attention_sum
    node_attention_var = jnp.var(node_attention_norm, ddof=1)
    edge_attention = jnp.exp(jnp.clip(edge_attention, -2, 2))
    edge_attention_sum = jax.ops.segment_sum(edge_attention, seg, num_segments)
    edge_attention_sum = jnp.repeat(edge_attention_sum, counts, total_repeat_length=seg.shape[0])
    edge_attention_norm = edge_attention / edge_attention_sum
    edge_attention_var = jnp.var(edge_attention_norm, ddof=1)
    node_ft_neighbors = h_v[edges[:, 1]]
    node_out = jax.ops.segment_sum(node_ft_neighbors * node_attention_norm[:, None], seg, num_segments)
    edge_ft_neighbors = e_v[edges[:, 1]]
    edge_out = jax.ops.segment_sum(edge_ft_neighbors * edge_attention_norm[:, None], seg, num_segments)
    return (node_out, edge_out, node_attention_var, edge_attention_var)

if __name__ == "__main__":
    import jax
    _d = setup_inputs()
    print(jax.jit(kernel)(*tuple(_d.values())))

</pallas_src>

<mosaic_0001>
#map = affine_map<(d0, d1) -> (0, 0)>
#map1 = affine_map<(d0, d1) -> (0)>
#map2 = affine_map<(d0, d1) -> (0, 0, 0)>
module attributes {stable_mosaic.version = 14 : i64} {
  func.func @_sc_aggr_body(%arg0: i32, %arg1: i32, %arg2: memref<2528x128xi32, #tpu.memory_space<hbm>>, %arg3: memref<2528x128xi32, #tpu.memory_space<hbm>>, %arg4: memref<323584xf32, #tpu.memory_space<hbm>>, %arg5: memref<10000x64xf32, #tpu.memory_space<hbm>>, %arg6: memref<2x10000x64xf32, #tpu.memory_space<hbm>>, %arg7: memref<79x128xi32, #tpu.memory_space<vmem>>, %arg8: memref<79x128xi32, #tpu.memory_space<vmem>>, %arg9: memref<10128xf32, #tpu.memory_space<vmem>>, %arg10: memref<2x128x64xf32, #tpu.memory_space<vmem>>, %arg11: memref<2x128x64xf32, #tpu.memory_space<vmem>>, %arg12: memref<10000x64xf32, #tpu.memory_space<vmem_shared>>) attributes {dimension_semantics = [#tpu.dimension_semantics<core_parallel>, #tpu.dimension_semantics<subcore_parallel>], iteration_bounds = array<i64: 2, 16>, scalar_prefetch = 0 : i64, scratch_operands = 6 : i64, tpu.core_type = #tpu.core_type<sc_vector_subcore>, window_params = [{transform_indices = #map}, {transform_indices = #map}, {transform_indices = #map1}, {transform_indices = #map}, {transform_indices = #map2}]} {
    %mul3A = arith.constant 16 : i32
    %mul3A_0 = arith.muli %arg0, %mul3A : i32
    %add3A = arith.addi %mul3A_0, %arg1 : i32
    %broadcast_in_dim3A = arith.constant 0.000000e+00 : f32
    %broadcast_in_dim3A_1 = vector.broadcast %broadcast_in_dim3A : f32 to vector<16xf32>
    %mul3A_2 = arith.constant 79 : i32
    %mul3A_3 = arith.muli %add3A, %mul3A_2 : i32
    "tpu.region"() ({
      %run_scoped3A_50 = tpu.sem_alloc : memref<!tpu.dma_semaphore, #tpu.memory_space<semaphore_mem>>
      %dma_start3A = arith.constant 0 : i32
      %dma_start3A_51 = tpu.memref_slice %arg2[%mul3A_3, %dma_start3A] : memref<2528x128xi32, #tpu.memory_space<hbm>> -> memref<79x128xi32, #tpu.memory_space<hbm>>
      %dma_start3A_52 = arith.constant 0 : i32
      %dma_start3A_53 = tpu.memref_slice %arg2[%mul3A_3, %dma_start3A_52] : memref<2528x128xi32, #tpu.memory_space<hbm>> -> memref<79x128xi32, #tpu.memory_space<hbm>>
      tpu.enqueue_dma source(%dma_start3A_53 : memref<79x128xi32, #tpu.memory_space<hbm>>) target(%arg7 : memref<79x128xi32, #tpu.memory_space<vmem>>) target_semaphore(%run_scoped3A_50 : memref<!tpu.dma_semaphore, #tpu.memory_space<semaphore_mem>>)
      %dma_wait3A = arith.constant 0 : i32
      %dma_wait3A_54 = tpu.memref_slice %arg2[%mul3A_3, %dma_wait3A] : memref<2528x128xi32, #tpu.memory_space<hbm>> -> memref<79x128xi32, #tpu.memory_space<hbm>>
      %dma_wait3A_55 = arith.constant 0 : i32
      %dma_wait3A_56 = tpu.memref_slice %arg2[%mul3A_3, %dma_wait3A_55] : memref<2528x128xi32, #tpu.memory_space<hbm>> -> memref<79x128xi32, #tpu.memory_space<hbm>>
      tpu.wait_dma2 semaphore(%run_scoped3A_50 : memref<!tpu.dma_semaphore, #tpu.memory_space<semaphore_mem>>) src(%dma_wait3A_56 : memref<79x128xi32, #tpu.memory_space<hbm>>) dst(%arg7 : memref<79x128xi32, #tpu.memory_space<vmem>>)
      tpu.yield
    }) : () -> ()
    %mul3A_4 = arith.constant 79 : i32
    %mul3A_5 = arith.muli %add3A, %mul3A_4 : i32
    "tpu.region"() ({
      %run_scoped3A_50 = tpu.sem_alloc : memref<!tpu.dma_semaphore, #tpu.memory_space<semaphore_mem>>
      %dma_start3A = arith.constant 0 : i32
      %dma_start3A_51 = tpu.memref_slice %arg3[%mul3A_5, %dma_start3A] : memref<2528x128xi32, #tpu.memory_space<hbm>> -> memref<79x128xi32, #tpu.memory_space<hbm>>
      %dma_start3A_52 = arith.constant 0 : i32
      %dma_start3A_53 = tpu.memref_slice %arg3[%mul3A_5, %dma_start3A_52] : memref<2528x128xi32, #tpu.memory_space<hbm>> -> memref<79x128xi32, #tpu.memory_space<hbm>>
      tpu.enqueue_dma source(%dma_start3A_53 : memref<79x128xi32, #tpu.memory_space<hbm>>) target(%arg8 : memref<79x128xi32, #tpu.memory_space<vmem>>) target_semaphore(%run_scoped3A_50 : memref<!tpu.dma_semaphore, #tpu.memory_space<semaphore_mem>>)
      %dma_wait3A = arith.constant 0 : i32
      %dma_wait3A_54 = tpu.memref_slice %arg3[%mul3A_5, %dma_wait3A] : memref<2528x128xi32, #tpu.memory_space<hbm>> -> memref<79x128xi32, #tpu.memory_space<hbm>>
      %dma_wait3A_55 = arith.constant 0 : i32
      %dma_wait3A_56 = tpu.memref_slice %arg3[%mul3A_5, %dma_wait3A_55] : memref<2528x128xi32, #tpu.memory_space<hbm>> -> memref<79x128xi32, #tpu.memory_space<hbm>>
      tpu.wait_dma2 semaphore(%run_scoped3A_50 : memref<!tpu.dma_semaphore, #tpu.memory_space<semaphore_mem>>) src(%dma_wait3A_56 : memref<79x128xi32, #tpu.memory_space<hbm>>) dst(%arg8 : memref<79x128xi32, #tpu.memory_space<vmem>>)
      tpu.yield
    }) : () -> ()
    %mul3A_6 = arith.constant 10112 : i32
    %mul3A_7 = arith.muli %add3A, %mul3A_6 : i32
    "tpu.region"() ({
      %run_scoped3A_50 = tpu.sem_alloc : memref<!tpu.dma_semaphore, #tpu.memory_space<semaphore_mem>>
      %dma_start3A = arith.constant 0 : i32
      %dma_start3A_51 = tpu.memref_slice %arg9[%dma_start3A] : memref<10128xf32, #tpu.memory_space<vmem>> -> memref<10112xf32, #tpu.memory_space<vmem>>
      %dma_start3A_52 = tpu.memref_slice %arg4[%mul3A_7] : memref<323584xf32, #tpu.memory_space<hbm>> -> memref<10112xf32, #tpu.memory_space<hbm>>
      %dma_start3A_53 = arith.constant 0 : i32
      %dma_start3A_54 = tpu.memref_slice %arg9[%dma_start3A_53] : memref<10128xf32, #tpu.memory_space<vmem>> -> memref<10112xf32, #tpu.memory_space<vmem>>
      %dma_start3A_55 = tpu.memref_slice %arg4[%mul3A_7] : memref<323584xf32, #tpu.memory_space<hbm>> -> memref<10112xf32, #tpu.memory_space<hbm>>
      tpu.enqueue_dma source(%dma_start3A_55 : memref<10112xf32, #tpu.memory_space<hbm>>) target(%dma_start3A_54 : memref<10112xf32, #tpu.memory_space<vmem>>) target_semaphore(%run_scoped3A_50 : memref<!tpu.dma_semaphore, #tpu.memory_space<semaphore_mem>>)
      %dma_wait3A = arith.constant 0 : i32
      %dma_wait3A_56 = tpu.memref_slice %arg9[%dma_wait3A] : memref<10128xf32, #tpu.memory_space<vmem>> -> memref<10112xf32, #tpu.memory_space<vmem>>
      %dma_wait3A_57 = tpu.memref_slice %arg4[%mul3A_7] : memref<323584xf32, #tpu.memory_space<hbm>> -> memref<10112xf32, #tpu.memory_space<hbm>>
      %dma_wait3A_58 = arith.constant 0 : i32
      %dma_wait3A_59 = tpu.memref_slice %arg9[%dma_wait3A_58] : memref<10128xf32, #tpu.memory_space<vmem>> -> memref<10112xf32, #tpu.memory_space<vmem>>
      %dma_wait3A_60 = tpu.memref_slice %arg4[%mul3A_7] : memref<323584xf32, #tpu.memory_space<hbm>> -> memref<10112xf32, #tpu.memory_space<hbm>>
      tpu.wait_dma2 semaphore(%run_scoped3A_50 : memref<!tpu.dma_semaphore, #tpu.memory_space<semaphore_mem>>) src(%dma_wait3A_60 : memref<10112xf32, #tpu.memory_space<hbm>>) dst(%dma_wait3A_59 : memref<10112xf32, #tpu.memory_space<vmem>>)
      tpu.yield
    }) : () -> ()
    %scan3A = arith.constant 0 : i32
    %scan3A_8 = arith.constant 0 : i32
    %scan3A_9 = arith.constant 128 : i32
    %scan3A_10 = arith.addi %scan3A_8, %scan3A_9 : i32
    %scan3A_11 = arith.constant 1 : i32
    scf.for %scan3A_50 = %scan3A_8 to %scan3A_10 step %scan3A_11  : i32 {
      %swap3A = arith.constant 0 : i32
      %swap3A_51 = arith.index_cast %swap3A : i32 to index
      %swap3A_52 = arith.index_cast %scan3A_50 : i32 to index
      %swap3A_53 = arith.constant 0 : index
      %swap3A_54 = tpu.vector_load %arg11[%swap3A_51, %swap3A_52, %swap3A_53] {strides = array<i32>} : memref<2x128x64xf32, #tpu.memory_space<vmem>>, vector<16xf32>,
      tpu.vector_store %arg11[%swap3A_51, %swap3A_52, %swap3A_53], %broadcast_in_dim3A_1 {strides = array<i32>} : memref<2x128x64xf32, #tpu.memory_space<vmem>>, vector<16xf32>,
      %swap3A_55 = arith.constant 0 : i32
      %swap3A_56 = arith.index_cast %swap3A_55 : i32 to index
      %swap3A_57 = arith.index_cast %scan3A_50 : i32 to index
      %swap3A_58 = arith.constant 16 : index
      %swap3A_59 = tpu.vector_load %arg11[%swap3A_56, %swap3A_57, %swap3A_58] {strides = array<i32>} : memref<2x128x64xf32, #tpu.memory_space<vmem>>, vector<16xf32>,
      tpu.vector_store %arg11[%swap3A_56, %swap3A_57, %swap3A_58], %broadcast_in_dim3A_1 {strides = array<i32>} : memref<2x128x64xf32, #tpu.memory_space<vmem>>, vector<16xf32>,
      %swap3A_60 = arith.constant 0 : i32
      %swap3A_61 = arith.index_cast %swap3A_60 : i32 to index
      %swap3A_62 = arith.index_cast %scan3A_50 : i32 to index
      %swap3A_63 = arith.constant 32 : index
      %swap3A_64 = tpu.vector_load %arg11[%swap3A_61, %swap3A_62, %swap3A_63] {strides = array<i32>} : memref<2x128x64xf32, #tpu.memory_space<vmem>>, vector<16xf32>,
      tpu.vector_store %arg11[%swap3A_61, %swap3A_62, %swap3A_63], %broadcast_in_dim3A_1 {strides = array<i32>} : memref<2x128x64xf32, #tpu.memory_space<vmem>>, vector<16xf32>,
      %swap3A_65 = arith.constant 0 : i32
      %swap3A_66 = arith.index_cast %swap3A_65 : i32 to index
      %swap3A_67 = arith.index_cast %scan3A_50 : i32 to index
      %swap3A_68 = arith.constant 48 : index
      %swap3A_69 = tpu.vector_load %arg11[%swap3A_66, %swap3A_67, %swap3A_68] {strides = array<i32>} : memref<2x128x64xf32, #tpu.memory_space<vmem>>, vector<16xf32>,
      tpu.vector_store %arg11[%swap3A_66, %swap3A_67, %swap3A_68], %broadcast_in_dim3A_1 {strides = array<i32>} : memref<2x128x64xf32, #tpu.memory_space<vmem>>, vector<16xf32>,
    }
    %scan3A_12 = arith.constant 128 : i32
    %mul3A_13 = arith.constant 625 : i32
    %mul3A_14 = arith.muli %arg1, %mul3A_13 : i32
    %add3A_15 = arith.constant 0 : i32
    %add3A_16 = arith.addi %mul3A_14, %add3A_15 : i32
    %multiple_of3A = tpu.assume_multiple %add3A_16, 125 : i32
    %run_scoped3A = arith.constant 0 : i32
    "tpu.region"() ({
      %run_scoped3A_50 = tpu.sem_alloc : memref<!tpu.dma_semaphore, #tpu.memory_space<semaphore_mem>>
      %dma_start3A = arith.constant 0 : i32
      %dma_start3A_51 = arith.constant 0 : i32
      %dma_start3A_52 = tpu.memref_slice %arg11[%run_scoped3A, %dma_start3A, %dma_start3A_51] : memref<2x128x64xf32, #tpu.memory_space<vmem>> -> memref<1x128x64xf32, #tpu.memory_space<vmem>>
      %dma_start3A_53 = tpu.memref_squeeze %dma_start3A_52 : memref<1x128x64xf32, #tpu.memory_space<vmem>> -> memref<128x64xf32, #tpu.memory_space<vmem>>
      %dma_start3A_54 = arith.constant 0 : i32
      %dma_start3A_55 = arith.constant 0 : i32
      %dma_start3A_56 = tpu.memref_slice %dma_start3A_53[%dma_start3A_54, %dma_start3A_55] : memref<128x64xf32, #tpu.memory_space<vmem>> -> memref<125x64xf32, #tpu.memory_space<vmem>>
      %dma_start3A_57 = arith.constant 0 : i32
      %dma_start3A_58 = tpu.memref_slice %arg12[%multiple_of3A, %dma_start3A_57] : memref<10000x64xf32, #tpu.memory_space<vmem_shared>> -> memref<125x64xf32, #tpu.memory_space<vmem_shared>>
      %dma_start3A_59 = arith.constant 0 : i32
      %dma_start3A_60 = tpu.memref_slice %arg12[%multiple_of3A, %dma_start3A_59] : memref<10000x64xf32, #tpu.memory_space<vmem_shared>> -> memref<125x64xf32, #tpu.memory_space<vmem_shared>>
      %dma_start3A_61 = arith.constant 0 : i32
      %dma_start3A_62 = arith.constant 0 : i32
      %dma_start3A_63 = tpu.memref_slice %arg11[%run_scoped3A, %dma_start3A_61, %dma_start3A_62] : memref<2x128x64xf32, #tpu.memory_space<vmem>> -> memref<1x128x64xf32, #tpu.memory_space<vmem>>
      %dma_start3A_64 = tpu.memref_squeeze %dma_start3A_63 : memref<1x128x64xf32, #tpu.memory_space<vmem>> -> memref<128x64xf32, #tpu.memory_space<vmem>>
      %dma_start3A_65 = arith.constant 0 : i32
      %dma_start3A_66 = arith.constant 0 : i32
      %dma_start3A_67 = tpu.memref_slice %dma_start3A_64[%dma_start3A_65, %dma_start3A_66] : memref<128x64xf32, #tpu.memory_space<vmem>> -> memref<125x64xf32, #tpu.memory_space<vmem>>
      tpu.enqueue_dma source(%dma_start3A_67 : memref<125x64xf32, #tpu.memory_space<vmem>>) target(%dma_start3A_60 : memref<125x64xf32, #tpu.memory_space<vmem_shared>>) target_semaphore(%run_scoped3A_50 : memref<!tpu.dma_semaphore, #tpu.memory_space<semaphore_mem>>)
      %dma_wait3A = arith.constant 0 : i32
      %dma_wait3A_68 = arith.constant 0 : i32
      %dma_wait3A_69 = tpu.memref_slice %arg11[%run_scoped3A, %dma_wait3A, %dma_wait3A_68] : memref<2x128x64xf32, #tpu.memory_space<vmem>> -> memref<1x128x64xf32, #tpu.memory_space<vmem>>
      %dma_wait3A_70 = tpu.memref_squeeze %dma_wait3A_69 : memref<1x128x64xf32, #tpu.memory_space<vmem>> -> memref<128x64xf32, #tpu.memory_space<vmem>>
      %dma_wait3A_71 = arith.constant 0 : i32
      %dma_wait3A_72 = arith.constant 0 : i32
      %dma_wait3A_73 = tpu.memref_slice %dma_wait3A_70[%dma_wait3A_71, %dma_wait3A_72] : memref<128x64xf32, #tpu.memory_space<vmem>> -> memref<125x64xf32, #tpu.memory_space<vmem>>
      %dma_wait3A_74 = arith.constant 0 : i32
      %dma_wait3A_75 = tpu.memref_slice %arg12[%multiple_of3A, %dma_wait3A_74] : memref<10000x64xf32, #tpu.memory_space<vmem_shared>> -> memref<125x64xf32, #tpu.memory_space<vmem_shared>>
      %dma_wait3A_76 = arith.constant 0 : i32
      %dma_wait3A_77 = tpu.memref_slice %arg12[%multiple_of3A, %dma_wait3A_76] : memref<10000x64xf32, #tpu.memory_space<vmem_shared>> -> memref<125x64xf32, #tpu.memory_space<vmem_shared>>
      %dma_wait3A_78 = arith.constant 0 : i32
      %dma_wait3A_79 = arith.constant 0 : i32
      %dma_wait3A_80 = tpu.memref_slice %arg11[%run_scoped3A, %dma_wait3A_78, %dma_wait3A_79] : memref<2x128x64xf32, #tpu.memory_space<vmem>> -> memref<1x128x64xf32, #tpu.memory_space<vmem>>
      %dma_wait3A_81 = tpu.memref_squeeze %dma_wait3A_80 : memref<1x128x64xf32, #tpu.memory_space<vmem>> -> memref<128x64xf32, #tpu.memory_space<vmem>>
      %dma_wait3A_82 = arith.constant 0 : i32
      %dma_wait3A_83 = arith.constant 0 : i32
      %dma_wait3A_84 = tpu.memref_slice %dma_wait3A_81[%dma_wait3A_82, %dma_wait3A_83] : memref<128x64xf32, #tpu.memory_space<vmem>> -> memref<125x64xf32, #tpu.memory_space<vmem>>
      tpu.wait_dma2 semaphore(%run_scoped3A_50 : memref<!tpu.dma_semaphore, #tpu.memory_space<semaphore_mem>>) src(%dma_wait3A_84 : memref<125x64xf32, #tpu.memory_space<vmem>>) dst(%dma_wait3A_77 : memref<125x64xf32, #tpu.memory_space<vmem_shared>>)
      tpu.yield
    }) : () -> ()
    %mul3A_17 = arith.constant 625 : i32
    %mul3A_18 = arith.muli %arg1, %mul3A_17 : i32
    %add3A_19 = arith.constant 125 : i32
    %add3A_20 = arith.addi %mul3A_18, %add3A_19 : i32
    %multiple_of3A_21 = tpu.assume_multiple %add3A_20, 125 : i32
    %run_scoped3A_22 = arith.constant 0 : i32
    "tpu.region"() ({
      %run_scoped3A_50 = tpu.sem_alloc : memref<!tpu.dma_semaphore, #tpu.memory_space<semaphore_mem>>
      %dma_start3A = arith.constant 0 : i32
      %dma_start3A_51 = arith.constant 0 : i32
      %dma_start3A_52 = tpu.memref_slice %arg11[%run_scoped3A_22, %dma_start3A, %dma_start3A_51] : memref<2x128x64xf32, #tpu.memory_space<vmem>> -> memref<1x128x64xf32, #tpu.memory_space<vmem>>
      %dma_start3A_53 = tpu.memref_squeeze %dma_start3A_52 : memref<1x128x64xf32, #tpu.memory_space<vmem>> -> memref<128x64xf32, #tpu.memory_space<vmem>>
      %dma_start3A_54 = arith.constant 0 : i32
      %dma_start3A_55 = arith.constant 0 : i32
      %dma_start3A_56 = tpu.memref_slice %dma_start3A_53[%dma_start3A_54, %dma_start3A_55] : memref<128x64xf32, #tpu.memory_space<vmem>> -> memref<125x64xf32, #tpu.memory_space<vmem>>
      %dma_start3A_57 = arith.constant 0 : i32
      %dma_start3A_58 = tpu.memref_slice %arg12[%multiple_of3A_21, %dma_start3A_57] : memref<10000x64xf32, #tpu.memory_space<vmem_shared>> -> memref<125x64xf32, #tpu.memory_space<vmem_shared>>
      %dma_start3A_59 = arith.constant 0 : i32
      %dma_start3A_60 = tpu.memref_slice %arg12[%multiple_of3A_21, %dma_start3A_59] : memref<10000x64xf32, #tpu.memory_space<vmem_shared>> -> memref<125x64xf32, #tpu.memory_space<vmem_shared>>
      %dma_start3A_61 = arith.constant 0 : i32
      %dma_start3A_62 = arith.constant 0 : i32
      %dma_start3A_63 = tpu.memref_slice %arg11[%run_scoped3A_22, %dma_start3A_61, %dma_start3A_62] : memref<2x128x64xf32, #tpu.memory_space<vmem>> -> memref<1x128x64xf32, #tpu.memory_space<vmem>>
      %dma_start3A_64 = tpu.memref_squeeze %dma_start3A_63 : memref<1x128x64xf32, #tpu.memory_space<vmem>> -> memref<128x64xf32, #tpu.memory_space<vmem>>
      %dma_start3A_65 = arith.constant 0 : i32
      %dma_start3A_66 = arith.constant 0 : i32
      %dma_start3A_67 = tpu.memref_slice %dma_start3A_64[%dma_start3A_65, %dma_start3A_66] : memref<128x64xf32, #tpu.memory_space<vmem>> -> memref<125x64xf32, #tpu.memory_space<vmem>>
      tpu.enqueue_dma source(%dma_start3A_67 : memref<125x64xf32, #tpu.memory_space<vmem>>) target(%dma_start3A_60 : memref<125x64xf32, #tpu.memory_space<vmem_shared>>) target_semaphore(%run_scoped3A_50 : memref<!tpu.dma_semaphore, #tpu.memory_space<semaphore_mem>>)
      %dma_wait3A = arith.constant 0 : i32
      %dma_wait3A_68 = arith.constant 0 : i32
      %dma_wait3A_69 = tpu.memref_slice %arg11[%run_scoped3A_22, %dma_wait3A, %dma_wait3A_68] : memref<2x128x64xf32, #tpu.memory_space<vmem>> -> memref<1x128x64xf32, #tpu.memory_space<vmem>>
      %dma_wait3A_70 = tpu.memref_squeeze %dma_wait3A_69 : memref<1x128x64xf32, #tpu.memory_space<vmem>> -> memref<128x64xf32, #tpu.memory_space<vmem>>
      %dma_wait3A_71 = arith.constant 0 : i32
      %dma_wait3A_72 = arith.constant 0 : i32
      %dma_wait3A_73 = tpu.memref_slice %dma_wait3A_70[%dma_wait3A_71, %dma_wait3A_72] : memref<128x64xf32, #tpu.memory_space<vmem>> -> memref<125x64xf32, #tpu.memory_space<vmem>>
      %dma_wait3A_74 = arith.constant 0 : i32
      %dma_wait3A_75 = tpu.memref_slice %arg12[%multiple_of3A_21, %dma_wait3A_74] : memref<10000x64xf32, #tpu.memory_space<vmem_shared>> -> memref<125x64xf32, #tpu.memory_space<vmem_shared>>
      %dma_wait3A_76 = arith.constant 0 : i32
      %dma_wait3A_77 = tpu.memref_slice %arg12[%multiple_of3A_21, %dma_wait3A_76] : memref<10000x64xf32, #tpu.memory_space<vmem_shared>> -> memref<125x64xf32, #tpu.memory_space<vmem_shared>>
      %dma_wait3A_78 = arith.constant 0 : i32
      %dma_wait3A_79 = arith.constant 0 : i32
      %dma_wait3A_80 = tpu.memref_slice %arg11[%run_scoped3A_22, %dma_wait3A_78, %dma_wait3A_79] : memref<2x128x64xf32, #tpu.memory_space<vmem>> -> memref<1x128x64xf32, #tpu.memory_space<vmem>>
      %dma_wait3A_81 = tpu.memref_squeeze %dma_wait3A_80 : memref<1x128x64xf32, #tpu.memory_space<vmem>> -> memref<128x64xf32, #tpu.memory_space<vmem>>
      %dma_wait3A_82 = arith.constant 0 : i32
      %dma_wait3A_83 = arith.constant 0 : i32
      %dma_wait3A_84 = tpu.memref_slice %dma_wait3A_81[%dma_wait3A_82, %dma_wait3A_83] : memref<128x64xf32, #tpu.memory_space<vmem>> -> memref<125x64xf32, #tpu.memory_space<vmem>>
      tpu.wait_dma2 semaphore(%run_scoped3A_50 : memref<!tpu.dma_semaphore, #tpu.memory_space<semaphore_mem>>) src(%dma_wait3A_84 : memref<125x64xf32, #tpu.memory_space<vmem>>) dst(%dma_wait3A_77 : memref<125x64xf32, #tpu.memory_space<vmem_shared>>)
      tpu.yield
    }) : () -> ()
    %mul3A_23 = arith.constant 625 : i32
    %mul3A_24 = arith.muli %arg1, %mul3A_23 : i32
    %add3A_25 = arith.constant 250 : i32
    %add3A_26 = arith.addi %mul3A_24, %add3A_25 : i32
    %multiple_of3A_27 = tpu.assume_multiple %add3A_26, 125 : i32
    %run_scoped3A_28 = arith.constant 0 : i32
    "tpu.region"() ({
      %run_scoped3A_50 = tpu.sem_alloc : memref<!tpu.dma_semaphore, #tpu.memory_space<semaphore_mem>>
      %dma_start3A = arith.constant 0 : i32
      %dma_start3A_51 = arith.constant 0 : i32
      %dma_start3A_52 = tpu.memref_slice %arg11[%run_scoped3A_28, %dma_start3A, %dma_start3A_51] : memref<2x128x64xf32, #tpu.memory_space<vmem>> -> memref<1x128x64xf32, #tpu.memory_space<vmem>>
      %dma_start3A_53 = tpu.memref_squeeze %dma_start3A_52 : memref<1x128x64xf32, #tpu.memory_space<vmem>> -> memref<128x64xf32, #tpu.memory_space<vmem>>
      %dma_start3A_54 = arith.constant 0 : i32
      %dma_start3A_55 = arith.constant 0 : i32
      %dma_start3A_56 = tpu.memref_slice %dma_start3A_53[%dma_start3A_54, %dma_start3A_55] : memref<128x64xf32, #tpu.memory_space<vmem>> -> memref<125x64xf32, #tpu.memory_space<vmem>>
      %dma_start3A_57 = arith.constant 0 : i32
      %dma_start3A_58 = tpu.memref_slice %arg12[%multiple_of3A_27, %dma_start3A_57] : memref<10000x64xf32, #tpu.memory_space<vmem_shared>> -> memref<125x64xf32, #tpu.memory_space<vmem_shared>>
      %dma_start3A_59 = arith.constant 0 : i32
      %dma_start3A_60 = tpu.memref_slice %arg12[%multiple_of3A_27, %dma_start3A_59] : memref<10000x64xf32, #tpu.memory_space<vmem_shared>> -> memref<125x64xf32, #tpu.memory_space<vmem_shared>>
      %dma_start3A_61 = arith.constant 0 : i32
      %dma_start3A_62 = arith.constant 0 : i32
      %dma_start3A_63 = tpu.memref_slice %arg11[%run_scoped3A_28, %dma_start3A_61, %dma_start3A_62] : memref<2x128x64xf32, #tpu.memory_space<vmem>> -> memref<1x128x64xf32, #tpu.memory_space<vmem>>
      %dma_start3A_64 = tpu.memref_squeeze %dma_start3A_63 : memref<1x128x64xf32, #tpu.memory_space<vmem>> -> memref<128x64xf32, #tpu.memory_space<vmem>>
      %dma_start3A_65 = arith.constant 0 : i32
      %dma_start3A_66 = arith.constant 0 : i32
      %dma_start3A_67 = tpu.memref_slice %dma_start3A_64[%dma_start3A_65, %dma_start3A_66] : memref<128x64xf32, #tpu.memory_space<vmem>> -> memref<125x64xf32, #tpu.memory_space<vmem>>
      tpu.enqueue_dma source(%dma_start3A_67 : memref<125x64xf32, #tpu.memory_space<vmem>>) target(%dma_start3A_60 : memref<125x64xf32, #tpu.memory_space<vmem_shared>>) target_semaphore(%run_scoped3A_50 : memref<!tpu.dma_semaphore, #tpu.memory_space<semaphore_mem>>)
      %dma_wait3A = arith.constant 0 : i32
      %dma_wait3A_68 = arith.constant 0 : i32
      %dma_wait3A_69 = tpu.memref_slice %arg11[%run_scoped3A_28, %dma_wait3A, %dma_wait3A_68] : memref<2x128x64xf32, #tpu.memory_space<vmem>> -> memref<1x128x64xf32, #tpu.memory_space<vmem>>
      %dma_wait3A_70 = tpu.memref_squeeze %dma_wait3A_69 : memref<1x128x64xf32, #tpu.memory_space<vmem>> -> memref<128x64xf32, #tpu.memory_space<vmem>>
      %dma_wait3A_71 = arith.constant 0 : i32
      %dma_wait3A_72 = arith.constant 0 : i32
      %dma_wait3A_73 = tpu.memref_slice %dma_wait3A_70[%dma_wait3A_71, %dma_wait3A_72] : memref<128x64xf32, #tpu.memory_space<vmem>> -> memref<125x64xf32, #tpu.memory_space<vmem>>
      %dma_wait3A_74 = arith.constant 0 : i32
      %dma_wait3A_75 = tpu.memref_slice %arg12[%multiple_of3A_27, %dma_wait3A_74] : memref<10000x64xf32, #tpu.memory_space<vmem_shared>> -> memref<125x64xf32, #tpu.memory_space<vmem_shared>>
      %dma_wait3A_76 = arith.constant 0 : i32
      %dma_wait3A_77 = tpu.memref_slice %arg12[%multiple_of3A_27, %dma_wait3A_76] : memref<10000x64xf32, #tpu.memory_space<vmem_shared>> -> memref<125x64xf32, #tpu.memory_space<vmem_shared>>
      %dma_wait3A_78 = arith.constant 0 : i32
      %dma_wait3A_79 = arith.constant 0 : i32
      %dma_wait3A_80 = tpu.memref_slice %arg11[%run_scoped3A_28, %dma_wait3A_78, %dma_wait3A_79] : memref<2x128x64xf32, #tpu.memory_space<vmem>> -> memref<1x128x64xf32, #tpu.memory_space<vmem>>
      %dma_wait3A_81 = tpu.memref_squeeze %dma_wait3A_80 : memref<1x128x64xf32, #tpu.memory_space<vmem>> -> memref<128x64xf32, #tpu.memory_space<vmem>>
      %dma_wait3A_82 = arith.constant 0 : i32
      %dma_wait3A_83 = arith.constant 0 : i32
      %dma_wait3A_84 = tpu.memref_slice %dma_wait3A_81[%dma_wait3A_82, %dma_wait3A_83] : memref<128x64xf32, #tpu.memory_space<vmem>> -> memref<125x64xf32, #tpu.memory_space<vmem>>
      tpu.wait_dma2 semaphore(%run_scoped3A_50 : memref<!tpu.dma_semaphore, #tpu.memory_space<semaphore_mem>>) src(%dma_wait3A_84 : memref<125x64xf32, #tpu.memory_space<vmem>>) dst(%dma_wait3A_77 : memref<125x64xf32, #tpu.memory_space<vmem_shared>>)
      tpu.yield
    }) : () -> ()
    %mul3A_29 = arith.constant 625 : i32
    %mul3A_30 = arith.muli %arg1, %mul3A_29 : i32
    %add3A_31 = arith.constant 375 : i32
    %add3A_32 = arith.addi %mul3A_30, %add3A_31 : i32
    %multiple_of3A_33 = tpu.assume_multiple %add3A_32, 125 : i32
    %run_scoped3A_34 = arith.constant 0 : i32
    "tpu.region"() ({
      %run_scoped3A_50 = tpu.sem_alloc : memref<!tpu.dma_semaphore, #tpu.memory_space<semaphore_mem>>
      %dma_start3A = arith.constant 0 : i32
      %dma_start3A_51 = arith.constant 0 : i32
      %dma_start3A_52 = tpu.memref_slice %arg11[%run_scoped3A_34, %dma_start3A, %dma_start3A_51] : memref<2x128x64xf32, #tpu.memory_space<vmem>> -> memref<1x128x64xf32, #tpu.memory_space<vmem>>
      %dma_start3A_53 = tpu.memref_squeeze %dma_start3A_52 : memref<1x128x64xf32, #tpu.memory_space<vmem>> -> memref<128x64xf32, #tpu.memory_space<vmem>>
      %dma_start3A_54 = arith.constant 0 : i32
      %dma_start3A_55 = arith.constant 0 : i32
      %dma_start3A_56 = tpu.memref_slice %dma_start3A_53[%dma_start3A_54, %dma_start3A_55] : memref<128x64xf32, #tpu.memory_space<vmem>> -> memref<125x64xf32, #tpu.memory_space<vmem>>
      %dma_start3A_57 = arith.constant 0 : i32
      %dma_start3A_58 = tpu.memref_slice %arg12[%multiple_of3A_33, %dma_start3A_57] : memref<10000x64xf32, #tpu.memory_space<vmem_shared>> -> memref<125x64xf32, #tpu.memory_space<vmem_shared>>
      %dma_start3A_59 = arith.constant 0 : i32
      %dma_start3A_60 = tpu.memref_slice %arg12[%multiple_of3A_33, %dma_start3A_59] : memref<10000x64xf32, #tpu.memory_space<vmem_shared>> -> memref<125x64xf32, #tpu.memory_space<vmem_shared>>
      %dma_start3A_61 = arith.constant 0 : i32
      %dma_start3A_62 = arith.constant 0 : i32
      %dma_start3A_63 = tpu.memref_slice %arg11[%run_scoped3A_34, %dma_start3A_61, %dma_start3A_62] : memref<2x128x64xf32, #tpu.memory_space<vmem>> -> memref<1x128x64xf32, #tpu.memory_space<vmem>>
      %dma_start3A_64 = tpu.memref_squeeze %dma_start3A_63 : memref<1x128x64xf32, #tpu.memory_space<vmem>> -> memref<128x64xf32, #tpu.memory_space<vmem>>
      %dma_start3A_65 = arith.constant 0 : i32
      %dma_start3A_66 = arith.constant 0 : i32
      %dma_start3A_67 = tpu.memref_slice %dma_start3A_64[%dma_start3A_65, %dma_start3A_66] : memref<128x64xf32, #tpu.memory_space<vmem>> -> memref<125x64xf32, #tpu.memory_space<vmem>>
      tpu.enqueue_dma source(%dma_start3A_67 : memref<125x64xf32, #tpu.memory_space<vmem>>) target(%dma_start3A_60 : memref<125x64xf32, #tpu.memory_space<vmem_shared>>) target_semaphore(%run_scoped3A_50 : memref<!tpu.dma_semaphore, #tpu.memory_space<semaphore_mem>>)
      %dma_wait3A = arith.constant 0 : i32
      %dma_wait3A_68 = arith.constant 0 : i32
      %dma_wait3A_69 = tpu.memref_slice %arg11[%run_scoped3A_34, %dma_wait3A, %dma_wait3A_68] : memref<2x128x64xf32, #tpu.memory_space<vmem>> -> memref<1x128x64xf32, #tpu.memory_space<vmem>>
      %dma_wait3A_70 = tpu.memref_squeeze %dma_wait3A_69 : memref<1x128x64xf32, #tpu.memory_space<vmem>> -> memref<128x64xf32, #tpu.memory_space<vmem>>
      %dma_wait3A_71 = arith.constant 0 : i32
      %dma_wait3A_72 = arith.constant 0 : i32
      %dma_wait3A_73 = tpu.memref_slice %dma_wait3A_70[%dma_wait3A_71, %dma_wait3A_72] : memref<128x64xf32, #tpu.memory_space<vmem>> -> memref<125x64xf32, #tpu.memory_space<vmem>>
      %dma_wait3A_74 = arith.constant 0 : i32
      %dma_wait3A_75 = tpu.memref_slice %arg12[%multiple_of3A_33, %dma_wait3A_74] : memref<10000x64xf32, #tpu.memory_space<vmem_shared>> -> memref<125x64xf32, #tpu.memory_space<vmem_shared>>
      %dma_wait3A_76 = arith.constant 0 : i32
      %dma_wait3A_77 = tpu.memref_slice %arg12[%multiple_of3A_33, %dma_wait3A_76] : memref<10000x64xf32, #tpu.memory_space<vmem_shared>> -> memref<125x64xf32, #tpu.memory_space<vmem_shared>>
      %dma_wait3A_78 = arith.constant 0 : i32
      %dma_wait3A_79 = arith.constant 0 : i32
      %dma_wait3A_80 = tpu.memref_slice %arg11[%run_scoped3A_34, %dma_wait3A_78, %dma_wait3A_79] : memref<2x128x64xf32, #tpu.memory_space<vmem>> -> memref<1x128x64xf32, #tpu.memory_space<vmem>>
      %dma_wait3A_81 = tpu.memref_squeeze %dma_wait3A_80 : memref<1x128x64xf32, #tpu.memory_space<vmem>> -> memref<128x64xf32, #tpu.memory_space<vmem>>
      %dma_wait3A_82 = arith.constant 0 : i32
      %dma_wait3A_83 = arith.constant 0 : i32
      %dma_wait3A_84 = tpu.memref_slice %dma_wait3A_81[%dma_wait3A_82, %dma_wait3A_83] : memref<128x64xf32, #tpu.memory_space<vmem>> -> memref<125x64xf32, #tpu.memory_space<vmem>>
      tpu.wait_dma2 semaphore(%run_scoped3A_50 : memref<!tpu.dma_semaphore, #tpu.memory_space<semaphore_mem>>) src(%dma_wait3A_84 : memref<125x64xf32, #tpu.memory_space<vmem>>) dst(%dma_wait3A_77 : memref<125x64xf32, #tpu.memory_space<vmem_shared>>)
      tpu.yield
    }) : () -> ()
    %mul3A_35 = arith.constant 625 : i32
    %mul3A_36 = arith.muli %arg1, %mul3A_35 : i32
    %add3A_37 = arith.constant 500 : i32
    %add3A_38 = arith.addi %mul3A_36, %add3A_37 : i32
    %multiple_of3A_39 = tpu.assume_multiple %add3A_38, 125 : i32
    %run_scoped3A_40 = arith.constant 0 : i32
    "tpu.region"() ({
      %run_scoped3A_50 = tpu.sem_alloc : memref<!tpu.dma_semaphore, #tpu.memory_space<semaphore_mem>>
      %dma_start3A = arith.constant 0 : i32
      %dma_start3A_51 = arith.constant 0 : i32
      %dma_start3A_52 = tpu.memref_slice %arg11[%run_scoped3A_40, %dma_start3A, %dma_start3A_51] : memref<2x128x64xf32, #tpu.memory_space<vmem>> -> memref<1x128x64xf32, #tpu.memory_space<vmem>>
      %dma_start3A_53 = tpu.memref_squeeze %dma_start3A_52 : memref<1x128x64xf32, #tpu.memory_space<vmem>> -> memref<128x64xf32, #tpu.memory_space<vmem>>
      %dma_start3A_54 = arith.constant 0 : i32
      %dma_start3A_55 = arith.constant 0 : i32
      %dma_start3A_56 = tpu.memref_slice %dma_start3A_53[%dma_start3A_54, %dma_start3A_55] : memref<128x64xf32, #tpu.memory_space<vmem>> -> memref<125x64xf32, #tpu.memory_space<vmem>>
      %dma_start3A_57 = arith.constant 0 : i32
      %dma_start3A_58 = tpu.memref_slice %arg12[%multiple_of3A_39, %dma_start3A_57] : memref<10000x64xf32, #tpu.memory_space<vmem_shared>> -> memref<125x64xf32, #tpu.memory_space<vmem_shared>>
      %dma_start3A_59 = arith.constant 0 : i32
      %dma_start3A_60 = tpu.memref_slice %arg12[%multiple_of3A_39, %dma_start3A_59] : memref<10000x64xf32, #tpu.memory_space<vmem_shared>> -> memref<125x64xf32, #tpu.memory_space<vmem_shared>>
      %dma_start3A_61 = arith.constant 0 : i32
      %dma_start3A_62 = arith.constant 0 : i32
      %dma_start3A_63 = tpu.memref_slice %arg11[%run_scoped3A_40, %dma_start3A_61, %dma_start3A_62] : memref<2x128x64xf32, #tpu.memory_space<vmem>> -> memref<1x128x64xf32, #tpu.memory_space<vmem>>
      %dma_start3A_64 = tpu.memref_squeeze %dma_start3A_63 : memref<1x128x64xf32, #tpu.memory_space<vmem>> -> memref<128x64xf32, #tpu.memory_space<vmem>>
      %dma_start3A_65 = arith.constant 0 : i32
      %dma_start3A_66 = arith.constant 0 : i32
      %dma_start3A_67 = tpu.memref_slice %dma_start3A_64[%dma_start3A_65, %dma_start3A_66] : memref<128x64xf32, #tpu.memory_space<vmem>> -> memref<125x64xf32, #tpu.memory_space<vmem>>
      tpu.enqueue_dma source(%dma_start3A_67 : memref<125x64xf32, #tpu.memory_space<vmem>>) target(%dma_start3A_60 : memref<125x64xf32, #tpu.memory_space<vmem_shared>>) target_semaphore(%run_scoped3A_50 : memref<!tpu.dma_semaphore, #tpu.memory_space<semaphore_mem>>)
      %dma_wait3A = arith.constant 0 : i32
      %dma_wait3A_68 = arith.constant 0 : i32
      %dma_wait3A_69 = tpu.memref_slice %arg11[%run_scoped3A_40, %dma_wait3A, %dma_wait3A_68] : memref<2x128x64xf32, #tpu.memory_space<vmem>> -> memref<1x128x64xf32, #tpu.memory_space<vmem>>
      %dma_wait3A_70 = tpu.memref_squeeze %dma_wait3A_69 : memref<1x128x64xf32, #tpu.memory_space<vmem>> -> memref<128x64xf32, #tpu.memory_space<vmem>>
      %dma_wait3A_71 = arith.constant 0 : i32
      %dma_wait3A_72 = arith.constant 0 : i32
      %dma_wait3A_73 = tpu.memref_slice %dma_wait3A_70[%dma_wait3A_71, %dma_wait3A_72] : memref<128x64xf32, #tpu.memory_space<vmem>> -> memref<125x64xf32, #tpu.memory_space<vmem>>
      %dma_wait3A_74 = arith.constant 0 : i32
      %dma_wait3A_75 = tpu.memref_slice %arg12[%multiple_of3A_39, %dma_wait3A_74] : memref<10000x64xf32, #tpu.memory_space<vmem_shared>> -> memref<125x64xf32, #tpu.memory_space<vmem_shared>>
      %dma_wait3A_76 = arith.constant 0 : i32
      %dma_wait3A_77 = tpu.memref_slice %arg12[%multiple_of3A_39, %dma_wait3A_76] : memref<10000x64xf32, #tpu.memory_space<vmem_shared>> -> memref<125x64xf32, #tpu.memory_space<vmem_shared>>
      %dma_wait3A_78 = arith.constant 0 : i32
      %dma_wait3A_79 = arith.constant 0 : i32
      %dma_wait3A_80 = tpu.memref_slice %arg11[%run_scoped3A_40, %dma_wait3A_78, %dma_wait3A_79] : memref<2x128x64xf32, #tpu.memory_space<vmem>> -> memref<1x128x64xf32, #tpu.memory_space<vmem>>
      %dma_wait3A_81 = tpu.memref_squeeze %dma_wait3A_80 : memref<1x128x64xf32, #tpu.memory_space<vmem>> -> memref<128x64xf32, #tpu.memory_space<vmem>>
      %dma_wait3A_82 = arith.constant 0 : i32
      %dma_wait3A_83 = arith.constant 0 : i32
      %dma_wait3A_84 = tpu.memref_slice %dma_wait3A_81[%dma_wait3A_82, %dma_wait3A_83] : memref<128x64xf32, #tpu.memory_space<vmem>> -> memref<125x64xf32, #tpu.memory_space<vmem>>
      tpu.wait_dma2 semaphore(%run_scoped3A_50 : memref<!tpu.dma_semaphore, #tpu.memory_space<semaphore_mem>>) src(%dma_wait3A_84 : memref<125x64xf32, #tpu.memory_space<vmem>>) dst(%dma_wait3A_77 : memref<125x64xf32, #tpu.memory_space<vmem_shared>>)
      tpu.yield
    }) : () -> ()
    %barrier3A = arith.constant 0 : index
    tpu.barrier barrier_id(%barrier3A)
    %scan3A_41 = arith.constant 0 : i32
    %scan3A_42 = arith.constant 0 : i32
    %scan3A_43 = arith.constant 79 : i32
    %scan3A_44 = arith.addi %scan3A_42, %scan3A_43 : i32
    %scan3A_45 = arith.constant 1 : i32
    scf.for %scan3A_50 = %scan3A_42 to %scan3A_44 step %scan3A_45  : i32 {
      %run_scoped3A_51 = arith.constant 0 : i32
      "tpu.region"() ({
        %run_scoped3A_59 = tpu.sem_alloc : memref<!tpu.dma_semaphore, #tpu.memory_space<semaphore_mem>>
        %dma_start3A = arith.constant 0 : i32
        %dma_start3A_60 = arith.constant 0 : i32
        %dma_start3A_61 = tpu.memref_slice %arg10[%run_scoped3A_51, %dma_start3A, %dma_start3A_60] : memref<2x128x64xf32, #tpu.memory_space<vmem>> -> memref<1x128x64xf32, #tpu.memory_space<vmem>>
        %dma_start3A_62 = tpu.memref_squeeze %dma_start3A_61 : memref<1x128x64xf32, #tpu.memory_space<vmem>> -> memref<128x64xf32, #tpu.memory_space<vmem>>
        %dma_start3A_63 = arith.constant 0 : i32
        %dma_start3A_64 = tpu.memref_slice %arg8[%scan3A_50, %dma_start3A_63] : memref<79x128xi32, #tpu.memory_space<vmem>> -> memref<1x128xi32, #tpu.memory_space<vmem>>
        %dma_start3A_65 = tpu.memref_squeeze %dma_start3A_64 : memref<1x128xi32, #tpu.memory_space<vmem>> -> memref<128xi32, #tpu.memory_space<vmem>>
        %dma_start3A_66 = arith.constant 0 : i32
        %dma_start3A_67 = arith.constant 0 : i32
        %dma_start3A_68 = tpu.memref_slice %arg5[%dma_start3A_66, %dma_start3A_67] : memref<10000x64xf32, #tpu.memory_space<hbm>> -> memref<10000x64xf32, #tpu.memory_space<hbm>>
        tpu.enqueue_indirect_dma source(%dma_start3A_68 : memref<10000x64xf32, #tpu.memory_space<hbm>>) target(%dma_start3A_62 : memref<128x64xf32, #tpu.memory_space<vmem>>) offsets(%dma_start3A_65 : memref<128xi32, #tpu.memory_space<vmem>>) semaphore(%run_scoped3A_59 : memref<!tpu.dma_semaphore, #tpu.memory_space<semaphore_mem>>)
        %dma_wait3A = arith.constant 0 : i32
        %dma_wait3A_69 = arith.constant 0 : i32
        %dma_wait3A_70 = tpu.memref_slice %arg10[%run_scoped3A_51, %dma_wait3A, %dma_wait3A_69] : memref<2x128x64xf32, #tpu.memory_space<vmem>> -> memref<1x128x64xf32, #tpu.memory_space<vmem>>
        %dma_wait3A_71 = tpu.memref_squeeze %dma_wait3A_70 : memref<1x128x64xf32, #tpu.memory_space<vmem>> -> memref<128x64xf32, #tpu.memory_space<vmem>>
        %dma_wait3A_72 = arith.constant 0 : i32
        %dma_wait3A_73 = tpu.memref_slice %arg8[%scan3A_50, %dma_wait3A_72] : memref<79x128xi32, #tpu.memory_space<vmem>> -> memref<1x128xi32, #tpu.memory_space<vmem>>
        %dma_wait3A_74 = tpu.memref_squeeze %dma_wait3A_73 : memref<1x128xi32, #tpu.memory_space<vmem>> -> memref<128xi32, #tpu.memory_space<vmem>>
        %dma_wait3A_75 = arith.constant 0 : i32
        %dma_wait3A_76 = arith.constant 0 : i32
        %dma_wait3A_77 = tpu.memref_slice %arg5[%dma_wait3A_75, %dma_wait3A_76] : memref<10000x64xf32, #tpu.memory_space<hbm>> -> memref<10000x64xf32, #tpu.memory_space<hbm>>
        tpu.wait_indirect_dma semaphore(%run_scoped3A_59 : memref<!tpu.dma_semaphore, #tpu.memory_space<semaphore_mem>>) src(%dma_wait3A_77 : memref<10000x64xf32, #tpu.memory_space<hbm>>) dst(%dma_wait3A_71 : memref<128x64xf32, #tpu.memory_space<vmem>>)
        tpu.yield
      }) : () -> ()
      %scan3A_52 = arith.constant 0 : i32
      %scan3A_53 = arith.constant 0 : i32
      %scan3A_54 = arith.constant 128 : i32
      %scan3A_55 = arith.addi %scan3A_53, %scan3A_54 : i32
      %scan3A_56 = arith.constant 1 : i32
      scf.for %scan3A_59 = %scan3A_53 to %scan3A_55 step %scan3A_56  : i32 {
        %mul3A_60 = arith.constant 128 : i32
        %mul3A_61 = arith.muli %scan3A_50, %mul3A_60 : i32
        %add3A_62 = arith.addi %mul3A_61, %scan3A_59 : i32
        %get3A = arith.index_cast %add3A_62 : i32 to index
        %get3A_63 = tpu.vector_load %arg9[%get3A] {strides = array<i32>} : memref<10128xf32, #tpu.memory_space<vmem>>, vector<16xf32>,
        %slice3A = vector.extract_strided_slice %get3A_63 {offsets = [0], sizes = [1], strides = [1]} : vector<16xf32> to vector<1xf32>
        %squeeze3A = vector.extract %slice3A[0] : f32 from vector<1xf32>
        %get3A_64 = arith.constant 0 : i32
        %get3A_65 = arith.index_cast %get3A_64 : i32 to index
        %get3A_66 = arith.index_cast %scan3A_59 : i32 to index
        %get3A_67 = arith.constant 0 : index
        %get3A_68 = tpu.vector_load %arg10[%get3A_65, %get3A_66, %get3A_67] {strides = array<i32>} : memref<2x128x64xf32, #tpu.memory_space<vmem>>, vector<16xf32>,
        %mul3A_69 = vector.broadcast %squeeze3A : f32 to vector<16xf32>
        %mul3A_70 = arith.mulf %get3A_68, %mul3A_69 : vector<16xf32>
        %swap3A = arith.constant 0 : i32
        %swap3A_71 = arith.index_cast %swap3A : i32 to index
        %swap3A_72 = arith.index_cast %scan3A_59 : i32 to index
        %swap3A_73 = arith.constant 0 : index
        %swap3A_74 = tpu.vector_load %arg11[%swap3A_71, %swap3A_72, %swap3A_73] {strides = array<i32>} : memref<2x128x64xf32, #tpu.memory_space<vmem>>, vector<16xf32>,
        tpu.vector_store %arg11[%swap3A_71, %swap3A_72, %swap3A_73], %mul3A_70 {strides = array<i32>} : memref<2x128x64xf32, #tpu.memory_space<vmem>>, vector<16xf32>,
        %get3A_75 = arith.constant 0 : i32
        %get3A_76 = arith.index_cast %get3A_75 : i32 to index
        %get3A_77 = arith.index_cast %scan3A_59 : i32 to index
        %get3A_78 = arith.constant 16 : index
        %get3A_79 = tpu.vector_load %arg10[%get3A_76, %get3A_77, %get3A_78] {strides = array<i32>} : memref<2x128x64xf32, #tpu.memory_space<vmem>>, vector<16xf32>,
        %mul3A_80 = vector.broadcast %squeeze3A : f32 to vector<16xf32>
        %mul3A_81 = arith.mulf %get3A_79, %mul3A_80 : vector<16xf32>
        %swap3A_82 = arith.constant 0 : i32
        %swap3A_83 = arith.index_cast %swap3A_82 : i32 to index
        %swap3A_84 = arith.index_cast %scan3A_59 : i32 to index
        %swap3A_85 = arith.constant 16 : index
        %swap3A_86 = tpu.vector_load %arg11[%swap3A_83, %swap3A_84, %swap3A_85] {strides = array<i32>} : memref<2x128x64xf32, #tpu.memory_space<vmem>>, vector<16xf32>,
        tpu.vector_store %arg11[%swap3A_83, %swap3A_84, %swap3A_85], %mul3A_81 {strides = array<i32>} : memref<2x128x64xf32, #tpu.memory_space<vmem>>, vector<16xf32>,
        %get3A_87 = arith.constant 0 : i32
        %get3A_88 = arith.index_cast %get3A_87 : i32 to index
        %get3A_89 = arith.index_cast %scan3A_59 : i32 to index
        %get3A_90 = arith.constant 32 : index
        %get3A_91 = tpu.vector_load %arg10[%get3A_88, %get3A_89, %get3A_90] {strides = array<i32>} : memref<2x128x64xf32, #tpu.memory_space<vmem>>, vector<16xf32>,
        %mul3A_92 = vector.broadcast %squeeze3A : f32 to vector<16xf32>
        %mul3A_93 = arith.mulf %get3A_91, %mul3A_92 : vector<16xf32>
        %swap3A_94 = arith.constant 0 : i32
        %swap3A_95 = arith.index_cast %swap3A_94 : i32 to index
        %swap3A_96 = arith.index_cast %scan3A_59 : i32 to index
        %swap3A_97 = arith.constant 32 : index
        %swap3A_98 = tpu.vector_load %arg11[%swap3A_95, %swap3A_96, %swap3A_97] {strides = array<i32>} : memref<2x128x64xf32, #tpu.memory_space<vmem>>, vector<16xf32>,
        tpu.vector_store %arg11[%swap3A_95, %swap3A_96, %swap3A_97], %mul3A_93 {strides = array<i32>} : memref<2x128x64xf32, #tpu.memory_space<vmem>>, vector<16xf32>,
        %get3A_99 = arith.constant 0 : i32
        %get3A_100 = arith.index_cast %get3A_99 : i32 to index
        %get3A_101 = arith.index_cast %scan3A_59 : i32 to index
        %get3A_102 = arith.constant 48 : index
        %get3A_103 = tpu.vector_load %arg10[%get3A_100, %get3A_101, %get3A_102] {strides = array<i32>} : memref<2x128x64xf32, #tpu.memory_space<vmem>>, vector<16xf32>,
        %mul3A_104 = vector.broadcast %squeeze3A : f32 to vector<16xf32>
        %mul3A_105 = arith.mulf %get3A_103, %mul3A_104 : vector<16xf32>
        %swap3A_106 = arith.constant 0 : i32
        %swap3A_107 = arith.index_cast %swap3A_106 : i32 to index
        %swap3A_108 = arith.index_cast %scan3A_59 : i32 to index
        %swap3A_109 = arith.constant 48 : index
        %swap3A_110 = tpu.vector_load %arg11[%swap3A_107, %swap3A_108, %swap3A_109] {strides = array<i32>} : memref<2x128x64xf32, #tpu.memory_space<vmem>>, vector<16xf32>,
        tpu.vector_store %arg11[%swap3A_107, %swap3A_108, %swap3A_109], %mul3A_105 {strides = array<i32>} : memref<2x128x64xf32, #tpu.memory_space<vmem>>, vector<16xf32>,
      }
      %scan3A_57 = arith.constant 128 : i32
      %run_scoped3A_58 = arith.constant 0 : i32
      "tpu.region"() ({
        %run_scoped3A_59 = tpu.sem_alloc : memref<!tpu.dma_semaphore, #tpu.memory_space<semaphore_mem>>
        %dma_start3A = arith.constant 0 : i32
        %dma_start3A_60 = arith.constant 0 : i32
        %dma_start3A_61 = tpu.memref_slice %arg11[%run_scoped3A_58, %dma_start3A, %dma_start3A_60] : memref<2x128x64xf32, #tpu.memory_space<vmem>> -> memref<1x128x64xf32, #tpu.memory_space<vmem>>
        %dma_start3A_62 = tpu.memref_squeeze %dma_start3A_61 : memref<1x128x64xf32, #tpu.memory_space<vmem>> -> memref<128x64xf32, #tpu.memory_space<vmem>>
        %dma_start3A_63 = arith.constant 0 : i32
        %dma_start3A_64 = tpu.memref_slice %arg7[%scan3A_50, %dma_start3A_63] : memref<79x128xi32, #tpu.memory_space<vmem>> -> memref<1x128xi32, #tpu.memory_space<vmem>>
        %dma_start3A_65 = tpu.memref_squeeze %dma_start3A_64 : memref<1x128xi32, #tpu.memory_space<vmem>> -> memref<128xi32, #tpu.memory_space<vmem>>
        %dma_start3A_66 = arith.constant 0 : i32
        %dma_start3A_67 = arith.constant 0 : i32
        %dma_start3A_68 = tpu.memref_slice %arg12[%dma_start3A_66, %dma_start3A_67] : memref<10000x64xf32, #tpu.memory_space<vmem_shared>> -> memref<10000x64xf32, #tpu.memory_space<vmem_shared>>
        tpu.enqueue_indirect_dma source(%dma_start3A_62 : memref<128x64xf32, #tpu.memory_space<vmem>>) target(%dma_start3A_68 : memref<10000x64xf32, #tpu.memory_space<vmem_shared>>) offsets(%dma_start3A_65 : memref<128xi32, #tpu.memory_space<vmem>>) semaphore(%run_scoped3A_59 : memref<!tpu.dma_semaphore, #tpu.memory_space<semaphore_mem>>) {add = true}
        %dma_wait3A = arith.constant 0 : i32
        %dma_wait3A_69 = arith.constant 0 : i32
        %dma_wait3A_70 = tpu.memref_slice %arg11[%run_scoped3A_58, %dma_wait3A, %dma_wait3A_69] : memref<2x128x64xf32, #tpu.memory_space<vmem>> -> memref<1x128x64xf32, #tpu.memory_space<vmem>>
        %dma_wait3A_71 = tpu.memref_squeeze %dma_wait3A_70 : memref<1x128x64xf32, #tpu.memory_space<vmem>> -> memref<128x64xf32, #tpu.memory_space<vmem>>
        %dma_wait3A_72 = arith.constant 0 : i32
        %dma_wait3A_73 = tpu.memref_slice %arg7[%scan3A_50, %dma_wait3A_72] : memref<79x128xi32, #tpu.memory_space<vmem>> -> memref<1x128xi32, #tpu.memory_space<vmem>>
        %dma_wait3A_74 = tpu.memref_squeeze %dma_wait3A_73 : memref<1x128xi32, #tpu.memory_space<vmem>> -> memref<128xi32, #tpu.memory_space<vmem>>
        %dma_wait3A_75 = arith.constant 0 : i32
        %dma_wait3A_76 = arith.constant 0 : i32
        %dma_wait3A_77 = tpu.memref_slice %arg12[%dma_wait3A_75, %dma_wait3A_76] : memref<10000x64xf32, #tpu.memory_space<vmem_shared>> -> memref<10000x64xf32, #tpu.memory_space<vmem_shared>>
        tpu.wait_indirect_dma semaphore(%run_scoped3A_59 : memref<!tpu.dma_semaphore, #tpu.memory_space<semaphore_mem>>) src(%dma_wait3A_71 : memref<128x64xf32, #tpu.memory_space<vmem>>) dst(%dma_wait3A_77 : memref<10000x64xf32, #tpu.memory_space<vmem_shared>>)
        tpu.yield
      }) : () -> ()
    }
    %scan3A_46 = arith.constant 79 : i32
    %barrier3A_47 = arith.constant 0 : index
    tpu.barrier barrier_id(%barrier3A_47)
    %eq3A = arith.constant 0 : i32
    %eq3A_48 = arith.cmpi eq, %arg1, %eq3A : i32
    %convert_element_type3A = arith.extui %eq3A_48 : i1 to i32
    %cond3A = arith.constant 0 : i32
    %cond3A_49 = arith.cmpi ne, %convert_element_type3A, %cond3A : i32
    scf.if %cond3A_49 {
      "tpu.region"() ({
        %run_scoped3A_50 = tpu.sem_alloc : memref<!tpu.dma_semaphore, #tpu.memory_space<semaphore_mem>>
        %dma_start3A = arith.constant 0 : i32
        %dma_start3A_51 = arith.constant 0 : i32
        %dma_start3A_52 = tpu.memref_slice %arg6[%arg0, %dma_start3A, %dma_start3A_51] : memref<2x10000x64xf32, #tpu.memory_space<hbm>> -> memref<1x10000x64xf32, #tpu.memory_space<hbm>>
        %dma_start3A_53 = tpu.memref_squeeze %dma_start3A_52 : memref<1x10000x64xf32, #tpu.memory_space<hbm>> -> memref<10000x64xf32, #tpu.memory_space<hbm>>
        tpu.enqueue_dma source(%arg12 : memref<10000x64xf32, #tpu.memory_space<vmem_shared>>) target(%dma_start3A_53 : memref<10000x64xf32, #tpu.memory_space<hbm>>) target_semaphore(%run_scoped3A_50 : memref<!tpu.dma_semaphore, #tpu.memory_space<semaphore_mem>>)
        %dma_wait3A = arith.constant 0 : i32
        %dma_wait3A_54 = arith.constant 0 : i32
        %dma_wait3A_55 = tpu.memref_slice %arg6[%arg0, %dma_wait3A, %dma_wait3A_54] : memref<2x10000x64xf32, #tpu.memory_space<hbm>> -> memref<1x10000x64xf32, #tpu.memory_space<hbm>>
        %dma_wait3A_56 = tpu.memref_squeeze %dma_wait3A_55 : memref<1x10000x64xf32, #tpu.memory_space<hbm>> -> memref<10000x64xf32, #tpu.memory_space<hbm>>
        tpu.wait_dma2 semaphore(%run_scoped3A_50 : memref<!tpu.dma_semaphore, #tpu.memory_space<semaphore_mem>>) src(%arg12 : memref<10000x64xf32, #tpu.memory_space<vmem_shared>>) dst(%dma_wait3A_56 : memref<10000x64xf32, #tpu.memory_space<hbm>>)
        tpu.yield
      }) : () -> ()
    } else {
    }
    return
  }
}

#map = affine_map<(d0, d1) -> (0)>
#map1 = affine_map<(d0, d1) -> (0, 0, 0)>
module attributes {stable_mosaic.version = 14 : i64} {
  func.func @_sc_norm_body(%arg0: i32, %arg1: i32, %arg2: memref<320000xf32, #tpu.memory_space<hbm>>, %arg3: memref<320000xf32, #tpu.memory_space<hbm>>, %arg4: memref<10240xf32, #tpu.memory_space<hbm>>, %arg5: memref<10240xf32, #tpu.memory_space<hbm>>, %arg6: memref<10240xi32, #tpu.memory_space<hbm>>, %arg7: memref<320000xf32, #tpu.memory_space<hbm>>, %arg8: memref<320000xf32, #tpu.memory_space<hbm>>, %arg9: memref<32x4x16xf32, #tpu.memory_space<hbm>>, %arg10: memref<10240xf32, #tpu.memory_space<vmem>>, %arg11: memref<10240xf32, #tpu.memory_space<vmem>>, %arg12: memref<10240xi32, #tpu.memory_space<vmem>>, %arg13: memref<10240xi32, #tpu.memory_space<vmem>>, %arg14: memref<10000xf32, #tpu.memory_space<vmem>>, %arg15: memref<10000xf32, #tpu.memory_space<vmem>>, %arg16: memref<10000xf32, #tpu.memory_space<vmem>>, %arg17: memref<10000xf32, #tpu.memory_space<vmem>>, %arg18: memref<4x16xf32, #tpu.memory_space<vmem>>) attributes {dimension_semantics = [#tpu.dimension_semantics<core_parallel>, #tpu.dimension_semantics<subcore_parallel>], iteration_bounds = array<i64: 2, 16>, scalar_prefetch = 0 : i64, scratch_operands = 9 : i64, tpu.core_type = #tpu.core_type<sc_vector_subcore>, window_params = [{transform_indices = #map}, {transform_indices = #map}, {transform_indices = #map}, {transform_indices = #map}, {transform_indices = #map}, {transform_indices = #map}, {transform_indices = #map}, {transform_indices = #map1}]} {
    %mul3A = arith.constant 16 : i32
    %mul3A_0 = arith.muli %arg0, %mul3A : i32
    %add3A = arith.addi %mul3A_0, %arg1 : i32
    %mul3A_1 = arith.constant 10000 : i32
    %mul3A_2 = arith.muli %add3A, %mul3A_1 : i32
    %broadcast_in_dim3A = arith.constant 0.000000e+00 : f32
    %broadcast_in_dim3A_3 = vector.broadcast %broadcast_in_dim3A : f32 to vector<16xf32>
    %broadcast_in_dim3A_4 = arith.constant 0 : i32
    %broadcast_in_dim3A_5 = vector.broadcast %broadcast_in_dim3A_4 : i32 to vector<16xi32>
    %broadcast_in_dim3A_6 = arith.constant 1 : i32
    %broadcast_in_dim3A_7 = vector.broadcast %broadcast_in_dim3A_6 : i32 to vector<16xi32>
    "tpu.region"() ({
      %run_scoped3A = tpu.sem_alloc : memref<!tpu.dma_semaphore, #tpu.memory_space<semaphore_mem>>
      tpu.enqueue_dma source(%arg4 : memref<10240xf32, #tpu.memory_space<hbm>>) target(%arg10 : memref<10240xf32, #tpu.memory_space<vmem>>) target_semaphore(%run_scoped3A : memref<!tpu.dma_semaphore, #tpu.memory_space<semaphore_mem>>)
      tpu.wait_dma2 semaphore(%run_scoped3A : memref<!tpu.dma_semaphore, #tpu.memory_space<semaphore_mem>>) src(%arg4 : memref<10240xf32, #tpu.memory_space<hbm>>) dst(%arg10 : memref<10240xf32, #tpu.memory_space<vmem>>)
      tpu.yield
    }) : () -> ()
    "tpu.region"() ({
      %run_scoped3A = tpu.sem_alloc : memref<!tpu.dma_semaphore, #tpu.memory_space<semaphore_mem>>
      tpu.enqueue_dma source(%arg5 : memref<10240xf32, #tpu.memory_space<hbm>>) target(%arg11 : memref<10240xf32, #tpu.memory_space<vmem>>) target_semaphore(%run_scoped3A : memref<!tpu.dma_semaphore, #tpu.memory_space<semaphore_mem>>)
      tpu.wait_dma2 semaphore(%run_scoped3A : memref<!tpu.dma_semaphore, #tpu.memory_space<semaphore_mem>>) src(%arg5 : memref<10240xf32, #tpu.memory_space<hbm>>) dst(%arg11 : memref<10240xf32, #tpu.memory_space<vmem>>)
      tpu.yield
    }) : () -> ()
    "tpu.region"() ({
      %run_scoped3A = tpu.sem_alloc : memref<!tpu.dma_semaphore, #tpu.memory_space<semaphore_mem>>
      tpu.enqueue_dma source(%arg6 : memref<10240xi32, #tpu.memory_space<hbm>>) target(%arg12 : memref<10240xi32, #tpu.memory_space<vmem>>) target_semaphore(%run_scoped3A : memref<!tpu.dma_semaphore, #tpu.memory_space<semaphore_mem>>)
      tpu.wait_dma2 semaphore(%run_scoped3A : memref<!tpu.dma_semaphore, #tpu.memory_space<semaphore_mem>>) src(%arg6 : memref<10240xi32, #tpu.memory_space<hbm>>) dst(%arg12 : memref<10240xi32, #tpu.memory_space<vmem>>)
      tpu.yield
    }) : () -> ()
    "tpu.region"() ({
      %run_scoped3A = tpu.sem_alloc : memref<!tpu.dma_semaphore, #tpu.memory_space<semaphore_mem>>
      %dma_start3A = tpu.memref_slice %arg2[%mul3A_2] : memref<320000xf32, #tpu.memory_space<hbm>> -> memref<10000xf32, #tpu.memory_space<hbm>>
      %dma_start3A_49 = tpu.memref_slice %arg2[%mul3A_2] : memref<320000xf32, #tpu.memory_space<hbm>> -> memref<10000xf32, #tpu.memory_space<hbm>>
      tpu.enqueue_dma source(%dma_start3A_49 : memref<10000xf32, #tpu.memory_space<hbm>>) target(%arg14 : memref<10000xf32, #tpu.memory_space<vmem>>) target_semaphore(%run_scoped3A : memref<!tpu.dma_semaphore, #tpu.memory_space<semaphore_mem>>)
      %dma_wait3A = tpu.memref_slice %arg2[%mul3A_2] : memref<320000xf32, #tpu.memory_space<hbm>> -> memref<10000xf32, #tpu.memory_space<hbm>>
      %dma_wait3A_50 = tpu.memref_slice %arg2[%mul3A_2] : memref<320000xf32, #tpu.memory_space<hbm>> -> memref<10000xf32, #tpu.memory_space<hbm>>
      tpu.wait_dma2 semaphore(%run_scoped3A : memref<!tpu.dma_semaphore, #tpu.memory_space<semaphore_mem>>) src(%dma_wait3A_50 : memref<10000xf32, #tpu.memory_space<hbm>>) dst(%arg14 : memref<10000xf32, #tpu.memory_space<vmem>>)
      tpu.yield
    }) : () -> ()
    "tpu.region"() ({
      %run_scoped3A = tpu.sem_alloc : memref<!tpu.dma_semaphore, #tpu.memory_space<semaphore_mem>>
      %dma_start3A = tpu.memref_slice %arg3[%mul3A_2] : memref<320000xf32, #tpu.memory_space<hbm>> -> memref<10000xf32, #tpu.memory_space<hbm>>
      %dma_start3A_49 = tpu.memref_slice %arg3[%mul3A_2] : memref<320000xf32, #tpu.memory_space<hbm>> -> memref<10000xf32, #tpu.memory_space<hbm>>
      tpu.enqueue_dma source(%dma_start3A_49 : memref<10000xf32, #tpu.memory_space<hbm>>) target(%arg15 : memref<10000xf32, #tpu.memory_space<vmem>>) target_semaphore(%run_scoped3A : memref<!tpu.dma_semaphore, #tpu.memory_space<semaphore_mem>>)
      %dma_wait3A = tpu.memref_slice %arg3[%mul3A_2] : memref<320000xf32, #tpu.memory_space<hbm>> -> memref<10000xf32, #tpu.memory_space<hbm>>
      %dma_wait3A_50 = tpu.memref_slice %arg3[%mul3A_2] : memref<320000xf32, #tpu.memory_space<hbm>> -> memref<10000xf32, #tpu.memory_space<hbm>>
      tpu.wait_dma2 semaphore(%run_scoped3A : memref<!tpu.dma_semaphore, #tpu.memory_space<semaphore_mem>>) src(%dma_wait3A_50 : memref<10000xf32, #tpu.memory_space<hbm>>) dst(%arg15 : memref<10000xf32, #tpu.memory_space<vmem>>)
      tpu.yield
    }) : () -> ()
    %scan3A = arith.constant 0 : i32
    %scan3A_8 = arith.constant 9999 : i32
    %scan3A_9 = arith.constant 0 : i32
    %scan3A_10 = arith.constant 14 : i32
    %scan3A_11 = arith.addi %scan3A_9, %scan3A_10 : i32
    %scan3A_12 = arith.constant 1 : i32
    %scan3A_13:2 = scf.for %scan3A_49 = %scan3A_9 to %scan3A_11 step %scan3A_12 iter_args(%scan3A_50 = %scan3A, %scan3A_51 = %scan3A_8) -> (i32, i32)  : i32 {
      %add3A_52 = arith.addi %scan3A_50, %scan3A_51 : i32
      %add3A_53 = arith.constant 1 : i32
      %add3A_54 = arith.addi %add3A_52, %add3A_53 : i32
      %div3A = arith.constant 2 : i32
      %div3A_55 = arith.divsi %add3A_54, %div3A : i32
      %get3A = arith.index_cast %div3A_55 : i32 to index
      %get3A_56 = tpu.vector_load %arg12[%get3A] {strides = array<i32>} : memref<10240xi32, #tpu.memory_space<vmem>>, vector<16xi32>,
      %slice3A = vector.extract_strided_slice %get3A_56 {offsets = [0], sizes = [1], strides = [1]} : vector<16xi32> to vector<1xi32>
      %squeeze3A = vector.extract %slice3A[0] : i32 from vector<1xi32>
      %le3A = arith.cmpi sle, %squeeze3A, %mul3A_2 : i32
      %select_n3A = arith.select %le3A, %div3A_55, %scan3A_50 : i32
      %sub3A = arith.constant 1 : i32
      %sub3A_57 = arith.subi %div3A_55, %sub3A : i32
      %select_n3A_58 = arith.select %le3A, %scan3A_51, %sub3A_57 : i32
      scf.yield %select_n3A, %select_n3A_58 : i32, i32
    }
    %scan3A_14 = arith.constant 14 : i32
    %scan3A_15 = arith.constant 0 : i32
    %scan3A_16 = arith.constant 0 : i32
    %scan3A_17 = arith.constant 625 : i32
    %scan3A_18 = arith.addi %scan3A_16, %scan3A_17 : i32
    %scan3A_19 = arith.constant 1 : i32
    scf.for %scan3A_49 = %scan3A_16 to %scan3A_18 step %scan3A_19  : i32 {
      %mul3A_50 = arith.constant 16 : i32
      %mul3A_51 = arith.muli %scan3A_49, %mul3A_50 : i32
      %multiple_of3A = tpu.assume_multiple %mul3A_51, 16 : i32
      %swap3A_52 = arith.index_cast %multiple_of3A : i32 to index
      %swap3A_53 = tpu.vector_load %arg13[%swap3A_52] {strides = array<i32>} : memref<10240xi32, #tpu.memory_space<vmem>>, vector<16xi32>,
      tpu.vector_store %arg13[%swap3A_52], %broadcast_in_dim3A_5 {strides = array<i32>} : memref<10240xi32, #tpu.memory_space<vmem>>, vector<16xi32>,
    }
    %scan3A_20 = arith.constant 625 : i32
    %scan3A_21 = arith.constant 0 : i32
    %scan3A_22 = arith.constant 0 : i32
    %scan3A_23 = arith.constant 640 : i32
    %scan3A_24 = arith.addi %scan3A_22, %scan3A_23 : i32
    %scan3A_25 = arith.constant 1 : i32
    scf.for %scan3A_49 = %scan3A_22 to %scan3A_24 step %scan3A_25  : i32 {
      %mul3A_50 = arith.constant 16 : i32
      %mul3A_51 = arith.muli %scan3A_49, %mul3A_50 : i32
      %multiple_of3A = tpu.assume_multiple %mul3A_51, 16 : i32
      %get3A = arith.index_cast %multiple_of3A : i32 to index
      %get3A_52 = tpu.vector_load %arg12[%get3A] {strides = array<i32>} : memref<10240xi32, #tpu.memory_space<vmem>>, vector<16xi32>,
      %gt3A = vector.broadcast %mul3A_2 : i32 to vector<16xi32>
      %gt3A_53 = arith.cmpi sgt, %get3A_52, %gt3A : vector<16xi32>
      %add3A_54 = arith.constant 10000 : i32
      %add3A_55 = arith.addi %mul3A_2, %add3A_54 : i32
      %lt3A = vector.broadcast %add3A_55 : i32 to vector<16xi32>
      %lt3A_56 = arith.cmpi slt, %get3A_52, %lt3A : vector<16xi32>
      %and3A = arith.andi %gt3A_53, %lt3A_56 : vector<16xi1>
      %sub3A = vector.broadcast %mul3A_2 : i32 to vector<16xi32>
      %sub3A_57 = arith.subi %get3A_52, %sub3A : vector<16xi32>
      tpu.vector_store_idx %arg13[%sub3A_57], %broadcast_in_dim3A_7 masked %and3A {add = true} : memref<10240xi32, #tpu.memory_space<vmem>>[vector<16xi32>], vector<16xi32>, vector<16xi1>
    }
    %scan3A_26 = arith.constant 640 : i32
    %scan3A_27 = arith.constant 0 : i32
    %scan3A_28 = arith.constant 0 : i32
    %scan3A_29 = arith.constant 625 : i32
    %scan3A_30 = arith.addi %scan3A_28, %scan3A_29 : i32
    %scan3A_31 = arith.constant 1 : i32
    %scan3A_32:5 = scf.for %scan3A_49 = %scan3A_28 to %scan3A_30 step %scan3A_31 iter_args(%scan3A_50 = %scan3A_27, %scan3A_51 = %broadcast_in_dim3A_3, %scan3A_52 = %broadcast_in_dim3A_3, %scan3A_53 = %broadcast_in_dim3A_3, %scan3A_54 = %broadcast_in_dim3A_3) -> (i32, vector<16xf32>, vector<16xf32>, vector<16xf32>, vector<16xf32>)  : i32 {
      %mul3A_55 = arith.constant 16 : i32
      %mul3A_56 = arith.muli %scan3A_49, %mul3A_55 : i32
      %multiple_of3A = tpu.assume_multiple %mul3A_56, 16 : i32
      %get3A = arith.index_cast %multiple_of3A : i32 to index
      %get3A_57 = tpu.vector_load %arg13[%get3A] {strides = array<i32>} : memref<10240xi32, #tpu.memory_space<vmem>>, vector<16xi32>,
      %broadcast_in_dim3A_58 = arith.constant true
      %broadcast_in_dim3A_59 = vector.broadcast %broadcast_in_dim3A_58 : i1 to vector<16xi1>
      %masked_cumsum3A = tpu.scan <sum>, %get3A_57 masked %broadcast_in_dim3A_59 : vector<16xi32>, vector<16xi1> -> vector<16xi32>
      %add3A_60 = arith.addi %scan3A_13#0, %scan3A_50 : i32
      %add3A_61 = vector.broadcast %add3A_60 : i32 to vector<16xi32>
      %add3A_62 = arith.addi %add3A_61, %masked_cumsum3A : vector<16xi32>
      %gather3A = tpu.vector_load_idx %arg10[%add3A_62] : memref<10240xf32, #tpu.memory_space<vmem>>[vector<16xi32>], vector<16xf32>,
      %gather3A_63 = tpu.vector_load_idx %arg11[%add3A_62] : memref<10240xf32, #tpu.memory_space<vmem>>[vector<16xi32>], vector<16xf32>,
      %get3A_64 = arith.index_cast %multiple_of3A : i32 to index
      %get3A_65 = tpu.vector_load %arg14[%get3A_64] {strides = array<i32>} : memref<10000xf32, #tpu.memory_space<vmem>>, vector<16xf32>,
      %div3A = arith.divf %get3A_65, %gather3A : vector<16xf32>
      %get3A_66 = arith.index_cast %multiple_of3A : i32 to index
      %get3A_67 = tpu.vector_load %arg15[%get3A_66] {strides = array<i32>} : memref<10000xf32, #tpu.memory_space<vmem>>, vector<16xf32>,
      %div3A_68 = arith.divf %get3A_67, %gather3A_63 : vector<16xf32>
      %swap3A_69 = arith.index_cast %multiple_of3A : i32 to index
      %swap3A_70 = tpu.vector_load %arg16[%swap3A_69] {strides = array<i32>} : memref<10000xf32, #tpu.memory_space<vmem>>, vector<16xf32>,
      tpu.vector_store %arg16[%swap3A_69], %div3A {strides = array<i32>} : memref<10000xf32, #tpu.memory_space<vmem>>, vector<16xf32>,
      %swap3A_71 = arith.index_cast %multiple_of3A : i32 to index
      %swap3A_72 = tpu.vector_load %arg17[%swap3A_71] {strides = array<i32>} : memref<10000xf32, #tpu.memory_space<vmem>>, vector<16xf32>,
      tpu.vector_store %arg17[%swap3A_71], %div3A_68 {strides = array<i32>} : memref<10000xf32, #tpu.memory_space<vmem>>, vector<16xf32>,
      %slice3A = vector.extract_strided_slice %masked_cumsum3A {offsets = [15], sizes = [1], strides = [1]} : vector<16xi32> to vector<1xi32>
      %squeeze3A = vector.extract %slice3A[0] : i32 from vector<1xi32>
      %add3A_73 = arith.addi %scan3A_50, %squeeze3A : i32
      %add3A_74 = arith.addf %scan3A_51, %div3A : vector<16xf32>
      %mul3A_75 = arith.mulf %div3A, %div3A : vector<16xf32>
      %add3A_76 = arith.addf %scan3A_52, %mul3A_75 : vector<16xf32>
      %add3A_77 = arith.addf %scan3A_53, %div3A_68 : vector<16xf32>
      %mul3A_78 = arith.mulf %div3A_68, %div3A_68 : vector<16xf32>
      %add3A_79 = arith.addf %scan3A_54, %mul3A_78 : vector<16xf32>
      scf.yield %add3A_73, %add3A_74, %add3A_76, %add3A_77, %add3A_79 : i32, vector<16xf32>, vector<16xf32>, vector<16xf32>, vector<16xf32>
    }
    %scan3A_33 = arith.constant 625 : i32
    %swap3A = arith.constant 0 : i32
    %swap3A_34 = arith.index_cast %swap3A : i32 to index
    %swap3A_35 = arith.constant 0 : index
    %swap3A_36 = tpu.vector_load %arg18[%swap3A_34, %swap3A_35] {strides = array<i32>} : memref<4x16xf32, #tpu.memory_space<vmem>>, vector<16xf32>,
    tpu.vector_store %arg18[%swap3A_34, %swap3A_35], %scan3A_32#1 {strides = array<i32>} : memref<4x16xf32, #tpu.memory_space<vmem>>, vector<16xf32>,
    %swap3A_37 = arith.constant 1 : i32
    %swap3A_38 = arith.index_cast %swap3A_37 : i32 to index
    %swap3A_39 = arith.constant 0 : index
    %swap3A_40 = tpu.vector_load %arg18[%swap3A_38, %swap3A_39] {strides = array<i32>} : memref<4x16xf32, #tpu.memory_space<vmem>>, vector<16xf32>,
    tpu.vector_store %arg18[%swap3A_38, %swap3A_39], %scan3A_32#2 {strides = array<i32>} : memref<4x16xf32, #tpu.memory_space<vmem>>, vector<16xf32>,
    %swap3A_41 = arith.constant 2 : i32
    %swap3A_42 = arith.index_cast %swap3A_41 : i32 to index
    %swap3A_43 = arith.constant 0 : index
    %swap3A_44 = tpu.vector_load %arg18[%swap3A_42, %swap3A_43] {strides = array<i32>} : memref<4x16xf32, #tpu.memory_space<vmem>>, vector<16xf32>,
    tpu.vector_store %arg18[%swap3A_42, %swap3A_43], %scan3A_32#3 {strides = array<i32>} : memref<4x16xf32, #tpu.memory_space<vmem>>, vector<16xf32>,
    %swap3A_45 = arith.constant 3 : i32
    %swap3A_46 = arith.index_cast %swap3A_45 : i32 to index
    %swap3A_47 = arith.constant 0 : index
    %swap3A_48 = tpu.vector_load %arg18[%swap3A_46, %swap3A_47] {strides = array<i32>} : memref<4x16xf32, #tpu.memory_space<vmem>>, vector<16xf32>,
    tpu.vector_store %arg18[%swap3A_46, %swap3A_47], %scan3A_32#4 {strides = array<i32>} : memref<4x16xf32, #tpu.memory_space<vmem>>, vector<16xf32>,
    "tpu.region"() ({
      %run_scoped3A = tpu.sem_alloc : memref<!tpu.dma_semaphore, #tpu.memory_space<semaphore_mem>>
      %dma_start3A = tpu.memref_slice %arg7[%mul3A_2] : memref<320000xf32, #tpu.memory_space<hbm>> -> memref<10000xf32, #tpu.memory_space<hbm>>
      %dma_start3A_49 = tpu.memref_slice %arg7[%mul3A_2] : memref<320000xf32, #tpu.memory_space<hbm>> -> memref<10000xf32, #tpu.memory_space<hbm>>
      tpu.enqueue_dma source(%arg16 : memref<10000xf32, #tpu.memory_space<vmem>>) target(%dma_start3A_49 : memref<10000xf32, #tpu.memory_space<hbm>>) target_semaphore(%run_scoped3A : memref<!tpu.dma_semaphore, #tpu.memory_space<semaphore_mem>>)
      %dma_wait3A = tpu.memref_slice %arg7[%mul3A_2] : memref<320000xf32, #tpu.memory_space<hbm>> -> memref<10000xf32, #tpu.memory_space<hbm>>
      %dma_wait3A_50 = tpu.memref_slice %arg7[%mul3A_2] : memref<320000xf32, #tpu.memory_space<hbm>> -> memref<10000xf32, #tpu.memory_space<hbm>>
      tpu.wait_dma2 semaphore(%run_scoped3A : memref<!tpu.dma_semaphore, #tpu.memory_space<semaphore_mem>>) src(%arg16 : memref<10000xf32, #tpu.memory_space<vmem>>) dst(%dma_wait3A_50 : memref<10000xf32, #tpu.memory_space<hbm>>)
      tpu.yield
    }) : () -> ()
    "tpu.region"() ({
      %run_scoped3A = tpu.sem_alloc : memref<!tpu.dma_semaphore, #tpu.memory_space<semaphore_mem>>
      %dma_start3A = tpu.memref_slice %arg8[%mul3A_2] : memref<320000xf32, #tpu.memory_space<hbm>> -> memref<10000xf32, #tpu.memory_space<hbm>>
      %dma_start3A_49 = tpu.memref_slice %arg8[%mul3A_2] : memref<320000xf32, #tpu.memory_space<hbm>> -> memref<10000xf32, #tpu.memory_space<hbm>>
      tpu.enqueue_dma source(%arg17 : memref<10000xf32, #tpu.memory_space<vmem>>) target(%dma_start3A_49 : memref<10000xf32, #tpu.memory_space<hbm>>) target_semaphore(%run_scoped3A : memref<!tpu.dma_semaphore, #tpu.memory_space<semaphore_mem>>)
      %dma_wait3A = tpu.memref_slice %arg8[%mul3A_2] : memref<320000xf32, #tpu.memory_space<hbm>> -> memref<10000xf32, #tpu.memory_space<hbm>>
      %dma_wait3A_50 = tpu.memref_slice %arg8[%mul3A_2] : memref<320000xf32, #tpu.memory_space<hbm>> -> memref<10000xf32, #tpu.memory_space<hbm>>
      tpu.wait_dma2 semaphore(%run_scoped3A : memref<!tpu.dma_semaphore, #tpu.memory_space<semaphore_mem>>) src(%arg17 : memref<10000xf32, #tpu.memory_space<vmem>>) dst(%dma_wait3A_50 : memref<10000xf32, #tpu.memory_space<hbm>>)
      tpu.yield
    }) : () -> ()
    "tpu.region"() ({
      %run_scoped3A = tpu.sem_alloc : memref<!tpu.dma_semaphore, #tpu.memory_space<semaphore_mem>>
      %dma_start3A = arith.constant 0 : i32
      %dma_start3A_49 = arith.constant 0 : i32
      %dma_start3A_50 = tpu.memref_slice %arg9[%add3A, %dma_start3A, %dma_start3A_49] : memref<32x4x16xf32, #tpu.memory_space<hbm>> -> memref<1x4x16xf32, #tpu.memory_space<hbm>>
      %dma_start3A_51 = tpu.memref_squeeze %dma_start3A_50 : memref<1x4x16xf32, #tpu.memory_space<hbm>> -> memref<4x16xf32, #tpu.memory_space<hbm>>
      %dma_start3A_52 = arith.constant 0 : i32
      %dma_start3A_53 = arith.constant 0 : i32
      %dma_start3A_54 = tpu.memref_slice %arg9[%add3A, %dma_start3A_52, %dma_start3A_53] : memref<32x4x16xf32, #tpu.memory_space<hbm>> -> memref<1x4x16xf32, #tpu.memory_space<hbm>>
      %dma_start3A_55 = tpu.memref_squeeze %dma_start3A_54 : memref<1x4x16xf32, #tpu.memory_space<hbm>> -> memref<4x16xf32, #tpu.memory_space<hbm>>
      tpu.enqueue_dma source(%arg18 : memref<4x16xf32, #tpu.memory_space<vmem>>) target(%dma_start3A_55 : memref<4x16xf32, #tpu.memory_space<hbm>>) target_semaphore(%run_scoped3A : memref<!tpu.dma_semaphore, #tpu.memory_space<semaphore_mem>>)
      %dma_wait3A = arith.constant 0 : i32
      %dma_wait3A_56 = arith.constant 0 : i32
      %dma_wait3A_57 = tpu.memref_slice %arg9[%add3A, %dma_wait3A, %dma_wait3A_56] : memref<32x4x16xf32, #tpu.memory_space<hbm>> -> memref<1x4x16xf32, #tpu.memory_space<hbm>>
      %dma_wait3A_58 = tpu.memref_squeeze %dma_wait3A_57 : memref<1x4x16xf32, #tpu.memory_space<hbm>> -> memref<4x16xf32, #tpu.memory_space<hbm>>
      %dma_wait3A_59 = arith.constant 0 : i32
      %dma_wait3A_60 = arith.constant 0 : i32
      %dma_wait3A_61 = tpu.memref_slice %arg9[%add3A, %dma_wait3A_59, %dma_wait3A_60] : memref<32x4x16xf32, #tpu.memory_space<hbm>> -> memref<1x4x16xf32, #tpu.memory_space<hbm>>
      %dma_wait3A_62 = tpu.memref_squeeze %dma_wait3A_61 : memref<1x4x16xf32, #tpu.memory_space<hbm>> -> memref<4x16xf32, #tpu.memory_space<hbm>>
      tpu.wait_dma2 semaphore(%run_scoped3A : memref<!tpu.dma_semaphore, #tpu.memory_space<semaphore_mem>>) src(%arg18 : memref<4x16xf32, #tpu.memory_space<vmem>>) dst(%dma_wait3A_62 : memref<4x16xf32, #tpu.memory_space<hbm>>)
      tpu.yield
    }) : () -> ()
    return
  }
}

#map = affine_map<(d0, d1) -> (0)>
#map1 = affine_map<(d0, d1) -> (0, 0)>
#map2 = affine_map<(d0, d1) -> (0, 0, 0)>
module attributes {stable_mosaic.version = 14 : i64} {
  func.func @_sc_edge_body(%arg0: i32, %arg1: i32, %arg2: memref<320000xi32, #tpu.memory_space<hbm>>, %arg3: memref<320000xi32, #tpu.memory_space<hbm>>, %arg4: memref<320000xf32, #tpu.memory_space<hbm>>, %arg5: memref<10000xf32, #tpu.memory_space<hbm>>, %arg6: memref<10000xf32, #tpu.memory_space<hbm>>, %arg7: memref<10000xf32, #tpu.memory_space<hbm>>, %arg8: memref<5x128xi32, #tpu.memory_space<hbm>>, %arg9: memref<320000xf32, #tpu.memory_space<hbm>>, %arg10: memref<320000xf32, #tpu.memory_space<hbm>>, %arg11: memref<2x640x16xf32, #tpu.memory_space<hbm>>, %arg12: memref<2x640x16xf32, #tpu.memory_space<hbm>>, %arg13: memref<2x640x16xi32, #tpu.memory_space<hbm>>, %arg14: memref<10240xf32, #tpu.memory_space<vmem>>, %arg15: memref<10240xf32, #tpu.memory_space<vmem>>, %arg16: memref<10240xf32, #tpu.memory_space<vmem>>, %arg17: memref<640x16xf32, #tpu.memory_space<vmem>>, %arg18: memref<640x16xf32, #tpu.memory_space<vmem>>, %arg19: memref<640x16xi32, #tpu.memory_space<vmem>>, %arg20: memref<2000xi32, #tpu.memory_space<vmem>>, %arg21: memref<2000xi32, #tpu.memory_space<vmem>>, %arg22: memref<2000xf32, #tpu.memory_space<vmem>>, %arg23: memref<2000xf32, #tpu.memory_space<vmem>>, %arg24: memref<2000xf32, #tpu.memory_space<vmem>>, %arg25: memref<5x128xi32, #tpu.memory_space<vmem>>, %arg26: memref<640x16xf32, #tpu.memory_space<vmem_shared>>, %arg27: memref<640x16xf32, #tpu.memory_space<vmem_shared>>, %arg28: memref<640x16xi32, #tpu.memory_space<vmem_shared>>) attributes {dimension_semantics = [#tpu.dimension_semantics<core_parallel>, #tpu.dimension_semantics<subcore_parallel>], iteration_bounds = array<i64: 2, 16>, scalar_prefetch = 0 : i64, scratch_operands = 15 : i64, tpu.core_type = #tpu.core_type<sc_vector_subcore>, window_params = [{transform_indices = #map}, {transform_indices = #map}, {transform_indices = #map}, {transform_indices = #map}, {transform_indices = #map}, {transform_indices = #map}, {transform_indices = #map1}, {transform_indices = #map}, {transform_indices = #map}, {transform_indices = #map2}, {transform_indices = #map2}, {transform_indices = #map2}]} {
    %mul3A = arith.constant 16 : i32
    %mul3A_0 = arith.muli %arg0, %mul3A : i32
    %add3A = arith.addi %mul3A_0, %arg1 : i32
    %broadcast_in_dim3A = arith.constant 0.000000e+00 : f32
    %broadcast_in_dim3A_1 = vector.broadcast %broadcast_in_dim3A : f32 to vector<16xf32>
    %broadcast_in_dim3A_2 = arith.constant 0 : i32
    %broadcast_in_dim3A_3 = vector.broadcast %broadcast_in_dim3A_2 : i32 to vector<16xi32>
    %broadcast_in_dim3A_4 = arith.constant 1 : i32
    %broadcast_in_dim3A_5 = vector.broadcast %broadcast_in_dim3A_4 : i32 to vector<16xi32>
    %scan3A = arith.constant 0 : i32
    %scan3A_6 = arith.constant 0 : i32
    %scan3A_7 = arith.constant 640 : i32
    %scan3A_8 = arith.addi %scan3A_6, %scan3A_7 : i32
    %scan3A_9 = arith.constant 1 : i32
    scf.for %scan3A_83 = %scan3A_6 to %scan3A_8 step %scan3A_9  : i32 {
      %swap3A = arith.index_cast %scan3A_83 : i32 to index
      %swap3A_84 = arith.constant 0 : index
      %swap3A_85 = tpu.vector_load %arg17[%swap3A, %swap3A_84] {strides = array<i32>} : memref<640x16xf32, #tpu.memory_space<vmem>>, vector<16xf32>,
      tpu.vector_store %arg17[%swap3A, %swap3A_84], %broadcast_in_dim3A_1 {strides = array<i32>} : memref<640x16xf32, #tpu.memory_space<vmem>>, vector<16xf32>,
      %swap3A_86 = arith.index_cast %scan3A_83 : i32 to index
      %swap3A_87 = arith.constant 0 : index
      %swap3A_88 = tpu.vector_load %arg18[%swap3A_86, %swap3A_87] {strides = array<i32>} : memref<640x16xf32, #tpu.memory_space<vmem>>, vector<16xf32>,
      tpu.vector_store %arg18[%swap3A_86, %swap3A_87], %broadcast_in_dim3A_1 {strides = array<i32>} : memref<640x16xf32, #tpu.memory_space<vmem>>, vector<16xf32>,
      %swap3A_89 = arith.index_cast %scan3A_83 : i32 to index
      %swap3A_90 = arith.constant 0 : index
      %swap3A_91 = tpu.vector_load %arg19[%swap3A_89, %swap3A_90] {strides = array<i32>} : memref<640x16xi32, #tpu.memory_space<vmem>>, vector<16xi32>,
      tpu.vector_store %arg19[%swap3A_89, %swap3A_90], %broadcast_in_dim3A_3 {strides = array<i32>} : memref<640x16xi32, #tpu.memory_space<vmem>>, vector<16xi32>,
    }
    %scan3A_10 = arith.constant 640 : i32
    "tpu.region"() ({
      %run_scoped3A_83 = tpu.sem_alloc : memref<!tpu.dma_semaphore, #tpu.memory_space<semaphore_mem>>
      tpu.enqueue_dma source(%arg8 : memref<5x128xi32, #tpu.memory_space<hbm>>) target(%arg25 : memref<5x128xi32, #tpu.memory_space<vmem>>) target_semaphore(%run_scoped3A_83 : memref<!tpu.dma_semaphore, #tpu.memory_space<semaphore_mem>>)
      tpu.wait_dma2 semaphore(%run_scoped3A_83 : memref<!tpu.dma_semaphore, #tpu.memory_space<semaphore_mem>>) src(%arg8 : memref<5x128xi32, #tpu.memory_space<hbm>>) dst(%arg25 : memref<5x128xi32, #tpu.memory_space<vmem>>)
      tpu.yield
    }) : () -> ()
    "tpu.region"() ({
      %run_scoped3A_83 = tpu.sem_alloc : memref<!tpu.dma_semaphore, #tpu.memory_space<semaphore_mem>>
      %dma_start3A = arith.constant 0 : i32
      %dma_start3A_84 = tpu.memref_slice %arg14[%dma_start3A] : memref<10240xf32, #tpu.memory_space<vmem>> -> memref<10000xf32, #tpu.memory_space<vmem>>
      %dma_start3A_85 = arith.constant 0 : i32
      %dma_start3A_86 = tpu.memref_slice %arg14[%dma_start3A_85] : memref<10240xf32, #tpu.memory_space<vmem>> -> memref<10000xf32, #tpu.memory_space<vmem>>
      tpu.enqueue_dma source(%arg5 : memref<10000xf32, #tpu.memory_space<hbm>>) target(%dma_start3A_86 : memref<10000xf32, #tpu.memory_space<vmem>>) target_semaphore(%run_scoped3A_83 : memref<!tpu.dma_semaphore, #tpu.memory_space<semaphore_mem>>)
      %dma_wait3A = arith.constant 0 : i32
      %dma_wait3A_87 = tpu.memref_slice %arg14[%dma_wait3A] : memref<10240xf32, #tpu.memory_space<vmem>> -> memref<10000xf32, #tpu.memory_space<vmem>>
      %dma_wait3A_88 = arith.constant 0 : i32
      %dma_wait3A_89 = tpu.memref_slice %arg14[%dma_wait3A_88] : memref<10240xf32, #tpu.memory_space<vmem>> -> memref<10000xf32, #tpu.memory_space<vmem>>
      tpu.wait_dma2 semaphore(%run_scoped3A_83 : memref<!tpu.dma_semaphore, #tpu.memory_space<semaphore_mem>>) src(%arg5 : memref<10000xf32, #tpu.memory_space<hbm>>) dst(%dma_wait3A_89 : memref<10000xf32, #tpu.memory_space<vmem>>)
      tpu.yield
    }) : () -> ()
    "tpu.region"() ({
      %run_scoped3A_83 = tpu.sem_alloc : memref<!tpu.dma_semaphore, #tpu.memory_space<semaphore_mem>>
      %dma_start3A = arith.constant 0 : i32
      %dma_start3A_84 = tpu.memref_slice %arg15[%dma_start3A] : memref<10240xf32, #tpu.memory_space<vmem>> -> memref<10000xf32, #tpu.memory_space<vmem>>
      %dma_start3A_85 = arith.constant 0 : i32
      %dma_start3A_86 = tpu.memref_slice %arg15[%dma_start3A_85] : memref<10240xf32, #tpu.memory_space<vmem>> -> memref<10000xf32, #tpu.memory_space<vmem>>
      tpu.enqueue_dma source(%arg6 : memref<10000xf32, #tpu.memory_space<hbm>>) target(%dma_start3A_86 : memref<10000xf32, #tpu.memory_space<vmem>>) target_semaphore(%run_scoped3A_83 : memref<!tpu.dma_semaphore, #tpu.memory_space<semaphore_mem>>)
      %dma_wait3A = arith.constant 0 : i32
      %dma_wait3A_87 = tpu.memref_slice %arg15[%dma_wait3A] : memref<10240xf32, #tpu.memory_space<vmem>> -> memref<10000xf32, #tpu.memory_space<vmem>>
      %dma_wait3A_88 = arith.constant 0 : i32
      %dma_wait3A_89 = tpu.memref_slice %arg15[%dma_wait3A_88] : memref<10240xf32, #tpu.memory_space<vmem>> -> memref<10000xf32, #tpu.memory_space<vmem>>
      tpu.wait_dma2 semaphore(%run_scoped3A_83 : memref<!tpu.dma_semaphore, #tpu.memory_space<semaphore_mem>>) src(%arg6 : memref<10000xf32, #tpu.memory_space<hbm>>) dst(%dma_wait3A_89 : memref<10000xf32, #tpu.memory_space<vmem>>)
      tpu.yield
    }) : () -> ()
    "tpu.region"() ({
      %run_scoped3A_83 = tpu.sem_alloc : memref<!tpu.dma_semaphore, #tpu.memory_space<semaphore_mem>>
      %dma_start3A = arith.constant 0 : i32
      %dma_start3A_84 = tpu.memref_slice %arg16[%dma_start3A] : memref<10240xf32, #tpu.memory_space<vmem>> -> memref<10000xf32, #tpu.memory_space<vmem>>
      %dma_start3A_85 = arith.constant 0 : i32
      %dma_start3A_86 = tpu.memref_slice %arg16[%dma_start3A_85] : memref<10240xf32, #tpu.memory_space<vmem>> -> memref<10000xf32, #tpu.memory_space<vmem>>
      tpu.enqueue_dma source(%arg7 : memref<10000xf32, #tpu.memory_space<hbm>>) target(%dma_start3A_86 : memref<10000xf32, #tpu.memory_space<vmem>>) target_semaphore(%run_scoped3A_83 : memref<!tpu.dma_semaphore, #tpu.memory_space<semaphore_mem>>)
      %dma_wait3A = arith.constant 0 : i32
      %dma_wait3A_87 = tpu.memref_slice %arg16[%dma_wait3A] : memref<10240xf32, #tpu.memory_space<vmem>> -> memref<10000xf32, #tpu.memory_space<vmem>>
      %dma_wait3A_88 = arith.constant 0 : i32
      %dma_wait3A_89 = tpu.memref_slice %arg16[%dma_wait3A_88] : memref<10240xf32, #tpu.memory_space<vmem>> -> memref<10000xf32, #tpu.memory_space<vmem>>
      tpu.wait_dma2 semaphore(%run_scoped3A_83 : memref<!tpu.dma_semaphore, #tpu.memory_space<semaphore_mem>>) src(%arg7 : memref<10000xf32, #tpu.memory_space<hbm>>) dst(%dma_wait3A_89 : memref<10000xf32, #tpu.memory_space<vmem>>)
      tpu.yield
    }) : () -> ()
    %eq3A = arith.constant 0 : i32
    %eq3A_11 = arith.cmpi eq, %arg1, %eq3A : i32
    %convert_element_type3A = arith.extui %eq3A_11 : i1 to i32
    %cond3A = arith.constant 0 : i32
    %cond3A_12 = arith.cmpi ne, %convert_element_type3A, %cond3A : i32
    scf.if %cond3A_12 {
      "tpu.region"() ({
        %run_scoped3A_83 = tpu.sem_alloc : memref<!tpu.dma_semaphore, #tpu.memory_space<semaphore_mem>>
        tpu.enqueue_dma source(%arg17 : memref<640x16xf32, #tpu.memory_space<vmem>>) target(%arg26 : memref<640x16xf32, #tpu.memory_space<vmem_shared>>) target_semaphore(%run_scoped3A_83 : memref<!tpu.dma_semaphore, #tpu.memory_space<semaphore_mem>>)
        tpu.wait_dma2 semaphore(%run_scoped3A_83 : memref<!tpu.dma_semaphore, #tpu.memory_space<semaphore_mem>>) src(%arg17 : memref<640x16xf32, #tpu.memory_space<vmem>>) dst(%arg26 : memref<640x16xf32, #tpu.memory_space<vmem_shared>>)
        tpu.yield
      }) : () -> ()
      "tpu.region"() ({
        %run_scoped3A_83 = tpu.sem_alloc : memref<!tpu.dma_semaphore, #tpu.memory_space<semaphore_mem>>
        tpu.enqueue_dma source(%arg18 : memref<640x16xf32, #tpu.memory_space<vmem>>) target(%arg27 : memref<640x16xf32, #tpu.memory_space<vmem_shared>>) target_semaphore(%run_scoped3A_83 : memref<!tpu.dma_semaphore, #tpu.memory_space<semaphore_mem>>)
        tpu.wait_dma2 semaphore(%run_scoped3A_83 : memref<!tpu.dma_semaphore, #tpu.memory_space<semaphore_mem>>) src(%arg18 : memref<640x16xf32, #tpu.memory_space<vmem>>) dst(%arg27 : memref<640x16xf32, #tpu.memory_space<vmem_shared>>)
        tpu.yield
      }) : () -> ()
      "tpu.region"() ({
        %run_scoped3A_83 = tpu.sem_alloc : memref<!tpu.dma_semaphore, #tpu.memory_space<semaphore_mem>>
        tpu.enqueue_dma source(%arg19 : memref<640x16xi32, #tpu.memory_space<vmem>>) target(%arg28 : memref<640x16xi32, #tpu.memory_space<vmem_shared>>) target_semaphore(%run_scoped3A_83 : memref<!tpu.dma_semaphore, #tpu.memory_space<semaphore_mem>>)
        tpu.wait_dma2 semaphore(%run_scoped3A_83 : memref<!tpu.dma_semaphore, #tpu.memory_space<semaphore_mem>>) src(%arg19 : memref<640x16xi32, #tpu.memory_space<vmem>>) dst(%arg28 : memref<640x16xi32, #tpu.memory_space<vmem_shared>>)
        tpu.yield
      }) : () -> ()
    } else {
    }
    %barrier3A = arith.constant 0 : index
    tpu.barrier barrier_id(%barrier3A)
    %mul3A_13 = arith.constant 10000 : i32
    %mul3A_14 = arith.muli %add3A, %mul3A_13 : i32
    %add3A_15 = arith.constant 0 : i32
    %add3A_16 = arith.addi %mul3A_14, %add3A_15 : i32
    "tpu.region"() ({
      %run_scoped3A_83 = tpu.sem_alloc : memref<!tpu.dma_semaphore, #tpu.memory_space<semaphore_mem>>
      %dma_start3A = tpu.memref_slice %arg2[%add3A_16] : memref<320000xi32, #tpu.memory_space<hbm>> -> memref<2000xi32, #tpu.memory_space<hbm>>
      %dma_start3A_84 = tpu.memref_slice %arg2[%add3A_16] : memref<320000xi32, #tpu.memory_space<hbm>> -> memref<2000xi32, #tpu.memory_space<hbm>>
      tpu.enqueue_dma source(%dma_start3A_84 : memref<2000xi32, #tpu.memory_space<hbm>>) target(%arg20 : memref<2000xi32, #tpu.memory_space<vmem>>) target_semaphore(%run_scoped3A_83 : memref<!tpu.dma_semaphore, #tpu.memory_space<semaphore_mem>>)
      %dma_wait3A = tpu.memref_slice %arg2[%add3A_16] : memref<320000xi32, #tpu.memory_space<hbm>> -> memref<2000xi32, #tpu.memory_space<hbm>>
      %dma_wait3A_85 = tpu.memref_slice %arg2[%add3A_16] : memref<320000xi32, #tpu.memory_space<hbm>> -> memref<2000xi32, #tpu.memory_space<hbm>>
      tpu.wait_dma2 semaphore(%run_scoped3A_83 : memref<!tpu.dma_semaphore, #tpu.memory_space<semaphore_mem>>) src(%dma_wait3A_85 : memref<2000xi32, #tpu.memory_space<hbm>>) dst(%arg20 : memref<2000xi32, #tpu.memory_space<vmem>>)
      tpu.yield
    }) : () -> ()
    "tpu.region"() ({
      %run_scoped3A_83 = tpu.sem_alloc : memref<!tpu.dma_semaphore, #tpu.memory_space<semaphore_mem>>
      %dma_start3A = tpu.memref_slice %arg3[%add3A_16] : memref<320000xi32, #tpu.memory_space<hbm>> -> memref<2000xi32, #tpu.memory_space<hbm>>
      %dma_start3A_84 = tpu.memref_slice %arg3[%add3A_16] : memref<320000xi32, #tpu.memory_space<hbm>> -> memref<2000xi32, #tpu.memory_space<hbm>>
      tpu.enqueue_dma source(%dma_start3A_84 : memref<2000xi32, #tpu.memory_space<hbm>>) target(%arg21 : memref<2000xi32, #tpu.memory_space<vmem>>) target_semaphore(%run_scoped3A_83 : memref<!tpu.dma_semaphore, #tpu.memory_space<semaphore_mem>>)
      %dma_wait3A = tpu.memref_slice %arg3[%add3A_16] : memref<320000xi32, #tpu.memory_space<hbm>> -> memref<2000xi32, #tpu.memory_space<hbm>>
      %dma_wait3A_85 = tpu.memref_slice %arg3[%add3A_16] : memref<320000xi32, #tpu.memory_space<hbm>> -> memref<2000xi32, #tpu.memory_space<hbm>>
      tpu.wait_dma2 semaphore(%run_scoped3A_83 : memref<!tpu.dma_semaphore, #tpu.memory_space<semaphore_mem>>) src(%dma_wait3A_85 : memref<2000xi32, #tpu.memory_space<hbm>>) dst(%arg21 : memref<2000xi32, #tpu.memory_space<vmem>>)
      tpu.yield
    }) : () -> ()
    "tpu.region"() ({
      %run_scoped3A_83 = tpu.sem_alloc : memref<!tpu.dma_semaphore, #tpu.memory_space<semaphore_mem>>
      %dma_start3A = tpu.memref_slice %arg4[%add3A_16] : memref<320000xf32, #tpu.memory_space<hbm>> -> memref<2000xf32, #tpu.memory_space<hbm>>
      %dma_start3A_84 = tpu.memref_slice %arg4[%add3A_16] : memref<320000xf32, #tpu.memory_space<hbm>> -> memref<2000xf32, #tpu.memory_space<hbm>>
      tpu.enqueue_dma source(%dma_start3A_84 : memref<2000xf32, #tpu.memory_space<hbm>>) target(%arg22 : memref<2000xf32, #tpu.memory_space<vmem>>) target_semaphore(%run_scoped3A_83 : memref<!tpu.dma_semaphore, #tpu.memory_space<semaphore_mem>>)
      %dma_wait3A = tpu.memref_slice %arg4[%add3A_16] : memref<320000xf32, #tpu.memory_space<hbm>> -> memref<2000xf32, #tpu.memory_space<hbm>>
      %dma_wait3A_85 = tpu.memref_slice %arg4[%add3A_16] : memref<320000xf32, #tpu.memory_space<hbm>> -> memref<2000xf32, #tpu.memory_space<hbm>>
      tpu.wait_dma2 semaphore(%run_scoped3A_83 : memref<!tpu.dma_semaphore, #tpu.memory_space<semaphore_mem>>) src(%dma_wait3A_85 : memref<2000xf32, #tpu.memory_space<hbm>>) dst(%arg22 : memref<2000xf32, #tpu.memory_space<vmem>>)
      tpu.yield
    }) : () -> ()
    %scan3A_17 = arith.constant 0 : i32
    %scan3A_18 = arith.constant 0 : i32
    %scan3A_19 = arith.constant 125 : i32
    %scan3A_20 = arith.addi %scan3A_18, %scan3A_19 : i32
    %scan3A_21 = arith.constant 1 : i32
    scf.for %scan3A_83 = %scan3A_18 to %scan3A_20 step %scan3A_21  : i32 {
      %mul3A_84 = arith.constant 16 : i32
      %mul3A_85 = arith.muli %scan3A_83, %mul3A_84 : i32
      %multiple_of3A = tpu.assume_multiple %mul3A_85, 16 : i32
      %get3A = arith.index_cast %multiple_of3A : i32 to index
      %get3A_86 = tpu.vector_load %arg20[%get3A] {strides = array<i32>} : memref<2000xi32, #tpu.memory_space<vmem>>, vector<16xi32>,
      %get3A_87 = arith.index_cast %multiple_of3A : i32 to index
      %get3A_88 = tpu.vector_load %arg21[%get3A_87] {strides = array<i32>} : memref<2000xi32, #tpu.memory_space<vmem>>, vector<16xi32>,
      %gather3A = tpu.vector_load_idx %arg14[%get3A_86] : memref<10240xf32, #tpu.memory_space<vmem>>[vector<16xi32>], vector<16xf32>,
      %gather3A_89 = tpu.vector_load_idx %arg15[%get3A_88] : memref<10240xf32, #tpu.memory_space<vmem>>[vector<16xi32>], vector<16xf32>,
      %add3A_90 = arith.addf %gather3A, %gather3A_89 : vector<16xf32>
      %mul3A_91 = arith.constant 2.000000e-01 : f32
      %mul3A_92 = vector.broadcast %mul3A_91 : f32 to vector<16xf32>
      %mul3A_93 = arith.mulf %mul3A_92, %add3A_90 : vector<16xf32>
      %max3A = arith.maximumf %add3A_90, %mul3A_93 : vector<16xf32>
      %jit3A = arith.constant -2.000000e+00 : f32
      %jit3A_94 = arith.constant 2.000000e+00 : f32
      %max3A_95 = vector.broadcast %jit3A : f32 to vector<16xf32>
      %max3A_96 = arith.maximumf %max3A_95, %max3A : vector<16xf32>
      %min3A = vector.broadcast %jit3A_94 : f32 to vector<16xf32>
      %min3A_97 = arith.minimumf %min3A, %max3A_96 : vector<16xf32>
      %exp3A = math.exp %min3A_97 : vector<16xf32>
      %gather3A_98 = tpu.vector_load_idx %arg16[%get3A_86] : memref<10240xf32, #tpu.memory_space<vmem>>[vector<16xi32>], vector<16xf32>,
      %get3A_99 = arith.index_cast %multiple_of3A : i32 to index
      %get3A_100 = tpu.vector_load %arg22[%get3A_99] {strides = array<i32>} : memref<2000xf32, #tpu.memory_space<vmem>>, vector<16xf32>,
      %add3A_101 = arith.addf %gather3A_98, %get3A_100 : vector<16xf32>
      %mul3A_102 = arith.constant 2.000000e-01 : f32
      %mul3A_103 = vector.broadcast %mul3A_102 : f32 to vector<16xf32>
      %mul3A_104 = arith.mulf %mul3A_103, %add3A_101 : vector<16xf32>
      %max3A_105 = arith.maximumf %add3A_101, %mul3A_104 : vector<16xf32>
      %jit3A_106 = arith.constant -2.000000e+00 : f32
      %jit3A_107 = arith.constant 2.000000e+00 : f32
      %max3A_108 = vector.broadcast %jit3A_106 : f32 to vector<16xf32>
      %max3A_109 = arith.maximumf %max3A_108, %max3A_105 : vector<16xf32>
      %min3A_110 = vector.broadcast %jit3A_107 : f32 to vector<16xf32>
      %min3A_111 = arith.minimumf %min3A_110, %max3A_109 : vector<16xf32>
      %exp3A_112 = math.exp %min3A_111 : vector<16xf32>
      %swap3A = arith.index_cast %multiple_of3A : i32 to index
      %swap3A_113 = tpu.vector_load %arg23[%swap3A] {strides = array<i32>} : memref<2000xf32, #tpu.memory_space<vmem>>, vector<16xf32>,
      tpu.vector_store %arg23[%swap3A], %exp3A {strides = array<i32>} : memref<2000xf32, #tpu.memory_space<vmem>>, vector<16xf32>,
      %swap3A_114 = arith.index_cast %multiple_of3A : i32 to index
      %swap3A_115 = tpu.vector_load %arg24[%swap3A_114] {strides = array<i32>} : memref<2000xf32, #tpu.memory_space<vmem>>, vector<16xf32>,
      tpu.vector_store %arg24[%swap3A_114], %exp3A_112 {strides = array<i32>} : memref<2000xf32, #tpu.memory_space<vmem>>, vector<16xf32>,
      %shift_right_logical3A = arith.constant 4 : i32
      %shift_right_logical3A_116 = vector.broadcast %shift_right_logical3A : i32 to vector<16xi32>
      %shift_right_logical3A_117 = arith.shrui %get3A_86, %shift_right_logical3A_116 : vector<16xi32>
      %and3A = arith.constant 15 : i32
      %and3A_118 = vector.broadcast %and3A : i32 to vector<16xi32>
      %and3A_119 = arith.andi %get3A_86, %and3A_118 : vector<16xi32>
      tpu.vector_store_idx %arg17[%shift_right_logical3A_117, %and3A_119], %exp3A {add = true} : memref<640x16xf32, #tpu.memory_space<vmem>>[vector<16xi32>, vector<16xi32>], vector<16xf32>,
      tpu.vector_store_idx %arg18[%shift_right_logical3A_117, %and3A_119], %exp3A_112 {add = true} : memref<640x16xf32, #tpu.memory_space<vmem>>[vector<16xi32>, vector<16xi32>], vector<16xf32>,
      tpu.vector_store_idx %arg19[%shift_right_logical3A_117, %and3A_119], %broadcast_in_dim3A_5 {add = true} : memref<640x16xi32, #tpu.memory_space<vmem>>[vector<16xi32>, vector<16xi32>], vector<16xi32>,
    }
    %scan3A_22 = arith.constant 125 : i32
    "tpu.region"() ({
      %run_scoped3A_83 = tpu.sem_alloc : memref<!tpu.dma_semaphore, #tpu.memory_space<semaphore_mem>>
      %dma_start3A = tpu.memref_slice %arg9[%add3A_16] : memref<320000xf32, #tpu.memory_space<hbm>> -> memref<2000xf32, #tpu.memory_space<hbm>>
      %dma_start3A_84 = tpu.memref_slice %arg9[%add3A_16] : memref<320000xf32, #tpu.memory_space<hbm>> -> memref<2000xf32, #tpu.memory_space<hbm>>
      tpu.enqueue_dma source(%arg23 : memref<2000xf32, #tpu.memory_space<vmem>>) target(%dma_start3A_84 : memref<2000xf32, #tpu.memory_space<hbm>>) target_semaphore(%run_scoped3A_83 : memref<!tpu.dma_semaphore, #tpu.memory_space<semaphore_mem>>)
      %dma_wait3A = tpu.memref_slice %arg9[%add3A_16] : memref<320000xf32, #tpu.memory_space<hbm>> -> memref<2000xf32, #tpu.memory_space<hbm>>
      %dma_wait3A_85 = tpu.memref_slice %arg9[%add3A_16] : memref<320000xf32, #tpu.memory_space<hbm>> -> memref<2000xf32, #tpu.memory_space<hbm>>
      tpu.wait_dma2 semaphore(%run_scoped3A_83 : memref<!tpu.dma_semaphore, #tpu.memory_space<semaphore_mem>>) src(%arg23 : memref<2000xf32, #tpu.memory_space<vmem>>) dst(%dma_wait3A_85 : memref<2000xf32, #tpu.memory_space<hbm>>)
      tpu.yield
    }) : () -> ()
    "tpu.region"() ({
      %run_scoped3A_83 = tpu.sem_alloc : memref<!tpu.dma_semaphore, #tpu.memory_space<semaphore_mem>>
      %dma_start3A = tpu.memref_slice %arg10[%add3A_16] : memref<320000xf32, #tpu.memory_space<hbm>> -> memref<2000xf32, #tpu.memory_space<hbm>>
      %dma_start3A_84 = tpu.memref_slice %arg10[%add3A_16] : memref<320000xf32, #tpu.memory_space<hbm>> -> memref<2000xf32, #tpu.memory_space<hbm>>
      tpu.enqueue_dma source(%arg24 : memref<2000xf32, #tpu.memory_space<vmem>>) target(%dma_start3A_84 : memref<2000xf32, #tpu.memory_space<hbm>>) target_semaphore(%run_scoped3A_83 : memref<!tpu.dma_semaphore, #tpu.memory_space<semaphore_mem>>)
      %dma_wait3A = tpu.memref_slice %arg10[%add3A_16] : memref<320000xf32, #tpu.memory_space<hbm>> -> memref<2000xf32, #tpu.memory_space<hbm>>
      %dma_wait3A_85 = tpu.memref_slice %arg10[%add3A_16] : memref<320000xf32, #tpu.memory_space<hbm>> -> memref<2000xf32, #tpu.memory_space<hbm>>
      tpu.wait_dma2 semaphore(%run_scoped3A_83 : memref<!tpu.dma_semaphore, #tpu.memory_space<semaphore_mem>>) src(%arg24 : memref<2000xf32, #tpu.memory_space<vmem>>) dst(%dma_wait3A_85 : memref<2000xf32, #tpu.memory_space<hbm>>)
      tpu.yield
    }) : () -> ()
    %mul3A_23 = arith.constant 10000 : i32
    %mul3A_24 = arith.muli %add3A, %mul3A_23 : i32
    %add3A_25 = arith.constant 2000 : i32
    %add3A_26 = arith.addi %mul3A_24, %add3A_25 : i32
    "tpu.region"() ({
      %run_scoped3A_83 = tpu.sem_alloc : memref<!tpu.dma_semaphore, #tpu.memory_space<semaphore_mem>>
      %dma_start3A = tpu.memref_slice %arg2[%add3A_26] : memref<320000xi32, #tpu.memory_space<hbm>> -> memref<2000xi32, #tpu.memory_space<hbm>>
      %dma_start3A_84 = tpu.memref_slice %arg2[%add3A_26] : memref<320000xi32, #tpu.memory_space<hbm>> -> memref<2000xi32, #tpu.memory_space<hbm>>
      tpu.enqueue_dma source(%dma_start3A_84 : memref<2000xi32, #tpu.memory_space<hbm>>) target(%arg20 : memref<2000xi32, #tpu.memory_space<vmem>>) target_semaphore(%run_scoped3A_83 : memref<!tpu.dma_semaphore, #tpu.memory_space<semaphore_mem>>)
      %dma_wait3A = tpu.memref_slice %arg2[%add3A_26] : memref<320000xi32, #tpu.memory_space<hbm>> -> memref<2000xi32, #tpu.memory_space<hbm>>
      %dma_wait3A_85 = tpu.memref_slice %arg2[%add3A_26] : memref<320000xi32, #tpu.memory_space<hbm>> -> memref<2000xi32, #tpu.memory_space<hbm>>
      tpu.wait_dma2 semaphore(%run_scoped3A_83 : memref<!tpu.dma_semaphore, #tpu.memory_space<semaphore_mem>>) src(%dma_wait3A_85 : memref<2000xi32, #tpu.memory_space<hbm>>) dst(%arg20 : memref<2000xi32, #tpu.memory_space<vmem>>)
      tpu.yield
    }) : () -> ()
    "tpu.region"() ({
      %run_scoped3A_83 = tpu.sem_alloc : memref<!tpu.dma_semaphore, #tpu.memory_space<semaphore_mem>>
      %dma_start3A = tpu.memref_slice %arg3[%add3A_26] : memref<320000xi32, #tpu.memory_space<hbm>> -> memref<2000xi32, #tpu.memory_space<hbm>>
      %dma_start3A_84 = tpu.memref_slice %arg3[%add3A_26] : memref<320000xi32, #tpu.memory_space<hbm>> -> memref<2000xi32, #tpu.memory_space<hbm>>
      tpu.enqueue_dma source(%dma_start3A_84 : memref<2000xi32, #tpu.memory_space<hbm>>) target(%arg21 : memref<2000xi32, #tpu.memory_space<vmem>>) target_semaphore(%run_scoped3A_83 : memref<!tpu.dma_semaphore, #tpu.memory_space<semaphore_mem>>)
      %dma_wait3A = tpu.memref_slice %arg3[%add3A_26] : memref<320000xi32, #tpu.memory_space<hbm>> -> memref<2000xi32, #tpu.memory_space<hbm>>
      %dma_wait3A_85 = tpu.memref_slice %arg3[%add3A_26] : memref<320000xi32, #tpu.memory_space<hbm>> -> memref<2000xi32, #tpu.memory_space<hbm>>
      tpu.wait_dma2 semaphore(%run_scoped3A_83 : memref<!tpu.dma_semaphore, #tpu.memory_space<semaphore_mem>>) src(%dma_wait3A_85 : memref<2000xi32, #tpu.memory_space<hbm>>) dst(%arg21 : memref<2000xi32, #tpu.memory_space<vmem>>)
      tpu.yield
    }) : () -> ()
    "tpu.region"() ({
      %run_scoped3A_83 = tpu.sem_alloc : memref<!tpu.dma_semaphore, #tpu.memory_space<semaphore_mem>>
      %dma_start3A = tpu.memref_slice %arg4[%add3A_26] : memref<320000xf32, #tpu.memory_space<hbm>> -> memref<2000xf32, #tpu.memory_space<hbm>>
      %dma_start3A_84 = tpu.memref_slice %arg4[%add3A_26] : memref<320000xf32, #tpu.memory_space<hbm>> -> memref<2000xf32, #tpu.memory_space<hbm>>
      tpu.enqueue_dma source(%dma_start3A_84 : memref<2000xf32, #tpu.memory_space<hbm>>) target(%arg22 : memref<2000xf32, #tpu.memory_space<vmem>>) target_semaphore(%run_scoped3A_83 : memref<!tpu.dma_semaphore, #tpu.memory_space<semaphore_mem>>)
      %dma_wait3A = tpu.memref_slice %arg4[%add3A_26] : memref<320000xf32, #tpu.memory_space<hbm>> -> memref<2000xf32, #tpu.memory_space<hbm>>
      %dma_wait3A_85 = tpu.memref_slice %arg4[%add3A_26] : memref<320000xf32, #tpu.memory_space<hbm>> -> memref<2000xf32, #tpu.memory_space<hbm>>
      tpu.wait_dma2 semaphore(%run_scoped3A_83 : memref<!tpu.dma_semaphore, #tpu.memory_space<semaphore_mem>>) src(%dma_wait3A_85 : memref<2000xf32, #tpu.memory_space<hbm>>) dst(%arg22 : memref<2000xf32, #tpu.memory_space<vmem>>)
      tpu.yield
    }) : () -> ()
    %scan3A_27 = arith.constant 0 : i32
    %scan3A_28 = arith.constant 0 : i32
    %scan3A_29 = arith.constant 125 : i32
    %scan3A_30 = arith.addi %scan3A_28, %scan3A_29 : i32
    %scan3A_31 = arith.constant 1 : i32
    scf.for %scan3A_83 = %scan3A_28 to %scan3A_30 step %scan3A_31  : i32 {
      %mul3A_84 = arith.constant 16 : i32
      %mul3A_85 = arith.muli %scan3A_83, %mul3A_84 : i32
      %multiple_of3A = tpu.assume_multiple %mul3A_85, 16 : i32
      %get3A = arith.index_cast %multiple_of3A : i32 to index
      %get3A_86 = tpu.vector_load %arg20[%get3A] {strides = array<i32>} : memref<2000xi32, #tpu.memory_space<vmem>>, vector<16xi32>,
      %get3A_87 = arith.index_cast %multiple_of3A : i32 to index
      %get3A_88 = tpu.vector_load %arg21[%get3A_87] {strides = array<i32>} : memref<2000xi32, #tpu.memory_space<vmem>>, vector<16xi32>,
      %gather3A = tpu.vector_load_idx %arg14[%get3A_86] : memref<10240xf32, #tpu.memory_space<vmem>>[vector<16xi32>], vector<16xf32>,
      %gather3A_89 = tpu.vector_load_idx %arg15[%get3A_88] : memref<10240xf32, #tpu.memory_space<vmem>>[vector<16xi32>], vector<16xf32>,
      %add3A_90 = arith.addf %gather3A, %gather3A_89 : vector<16xf32>
      %mul3A_91 = arith.constant 2.000000e-01 : f32
      %mul3A_92 = vector.broadcast %mul3A_91 : f32 to vector<16xf32>
      %mul3A_93 = arith.mulf %mul3A_92, %add3A_90 : vector<16xf32>
      %max3A = arith.maximumf %add3A_90, %mul3A_93 : vector<16xf32>
      %jit3A = arith.constant -2.000000e+00 : f32
      %jit3A_94 = arith.constant 2.000000e+00 : f32
      %max3A_95 = vector.broadcast %jit3A : f32 to vector<16xf32>
      %max3A_96 = arith.maximumf %max3A_95, %max3A : vector<16xf32>
      %min3A = vector.broadcast %jit3A_94 : f32 to vector<16xf32>
      %min3A_97 = arith.minimumf %min3A, %max3A_96 : vector<16xf32>
      %exp3A = math.exp %min3A_97 : vector<16xf32>
      %gather3A_98 = tpu.vector_load_idx %arg16[%get3A_86] : memref<10240xf32, #tpu.memory_space<vmem>>[vector<16xi32>], vector<16xf32>,
      %get3A_99 = arith.index_cast %multiple_of3A : i32 to index
      %get3A_100 = tpu.vector_load %arg22[%get3A_99] {strides = array<i32>} : memref<2000xf32, #tpu.memory_space<vmem>>, vector<16xf32>,
      %add3A_101 = arith.addf %gather3A_98, %get3A_100 : vector<16xf32>
      %mul3A_102 = arith.constant 2.000000e-01 : f32
      %mul3A_103 = vector.broadcast %mul3A_102 : f32 to vector<16xf32>
      %mul3A_104 = arith.mulf %mul3A_103, %add3A_101 : vector<16xf32>
      %max3A_105 = arith.maximumf %add3A_101, %mul3A_104 : vector<16xf32>
      %jit3A_106 = arith.constant -2.000000e+00 : f32
      %jit3A_107 = arith.constant 2.000000e+00 : f32
      %max3A_108 = vector.broadcast %jit3A_106 : f32 to vector<16xf32>
      %max3A_109 = arith.maximumf %max3A_108, %max3A_105 : vector<16xf32>
      %min3A_110 = vector.broadcast %jit3A_107 : f32 to vector<16xf32>
      %min3A_111 = arith.minimumf %min3A_110, %max3A_109 : vector<16xf32>
      %exp3A_112 = math.exp %min3A_111 : vector<16xf32>
      %swap3A = arith.index_cast %multiple_of3A : i32 to index
      %swap3A_113 = tpu.vector_load %arg23[%swap3A] {strides = array<i32>} : memref<2000xf32, #tpu.memory_space<vmem>>, vector<16xf32>,
      tpu.vector_store %arg23[%swap3A], %exp3A {strides = array<i32>} : memref<2000xf32, #tpu.memory_space<vmem>>, vector<16xf32>,
      %swap3A_114 = arith.index_cast %multiple_of3A : i32 to index
      %swap3A_115 = tpu.vector_load %arg24[%swap3A_114] {strides = array<i32>} : memref<2000xf32, #tpu.memory_space<vmem>>, vector<16xf32>,
      tpu.vector_store %arg24[%swap3A_114], %exp3A_112 {strides = array<i32>} : memref<2000xf32, #tpu.memory_space<vmem>>, vector<16xf32>,
      %shift_right_logical3A = arith.constant 4 : i32
      %shift_right_logical3A_116 = vector.broadcast %shift_right_logical3A : i32 to vector<16xi32>
      %shift_right_logical3A_117 = arith.shrui %get3A_86, %shift_right_logical3A_116 : vector<16xi32>
      %and3A = arith.constant 15 : i32
      %and3A_118 = vector.broadcast %and3A : i32 to vector<16xi32>
      %and3A_119 = arith.andi %get3A_86, %and3A_118 : vector<16xi32>
      tpu.vector_store_idx %arg17[%shift_right_logical3A_117, %and3A_119], %exp3A {add = true} : memref<640x16xf32, #tpu.memory_space<vmem>>[vector<16xi32>, vector<16xi32>], vector<16xf32>,
      tpu.vector_store_idx %arg18[%shift_right_logical3A_117, %and3A_119], %exp3A_112 {add = true} : memref<640x16xf32, #tpu.memory_space<vmem>>[vector<16xi32>, vector<16xi32>], vector<16xf32>,
      tpu.vector_store_idx %arg19[%shift_right_logical3A_117, %and3A_119], %broadcast_in_dim3A_5 {add = true} : memref<640x16xi32, #tpu.memory_space<vmem>>[vector<16xi32>, vector<16xi32>], vector<16xi32>,
    }
    %scan3A_32 = arith.constant 125 : i32
    "tpu.region"() ({
      %run_scoped3A_83 = tpu.sem_alloc : memref<!tpu.dma_semaphore, #tpu.memory_space<semaphore_mem>>
      %dma_start3A = tpu.memref_slice %arg9[%add3A_26] : memref<320000xf32, #tpu.memory_space<hbm>> -> memref<2000xf32, #tpu.memory_space<hbm>>
      %dma_start3A_84 = tpu.memref_slice %arg9[%add3A_26] : memref<320000xf32, #tpu.memory_space<hbm>> -> memref<2000xf32, #tpu.memory_space<hbm>>
      tpu.enqueue_dma source(%arg23 : memref<2000xf32, #tpu.memory_space<vmem>>) target(%dma_start3A_84 : memref<2000xf32, #tpu.memory_space<hbm>>) target_semaphore(%run_scoped3A_83 : memref<!tpu.dma_semaphore, #tpu.memory_space<semaphore_mem>>)
      %dma_wait3A = tpu.memref_slice %arg9[%add3A_26] : memref<320000xf32, #tpu.memory_space<hbm>> -> memref<2000xf32, #tpu.memory_space<hbm>>
      %dma_wait3A_85 = tpu.memref_slice %arg9[%add3A_26] : memref<320000xf32, #tpu.memory_space<hbm>> -> memref<2000xf32, #tpu.memory_space<hbm>>
      tpu.wait_dma2 semaphore(%run_scoped3A_83 : memref<!tpu.dma_semaphore, #tpu.memory_space<semaphore_mem>>) src(%arg23 : memref<2000xf32, #tpu.memory_space<vmem>>) dst(%dma_wait3A_85 : memref<2000xf32, #tpu.memory_space<hbm>>)
      tpu.yield
    }) : () -> ()
    "tpu.region"() ({
      %run_scoped3A_83 = tpu.sem_alloc : memref<!tpu.dma_semaphore, #tpu.memory_space<semaphore_mem>>
      %dma_start3A = tpu.memref_slice %arg10[%add3A_26] : memref<320000xf32, #tpu.memory_space<hbm>> -> memref<2000xf32, #tpu.memory_space<hbm>>
      %dma_start3A_84 = tpu.memref_slice %arg10[%add3A_26] : memref<320000xf32, #tpu.memory_space<hbm>> -> memref<2000xf32, #tpu.memory_space<hbm>>
      tpu.enqueue_dma source(%arg24 : memref<2000xf32, #tpu.memory_space<vmem>>) target(%dma_start3A_84 : memref<2000xf32, #tpu.memory_space<hbm>>) target_semaphore(%run_scoped3A_83 : memref<!tpu.dma_semaphore, #tpu.memory_space<semaphore_mem>>)
      %dma_wait3A = tpu.memref_slice %arg10[%add3A_26] : memref<320000xf32, #tpu.memory_space<hbm>> -> memref<2000xf32, #tpu.memory_space<hbm>>
      %dma_wait3A_85 = tpu.memref_slice %arg10[%add3A_26] : memref<320000xf32, #tpu.memory_space<hbm>> -> memref<2000xf32, #tpu.memory_space<hbm>>
      tpu.wait_dma2 semaphore(%run_scoped3A_83 : memref<!tpu.dma_semaphore, #tpu.memory_space<semaphore_mem>>) src(%arg24 : memref<2000xf32, #tpu.memory_space<vmem>>) dst(%dma_wait3A_85 : memref<2000xf32, #tpu.memory_space<hbm>>)
      tpu.yield
    }) : () -> ()
    %mul3A_33 = arith.constant 10000 : i32
    %mul3A_34 = arith.muli %add3A, %mul3A_33 : i32
    %add3A_35 = arith.constant 4000 : i32
    %add3A_36 = arith.addi %mul3A_34, %add3A_35 : i32
    "tpu.region"() ({
      %run_scoped3A_83 = tpu.sem_alloc : memref<!tpu.dma_semaphore, #tpu.memory_space<semaphore_mem>>
      %dma_start3A = tpu.memref_slice %arg2[%add3A_36] : memref<320000xi32, #tpu.memory_space<hbm>> -> memref<2000xi32, #tpu.memory_space<hbm>>
      %dma_start3A_84 = tpu.memref_slice %arg2[%add3A_36] : memref<320000xi32, #tpu.memory_space<hbm>> -> memref<2000xi32, #tpu.memory_space<hbm>>
      tpu.enqueue_dma source(%dma_start3A_84 : memref<2000xi32, #tpu.memory_space<hbm>>) target(%arg20 : memref<2000xi32, #tpu.memory_space<vmem>>) target_semaphore(%run_scoped3A_83 : memref<!tpu.dma_semaphore, #tpu.memory_space<semaphore_mem>>)
      %dma_wait3A = tpu.memref_slice %arg2[%add3A_36] : memref<320000xi32, #tpu.memory_space<hbm>> -> memref<2000xi32, #tpu.memory_space<hbm>>
      %dma_wait3A_85 = tpu.memref_slice %arg2[%add3A_36] : memref<320000xi32, #tpu.memory_space<hbm>> -> memref<2000xi32, #tpu.memory_space<hbm>>
      tpu.wait_dma2 semaphore(%run_scoped3A_83 : memref<!tpu.dma_semaphore, #tpu.memory_space<semaphore_mem>>) src(%dma_wait3A_85 : memref<2000xi32, #tpu.memory_space<hbm>>) dst(%arg20 : memref<2000xi32, #tpu.memory_space<vmem>>)
      tpu.yield
    }) : () -> ()
    "tpu.region"() ({
      %run_scoped3A_83 = tpu.sem_alloc : memref<!tpu.dma_semaphore, #tpu.memory_space<semaphore_mem>>
      %dma_start3A = tpu.memref_slice %arg3[%add3A_36] : memref<320000xi32, #tpu.memory_space<hbm>> -> memref<2000xi32, #tpu.memory_space<hbm>>
      %dma_start3A_84 = tpu.memref_slice %arg3[%add3A_36] : memref<320000xi32, #tpu.memory_space<hbm>> -> memref<2000xi32, #tpu.memory_space<hbm>>
      tpu.enqueue_dma source(%dma_start3A_84 : memref<2000xi32, #tpu.memory_space<hbm>>) target(%arg21 : memref<2000xi32, #tpu.memory_space<vmem>>) target_semaphore(%run_scoped3A_83 : memref<!tpu.dma_semaphore, #tpu.memory_space<semaphore_mem>>)
      %dma_wait3A = tpu.memref_slice %arg3[%add3A_36] : memref<320000xi32, #tpu.memory_space<hbm>> -> memref<2000xi32, #tpu.memory_space<hbm>>
      %dma_wait3A_85 = tpu.memref_slice %arg3[%add3A_36] : memref<320000xi32, #tpu.memory_space<hbm>> -> memref<2000xi32, #tpu.memory_space<hbm>>
      tpu.wait_dma2 semaphore(%run_scoped3A_83 : memref<!tpu.dma_semaphore, #tpu.memory_space<semaphore_mem>>) src(%dma_wait3A_85 : memref<2000xi32, #tpu.memory_space<hbm>>) dst(%arg21 : memref<2000xi32, #tpu.memory_space<vmem>>)
      tpu.yield
    }) : () -> ()
    "tpu.region"() ({
      %run_scoped3A_83 = tpu.sem_alloc : memref<!tpu.dma_semaphore, #tpu.memory_space<semaphore_mem>>
      %dma_start3A = tpu.memref_slice %arg4[%add3A_36] : memref<320000xf32, #tpu.memory_space<hbm>> -> memref<2000xf32, #tpu.memory_space<hbm>>
      %dma_start3A_84 = tpu.memref_slice %arg4[%add3A_36] : memref<320000xf32, #tpu.memory_space<hbm>> -> memref<2000xf32, #tpu.memory_space<hbm>>
      tpu.enqueue_dma source(%dma_start3A_84 : memref<2000xf32, #tpu.memory_space<hbm>>) target(%arg22 : memref<2000xf32, #tpu.memory_space<vmem>>) target_semaphore(%run_scoped3A_83 : memref<!tpu.dma_semaphore, #tpu.memory_space<semaphore_mem>>)
      %dma_wait3A = tpu.memref_slice %arg4[%add3A_36] : memref<320000xf32, #tpu.memory_space<hbm>> -> memref<2000xf32, #tpu.memory_space<hbm>>
      %dma_wait3A_85 = tpu.memref_slice %arg4[%add3A_36] : memref<320000xf32, #tpu.memory_space<hbm>> -> memref<2000xf32, #tpu.memory_space<hbm>>
      tpu.wait_dma2 semaphore(%run_scoped3A_83 : memref<!tpu.dma_semaphore, #tpu.memory_space<semaphore_mem>>) src(%dma_wait3A_85 : memref<2000xf32, #tpu.memory_space<hbm>>) dst(%arg22 : memref<2000xf32, #tpu.memory_space<vmem>>)
      tpu.yield
    }) : () -> ()
    %scan3A_37 = arith.constant 0 : i32
    %scan3A_38 = arith.constant 0 : i32
    %scan3A_39 = arith.constant 125 : i32
    %scan3A_40 = arith.addi %scan3A_38, %scan3A_39 : i32
    %scan3A_41 = arith.constant 1 : i32
    scf.for %scan3A_83 = %scan3A_38 to %scan3A_40 step %scan3A_41  : i32 {
      %mul3A_84 = arith.constant 16 : i32
      %mul3A_85 = arith.muli %scan3A_83, %mul3A_84 : i32
      %multiple_of3A = tpu.assume_multiple %mul3A_85, 16 : i32
      %get3A = arith.index_cast %multiple_of3A : i32 to index
      %get3A_86 = tpu.vector_load %arg20[%get3A] {strides = array<i32>} : memref<2000xi32, #tpu.memory_space<vmem>>, vector<16xi32>,
      %get3A_87 = arith.index_cast %multiple_of3A : i32 to index
      %get3A_88 = tpu.vector_load %arg21[%get3A_87] {strides = array<i32>} : memref<2000xi32, #tpu.memory_space<vmem>>, vector<16xi32>,
      %gather3A = tpu.vector_load_idx %arg14[%get3A_86] : memref<10240xf32, #tpu.memory_space<vmem>>[vector<16xi32>], vector<16xf32>,
      %gather3A_89 = tpu.vector_load_idx %arg15[%get3A_88] : memref<10240xf32, #tpu.memory_space<vmem>>[vector<16xi32>], vector<16xf32>,
      %add3A_90 = arith.addf %gather3A, %gather3A_89 : vector<16xf32>
      %mul3A_91 = arith.constant 2.000000e-01 : f32
      %mul3A_92 = vector.broadcast %mul3A_91 : f32 to vector<16xf32>
      %mul3A_93 = arith.mulf %mul3A_92, %add3A_90 : vector<16xf32>
      %max3A = arith.maximumf %add3A_90, %mul3A_93 : vector<16xf32>
      %jit3A = arith.constant -2.000000e+00 : f32
      %jit3A_94 = arith.constant 2.000000e+00 : f32
      %max3A_95 = vector.broadcast %jit3A : f32 to vector<16xf32>
      %max3A_96 = arith.maximumf %max3A_95, %max3A : vector<16xf32>
      %min3A = vector.broadcast %jit3A_94 : f32 to vector<16xf32>
      %min3A_97 = arith.minimumf %min3A, %max3A_96 : vector<16xf32>
      %exp3A = math.exp %min3A_97 : vector<16xf32>
      %gather3A_98 = tpu.vector_load_idx %arg16[%get3A_86] : memref<10240xf32, #tpu.memory_space<vmem>>[vector<16xi32>], vector<16xf32>,
      %get3A_99 = arith.index_cast %multiple_of3A : i32 to index
      %get3A_100 = tpu.vector_load %arg22[%get3A_99] {strides = array<i32>} : memref<2000xf32, #tpu.memory_space<vmem>>, vector<16xf32>,
      %add3A_101 = arith.addf %gather3A_98, %get3A_100 : vector<16xf32>
      %mul3A_102 = arith.constant 2.000000e-01 : f32
      %mul3A_103 = vector.broadcast %mul3A_102 : f32 to vector<16xf32>
      %mul3A_104 = arith.mulf %mul3A_103, %add3A_101 : vector<16xf32>
      %max3A_105 = arith.maximumf %add3A_101, %mul3A_104 : vector<16xf32>
      %jit3A_106 = arith.constant -2.000000e+00 : f32
      %jit3A_107 = arith.constant 2.000000e+00 : f32
      %max3A_108 = vector.broadcast %jit3A_106 : f32 to vector<16xf32>
      %max3A_109 = arith.maximumf %max3A_108, %max3A_105 : vector<16xf32>
      %min3A_110 = vector.broadcast %jit3A_107 : f32 to vector<16xf32>
      %min3A_111 = arith.minimumf %min3A_110, %max3A_109 : vector<16xf32>
      %exp3A_112 = math.exp %min3A_111 : vector<16xf32>
      %swap3A = arith.index_cast %multiple_of3A : i32 to index
      %swap3A_113 = tpu.vector_load %arg23[%swap3A] {strides = array<i32>} : memref<2000xf32, #tpu.memory_space<vmem>>, vector<16xf32>,
      tpu.vector_store %arg23[%swap3A], %exp3A {strides = array<i32>} : memref<2000xf32, #tpu.memory_space<vmem>>, vector<16xf32>,
      %swap3A_114 = arith.index_cast %multiple_of3A : i32 to index
      %swap3A_115 = tpu.vector_load %arg24[%swap3A_114] {strides = array<i32>} : memref<2000xf32, #tpu.memory_space<vmem>>, vector<16xf32>,
      tpu.vector_store %arg24[%swap3A_114], %exp3A_112 {strides = array<i32>} : memref<2000xf32, #tpu.memory_space<vmem>>, vector<16xf32>,
      %shift_right_logical3A = arith.constant 4 : i32
      %shift_right_logical3A_116 = vector.broadcast %shift_right_logical3A : i32 to vector<16xi32>
      %shift_right_logical3A_117 = arith.shrui %get3A_86, %shift_right_logical3A_116 : vector<16xi32>
      %and3A = arith.constant 15 : i32
      %and3A_118 = vector.broadcast %and3A : i32 to vector<16xi32>
      %and3A_119 = arith.andi %get3A_86, %and3A_118 : vector<16xi32>
      tpu.vector_store_idx %arg17[%shift_right_logical3A_117, %and3A_119], %exp3A {add = true} : memref<640x16xf32, #tpu.memory_space<vmem>>[vector<16xi32>, vector<16xi32>], vector<16xf32>,
      tpu.vector_store_idx %arg18[%shift_right_logical3A_117, %and3A_119], %exp3A_112 {add = true} : memref<640x16xf32, #tpu.memory_space<vmem>>[vector<16xi32>, vector<16xi32>], vector<16xf32>,
      tpu.vector_store_idx %arg19[%shift_right_logical3A_117, %and3A_119], %broadcast_in_dim3A_5 {add = true} : memref<640x16xi32, #tpu.memory_space<vmem>>[vector<16xi32>, vector<16xi32>], vector<16xi32>,
    }
    %scan3A_42 = arith.constant 125 : i32
    "tpu.region"() ({
      %run_scoped3A_83 = tpu.sem_alloc : memref<!tpu.dma_semaphore, #tpu.memory_space<semaphore_mem>>
      %dma_start3A = tpu.memref_slice %arg9[%add3A_36] : memref<320000xf32, #tpu.memory_space<hbm>> -> memref<2000xf32, #tpu.memory_space<hbm>>
      %dma_start3A_84 = tpu.memref_slice %arg9[%add3A_36] : memref<320000xf32, #tpu.memory_space<hbm>> -> memref<2000xf32, #tpu.memory_space<hbm>>
      tpu.enqueue_dma source(%arg23 : memref<2000xf32, #tpu.memory_space<vmem>>) target(%dma_start3A_84 : memref<2000xf32, #tpu.memory_space<hbm>>) target_semaphore(%run_scoped3A_83 : memref<!tpu.dma_semaphore, #tpu.memory_space<semaphore_mem>>)
      %dma_wait3A = tpu.memref_slice %arg9[%add3A_36] : memref<320000xf32, #tpu.memory_space<hbm>> -> memref<2000xf32, #tpu.memory_space<hbm>>
      %dma_wait3A_85 = tpu.memref_slice %arg9[%add3A_36] : memref<320000xf32, #tpu.memory_space<hbm>> -> memref<2000xf32, #tpu.memory_space<hbm>>
      tpu.wait_dma2 semaphore(%run_scoped3A_83 : memref<!tpu.dma_semaphore, #tpu.memory_space<semaphore_mem>>) src(%arg23 : memref<2000xf32, #tpu.memory_space<vmem>>) dst(%dma_wait3A_85 : memref<2000xf32, #tpu.memory_space<hbm>>)
      tpu.yield
    }) : () -> ()
    "tpu.region"() ({
      %run_scoped3A_83 = tpu.sem_alloc : memref<!tpu.dma_semaphore, #tpu.memory_space<semaphore_mem>>
      %dma_start3A = tpu.memref_slice %arg10[%add3A_36] : memref<320000xf32, #tpu.memory_space<hbm>> -> memref<2000xf32, #tpu.memory_space<hbm>>
      %dma_start3A_84 = tpu.memref_slice %arg10[%add3A_36] : memref<320000xf32, #tpu.memory_space<hbm>> -> memref<2000xf32, #tpu.memory_space<hbm>>
      tpu.enqueue_dma source(%arg24 : memref<2000xf32, #tpu.memory_space<vmem>>) target(%dma_start3A_84 : memref<2000xf32, #tpu.memory_space<hbm>>) target_semaphore(%run_scoped3A_83 : memref<!tpu.dma_semaphore, #tpu.memory_space<semaphore_mem>>)
      %dma_wait3A = tpu.memref_slice %arg10[%add3A_36] : memref<320000xf32, #tpu.memory_space<hbm>> -> memref<2000xf32, #tpu.memory_space<hbm>>
      %dma_wait3A_85 = tpu.memref_slice %arg10[%add3A_36] : memref<320000xf32, #tpu.memory_space<hbm>> -> memref<2000xf32, #tpu.memory_space<hbm>>
      tpu.wait_dma2 semaphore(%run_scoped3A_83 : memref<!tpu.dma_semaphore, #tpu.memory_space<semaphore_mem>>) src(%arg24 : memref<2000xf32, #tpu.memory_space<vmem>>) dst(%dma_wait3A_85 : memref<2000xf32, #tpu.memory_space<hbm>>)
      tpu.yield
    }) : () -> ()
    %mul3A_43 = arith.constant 10000 : i32
    %mul3A_44 = arith.muli %add3A, %mul3A_43 : i32
    %add3A_45 = arith.constant 6000 : i32
    %add3A_46 = arith.addi %mul3A_44, %add3A_45 : i32
    "tpu.region"() ({
      %run_scoped3A_83 = tpu.sem_alloc : memref<!tpu.dma_semaphore, #tpu.memory_space<semaphore_mem>>
      %dma_start3A = tpu.memref_slice %arg2[%add3A_46] : memref<320000xi32, #tpu.memory_space<hbm>> -> memref<2000xi32, #tpu.memory_space<hbm>>
      %dma_start3A_84 = tpu.memref_slice %arg2[%add3A_46] : memref<320000xi32, #tpu.memory_space<hbm>> -> memref<2000xi32, #tpu.memory_space<hbm>>
      tpu.enqueue_dma source(%dma_start3A_84 : memref<2000xi32, #tpu.memory_space<hbm>>) target(%arg20 : memref<2000xi32, #tpu.memory_space<vmem>>) target_semaphore(%run_scoped3A_83 : memref<!tpu.dma_semaphore, #tpu.memory_space<semaphore_mem>>)
      %dma_wait3A = tpu.memref_slice %arg2[%add3A_46] : memref<320000xi32, #tpu.memory_space<hbm>> -> memref<2000xi32, #tpu.memory_space<hbm>>
      %dma_wait3A_85 = tpu.memref_slice %arg2[%add3A_46] : memref<320000xi32, #tpu.memory_space<hbm>> -> memref<2000xi32, #tpu.memory_space<hbm>>
      tpu.wait_dma2 semaphore(%run_scoped3A_83 : memref<!tpu.dma_semaphore, #tpu.memory_space<semaphore_mem>>) src(%dma_wait3A_85 : memref<2000xi32, #tpu.memory_space<hbm>>) dst(%arg20 : memref<2000xi32, #tpu.memory_space<vmem>>)
      tpu.yield
    }) : () -> ()
    "tpu.region"() ({
      %run_scoped3A_83 = tpu.sem_alloc : memref<!tpu.dma_semaphore, #tpu.memory_space<semaphore_mem>>
      %dma_start3A = tpu.memref_slice %arg3[%add3A_46] : memref<320000xi32, #tpu.memory_space<hbm>> -> memref<2000xi32, #tpu.memory_space<hbm>>
      %dma_start3A_84 = tpu.memref_slice %arg3[%add3A_46] : memref<320000xi32, #tpu.memory_space<hbm>> -> memref<2000xi32, #tpu.memory_space<hbm>>
      tpu.enqueue_dma source(%dma_start3A_84 : memref<2000xi32, #tpu.memory_space<hbm>>) target(%arg21 : memref<2000xi32, #tpu.memory_space<vmem>>) target_semaphore(%run_scoped3A_83 : memref<!tpu.dma_semaphore, #tpu.memory_space<semaphore_mem>>)
      %dma_wait3A = tpu.memref_slice %arg3[%add3A_46] : memref<320000xi32, #tpu.memory_space<hbm>> -> memref<2000xi32, #tpu.memory_space<hbm>>
      %dma_wait3A_85 = tpu.memref_slice %arg3[%add3A_46] : memref<320000xi32, #tpu.memory_space<hbm>> -> memref<2000xi32, #tpu.memory_space<hbm>>
      tpu.wait_dma2 semaphore(%run_scoped3A_83 : memref<!tpu.dma_semaphore, #tpu.memory_space<semaphore_mem>>) src(%dma_wait3A_85 : memref<2000xi32, #tpu.memory_space<hbm>>) dst(%arg21 : memref<2000xi32, #tpu.memory_space<vmem>>)
      tpu.yield
    }) : () -> ()
    "tpu.region"() ({
      %run_scoped3A_83 = tpu.sem_alloc : memref<!tpu.dma_semaphore, #tpu.memory_space<semaphore_mem>>
      %dma_start3A = tpu.memref_slice %arg4[%add3A_46] : memref<320000xf32, #tpu.memory_space<hbm>> -> memref<2000xf32, #tpu.memory_space<hbm>>
      %dma_start3A_84 = tpu.memref_slice %arg4[%add3A_46] : memref<320000xf32, #tpu.memory_space<hbm>> -> memref<2000xf32, #tpu.memory_space<hbm>>
      tpu.enqueue_dma source(%dma_start3A_84 : memref<2000xf32, #tpu.memory_space<hbm>>) target(%arg22 : memref<2000xf32, #tpu.memory_space<vmem>>) target_semaphore(%run_scoped3A_83 : memref<!tpu.dma_semaphore, #tpu.memory_space<semaphore_mem>>)
      %dma_wait3A = tpu.memref_slice %arg4[%add3A_46] : memref<320000xf32, #tpu.memory_space<hbm>> -> memref<2000xf32, #tpu.memory_space<hbm>>
      %dma_wait3A_85 = tpu.memref_slice %arg4[%add3A_46] : memref<320000xf32, #tpu.memory_space<hbm>> -> memref<2000xf32, #tpu.memory_space<hbm>>
      tpu.wait_dma2 semaphore(%run_scoped3A_83 : memref<!tpu.dma_semaphore, #tpu.memory_space<semaphore_mem>>) src(%dma_wait3A_85 : memref<2000xf32, #tpu.memory_space<hbm>>) dst(%arg22 : memref<2000xf32, #tpu.memory_space<vmem>>)
      tpu.yield
    }) : () -> ()
    %scan3A_47 = arith.constant 0 : i32
    %scan3A_48 = arith.constant 0 : i32
    %scan3A_49 = arith.constant 125 : i32
    %scan3A_50 = arith.addi %scan3A_48, %scan3A_49 : i32
    %scan3A_51 = arith.constant 1 : i32
    scf.for %scan3A_83 = %scan3A_48 to %scan3A_50 step %scan3A_51  : i32 {
      %mul3A_84 = arith.constant 16 : i32
      %mul3A_85 = arith.muli %scan3A_83, %mul3A_84 : i32
      %multiple_of3A = tpu.assume_multiple %mul3A_85, 16 : i32
      %get3A = arith.index_cast %multiple_of3A : i32 to index
      %get3A_86 = tpu.vector_load %arg20[%get3A] {strides = array<i32>} : memref<2000xi32, #tpu.memory_space<vmem>>, vector<16xi32>,
      %get3A_87 = arith.index_cast %multiple_of3A : i32 to index
      %get3A_88 = tpu.vector_load %arg21[%get3A_87] {strides = array<i32>} : memref<2000xi32, #tpu.memory_space<vmem>>, vector<16xi32>,
      %gather3A = tpu.vector_load_idx %arg14[%get3A_86] : memref<10240xf32, #tpu.memory_space<vmem>>[vector<16xi32>], vector<16xf32>,
      %gather3A_89 = tpu.vector_load_idx %arg15[%get3A_88] : memref<10240xf32, #tpu.memory_space<vmem>>[vector<16xi32>], vector<16xf32>,
      %add3A_90 = arith.addf %gather3A, %gather3A_89 : vector<16xf32>
      %mul3A_91 = arith.constant 2.000000e-01 : f32
      %mul3A_92 = vector.broadcast %mul3A_91 : f32 to vector<16xf32>
      %mul3A_93 = arith.mulf %mul3A_92, %add3A_90 : vector<16xf32>
      %max3A = arith.maximumf %add3A_90, %mul3A_93 : vector<16xf32>
      %jit3A = arith.constant -2.000000e+00 : f32
      %jit3A_94 = arith.constant 2.000000e+00 : f32
      %max3A_95 = vector.broadcast %jit3A : f32 to vector<16xf32>
      %max3A_96 = arith.maximumf %max3A_95, %max3A : vector<16xf32>
      %min3A = vector.broadcast %jit3A_94 : f32 to vector<16xf32>
      %min3A_97 = arith.minimumf %min3A, %max3A_96 : vector<16xf32>
      %exp3A = math.exp %min3A_97 : vector<16xf32>
      %gather3A_98 = tpu.vector_load_idx %arg16[%get3A_86] : memref<10240xf32, #tpu.memory_space<vmem>>[vector<16xi32>], vector<16xf32>,
      %get3A_99 = arith.index_cast %multiple_of3A : i32 to index
      %get3A_100 = tpu.vector_load %arg22[%get3A_99] {strides = array<i32>} : memref<2000xf32, #tpu.memory_space<vmem>>, vector<16xf32>,
      %add3A_101 = arith.addf %gather3A_98, %get3A_100 : vector<16xf32>
      %mul3A_102 = arith.constant 2.000000e-01 : f32
      %mul3A_103 = vector.broadcast %mul3A_102 : f32 to vector<16xf32>
      %mul3A_104 = arith.mulf %mul3A_103, %add3A_101 : vector<16xf32>
      %max3A_105 = arith.maximumf %add3A_101, %mul3A_104 : vector<16xf32>
      %jit3A_106 = arith.constant -2.000000e+00 : f32
      %jit3A_107 = arith.constant 2.000000e+00 : f32
      %max3A_108 = vector.broadcast %jit3A_106 : f32 to vector<16xf32>
      %max3A_109 = arith.maximumf %max3A_108, %max3A_105 : vector<16xf32>
      %min3A_110 = vector.broadcast %jit3A_107 : f32 to vector<16xf32>
      %min3A_111 = arith.minimumf %min3A_110, %max3A_109 : vector<16xf32>
      %exp3A_112 = math.exp %min3A_111 : vector<16xf32>
      %swap3A = arith.index_cast %multiple_of3A : i32 to index
      %swap3A_113 = tpu.vector_load %arg23[%swap3A] {strides = array<i32>} : memref<2000xf32, #tpu.memory_space<vmem>>, vector<16xf32>,
      tpu.vector_store %arg23[%swap3A], %exp3A {strides = array<i32>} : memref<2000xf32, #tpu.memory_space<vmem>>, vector<16xf32>,
      %swap3A_114 = arith.index_cast %multiple_of3A : i32 to index
      %swap3A_115 = tpu.vector_load %arg24[%swap3A_114] {strides = array<i32>} : memref<2000xf32, #tpu.memory_space<vmem>>, vector<16xf32>,
      tpu.vector_store %arg24[%swap3A_114], %exp3A_112 {strides = array<i32>} : memref<2000xf32, #tpu.memory_space<vmem>>, vector<16xf32>,
      %shift_right_logical3A = arith.constant 4 : i32
      %shift_right_logical3A_116 = vector.broadcast %shift_right_logical3A : i32 to vector<16xi32>
      %shift_right_logical3A_117 = arith.shrui %get3A_86, %shift_right_logical3A_116 : vector<16xi32>
      %and3A = arith.constant 15 : i32
      %and3A_118 = vector.broadcast %and3A : i32 to vector<16xi32>
      %and3A_119 = arith.andi %get3A_86, %and3A_118 : vector<16xi32>
      tpu.vector_store_idx %arg17[%shift_right_logical3A_117, %and3A_119], %exp3A {add = true} : memref<640x16xf32, #tpu.memory_space<vmem>>[vector<16xi32>, vector<16xi32>], vector<16xf32>,
      tpu.vector_store_idx %arg18[%shift_right_logical3A_117, %and3A_119], %exp3A_112 {add = true} : memref<640x16xf32, #tpu.memory_space<vmem>>[vector<16xi32>, vector<16xi32>], vector<16xf32>,
      tpu.vector_store_idx %arg19[%shift_right_logical3A_117, %and3A_119], %broadcast_in_dim3A_5 {add = true} : memref<640x16xi32, #tpu.memory_space<vmem>>[vector<16xi32>, vector<16xi32>], vector<16xi32>,
    }
    %scan3A_52 = arith.constant 125 : i32
    "tpu.region"() ({
      %run_scoped3A_83 = tpu.sem_alloc : memref<!tpu.dma_semaphore, #tpu.memory_space<semaphore_mem>>
      %dma_start3A = tpu.memref_slice %arg9[%add3A_46] : memref<320000xf32, #tpu.memory_space<hbm>> -> memref<2000xf32, #tpu.memory_space<hbm>>
      %dma_start3A_84 = tpu.memref_slice %arg9[%add3A_46] : memref<320000xf32, #tpu.memory_space<hbm>> -> memref<2000xf32, #tpu.memory_space<hbm>>
      tpu.enqueue_dma source(%arg23 : memref<2000xf32, #tpu.memory_space<vmem>>) target(%dma_start3A_84 : memref<2000xf32, #tpu.memory_space<hbm>>) target_semaphore(%run_scoped3A_83 : memref<!tpu.dma_semaphore, #tpu.memory_space<semaphore_mem>>)
      %dma_wait3A = tpu.memref_slice %arg9[%add3A_46] : memref<320000xf32, #tpu.memory_space<hbm>> -> memref<2000xf32, #tpu.memory_space<hbm>>
      %dma_wait3A_85 = tpu.memref_slice %arg9[%add3A_46] : memref<320000xf32, #tpu.memory_space<hbm>> -> memref<2000xf32, #tpu.memory_space<hbm>>
      tpu.wait_dma2 semaphore(%run_scoped3A_83 : memref<!tpu.dma_semaphore, #tpu.memory_space<semaphore_mem>>) src(%arg23 : memref<2000xf32, #tpu.memory_space<vmem>>) dst(%dma_wait3A_85 : memref<2000xf32, #tpu.memory_space<hbm>>)
      tpu.yield
    }) : () -> ()
    "tpu.region"() ({
      %run_scoped3A_83 = tpu.sem_alloc : memref<!tpu.dma_semaphore, #tpu.memory_space<semaphore_mem>>
      %dma_start3A = tpu.memref_slice %arg10[%add3A_46] : memref<320000xf32, #tpu.memory_space<hbm>> -> memref<2000xf32, #tpu.memory_space<hbm>>
      %dma_start3A_84 = tpu.memref_slice %arg10[%add3A_46] : memref<320000xf32, #tpu.memory_space<hbm>> -> memref<2000xf32, #tpu.memory_space<hbm>>
      tpu.enqueue_dma source(%arg24 : memref<2000xf32, #tpu.memory_space<vmem>>) target(%dma_start3A_84 : memref<2000xf32, #tpu.memory_space<hbm>>) target_semaphore(%run_scoped3A_83 : memref<!tpu.dma_semaphore, #tpu.memory_space<semaphore_mem>>)
      %dma_wait3A = tpu.memref_slice %arg10[%add3A_46] : memref<320000xf32, #tpu.memory_space<hbm>> -> memref<2000xf32, #tpu.memory_space<hbm>>
      %dma_wait3A_85 = tpu.memref_slice %arg10[%add3A_46] : memref<320000xf32, #tpu.memory_space<hbm>> -> memref<2000xf32, #tpu.memory_space<hbm>>
      tpu.wait_dma2 semaphore(%run_scoped3A_83 : memref<!tpu.dma_semaphore, #tpu.memory_space<semaphore_mem>>) src(%arg24 : memref<2000xf32, #tpu.memory_space<vmem>>) dst(%dma_wait3A_85 : memref<2000xf32, #tpu.memory_space<hbm>>)
      tpu.yield
    }) : () -> ()
    %mul3A_53 = arith.constant 10000 : i32
    %mul3A_54 = arith.muli %add3A, %mul3A_53 : i32
    %add3A_55 = arith.constant 8000 : i32
    %add3A_56 = arith.addi %mul3A_54, %add3A_55 : i32
    "tpu.region"() ({
      %run_scoped3A_83 = tpu.sem_alloc : memref<!tpu.dma_semaphore, #tpu.memory_space<semaphore_mem>>
      %dma_start3A = tpu.memref_slice %arg2[%add3A_56] : memref<320000xi32, #tpu.memory_space<hbm>> -> memref<2000xi32, #tpu.memory_space<hbm>>
      %dma_start3A_84 = tpu.memref_slice %arg2[%add3A_56] : memref<320000xi32, #tpu.memory_space<hbm>> -> memref<2000xi32, #tpu.memory_space<hbm>>
      tpu.enqueue_dma source(%dma_start3A_84 : memref<2000xi32, #tpu.memory_space<hbm>>) target(%arg20 : memref<2000xi32, #tpu.memory_space<vmem>>) target_semaphore(%run_scoped3A_83 : memref<!tpu.dma_semaphore, #tpu.memory_space<semaphore_mem>>)
      %dma_wait3A = tpu.memref_slice %arg2[%add3A_56] : memref<320000xi32, #tpu.memory_space<hbm>> -> memref<2000xi32, #tpu.memory_space<hbm>>
      %dma_wait3A_85 = tpu.memref_slice %arg2[%add3A_56] : memref<320000xi32, #tpu.memory_space<hbm>> -> memref<2000xi32, #tpu.memory_space<hbm>>
      tpu.wait_dma2 semaphore(%run_scoped3A_83 : memref<!tpu.dma_semaphore, #tpu.memory_space<semaphore_mem>>) src(%dma_wait3A_85 : memref<2000xi32, #tpu.memory_space<hbm>>) dst(%arg20 : memref<2000xi32, #tpu.memory_space<vmem>>)
      tpu.yield
    }) : () -> ()
    "tpu.region"() ({
      %run_scoped3A_83 = tpu.sem_alloc : memref<!tpu.dma_semaphore, #tpu.memory_space<semaphore_mem>>
      %dma_start3A = tpu.memref_slice %arg3[%add3A_56] : memref<320000xi32, #tpu.memory_space<hbm>> -> memref<2000xi32, #tpu.memory_space<hbm>>
      %dma_start3A_84 = tpu.memref_slice %arg3[%add3A_56] : memref<320000xi32, #tpu.memory_space<hbm>> -> memref<2000xi32, #tpu.memory_space<hbm>>
      tpu.enqueue_dma source(%dma_start3A_84 : memref<2000xi32, #tpu.memory_space<hbm>>) target(%arg21 : memref<2000xi32, #tpu.memory_space<vmem>>) target_semaphore(%run_scoped3A_83 : memref<!tpu.dma_semaphore, #tpu.memory_space<semaphore_mem>>)
      %dma_wait3A = tpu.memref_slice %arg3[%add3A_56] : memref<320000xi32, #tpu.memory_space<hbm>> -> memref<2000xi32, #tpu.memory_space<hbm>>
      %dma_wait3A_85 = tpu.memref_slice %arg3[%add3A_56] : memref<320000xi32, #tpu.memory_space<hbm>> -> memref<2000xi32, #tpu.memory_space<hbm>>
      tpu.wait_dma2 semaphore(%run_scoped3A_83 : memref<!tpu.dma_semaphore, #tpu.memory_space<semaphore_mem>>) src(%dma_wait3A_85 : memref<2000xi32, #tpu.memory_space<hbm>>) dst(%arg21 : memref<2000xi32, #tpu.memory_space<vmem>>)
      tpu.yield
    }) : () -> ()
    "tpu.region"() ({
      %run_scoped3A_83 = tpu.sem_alloc : memref<!tpu.dma_semaphore, #tpu.memory_space<semaphore_mem>>
      %dma_start3A = tpu.memref_slice %arg4[%add3A_56] : memref<320000xf32, #tpu.memory_space<hbm>> -> memref<2000xf32, #tpu.memory_space<hbm>>
      %dma_start3A_84 = tpu.memref_slice %arg4[%add3A_56] : memref<320000xf32, #tpu.memory_space<hbm>> -> memref<2000xf32, #tpu.memory_space<hbm>>
      tpu.enqueue_dma source(%dma_start3A_84 : memref<2000xf32, #tpu.memory_space<hbm>>) target(%arg22 : memref<2000xf32, #tpu.memory_space<vmem>>) target_semaphore(%run_scoped3A_83 : memref<!tpu.dma_semaphore, #tpu.memory_space<semaphore_mem>>)
      %dma_wait3A = tpu.memref_slice %arg4[%add3A_56] : memref<320000xf32, #tpu.memory_space<hbm>> -> memref<2000xf32, #tpu.memory_space<hbm>>
      %dma_wait3A_85 = tpu.memref_slice %arg4[%add3A_56] : memref<320000xf32, #tpu.memory_space<hbm>> -> memref<2000xf32, #tpu.memory_space<hbm>>
      tpu.wait_dma2 semaphore(%run_scoped3A_83 : memref<!tpu.dma_semaphore, #tpu.memory_space<semaphore_mem>>) src(%dma_wait3A_85 : memref<2000xf32, #tpu.memory_space<hbm>>) dst(%arg22 : memref<2000xf32, #tpu.memory_space<vmem>>)
      tpu.yield
    }) : () -> ()
    %scan3A_57 = arith.constant 0 : i32
    %scan3A_58 = arith.constant 0 : i32
    %scan3A_59 = arith.constant 125 : i32
    %scan3A_60 = arith.addi %scan3A_58, %scan3A_59 : i32
    %scan3A_61 = arith.constant 1 : i32
    scf.for %scan3A_83 = %scan3A_58 to %scan3A_60 step %scan3A_61  : i32 {
      %mul3A_84 = arith.constant 16 : i32
      %mul3A_85 = arith.muli %scan3A_83, %mul3A_84 : i32
      %multiple_of3A = tpu.assume_multiple %mul3A_85, 16 : i32
      %get3A = arith.index_cast %multiple_of3A : i32 to index
      %get3A_86 = tpu.vector_load %arg20[%get3A] {strides = array<i32>} : memref<2000xi32, #tpu.memory_space<vmem>>, vector<16xi32>,
      %get3A_87 = arith.index_cast %multiple_of3A : i32 to index
      %get3A_88 = tpu.vector_load %arg21[%get3A_87] {strides = array<i32>} : memref<2000xi32, #tpu.memory_space<vmem>>, vector<16xi32>,
      %gather3A = tpu.vector_load_idx %arg14[%get3A_86] : memref<10240xf32, #tpu.memory_space<vmem>>[vector<16xi32>], vector<16xf32>,
      %gather3A_89 = tpu.vector_load_idx %arg15[%get3A_88] : memref<10240xf32, #tpu.memory_space<vmem>>[vector<16xi32>], vector<16xf32>,
      %add3A_90 = arith.addf %gather3A, %gather3A_89 : vector<16xf32>
      %mul3A_91 = arith.constant 2.000000e-01 : f32
      %mul3A_92 = vector.broadcast %mul3A_91 : f32 to vector<16xf32>
      %mul3A_93 = arith.mulf %mul3A_92, %add3A_90 : vector<16xf32>
      %max3A = arith.maximumf %add3A_90, %mul3A_93 : vector<16xf32>
      %jit3A = arith.constant -2.000000e+00 : f32
      %jit3A_94 = arith.constant 2.000000e+00 : f32
      %max3A_95 = vector.broadcast %jit3A : f32 to vector<16xf32>
      %max3A_96 = arith.maximumf %max3A_95, %max3A : vector<16xf32>
      %min3A = vector.broadcast %jit3A_94 : f32 to vector<16xf32>
      %min3A_97 = arith.minimumf %min3A, %max3A_96 : vector<16xf32>
      %exp3A = math.exp %min3A_97 : vector<16xf32>
      %gather3A_98 = tpu.vector_load_idx %arg16[%get3A_86] : memref<10240xf32, #tpu.memory_space<vmem>>[vector<16xi32>], vector<16xf32>,
      %get3A_99 = arith.index_cast %multiple_of3A : i32 to index
      %get3A_100 = tpu.vector_load %arg22[%get3A_99] {strides = array<i32>} : memref<2000xf32, #tpu.memory_space<vmem>>, vector<16xf32>,
      %add3A_101 = arith.addf %gather3A_98, %get3A_100 : vector<16xf32>
      %mul3A_102 = arith.constant 2.000000e-01 : f32
      %mul3A_103 = vector.broadcast %mul3A_102 : f32 to vector<16xf32>
      %mul3A_104 = arith.mulf %mul3A_103, %add3A_101 : vector<16xf32>
      %max3A_105 = arith.maximumf %add3A_101, %mul3A_104 : vector<16xf32>
      %jit3A_106 = arith.constant -2.000000e+00 : f32
      %jit3A_107 = arith.constant 2.000000e+00 : f32
      %max3A_108 = vector.broadcast %jit3A_106 : f32 to vector<16xf32>
      %max3A_109 = arith.maximumf %max3A_108, %max3A_105 : vector<16xf32>
      %min3A_110 = vector.broadcast %jit3A_107 : f32 to vector<16xf32>
      %min3A_111 = arith.minimumf %min3A_110, %max3A_109 : vector<16xf32>
      %exp3A_112 = math.exp %min3A_111 : vector<16xf32>
      %swap3A = arith.index_cast %multiple_of3A : i32 to index
      %swap3A_113 = tpu.vector_load %arg23[%swap3A] {strides = array<i32>} : memref<2000xf32, #tpu.memory_space<vmem>>, vector<16xf32>,
      tpu.vector_store %arg23[%swap3A], %exp3A {strides = array<i32>} : memref<2000xf32, #tpu.memory_space<vmem>>, vector<16xf32>,
      %swap3A_114 = arith.index_cast %multiple_of3A : i32 to index
      %swap3A_115 = tpu.vector_load %arg24[%swap3A_114] {strides = array<i32>} : memref<2000xf32, #tpu.memory_space<vmem>>, vector<16xf32>,
      tpu.vector_store %arg24[%swap3A_114], %exp3A_112 {strides = array<i32>} : memref<2000xf32, #tpu.memory_space<vmem>>, vector<16xf32>,
      %shift_right_logical3A = arith.constant 4 : i32
      %shift_right_logical3A_116 = vector.broadcast %shift_right_logical3A : i32 to vector<16xi32>
      %shift_right_logical3A_117 = arith.shrui %get3A_86, %shift_right_logical3A_116 : vector<16xi32>
      %and3A = arith.constant 15 : i32
      %and3A_118 = vector.broadcast %and3A : i32 to vector<16xi32>
      %and3A_119 = arith.andi %get3A_86, %and3A_118 : vector<16xi32>
      tpu.vector_store_idx %arg17[%shift_right_logical3A_117, %and3A_119], %exp3A {add = true} : memref<640x16xf32, #tpu.memory_space<vmem>>[vector<16xi32>, vector<16xi32>], vector<16xf32>,
      tpu.vector_store_idx %arg18[%shift_right_logical3A_117, %and3A_119], %exp3A_112 {add = true} : memref<640x16xf32, #tpu.memory_space<vmem>>[vector<16xi32>, vector<16xi32>], vector<16xf32>,
      tpu.vector_store_idx %arg19[%shift_right_logical3A_117, %and3A_119], %broadcast_in_dim3A_5 {add = true} : memref<640x16xi32, #tpu.memory_space<vmem>>[vector<16xi32>, vector<16xi32>], vector<16xi32>,
    }
    %scan3A_62 = arith.constant 125 : i32
    "tpu.region"() ({
      %run_scoped3A_83 = tpu.sem_alloc : memref<!tpu.dma_semaphore, #tpu.memory_space<semaphore_mem>>
      %dma_start3A = tpu.memref_slice %arg9[%add3A_56] : memref<320000xf32, #tpu.memory_space<hbm>> -> memref<2000xf32, #tpu.memory_space<hbm>>
      %dma_start3A_84 = tpu.memref_slice %arg9[%add3A_56] : memref<320000xf32, #tpu.memory_space<hbm>> -> memref<2000xf32, #tpu.memory_space<hbm>>
      tpu.enqueue_dma source(%arg23 : memref<2000xf32, #tpu.memory_space<vmem>>) target(%dma_start3A_84 : memref<2000xf32, #tpu.memory_space<hbm>>) target_semaphore(%run_scoped3A_83 : memref<!tpu.dma_semaphore, #tpu.memory_space<semaphore_mem>>)
      %dma_wait3A = tpu.memref_slice %arg9[%add3A_56] : memref<320000xf32, #tpu.memory_space<hbm>> -> memref<2000xf32, #tpu.memory_space<hbm>>
      %dma_wait3A_85 = tpu.memref_slice %arg9[%add3A_56] : memref<320000xf32, #tpu.memory_space<hbm>> -> memref<2000xf32, #tpu.memory_space<hbm>>
      tpu.wait_dma2 semaphore(%run_scoped3A_83 : memref<!tpu.dma_semaphore, #tpu.memory_space<semaphore_mem>>) src(%arg23 : memref<2000xf32, #tpu.memory_space<vmem>>) dst(%dma_wait3A_85 : memref<2000xf32, #tpu.memory_space<hbm>>)
      tpu.yield
    }) : () -> ()
    "tpu.region"() ({
      %run_scoped3A_83 = tpu.sem_alloc : memref<!tpu.dma_semaphore, #tpu.memory_space<semaphore_mem>>
      %dma_start3A = tpu.memref_slice %arg10[%add3A_56] : memref<320000xf32, #tpu.memory_space<hbm>> -> memref<2000xf32, #tpu.memory_space<hbm>>
      %dma_start3A_84 = tpu.memref_slice %arg10[%add3A_56] : memref<320000xf32, #tpu.memory_space<hbm>> -> memref<2000xf32, #tpu.memory_space<hbm>>
      tpu.enqueue_dma source(%arg24 : memref<2000xf32, #tpu.memory_space<vmem>>) target(%dma_start3A_84 : memref<2000xf32, #tpu.memory_space<hbm>>) target_semaphore(%run_scoped3A_83 : memref<!tpu.dma_semaphore, #tpu.memory_space<semaphore_mem>>)
      %dma_wait3A = tpu.memref_slice %arg10[%add3A_56] : memref<320000xf32, #tpu.memory_space<hbm>> -> memref<2000xf32, #tpu.memory_space<hbm>>
      %dma_wait3A_85 = tpu.memref_slice %arg10[%add3A_56] : memref<320000xf32, #tpu.memory_space<hbm>> -> memref<2000xf32, #tpu.memory_space<hbm>>
      tpu.wait_dma2 semaphore(%run_scoped3A_83 : memref<!tpu.dma_semaphore, #tpu.memory_space<semaphore_mem>>) src(%arg24 : memref<2000xf32, #tpu.memory_space<vmem>>) dst(%dma_wait3A_85 : memref<2000xf32, #tpu.memory_space<hbm>>)
      tpu.yield
    }) : () -> ()
    %run_scoped3A = arith.constant 0 : i32
    "tpu.region"() ({
      %run_scoped3A_83 = tpu.sem_alloc : memref<!tpu.dma_semaphore, #tpu.memory_space<semaphore_mem>>
      %dma_start3A = arith.constant 0 : i32
      %dma_start3A_84 = arith.constant 0 : i32
      %dma_start3A_85 = tpu.memref_slice %arg17[%dma_start3A, %dma_start3A_84] : memref<640x16xf32, #tpu.memory_space<vmem>> -> memref<128x16xf32, #tpu.memory_space<vmem>>
      %dma_start3A_86 = arith.constant 0 : i32
      %dma_start3A_87 = tpu.memref_slice %arg25[%run_scoped3A, %dma_start3A_86] : memref<5x128xi32, #tpu.memory_space<vmem>> -> memref<1x128xi32, #tpu.memory_space<vmem>>
      %dma_start3A_88 = tpu.memref_squeeze %dma_start3A_87 : memref<1x128xi32, #tpu.memory_space<vmem>> -> memref<128xi32, #tpu.memory_space<vmem>>
      %dma_start3A_89 = arith.constant 0 : i32
      %dma_start3A_90 = arith.constant 0 : i32
      %dma_start3A_91 = tpu.memref_slice %arg26[%dma_start3A_89, %dma_start3A_90] : memref<640x16xf32, #tpu.memory_space<vmem_shared>> -> memref<640x16xf32, #tpu.memory_space<vmem_shared>>
      tpu.enqueue_indirect_dma source(%dma_start3A_85 : memref<128x16xf32, #tpu.memory_space<vmem>>) target(%dma_start3A_91 : memref<640x16xf32, #tpu.memory_space<vmem_shared>>) offsets(%dma_start3A_88 : memref<128xi32, #tpu.memory_space<vmem>>) semaphore(%run_scoped3A_83 : memref<!tpu.dma_semaphore, #tpu.memory_space<semaphore_mem>>) {add = true}
      %dma_wait3A = arith.constant 0 : i32
      %dma_wait3A_92 = arith.constant 0 : i32
      %dma_wait3A_93 = tpu.memref_slice %arg17[%dma_wait3A, %dma_wait3A_92] : memref<640x16xf32, #tpu.memory_space<vmem>> -> memref<128x16xf32, #tpu.memory_space<vmem>>
      %dma_wait3A_94 = arith.constant 0 : i32
      %dma_wait3A_95 = tpu.memref_slice %arg25[%run_scoped3A, %dma_wait3A_94] : memref<5x128xi32, #tpu.memory_space<vmem>> -> memref<1x128xi32, #tpu.memory_space<vmem>>
      %dma_wait3A_96 = tpu.memref_squeeze %dma_wait3A_95 : memref<1x128xi32, #tpu.memory_space<vmem>> -> memref<128xi32, #tpu.memory_space<vmem>>
      %dma_wait3A_97 = arith.constant 0 : i32
      %dma_wait3A_98 = arith.constant 0 : i32
      %dma_wait3A_99 = tpu.memref_slice %arg26[%dma_wait3A_97, %dma_wait3A_98] : memref<640x16xf32, #tpu.memory_space<vmem_shared>> -> memref<640x16xf32, #tpu.memory_space<vmem_shared>>
      tpu.wait_indirect_dma semaphore(%run_scoped3A_83 : memref<!tpu.dma_semaphore, #tpu.memory_space<semaphore_mem>>) src(%dma_wait3A_93 : memref<128x16xf32, #tpu.memory_space<vmem>>) dst(%dma_wait3A_99 : memref<640x16xf32, #tpu.memory_space<vmem_shared>>)
      tpu.yield
    }) : () -> ()
    %run_scoped3A_63 = arith.constant 0 : i32
    "tpu.region"() ({
      %run_scoped3A_83 = tpu.sem_alloc : memref<!tpu.dma_semaphore, #tpu.memory_space<semaphore_mem>>
      %dma_start3A = arith.constant 0 : i32
      %dma_start3A_84 = arith.constant 0 : i32
      %dma_start3A_85 = tpu.memref_slice %arg18[%dma_start3A, %dma_start3A_84] : memref<640x16xf32, #tpu.memory_space<vmem>> -> memref<128x16xf32, #tpu.memory_space<vmem>>
      %dma_start3A_86 = arith.constant 0 : i32
      %dma_start3A_87 = tpu.memref_slice %arg25[%run_scoped3A_63, %dma_start3A_86] : memref<5x128xi32, #tpu.memory_space<vmem>> -> memref<1x128xi32, #tpu.memory_space<vmem>>
      %dma_start3A_88 = tpu.memref_squeeze %dma_start3A_87 : memref<1x128xi32, #tpu.memory_space<vmem>> -> memref<128xi32, #tpu.memory_space<vmem>>
      %dma_start3A_89 = arith.constant 0 : i32
      %dma_start3A_90 = arith.constant 0 : i32
      %dma_start3A_91 = tpu.memref_slice %arg27[%dma_start3A_89, %dma_start3A_90] : memref<640x16xf32, #tpu.memory_space<vmem_shared>> -> memref<640x16xf32, #tpu.memory_space<vmem_shared>>
      tpu.enqueue_indirect_dma source(%dma_start3A_85 : memref<128x16xf32, #tpu.memory_space<vmem>>) target(%dma_start3A_91 : memref<640x16xf32, #tpu.memory_space<vmem_shared>>) offsets(%dma_start3A_88 : memref<128xi32, #tpu.memory_space<vmem>>) semaphore(%run_scoped3A_83 : memref<!tpu.dma_semaphore, #tpu.memory_space<semaphore_mem>>) {add = true}
      %dma_wait3A = arith.constant 0 : i32
      %dma_wait3A_92 = arith.constant 0 : i32
      %dma_wait3A_93 = tpu.memref_slice %arg18[%dma_wait3A, %dma_wait3A_92] : memref<640x16xf32, #tpu.memory_space<vmem>> -> memref<128x16xf32, #tpu.memory_space<vmem>>
      %dma_wait3A_94 = arith.constant 0 : i32
      %dma_wait3A_95 = tpu.memref_slice %arg25[%run_scoped3A_63, %dma_wait3A_94] : memref<5x128xi32, #tpu.memory_space<vmem>> -> memref<1x128xi32, #tpu.memory_space<vmem>>
      %dma_wait3A_96 = tpu.memref_squeeze %dma_wait3A_95 : memref<1x128xi32, #tpu.memory_space<vmem>> -> memref<128xi32, #tpu.memory_space<vmem>>
      %dma_wait3A_97 = arith.constant 0 : i32
      %dma_wait3A_98 = arith.constant 0 : i32
      %dma_wait3A_99 = tpu.memref_slice %arg27[%dma_wait3A_97, %dma_wait3A_98] : memref<640x16xf32, #tpu.memory_space<vmem_shared>> -> memref<640x16xf32, #tpu.memory_space<vmem_shared>>
      tpu.wait_indirect_dma semaphore(%run_scoped3A_83 : memref<!tpu.dma_semaphore, #tpu.memory_space<semaphore_mem>>) src(%dma_wait3A_93 : memref<128x16xf32, #tpu.memory_space<vmem>>) dst(%dma_wait3A_99 : memref<640x16xf32, #tpu.memory_space<vmem_shared>>)
      tpu.yield
    }) : () -> ()
    %run_scoped3A_64 = arith.constant 0 : i32
    "tpu.region"() ({
      %run_scoped3A_83 = tpu.sem_alloc : memref<!tpu.dma_semaphore, #tpu.memory_space<semaphore_mem>>
      %dma_start3A = arith.constant 0 : i32
      %dma_start3A_84 = arith.constant 0 : i32
      %dma_start3A_85 = tpu.memref_slice %arg19[%dma_start3A, %dma_start3A_84] : memref<640x16xi32, #tpu.memory_space<vmem>> -> memref<128x16xi32, #tpu.memory_space<vmem>>
      %dma_start3A_86 = arith.constant 0 : i32
      %dma_start3A_87 = tpu.memref_slice %arg25[%run_scoped3A_64, %dma_start3A_86] : memref<5x128xi32, #tpu.memory_space<vmem>> -> memref<1x128xi32, #tpu.memory_space<vmem>>
      %dma_start3A_88 = tpu.memref_squeeze %dma_start3A_87 : memref<1x128xi32, #tpu.memory_space<vmem>> -> memref<128xi32, #tpu.memory_space<vmem>>
      %dma_start3A_89 = arith.constant 0 : i32
      %dma_start3A_90 = arith.constant 0 : i32
      %dma_start3A_91 = tpu.memref_slice %arg28[%dma_start3A_89, %dma_start3A_90] : memref<640x16xi32, #tpu.memory_space<vmem_shared>> -> memref<640x16xi32, #tpu.memory_space<vmem_shared>>
      tpu.enqueue_indirect_dma source(%dma_start3A_85 : memref<128x16xi32, #tpu.memory_space<vmem>>) target(%dma_start3A_91 : memref<640x16xi32, #tpu.memory_space<vmem_shared>>) offsets(%dma_start3A_88 : memref<128xi32, #tpu.memory_space<vmem>>) semaphore(%run_scoped3A_83 : memref<!tpu.dma_semaphore, #tpu.memory_space<semaphore_mem>>) {add = true}
      %dma_wait3A = arith.constant 0 : i32
      %dma_wait3A_92 = arith.constant 0 : i32
      %dma_wait3A_93 = tpu.memref_slice %arg19[%dma_wait3A, %dma_wait3A_92] : memref<640x16xi32, #tpu.memory_space<vmem>> -> memref<128x16xi32, #tpu.memory_space<vmem>>
      %dma_wait3A_94 = arith.constant 0 : i32
      %dma_wait3A_95 = tpu.memref_slice %arg25[%run_scoped3A_64, %dma_wait3A_94] : memref<5x128xi32, #tpu.memory_space<vmem>> -> memref<1x128xi32, #tpu.memory_space<vmem>>
      %dma_wait3A_96 = tpu.memref_squeeze %dma_wait3A_95 : memref<1x128xi32, #tpu.memory_space<vmem>> -> memref<128xi32, #tpu.memory_space<vmem>>
      %dma_wait3A_97 = arith.constant 0 : i32
      %dma_wait3A_98 = arith.constant 0 : i32
      %dma_wait3A_99 = tpu.memref_slice %arg28[%dma_wait3A_97, %dma_wait3A_98] : memref<640x16xi32, #tpu.memory_space<vmem_shared>> -> memref<640x16xi32, #tpu.memory_space<vmem_shared>>
      tpu.wait_indirect_dma semaphore(%run_scoped3A_83 : memref<!tpu.dma_semaphore, #tpu.memory_space<semaphore_mem>>) src(%dma_wait3A_93 : memref<128x16xi32, #tpu.memory_space<vmem>>) dst(%dma_wait3A_99 : memref<640x16xi32, #tpu.memory_space<vmem_shared>>)
      tpu.yield
    }) : () -> ()
    %run_scoped3A_65 = arith.constant 1 : i32
    "tpu.region"() ({
      %run_scoped3A_83 = tpu.sem_alloc : memref<!tpu.dma_semaphore, #tpu.memory_space<semaphore_mem>>
      %dma_start3A = arith.constant 128 : i32
      %dma_start3A_84 = arith.constant 0 : i32
      %dma_start3A_85 = tpu.memref_slice %arg17[%dma_start3A, %dma_start3A_84] : memref<640x16xf32, #tpu.memory_space<vmem>> -> memref<128x16xf32, #tpu.memory_space<vmem>>
      %dma_start3A_86 = arith.constant 0 : i32
      %dma_start3A_87 = tpu.memref_slice %arg25[%run_scoped3A_65, %dma_start3A_86] : memref<5x128xi32, #tpu.memory_space<vmem>> -> memref<1x128xi32, #tpu.memory_space<vmem>>
      %dma_start3A_88 = tpu.memref_squeeze %dma_start3A_87 : memref<1x128xi32, #tpu.memory_space<vmem>> -> memref<128xi32, #tpu.memory_space<vmem>>
      %dma_start3A_89 = arith.constant 0 : i32
      %dma_start3A_90 = arith.constant 0 : i32
      %dma_start3A_91 = tpu.memref_slice %arg26[%dma_start3A_89, %dma_start3A_90] : memref<640x16xf32, #tpu.memory_space<vmem_shared>> -> memref<640x16xf32, #tpu.memory_space<vmem_shared>>
      tpu.enqueue_indirect_dma source(%dma_start3A_85 : memref<128x16xf32, #tpu.memory_space<vmem>>) target(%dma_start3A_91 : memref<640x16xf32, #tpu.memory_space<vmem_shared>>) offsets(%dma_start3A_88 : memref<128xi32, #tpu.memory_space<vmem>>) semaphore(%run_scoped3A_83 : memref<!tpu.dma_semaphore, #tpu.memory_space<semaphore_mem>>) {add = true}
      %dma_wait3A = arith.constant 128 : i32
      %dma_wait3A_92 = arith.constant 0 : i32
      %dma_wait3A_93 = tpu.memref_slice %arg17[%dma_wait3A, %dma_wait3A_92] : memref<640x16xf32, #tpu.memory_space<vmem>> -> memref<128x16xf32, #tpu.memory_space<vmem>>
      %dma_wait3A_94 = arith.constant 0 : i32
      %dma_wait3A_95 = tpu.memref_slice %arg25[%run_scoped3A_65, %dma_wait3A_94] : memref<5x128xi32, #tpu.memory_space<vmem>> -> memref<1x128xi32, #tpu.memory_space<vmem>>
      %dma_wait3A_96 = tpu.memref_squeeze %dma_wait3A_95 : memref<1x128xi32, #tpu.memory_space<vmem>> -> memref<128xi32, #tpu.memory_space<vmem>>
      %dma_wait3A_97 = arith.constant 0 : i32
      %dma_wait3A_98 = arith.constant 0 : i32
      %dma_wait3A_99 = tpu.memref_slice %arg26[%dma_wait3A_97, %dma_wait3A_98] : memref<640x16xf32, #tpu.memory_space<vmem_shared>> -> memref<640x16xf32, #tpu.memory_space<vmem_shared>>
      tpu.wait_indirect_dma semaphore(%run_scoped3A_83 : memref<!tpu.dma_semaphore, #tpu.memory_space<semaphore_mem>>) src(%dma_wait3A_93 : memref<128x16xf32, #tpu.memory_space<vmem>>) dst(%dma_wait3A_99 : memref<640x16xf32, #tpu.memory_space<vmem_shared>>)
      tpu.yield
    }) : () -> ()
    %run_scoped3A_66 = arith.constant 1 : i32
    "tpu.region"() ({
      %run_scoped3A_83 = tpu.sem_alloc : memref<!tpu.dma_semaphore, #tpu.memory_space<semaphore_mem>>
      %dma_start3A = arith.constant 128 : i32
      %dma_start3A_84 = arith.constant 0 : i32
      %dma_start3A_85 = tpu.memref_slice %arg18[%dma_start3A, %dma_start3A_84] : memref<640x16xf32, #tpu.memory_space<vmem>> -> memref<128x16xf32, #tpu.memory_space<vmem>>
      %dma_start3A_86 = arith.constant 0 : i32
      %dma_start3A_87 = tpu.memref_slice %arg25[%run_scoped3A_66, %dma_start3A_86] : memref<5x128xi32, #tpu.memory_space<vmem>> -> memref<1x128xi32, #tpu.memory_space<vmem>>
      %dma_start3A_88 = tpu.memref_squeeze %dma_start3A_87 : memref<1x128xi32, #tpu.memory_space<vmem>> -> memref<128xi32, #tpu.memory_space<vmem>>
      %dma_start3A_89 = arith.constant 0 : i32
      %dma_start3A_90 = arith.constant 0 : i32
      %dma_start3A_91 = tpu.memref_slice %arg27[%dma_start3A_89, %dma_start3A_90] : memref<640x16xf32, #tpu.memory_space<vmem_shared>> -> memref<640x16xf32, #tpu.memory_space<vmem_shared>>
      tpu.enqueue_indirect_dma source(%dma_start3A_85 : memref<128x16xf32, #tpu.memory_space<vmem>>) target(%dma_start3A_91 : memref<640x16xf32, #tpu.memory_space<vmem_shared>>) offsets(%dma_start3A_88 : memref<128xi32, #tpu.memory_space<vmem>>) semaphore(%run_scoped3A_83 : memref<!tpu.dma_semaphore, #tpu.memory_space<semaphore_mem>>) {add = true}
      %dma_wait3A = arith.constant 128 : i32
      %dma_wait3A_92 = arith.constant 0 : i32
      %dma_wait3A_93 = tpu.memref_slice %arg18[%dma_wait3A, %dma_wait3A_92] : memref<640x16xf32, #tpu.memory_space<vmem>> -> memref<128x16xf32, #tpu.memory_space<vmem>>
      %dma_wait3A_94 = arith.constant 0 : i32
      %dma_wait3A_95 = tpu.memref_slice %arg25[%run_scoped3A_66, %dma_wait3A_94] : memref<5x128xi32, #tpu.memory_space<vmem>> -> memref<1x128xi32, #tpu.memory_space<vmem>>
      %dma_wait3A_96 = tpu.memref_squeeze %dma_wait3A_95 : memref<1x128xi32, #tpu.memory_space<vmem>> -> memref<128xi32, #tpu.memory_space<vmem>>
      %dma_wait3A_97 = arith.constant 0 : i32
      %dma_wait3A_98 = arith.constant 0 : i32
      %dma_wait3A_99 = tpu.memref_slice %arg27[%dma_wait3A_97, %dma_wait3A_98] : memref<640x16xf32, #tpu.memory_space<vmem_shared>> -> memref<640x16xf32, #tpu.memory_space<vmem_shared>>
      tpu.wait_indirect_dma semaphore(%run_scoped3A_83 : memref<!tpu.dma_semaphore, #tpu.memory_space<semaphore_mem>>) src(%dma_wait3A_93 : memref<128x16xf32, #tpu.memory_space<vmem>>) dst(%dma_wait3A_99 : memref<640x16xf32, #tpu.memory_space<vmem_shared>>)
      tpu.yield
    }) : () -> ()
    %run_scoped3A_67 = arith.constant 1 : i32
    "tpu.region"() ({
      %run_scoped3A_83 = tpu.sem_alloc : memref<!tpu.dma_semaphore, #tpu.memory_space<semaphore_mem>>
      %dma_start3A = arith.constant 128 : i32
      %dma_start3A_84 = arith.constant 0 : i32
      %dma_start3A_85 = tpu.memref_slice %arg19[%dma_start3A, %dma_start3A_84] : memref<640x16xi32, #tpu.memory_space<vmem>> -> memref<128x16xi32, #tpu.memory_space<vmem>>
      %dma_start3A_86 = arith.constant 0 : i32
      %dma_start3A_87 = tpu.memref_slice %arg25[%run_scoped3A_67, %dma_start3A_86] : memref<5x128xi32, #tpu.memory_space<vmem>> -> memref<1x128xi32, #tpu.memory_space<vmem>>
      %dma_start3A_88 = tpu.memref_squeeze %dma_start3A_87 : memref<1x128xi32, #tpu.memory_space<vmem>> -> memref<128xi32, #tpu.memory_space<vmem>>
      %dma_start3A_89 = arith.constant 0 : i32
      %dma_start3A_90 = arith.constant 0 : i32
      %dma_start3A_91 = tpu.memref_slice %arg28[%dma_start3A_89, %dma_start3A_90] : memref<640x16xi32, #tpu.memory_space<vmem_shared>> -> memref<640x16xi32, #tpu.memory_space<vmem_shared>>
      tpu.enqueue_indirect_dma source(%dma_start3A_85 : memref<128x16xi32, #tpu.memory_space<vmem>>) target(%dma_start3A_91 : memref<640x16xi32, #tpu.memory_space<vmem_shared>>) offsets(%dma_start3A_88 : memref<128xi32, #tpu.memory_space<vmem>>) semaphore(%run_scoped3A_83 : memref<!tpu.dma_semaphore, #tpu.memory_space<semaphore_mem>>) {add = true}
      %dma_wait3A = arith.constant 128 : i32
      %dma_wait3A_92 = arith.constant 0 : i32
      %dma_wait3A_93 = tpu.memref_slice %arg19[%dma_wait3A, %dma_wait3A_92] : memref<640x16xi32, #tpu.memory_space<vmem>> -> memref<128x16xi32, #tpu.memory_space<vmem>>
      %dma_wait3A_94 = arith.constant 0 : i32
      %dma_wait3A_95 = tpu.memref_slice %arg25[%run_scoped3A_67, %dma_wait3A_94] : memref<5x128xi32, #tpu.memory_space<vmem>> -> memref<1x128xi32, #tpu.memory_space<vmem>>
      %dma_wait3A_96 = tpu.memref_squeeze %dma_wait3A_95 : memref<1x128xi32, #tpu.memory_space<vmem>> -> memref<128xi32, #tpu.memory_space<vmem>>
      %dma_wait3A_97 = arith.constant 0 : i32
      %dma_wait3A_98 = arith.constant 0 : i32
      %dma_wait3A_99 = tpu.memref_slice %arg28[%dma_wait3A_97, %dma_wait3A_98] : memref<640x16xi32, #tpu.memory_space<vmem_shared>> -> memref<640x16xi32, #tpu.memory_space<vmem_shared>>
      tpu.wait_indirect_dma semaphore(%run_scoped3A_83 : memref<!tpu.dma_semaphore, #tpu.memory_space<semaphore_mem>>) src(%dma_wait3A_93 : memref<128x16xi32, #tpu.memory_space<vmem>>) dst(%dma_wait3A_99 : memref<640x16xi32, #tpu.memory_space<vmem_shared>>)
      tpu.yield
    }) : () -> ()
    %run_scoped3A_68 = arith.constant 2 : i32
    "tpu.region"() ({
      %run_scoped3A_83 = tpu.sem_alloc : memref<!tpu.dma_semaphore, #tpu.memory_space<semaphore_mem>>
      %dma_start3A = arith.constant 256 : i32
      %dma_start3A_84 = arith.constant 0 : i32
      %dma_start3A_85 = tpu.memref_slice %arg17[%dma_start3A, %dma_start3A_84] : memref<640x16xf32, #tpu.memory_space<vmem>> -> memref<128x16xf32, #tpu.memory_space<vmem>>
      %dma_start3A_86 = arith.constant 0 : i32
      %dma_start3A_87 = tpu.memref_slice %arg25[%run_scoped3A_68, %dma_start3A_86] : memref<5x128xi32, #tpu.memory_space<vmem>> -> memref<1x128xi32, #tpu.memory_space<vmem>>
      %dma_start3A_88 = tpu.memref_squeeze %dma_start3A_87 : memref<1x128xi32, #tpu.memory_space<vmem>> -> memref<128xi32, #tpu.memory_space<vmem>>
      %dma_start3A_89 = arith.constant 0 : i32
      %dma_start3A_90 = arith.constant 0 : i32
      %dma_start3A_91 = tpu.memref_slice %arg26[%dma_start3A_89, %dma_start3A_90] : memref<640x16xf32, #tpu.memory_space<vmem_shared>> -> memref<640x16xf32, #tpu.memory_space<vmem_shared>>
      tpu.enqueue_indirect_dma source(%dma_start3A_85 : memref<128x16xf32, #tpu.memory_space<vmem>>) target(%dma_start3A_91 : memref<640x16xf32, #tpu.memory_space<vmem_shared>>) offsets(%dma_start3A_88 : memref<128xi32, #tpu.memory_space<vmem>>) semaphore(%run_scoped3A_83 : memref<!tpu.dma_semaphore, #tpu.memory_space<semaphore_mem>>) {add = true}
      %dma_wait3A = arith.constant 256 : i32
      %dma_wait3A_92 = arith.constant 0 : i32
      %dma_wait3A_93 = tpu.memref_slice %arg17[%dma_wait3A, %dma_wait3A_92] : memref<640x16xf32, #tpu.memory_space<vmem>> -> memref<128x16xf32, #tpu.memory_space<vmem>>
      %dma_wait3A_94 = arith.constant 0 : i32
      %dma_wait3A_95 = tpu.memref_slice %arg25[%run_scoped3A_68, %dma_wait3A_94] : memref<5x128xi32, #tpu.memory_space<vmem>> -> memref<1x128xi32, #tpu.memory_space<vmem>>
      %dma_wait3A_96 = tpu.memref_squeeze %dma_wait3A_95 : memref<1x128xi32, #tpu.memory_space<vmem>> -> memref<128xi32, #tpu.memory_space<vmem>>
      %dma_wait3A_97 = arith.constant 0 : i32
      %dma_wait3A_98 = arith.constant 0 : i32
      %dma_wait3A_99 = tpu.memref_slice %arg26[%dma_wait3A_97, %dma_wait3A_98] : memref<640x16xf32, #tpu.memory_space<vmem_shared>> -> memref<640x16xf32, #tpu.memory_space<vmem_shared>>
      tpu.wait_indirect_dma semaphore(%run_scoped3A_83 : memref<!tpu.dma_semaphore, #tpu.memory_space<semaphore_mem>>) src(%dma_wait3A_93 : memref<128x16xf32, #tpu.memory_space<vmem>>) dst(%dma_wait3A_99 : memref<640x16xf32, #tpu.memory_space<vmem_shared>>)
      tpu.yield
    }) : () -> ()
    %run_scoped3A_69 = arith.constant 2 : i32
    "tpu.region"() ({
      %run_scoped3A_83 = tpu.sem_alloc : memref<!tpu.dma_semaphore, #tpu.memory_space<semaphore_mem>>
      %dma_start3A = arith.constant 256 : i32
      %dma_start3A_84 = arith.constant 0 : i32
      %dma_start3A_85 = tpu.memref_slice %arg18[%dma_start3A, %dma_start3A_84] : memref<640x16xf32, #tpu.memory_space<vmem>> -> memref<128x16xf32, #tpu.memory_space<vmem>>
      %dma_start3A_86 = arith.constant 0 : i32
      %dma_start3A_87 = tpu.memref_slice %arg25[%run_scoped3A_69, %dma_start3A_86] : memref<5x128xi32, #tpu.memory_space<vmem>> -> memref<1x128xi32, #tpu.memory_space<vmem>>
      %dma_start3A_88 = tpu.memref_squeeze %dma_start3A_87 : memref<1x128xi32, #tpu.memory_space<vmem>> -> memref<128xi32, #tpu.memory_space<vmem>>
      %dma_start3A_89 = arith.constant 0 : i32
      %dma_start3A_90 = arith.constant 0 : i32
      %dma_start3A_91 = tpu.memref_slice %arg27[%dma_start3A_89, %dma_start3A_90] : memref<640x16xf32, #tpu.memory_space<vmem_shared>> -> memref<640x16xf32, #tpu.memory_space<vmem_shared>>
      tpu.enqueue_indirect_dma source(%dma_start3A_85 : memref<128x16xf32, #tpu.memory_space<vmem>>) target(%dma_start3A_91 : memref<640x16xf32, #tpu.memory_space<vmem_shared>>) offsets(%dma_start3A_88 : memref<128xi32, #tpu.memory_space<vmem>>) semaphore(%run_scoped3A_83 : memref<!tpu.dma_semaphore, #tpu.memory_space<semaphore_mem>>) {add = true}
      %dma_wait3A = arith.constant 256 : i32
      %dma_wait3A_92 = arith.constant 0 : i32
      %dma_wait3A_93 = tpu.memref_slice %arg18[%dma_wait3A, %dma_wait3A_92] : memref<640x16xf32, #tpu.memory_space<vmem>> -> memref<128x16xf32, #tpu.memory_space<vmem>>
      %dma_wait3A_94 = arith.constant 0 : i32
      %dma_wait3A_95 = tpu.memref_slice %arg25[%run_scoped3A_69, %dma_wait3A_94] : memref<5x128xi32, #tpu.memory_space<vmem>> -> memref<1x128xi32, #tpu.memory_space<vmem>>
      %dma_wait3A_96 = tpu.memref_squeeze %dma_wait3A_95 : memref<1x128xi32, #tpu.memory_space<vmem>> -> memref<128xi32, #tpu.memory_space<vmem>>
      %dma_wait3A_97 = arith.constant 0 : i32
      %dma_wait3A_98 = arith.constant 0 : i32
      %dma_wait3A_99 = tpu.memref_slice %arg27[%dma_wait3A_97, %dma_wait3A_98] : memref<640x16xf32, #tpu.memory_space<vmem_shared>> -> memref<640x16xf32, #tpu.memory_space<vmem_shared>>
      tpu.wait_indirect_dma semaphore(%run_scoped3A_83 : memref<!tpu.dma_semaphore, #tpu.memory_space<semaphore_mem>>) src(%dma_wait3A_93 : memref<128x16xf32, #tpu.memory_space<vmem>>) dst(%dma_wait3A_99 : memref<640x16xf32, #tpu.memory_space<vmem_shared>>)
      tpu.yield
    }) : () -> ()
    %run_scoped3A_70 = arith.constant 2 : i32
    "tpu.region"() ({
      %run_scoped3A_83 = tpu.sem_alloc : memref<!tpu.dma_semaphore, #tpu.memory_space<semaphore_mem>>
      %dma_start3A = arith.constant 256 : i32
      %dma_start3A_84 = arith.constant 0 : i32
      %dma_start3A_85 = tpu.memref_slice %arg19[%dma_start3A, %dma_start3A_84] : memref<640x16xi32, #tpu.memory_space<vmem>> -> memref<128x16xi32, #tpu.memory_space<vmem>>
      %dma_start3A_86 = arith.constant 0 : i32
      %dma_start3A_87 = tpu.memref_slice %arg25[%run_scoped3A_70, %dma_start3A_86] : memref<5x128xi32, #tpu.memory_space<vmem>> -> memref<1x128xi32, #tpu.memory_space<vmem>>
      %dma_start3A_88 = tpu.memref_squeeze %dma_start3A_87 : memref<1x128xi32, #tpu.memory_space<vmem>> -> memref<128xi32, #tpu.memory_space<vmem>>
      %dma_start3A_89 = arith.constant 0 : i32
      %dma_start3A_90 = arith.constant 0 : i32
      %dma_start3A_91 = tpu.memref_slice %arg28[%dma_start3A_89, %dma_start3A_90] : memref<640x16xi32, #tpu.memory_space<vmem_shared>> -> memref<640x16xi32, #tpu.memory_space<vmem_shared>>
      tpu.enqueue_indirect_dma source(%dma_start3A_85 : memref<128x16xi32, #tpu.memory_space<vmem>>) target(%dma_start3A_91 : memref<640x16xi32, #tpu.memory_space<vmem_shared>>) offsets(%dma_start3A_88 : memref<128xi32, #tpu.memory_space<vmem>>) semaphore(%run_scoped3A_83 : memref<!tpu.dma_semaphore, #tpu.memory_space<semaphore_mem>>) {add = true}
      %dma_wait3A = arith.constant 256 : i32
      %dma_wait3A_92 = arith.constant 0 : i32
      %dma_wait3A_93 = tpu.memref_slice %arg19[%dma_wait3A, %dma_wait3A_92] : memref<640x16xi32, #tpu.memory_space<vmem>> -> memref<128x16xi32, #tpu.memory_space<vmem>>
      %dma_wait3A_94 = arith.constant 0 : i32
      %dma_wait3A_95 = tpu.memref_slice %arg25[%run_scoped3A_70, %dma_wait3A_94] : memref<5x128xi32, #tpu.memory_space<vmem>> -> memref<1x128xi32, #tpu.memory_space<vmem>>
      %dma_wait3A_96 = tpu.memref_squeeze %dma_wait3A_95 : memref<1x128xi32, #tpu.memory_space<vmem>> -> memref<128xi32, #tpu.memory_space<vmem>>
      %dma_wait3A_97 = arith.constant 0 : i32
      %dma_wait3A_98 = arith.constant 0 : i32
      %dma_wait3A_99 = tpu.memref_slice %arg28[%dma_wait3A_97, %dma_wait3A_98] : memref<640x16xi32, #tpu.memory_space<vmem_shared>> -> memref<640x16xi32, #tpu.memory_space<vmem_shared>>
      tpu.wait_indirect_dma semaphore(%run_scoped3A_83 : memref<!tpu.dma_semaphore, #tpu.memory_space<semaphore_mem>>) src(%dma_wait3A_93 : memref<128x16xi32, #tpu.memory_space<vmem>>) dst(%dma_wait3A_99 : memref<640x16xi32, #tpu.memory_space<vmem_shared>>)
      tpu.yield
    }) : () -> ()
    %run_scoped3A_71 = arith.constant 3 : i32
    "tpu.region"() ({
      %run_scoped3A_83 = tpu.sem_alloc : memref<!tpu.dma_semaphore, #tpu.memory_space<semaphore_mem>>
      %dma_start3A = arith.constant 384 : i32
      %dma_start3A_84 = arith.constant 0 : i32
      %dma_start3A_85 = tpu.memref_slice %arg17[%dma_start3A, %dma_start3A_84] : memref<640x16xf32, #tpu.memory_space<vmem>> -> memref<128x16xf32, #tpu.memory_space<vmem>>
      %dma_start3A_86 = arith.constant 0 : i32
      %dma_start3A_87 = tpu.memref_slice %arg25[%run_scoped3A_71, %dma_start3A_86] : memref<5x128xi32, #tpu.memory_space<vmem>> -> memref<1x128xi32, #tpu.memory_space<vmem>>
      %dma_start3A_88 = tpu.memref_squeeze %dma_start3A_87 : memref<1x128xi32, #tpu.memory_space<vmem>> -> memref<128xi32, #tpu.memory_space<vmem>>
      %dma_start3A_89 = arith.constant 0 : i32
      %dma_start3A_90 = arith.constant 0 : i32
      %dma_start3A_91 = tpu.memref_slice %arg26[%dma_start3A_89, %dma_start3A_90] : memref<640x16xf32, #tpu.memory_space<vmem_shared>> -> memref<640x16xf32, #tpu.memory_space<vmem_shared>>
      tpu.enqueue_indirect_dma source(%dma_start3A_85 : memref<128x16xf32, #tpu.memory_space<vmem>>) target(%dma_start3A_91 : memref<640x16xf32, #tpu.memory_space<vmem_shared>>) offsets(%dma_start3A_88 : memref<128xi32, #tpu.memory_space<vmem>>) semaphore(%run_scoped3A_83 : memref<!tpu.dma_semaphore, #tpu.memory_space<semaphore_mem>>) {add = true}
      %dma_wait3A = arith.constant 384 : i32
      %dma_wait3A_92 = arith.constant 0 : i32
      %dma_wait3A_93 = tpu.memref_slice %arg17[%dma_wait3A, %dma_wait3A_92] : memref<640x16xf32, #tpu.memory_space<vmem>> -> memref<128x16xf32, #tpu.memory_space<vmem>>
      %dma_wait3A_94 = arith.constant 0 : i32
      %dma_wait3A_95 = tpu.memref_slice %arg25[%run_scoped3A_71, %dma_wait3A_94] : memref<5x128xi32, #tpu.memory_space<vmem>> -> memref<1x128xi32, #tpu.memory_space<vmem>>
      %dma_wait3A_96 = tpu.memref_squeeze %dma_wait3A_95 : memref<1x128xi32, #tpu.memory_space<vmem>> -> memref<128xi32, #tpu.memory_space<vmem>>
      %dma_wait3A_97 = arith.constant 0 : i32
      %dma_wait3A_98 = arith.constant 0 : i32
      %dma_wait3A_99 = tpu.memref_slice %arg26[%dma_wait3A_97, %dma_wait3A_98] : memref<640x16xf32, #tpu.memory_space<vmem_shared>> -> memref<640x16xf32, #tpu.memory_space<vmem_shared>>
      tpu.wait_indirect_dma semaphore(%run_scoped3A_83 : memref<!tpu.dma_semaphore, #tpu.memory_space<semaphore_mem>>) src(%dma_wait3A_93 : memref<128x16xf32, #tpu.memory_space<vmem>>) dst(%dma_wait3A_99 : memref<640x16xf32, #tpu.memory_space<vmem_shared>>)
      tpu.yield
    }) : () -> ()
    %run_scoped3A_72 = arith.constant 3 : i32
    "tpu.region"() ({
      %run_scoped3A_83 = tpu.sem_alloc : memref<!tpu.dma_semaphore, #tpu.memory_space<semaphore_mem>>
      %dma_start3A = arith.constant 384 : i32
      %dma_start3A_84 = arith.constant 0 : i32
      %dma_start3A_85 = tpu.memref_slice %arg18[%dma_start3A, %dma_start3A_84] : memref<640x16xf32, #tpu.memory_space<vmem>> -> memref<128x16xf32, #tpu.memory_space<vmem>>
      %dma_start3A_86 = arith.constant 0 : i32
      %dma_start3A_87 = tpu.memref_slice %arg25[%run_scoped3A_72, %dma_start3A_86] : memref<5x128xi32, #tpu.memory_space<vmem>> -> memref<1x128xi32, #tpu.memory_space<vmem>>
      %dma_start3A_88 = tpu.memref_squeeze %dma_start3A_87 : memref<1x128xi32, #tpu.memory_space<vmem>> -> memref<128xi32, #tpu.memory_space<vmem>>
      %dma_start3A_89 = arith.constant 0 : i32
      %dma_start3A_90 = arith.constant 0 : i32
      %dma_start3A_91 = tpu.memref_slice %arg27[%dma_start3A_89, %dma_start3A_90] : memref<640x16xf32, #tpu.memory_space<vmem_shared>> -> memref<640x16xf32, #tpu.memory_space<vmem_shared>>
      tpu.enqueue_indirect_dma source(%dma_start3A_85 : memref<128x16xf32, #tpu.memory_space<vmem>>) target(%dma_start3A_91 : memref<640x16xf32, #tpu.memory_space<vmem_shared>>) offsets(%dma_start3A_88 : memref<128xi32, #tpu.memory_space<vmem>>) semaphore(%run_scoped3A_83 : memref<!tpu.dma_semaphore, #tpu.memory_space<semaphore_mem>>) {add = true}
      %dma_wait3A = arith.constant 384 : i32
      %dma_wait3A_92 = arith.constant 0 : i32
      %dma_wait3A_93 = tpu.memref_slice %arg18[%dma_wait3A, %dma_wait3A_92] : memref<640x16xf32, #tpu.memory_space<vmem>> -> memref<128x16xf32, #tpu.memory_space<vmem>>
      %dma_wait3A_94 = arith.constant 0 : i32
      %dma_wait3A_95 = tpu.memref_slice %arg25[%run_scoped3A_72, %dma_wait3A_94] : memref<5x128xi32, #tpu.memory_space<vmem>> -> memref<1x128xi32, #tpu.memory_space<vmem>>
      %dma_wait3A_96 = tpu.memref_squeeze %dma_wait3A_95 : memref<1x128xi32, #tpu.memory_space<vmem>> -> memref<128xi32, #tpu.memory_space<vmem>>
      %dma_wait3A_97 = arith.constant 0 : i32
      %dma_wait3A_98 = arith.constant 0 : i32
      %dma_wait3A_99 = tpu.memref_slice %arg27[%dma_wait3A_97, %dma_wait3A_98] : memref<640x16xf32, #tpu.memory_space<vmem_shared>> -> memref<640x16xf32, #tpu.memory_space<vmem_shared>>
      tpu.wait_indirect_dma semaphore(%run_scoped3A_83 : memref<!tpu.dma_semaphore, #tpu.memory_space<semaphore_mem>>) src(%dma_wait3A_93 : memref<128x16xf32, #tpu.memory_space<vmem>>) dst(%dma_wait3A_99 : memref<640x16xf32, #tpu.memory_space<vmem_shared>>)
      tpu.yield
    }) : () -> ()
    %run_scoped3A_73 = arith.constant 3 : i32
    "tpu.region"() ({
      %run_scoped3A_83 = tpu.sem_alloc : memref<!tpu.dma_semaphore, #tpu.memory_space<semaphore_mem>>
      %dma_start3A = arith.constant 384 : i32
      %dma_start3A_84 = arith.constant 0 : i32
      %dma_start3A_85 = tpu.memref_slice %arg19[%dma_start3A, %dma_start3A_84] : memref<640x16xi32, #tpu.memory_space<vmem>> -> memref<128x16xi32, #tpu.memory_space<vmem>>
      %dma_start3A_86 = arith.constant 0 : i32
      %dma_start3A_87 = tpu.memref_slice %arg25[%run_scoped3A_73, %dma_start3A_86] : memref<5x128xi32, #tpu.memory_space<vmem>> -> memref<1x128xi32, #tpu.memory_space<vmem>>
      %dma_start3A_88 = tpu.memref_squeeze %dma_start3A_87 : memref<1x128xi32, #tpu.memory_space<vmem>> -> memref<128xi32, #tpu.memory_space<vmem>>
      %dma_start3A_89 = arith.constant 0 : i32
      %dma_start3A_90 = arith.constant 0 : i32
      %dma_start3A_91 = tpu.memref_slice %arg28[%dma_start3A_89, %dma_start3A_90] : memref<640x16xi32, #tpu.memory_space<vmem_shared>> -> memref<640x16xi32, #tpu.memory_space<vmem_shared>>
      tpu.enqueue_indirect_dma source(%dma_start3A_85 : memref<128x16xi32, #tpu.memory_space<vmem>>) target(%dma_start3A_91 : memref<640x16xi32, #tpu.memory_space<vmem_shared>>) offsets(%dma_start3A_88 : memref<128xi32, #tpu.memory_space<vmem>>) semaphore(%run_scoped3A_83 : memref<!tpu.dma_semaphore, #tpu.memory_space<semaphore_mem>>) {add = true}
      %dma_wait3A = arith.constant 384 : i32
      %dma_wait3A_92 = arith.constant 0 : i32
      %dma_wait3A_93 = tpu.memref_slice %arg19[%dma_wait3A, %dma_wait3A_92] : memref<640x16xi32, #tpu.memory_space<vmem>> -> memref<128x16xi32, #tpu.memory_space<vmem>>
      %dma_wait3A_94 = arith.constant 0 : i32
      %dma_wait3A_95 = tpu.memref_slice %arg25[%run_scoped3A_73, %dma_wait3A_94] : memref<5x128xi32, #tpu.memory_space<vmem>> -> memref<1x128xi32, #tpu.memory_space<vmem>>
      %dma_wait3A_96 = tpu.memref_squeeze %dma_wait3A_95 : memref<1x128xi32, #tpu.memory_space<vmem>> -> memref<128xi32, #tpu.memory_space<vmem>>
      %dma_wait3A_97 = arith.constant 0 : i32
      %dma_wait3A_98 = arith.constant 0 : i32
      %dma_wait3A_99 = tpu.memref_slice %arg28[%dma_wait3A_97, %dma_wait3A_98] : memref<640x16xi32, #tpu.memory_space<vmem_shared>> -> memref<640x16xi32, #tpu.memory_space<vmem_shared>>
      tpu.wait_indirect_dma semaphore(%run_scoped3A_83 : memref<!tpu.dma_semaphore, #tpu.memory_space<semaphore_mem>>) src(%dma_wait3A_93 : memref<128x16xi32, #tpu.memory_space<vmem>>) dst(%dma_wait3A_99 : memref<640x16xi32, #tpu.memory_space<vmem_shared>>)
      tpu.yield
    }) : () -> ()
    %run_scoped3A_74 = arith.constant 4 : i32
    "tpu.region"() ({
      %run_scoped3A_83 = tpu.sem_alloc : memref<!tpu.dma_semaphore, #tpu.memory_space<semaphore_mem>>
      %dma_start3A = arith.constant 512 : i32
      %dma_start3A_84 = arith.constant 0 : i32
      %dma_start3A_85 = tpu.memref_slice %arg17[%dma_start3A, %dma_start3A_84] : memref<640x16xf32, #tpu.memory_space<vmem>> -> memref<128x16xf32, #tpu.memory_space<vmem>>
      %dma_start3A_86 = arith.constant 0 : i32
      %dma_start3A_87 = tpu.memref_slice %arg25[%run_scoped3A_74, %dma_start3A_86] : memref<5x128xi32, #tpu.memory_space<vmem>> -> memref<1x128xi32, #tpu.memory_space<vmem>>
      %dma_start3A_88 = tpu.memref_squeeze %dma_start3A_87 : memref<1x128xi32, #tpu.memory_space<vmem>> -> memref<128xi32, #tpu.memory_space<vmem>>
      %dma_start3A_89 = arith.constant 0 : i32
      %dma_start3A_90 = arith.constant 0 : i32
      %dma_start3A_91 = tpu.memref_slice %arg26[%dma_start3A_89, %dma_start3A_90] : memref<640x16xf32, #tpu.memory_space<vmem_shared>> -> memref<640x16xf32, #tpu.memory_space<vmem_shared>>
      tpu.enqueue_indirect_dma source(%dma_start3A_85 : memref<128x16xf32, #tpu.memory_space<vmem>>) target(%dma_start3A_91 : memref<640x16xf32, #tpu.memory_space<vmem_shared>>) offsets(%dma_start3A_88 : memref<128xi32, #tpu.memory_space<vmem>>) semaphore(%run_scoped3A_83 : memref<!tpu.dma_semaphore, #tpu.memory_space<semaphore_mem>>) {add = true}
      %dma_wait3A = arith.constant 512 : i32
      %dma_wait3A_92 = arith.constant 0 : i32
      %dma_wait3A_93 = tpu.memref_slice %arg17[%dma_wait3A, %dma_wait3A_92] : memref<640x16xf32, #tpu.memory_space<vmem>> -> memref<128x16xf32, #tpu.memory_space<vmem>>
      %dma_wait3A_94 = arith.constant 0 : i32
      %dma_wait3A_95 = tpu.memref_slice %arg25[%run_scoped3A_74, %dma_wait3A_94] : memref<5x128xi32, #tpu.memory_space<vmem>> -> memref<1x128xi32, #tpu.memory_space<vmem>>
      %dma_wait3A_96 = tpu.memref_squeeze %dma_wait3A_95 : memref<1x128xi32, #tpu.memory_space<vmem>> -> memref<128xi32, #tpu.memory_space<vmem>>
      %dma_wait3A_97 = arith.constant 0 : i32
      %dma_wait3A_98 = arith.constant 0 : i32
      %dma_wait3A_99 = tpu.memref_slice %arg26[%dma_wait3A_97, %dma_wait3A_98] : memref<640x16xf32, #tpu.memory_space<vmem_shared>> -> memref<640x16xf32, #tpu.memory_space<vmem_shared>>
      tpu.wait_indirect_dma semaphore(%run_scoped3A_83 : memref<!tpu.dma_semaphore, #tpu.memory_space<semaphore_mem>>) src(%dma_wait3A_93 : memref<128x16xf32, #tpu.memory_space<vmem>>) dst(%dma_wait3A_99 : memref<640x16xf32, #tpu.memory_space<vmem_shared>>)
      tpu.yield
    }) : () -> ()
    %run_scoped3A_75 = arith.constant 4 : i32
    "tpu.region"() ({
      %run_scoped3A_83 = tpu.sem_alloc : memref<!tpu.dma_semaphore, #tpu.memory_space<semaphore_mem>>
      %dma_start3A = arith.constant 512 : i32
      %dma_start3A_84 = arith.constant 0 : i32
      %dma_start3A_85 = tpu.memref_slice %arg18[%dma_start3A, %dma_start3A_84] : memref<640x16xf32, #tpu.memory_space<vmem>> -> memref<128x16xf32, #tpu.memory_space<vmem>>
      %dma_start3A_86 = arith.constant 0 : i32
      %dma_start3A_87 = tpu.memref_slice %arg25[%run_scoped3A_75, %dma_start3A_86] : memref<5x128xi32, #tpu.memory_space<vmem>> -> memref<1x128xi32, #tpu.memory_space<vmem>>
      %dma_start3A_88 = tpu.memref_squeeze %dma_start3A_87 : memref<1x128xi32, #tpu.memory_space<vmem>> -> memref<128xi32, #tpu.memory_space<vmem>>
      %dma_start3A_89 = arith.constant 0 : i32
      %dma_start3A_90 = arith.constant 0 : i32
      %dma_start3A_91 = tpu.memref_slice %arg27[%dma_start3A_89, %dma_start3A_90] : memref<640x16xf32, #tpu.memory_space<vmem_shared>> -> memref<640x16xf32, #tpu.memory_space<vmem_shared>>
      tpu.enqueue_indirect_dma source(%dma_start3A_85 : memref<128x16xf32, #tpu.memory_space<vmem>>) target(%dma_start3A_91 : memref<640x16xf32, #tpu.memory_space<vmem_shared>>) offsets(%dma_start3A_88 : memref<128xi32, #tpu.memory_space<vmem>>) semaphore(%run_scoped3A_83 : memref<!tpu.dma_semaphore, #tpu.memory_space<semaphore_mem>>) {add = true}
      %dma_wait3A = arith.constant 512 : i32
      %dma_wait3A_92 = arith.constant 0 : i32
      %dma_wait3A_93 = tpu.memref_slice %arg18[%dma_wait3A, %dma_wait3A_92] : memref<640x16xf32, #tpu.memory_space<vmem>> -> memref<128x16xf32, #tpu.memory_space<vmem>>
      %dma_wait3A_94 = arith.constant 0 : i32
      %dma_wait3A_95 = tpu.memref_slice %arg25[%run_scoped3A_75, %dma_wait3A_94] : memref<5x128xi32, #tpu.memory_space<vmem>> -> memref<1x128xi32, #tpu.memory_space<vmem>>
      %dma_wait3A_96 = tpu.memref_squeeze %dma_wait3A_95 : memref<1x128xi32, #tpu.memory_space<vmem>> -> memref<128xi32, #tpu.memory_space<vmem>>
      %dma_wait3A_97 = arith.constant 0 : i32
      %dma_wait3A_98 = arith.constant 0 : i32
      %dma_wait3A_99 = tpu.memref_slice %arg27[%dma_wait3A_97, %dma_wait3A_98] : memref<640x16xf32, #tpu.memory_space<vmem_shared>> -> memref<640x16xf32, #tpu.memory_space<vmem_shared>>
      tpu.wait_indirect_dma semaphore(%run_scoped3A_83 : memref<!tpu.dma_semaphore, #tpu.memory_space<semaphore_mem>>) src(%dma_wait3A_93 : memref<128x16xf32, #tpu.memory_space<vmem>>) dst(%dma_wait3A_99 : memref<640x16xf32, #tpu.memory_space<vmem_shared>>)
      tpu.yield
    }) : () -> ()
    %run_scoped3A_76 = arith.constant 4 : i32
    "tpu.region"() ({
      %run_scoped3A_83 = tpu.sem_alloc : memref<!tpu.dma_semaphore, #tpu.memory_space<semaphore_mem>>
      %dma_start3A = arith.constant 512 : i32
      %dma_start3A_84 = arith.constant 0 : i32
      %dma_start3A_85 = tpu.memref_slice %arg19[%dma_start3A, %dma_start3A_84] : memref<640x16xi32, #tpu.memory_space<vmem>> -> memref<128x16xi32, #tpu.memory_space<vmem>>
      %dma_start3A_86 = arith.constant 0 : i32
      %dma_start3A_87 = tpu.memref_slice %arg25[%run_scoped3A_76, %dma_start3A_86] : memref<5x128xi32, #tpu.memory_space<vmem>> -> memref<1x128xi32, #tpu.memory_space<vmem>>
      %dma_start3A_88 = tpu.memref_squeeze %dma_start3A_87 : memref<1x128xi32, #tpu.memory_space<vmem>> -> memref<128xi32, #tpu.memory_space<vmem>>
      %dma_start3A_89 = arith.constant 0 : i32
      %dma_start3A_90 = arith.constant 0 : i32
      %dma_start3A_91 = tpu.memref_slice %arg28[%dma_start3A_89, %dma_start3A_90] : memref<640x16xi32, #tpu.memory_space<vmem_shared>> -> memref<640x16xi32, #tpu.memory_space<vmem_shared>>
      tpu.enqueue_indirect_dma source(%dma_start3A_85 : memref<128x16xi32, #tpu.memory_space<vmem>>) target(%dma_start3A_91 : memref<640x16xi32, #tpu.memory_space<vmem_shared>>) offsets(%dma_start3A_88 : memref<128xi32, #tpu.memory_space<vmem>>) semaphore(%run_scoped3A_83 : memref<!tpu.dma_semaphore, #tpu.memory_space<semaphore_mem>>) {add = true}
      %dma_wait3A = arith.constant 512 : i32
      %dma_wait3A_92 = arith.constant 0 : i32
      %dma_wait3A_93 = tpu.memref_slice %arg19[%dma_wait3A, %dma_wait3A_92] : memref<640x16xi32, #tpu.memory_space<vmem>> -> memref<128x16xi32, #tpu.memory_space<vmem>>
      %dma_wait3A_94 = arith.constant 0 : i32
      %dma_wait3A_95 = tpu.memref_slice %arg25[%run_scoped3A_76, %dma_wait3A_94] : memref<5x128xi32, #tpu.memory_space<vmem>> -> memref<1x128xi32, #tpu.memory_space<vmem>>
      %dma_wait3A_96 = tpu.memref_squeeze %dma_wait3A_95 : memref<1x128xi32, #tpu.memory_space<vmem>> -> memref<128xi32, #tpu.memory_space<vmem>>
      %dma_wait3A_97 = arith.constant 0 : i32
      %dma_wait3A_98 = arith.constant 0 : i32
      %dma_wait3A_99 = tpu.memref_slice %arg28[%dma_wait3A_97, %dma_wait3A_98] : memref<640x16xi32, #tpu.memory_space<vmem_shared>> -> memref<640x16xi32, #tpu.memory_space<vmem_shared>>
      tpu.wait_indirect_dma semaphore(%run_scoped3A_83 : memref<!tpu.dma_semaphore, #tpu.memory_space<semaphore_mem>>) src(%dma_wait3A_93 : memref<128x16xi32, #tpu.memory_space<vmem>>) dst(%dma_wait3A_99 : memref<640x16xi32, #tpu.memory_space<vmem_shared>>)
      tpu.yield
    }) : () -> ()
    %barrier3A_77 = arith.constant 0 : index
    tpu.barrier barrier_id(%barrier3A_77)
    %eq3A_78 = arith.constant 0 : i32
    %eq3A_79 = arith.cmpi eq, %arg1, %eq3A_78 : i32
    %convert_element_type3A_80 = arith.extui %eq3A_79 : i1 to i32
    %cond3A_81 = arith.constant 0 : i32
    %cond3A_82 = arith.cmpi ne, %convert_element_type3A_80, %cond3A_81 : i32
    scf.if %cond3A_82 {
      "tpu.region"() ({
        %run_scoped3A_83 = tpu.sem_alloc : memref<!tpu.dma_semaphore, #tpu.memory_space<semaphore_mem>>
        %dma_start3A = arith.constant 0 : i32
        %dma_start3A_84 = arith.constant 0 : i32
        %dma_start3A_85 = tpu.memref_slice %arg11[%arg0, %dma_start3A, %dma_start3A_84] : memref<2x640x16xf32, #tpu.memory_space<hbm>> -> memref<1x640x16xf32, #tpu.memory_space<hbm>>
        %dma_start3A_86 = tpu.memref_squeeze %dma_start3A_85 : memref<1x640x16xf32, #tpu.memory_space<hbm>> -> memref<640x16xf32, #tpu.memory_space<hbm>>
        tpu.enqueue_dma source(%arg26 : memref<640x16xf32, #tpu.memory_space<vmem_shared>>) target(%dma_start3A_86 : memref<640x16xf32, #tpu.memory_space<hbm>>) target_semaphore(%run_scoped3A_83 : memref<!tpu.dma_semaphore, #tpu.memory_space<semaphore_mem>>)
        %dma_wait3A = arith.constant 0 : i32
        %dma_wait3A_87 = arith.constant 0 : i32
        %dma_wait3A_88 = tpu.memref_slice %arg11[%arg0, %dma_wait3A, %dma_wait3A_87] : memref<2x640x16xf32, #tpu.memory_space<hbm>> -> memref<1x640x16xf32, #tpu.memory_space<hbm>>
        %dma_wait3A_89 = tpu.memref_squeeze %dma_wait3A_88 : memref<1x640x16xf32, #tpu.memory_space<hbm>> -> memref<640x16xf32, #tpu.memory_space<hbm>>
        tpu.wait_dma2 semaphore(%run_scoped3A_83 : memref<!tpu.dma_semaphore, #tpu.memory_space<semaphore_mem>>) src(%arg26 : memref<640x16xf32, #tpu.memory_space<vmem_shared>>) dst(%dma_wait3A_89 : memref<640x16xf32, #tpu.memory_space<hbm>>)
        tpu.yield
      }) : () -> ()
      "tpu.region"() ({
        %run_scoped3A_83 = tpu.sem_alloc : memref<!tpu.dma_semaphore, #tpu.memory_space<semaphore_mem>>
        %dma_start3A = arith.constant 0 : i32
        %dma_start3A_84 = arith.constant 0 : i32
        %dma_start3A_85 = tpu.memref_slice %arg12[%arg0, %dma_start3A, %dma_start3A_84] : memref<2x640x16xf32, #tpu.memory_space<hbm>> -> memref<1x640x16xf32, #tpu.memory_space<hbm>>
        %dma_start3A_86 = tpu.memref_squeeze %dma_start3A_85 : memref<1x640x16xf32, #tpu.memory_space<hbm>> -> memref<640x16xf32, #tpu.memory_space<hbm>>
        tpu.enqueue_dma source(%arg27 : memref<640x16xf32, #tpu.memory_space<vmem_shared>>) target(%dma_start3A_86 : memref<640x16xf32, #tpu.memory_space<hbm>>) target_semaphore(%run_scoped3A_83 : memref<!tpu.dma_semaphore, #tpu.memory_space<semaphore_mem>>)
        %dma_wait3A = arith.constant 0 : i32
        %dma_wait3A_87 = arith.constant 0 : i32
        %dma_wait3A_88 = tpu.memref_slice %arg12[%arg0, %dma_wait3A, %dma_wait3A_87] : memref<2x640x16xf32, #tpu.memory_space<hbm>> -> memref<1x640x16xf32, #tpu.memory_space<hbm>>
        %dma_wait3A_89 = tpu.memref_squeeze %dma_wait3A_88 : memref<1x640x16xf32, #tpu.memory_space<hbm>> -> memref<640x16xf32, #tpu.memory_space<hbm>>
        tpu.wait_dma2 semaphore(%run_scoped3A_83 : memref<!tpu.dma_semaphore, #tpu.memory_space<semaphore_mem>>) src(%arg27 : memref<640x16xf32, #tpu.memory_space<vmem_shared>>) dst(%dma_wait3A_89 : memref<640x16xf32, #tpu.memory_space<hbm>>)
        tpu.yield
      }) : () -> ()
      "tpu.region"() ({
        %run_scoped3A_83 = tpu.sem_alloc : memref<!tpu.dma_semaphore, #tpu.memory_space<semaphore_mem>>
        %dma_start3A = arith.constant 0 : i32
        %dma_start3A_84 = arith.constant 0 : i32
        %dma_start3A_85 = tpu.memref_slice %arg13[%arg0, %dma_start3A, %dma_start3A_84] : memref<2x640x16xi32, #tpu.memory_space<hbm>> -> memref<1x640x16xi32, #tpu.memory_space<hbm>>
        %dma_start3A_86 = tpu.memref_squeeze %dma_start3A_85 : memref<1x640x16xi32, #tpu.memory_space<hbm>> -> memref<640x16xi32, #tpu.memory_space<hbm>>
        tpu.enqueue_dma source(%arg28 : memref<640x16xi32, #tpu.memory_space<vmem_shared>>) target(%dma_start3A_86 : memref<640x16xi32, #tpu.memory_space<hbm>>) target_semaphore(%run_scoped3A_83 : memref<!tpu.dma_semaphore, #tpu.memory_space<semaphore_mem>>)
        %dma_wait3A = arith.constant 0 : i32
        %dma_wait3A_87 = arith.constant 0 : i32
        %dma_wait3A_88 = tpu.memref_slice %arg13[%arg0, %dma_wait3A, %dma_wait3A_87] : memref<2x640x16xi32, #tpu.memory_space<hbm>> -> memref<1x640x16xi32, #tpu.memory_space<hbm>>
        %dma_wait3A_89 = tpu.memref_squeeze %dma_wait3A_88 : memref<1x640x16xi32, #tpu.memory_space<hbm>> -> memref<640x16xi32, #tpu.memory_space<hbm>>
        tpu.wait_dma2 semaphore(%run_scoped3A_83 : memref<!tpu.dma_semaphore, #tpu.memory_space<semaphore_mem>>) src(%arg28 : memref<640x16xi32, #tpu.memory_space<vmem_shared>>) dst(%dma_wait3A_89 : memref<640x16xi32, #tpu.memory_space<hbm>>)
        tpu.yield
      }) : () -> ()
    } else {
    }
    return
  }
}

#map = affine_map<(d0, d1) -> (0)>
module attributes {stable_mosaic.version = 14 : i64} {
  func.func @_sc_merge_body(%arg0: i32, %arg1: i32, %arg2: memref<10240xf32, #tpu.memory_space<hbm>>, %arg3: memref<10240xf32, #tpu.memory_space<hbm>>, %arg4: memref<10240xf32, #tpu.memory_space<hbm>>, %arg5: memref<10240xf32, #tpu.memory_space<hbm>>, %arg6: memref<10240xi32, #tpu.memory_space<hbm>>, %arg7: memref<10240xi32, #tpu.memory_space<hbm>>, %arg8: memref<10240xf32, #tpu.memory_space<hbm>>, %arg9: memref<10240xf32, #tpu.memory_space<hbm>>, %arg10: memref<10240xi32, #tpu.memory_space<hbm>>, %arg11: memref<10240xi32, #tpu.memory_space<vmem>>, %arg12: memref<10240xi32, #tpu.memory_space<vmem>>, %arg13: memref<10240xi32, #tpu.memory_space<vmem>>, %arg14: memref<1280xf32, #tpu.memory_space<vmem>>, %arg15: memref<1280xf32, #tpu.memory_space<vmem>>) attributes {dimension_semantics = [#tpu.dimension_semantics<core_parallel>, #tpu.dimension_semantics<subcore_parallel>], iteration_bounds = array<i64: 2, 16>, scalar_prefetch = 0 : i64, scratch_operands = 5 : i64, tpu.core_type = #tpu.core_type<sc_vector_subcore>, window_params = [{transform_indices = #map}, {transform_indices = #map}, {transform_indices = #map}, {transform_indices = #map}, {transform_indices = #map}, {transform_indices = #map}, {transform_indices = #map}, {transform_indices = #map}, {transform_indices = #map}]} {
    %mul3A = arith.constant 16 : i32
    %mul3A_0 = arith.muli %arg0, %mul3A : i32
    %add3A = arith.addi %mul3A_0, %arg1 : i32
    %eq3A = arith.constant 0 : i32
    %eq3A_1 = arith.cmpi eq, %add3A, %eq3A : i32
    %convert_element_type3A = arith.extui %eq3A_1 : i1 to i32
    %cond3A = arith.constant 0 : i32
    %cond3A_2 = arith.cmpi ne, %convert_element_type3A, %cond3A : i32
    scf.if %cond3A_2 {
      "tpu.region"() ({
        %run_scoped3A = tpu.sem_alloc : memref<!tpu.dma_semaphore, #tpu.memory_space<semaphore_mem>>
        tpu.enqueue_dma source(%arg6 : memref<10240xi32, #tpu.memory_space<hbm>>) target(%arg11 : memref<10240xi32, #tpu.memory_space<vmem>>) target_semaphore(%run_scoped3A : memref<!tpu.dma_semaphore, #tpu.memory_space<semaphore_mem>>)
        tpu.wait_dma2 semaphore(%run_scoped3A : memref<!tpu.dma_semaphore, #tpu.memory_space<semaphore_mem>>) src(%arg6 : memref<10240xi32, #tpu.memory_space<hbm>>) dst(%arg11 : memref<10240xi32, #tpu.memory_space<vmem>>)
        tpu.yield
      }) : () -> ()
      "tpu.region"() ({
        %run_scoped3A = tpu.sem_alloc : memref<!tpu.dma_semaphore, #tpu.memory_space<semaphore_mem>>
        tpu.enqueue_dma source(%arg7 : memref<10240xi32, #tpu.memory_space<hbm>>) target(%arg12 : memref<10240xi32, #tpu.memory_space<vmem>>) target_semaphore(%run_scoped3A : memref<!tpu.dma_semaphore, #tpu.memory_space<semaphore_mem>>)
        tpu.wait_dma2 semaphore(%run_scoped3A : memref<!tpu.dma_semaphore, #tpu.memory_space<semaphore_mem>>) src(%arg7 : memref<10240xi32, #tpu.memory_space<hbm>>) dst(%arg12 : memref<10240xi32, #tpu.memory_space<vmem>>)
        tpu.yield
      }) : () -> ()
      %scan3A = arith.constant 0 : i32
      %scan3A_16 = arith.constant 0 : i32
      %scan3A_17 = arith.constant 640 : i32
      %scan3A_18 = arith.addi %scan3A_16, %scan3A_17 : i32
      %scan3A_19 = arith.constant 1 : i32
      %scan3A_20 = scf.for %scan3A_22 = %scan3A_16 to %scan3A_18 step %scan3A_19 iter_args(%scan3A_23 = %scan3A) -> (i32)  : i32 {
        %mul3A_24 = arith.constant 16 : i32
        %mul3A_25 = arith.muli %scan3A_22, %mul3A_24 : i32
        %multiple_of3A = tpu.assume_multiple %mul3A_25, 16 : i32
        %get3A = arith.index_cast %multiple_of3A : i32 to index
        %get3A_26 = tpu.vector_load %arg11[%get3A] {strides = array<i32>} : memref<10240xi32, #tpu.memory_space<vmem>>, vector<16xi32>,
        %get3A_27 = arith.index_cast %multiple_of3A : i32 to index
        %get3A_28 = tpu.vector_load %arg12[%get3A_27] {strides = array<i32>} : memref<10240xi32, #tpu.memory_space<vmem>>, vector<16xi32>,
        %add3A_29 = arith.addi %get3A_26, %get3A_28 : vector<16xi32>
        %broadcast_in_dim3A = arith.constant true
        %broadcast_in_dim3A_30 = vector.broadcast %broadcast_in_dim3A : i1 to vector<16xi1>
        %masked_cumsum3A = tpu.scan <sum>, %add3A_29 masked %broadcast_in_dim3A_30 : vector<16xi32>, vector<16xi1> -> vector<16xi32>
        %add3A_31 = vector.broadcast %scan3A_23 : i32 to vector<16xi32>
        %add3A_32 = arith.addi %add3A_31, %masked_cumsum3A : vector<16xi32>
        %sub3A = arith.subi %add3A_32, %add3A_29 : vector<16xi32>
        %swap3A = arith.index_cast %multiple_of3A : i32 to index
        %swap3A_33 = tpu.vector_load %arg13[%swap3A] {strides = array<i32>} : memref<10240xi32, #tpu.memory_space<vmem>>, vector<16xi32>,
        tpu.vector_store %arg13[%swap3A], %sub3A {strides = array<i32>} : memref<10240xi32, #tpu.memory_space<vmem>>, vector<16xi32>,
        %slice3A = vector.extract_strided_slice %masked_cumsum3A {offsets = [15], sizes = [1], strides = [1]} : vector<16xi32> to vector<1xi32>
        %squeeze3A = vector.extract %slice3A[0] : i32 from vector<1xi32>
        %add3A_34 = arith.addi %scan3A_23, %squeeze3A : i32
        scf.yield %add3A_34 : i32
      }
      %scan3A_21 = arith.constant 640 : i32
      "tpu.region"() ({
        %run_scoped3A = tpu.sem_alloc : memref<!tpu.dma_semaphore, #tpu.memory_space<semaphore_mem>>
        tpu.enqueue_dma source(%arg13 : memref<10240xi32, #tpu.memory_space<vmem>>) target(%arg10 : memref<10240xi32, #tpu.memory_space<hbm>>) target_semaphore(%run_scoped3A : memref<!tpu.dma_semaphore, #tpu.memory_space<semaphore_mem>>)
        tpu.wait_dma2 semaphore(%run_scoped3A : memref<!tpu.dma_semaphore, #tpu.memory_space<semaphore_mem>>) src(%arg13 : memref<10240xi32, #tpu.memory_space<vmem>>) dst(%arg10 : memref<10240xi32, #tpu.memory_space<hbm>>)
        tpu.yield
      }) : () -> ()
    } else {
    }
    %ge3A = arith.constant 1 : i32
    %ge3A_3 = arith.cmpi sge, %add3A, %ge3A : i32
    %le3A = arith.constant 8 : i32
    %le3A_4 = arith.cmpi sle, %add3A, %le3A : i32
    %and3A = arith.andi %ge3A_3, %le3A_4 : i1
    %convert_element_type3A_5 = arith.extui %and3A : i1 to i32
    %cond3A_6 = arith.constant 0 : i32
    %cond3A_7 = arith.cmpi ne, %convert_element_type3A_5, %cond3A_6 : i32
    scf.if %cond3A_7 {
      %sub3A = arith.constant 1 : i32
      %sub3A_16 = arith.subi %add3A, %sub3A : i32
      %mul3A_17 = arith.constant 1280 : i32
      %mul3A_18 = arith.muli %sub3A_16, %mul3A_17 : i32
      %multiple_of3A = tpu.assume_multiple %mul3A_18, 8 : i32
      "tpu.region"() ({
        %run_scoped3A = tpu.sem_alloc : memref<!tpu.dma_semaphore, #tpu.memory_space<semaphore_mem>>
        %dma_start3A = tpu.memref_slice %arg2[%multiple_of3A] : memref<10240xf32, #tpu.memory_space<hbm>> -> memref<1280xf32, #tpu.memory_space<hbm>>
        %dma_start3A_24 = tpu.memref_slice %arg2[%multiple_of3A] : memref<10240xf32, #tpu.memory_space<hbm>> -> memref<1280xf32, #tpu.memory_space<hbm>>
        tpu.enqueue_dma source(%dma_start3A_24 : memref<1280xf32, #tpu.memory_space<hbm>>) target(%arg14 : memref<1280xf32, #tpu.memory_space<vmem>>) target_semaphore(%run_scoped3A : memref<!tpu.dma_semaphore, #tpu.memory_space<semaphore_mem>>)
        %dma_wait3A = tpu.memref_slice %arg2[%multiple_of3A] : memref<10240xf32, #tpu.memory_space<hbm>> -> memref<1280xf32, #tpu.memory_space<hbm>>
        %dma_wait3A_25 = tpu.memref_slice %arg2[%multiple_of3A] : memref<10240xf32, #tpu.memory_space<hbm>> -> memref<1280xf32, #tpu.memory_space<hbm>>
        tpu.wait_dma2 semaphore(%run_scoped3A : memref<!tpu.dma_semaphore, #tpu.memory_space<semaphore_mem>>) src(%dma_wait3A_25 : memref<1280xf32, #tpu.memory_space<hbm>>) dst(%arg14 : memref<1280xf32, #tpu.memory_space<vmem>>)
        tpu.yield
      }) : () -> ()
      "tpu.region"() ({
        %run_scoped3A = tpu.sem_alloc : memref<!tpu.dma_semaphore, #tpu.memory_space<semaphore_mem>>
        %dma_start3A = tpu.memref_slice %arg3[%multiple_of3A] : memref<10240xf32, #tpu.memory_space<hbm>> -> memref<1280xf32, #tpu.memory_space<hbm>>
        %dma_start3A_24 = tpu.memref_slice %arg3[%multiple_of3A] : memref<10240xf32, #tpu.memory_space<hbm>> -> memref<1280xf32, #tpu.memory_space<hbm>>
        tpu.enqueue_dma source(%dma_start3A_24 : memref<1280xf32, #tpu.memory_space<hbm>>) target(%arg15 : memref<1280xf32, #tpu.memory_space<vmem>>) target_semaphore(%run_scoped3A : memref<!tpu.dma_semaphore, #tpu.memory_space<semaphore_mem>>)
        %dma_wait3A = tpu.memref_slice %arg3[%multiple_of3A] : memref<10240xf32, #tpu.memory_space<hbm>> -> memref<1280xf32, #tpu.memory_space<hbm>>
        %dma_wait3A_25 = tpu.memref_slice %arg3[%multiple_of3A] : memref<10240xf32, #tpu.memory_space<hbm>> -> memref<1280xf32, #tpu.memory_space<hbm>>
        tpu.wait_dma2 semaphore(%run_scoped3A : memref<!tpu.dma_semaphore, #tpu.memory_space<semaphore_mem>>) src(%dma_wait3A_25 : memref<1280xf32, #tpu.memory_space<hbm>>) dst(%arg15 : memref<1280xf32, #tpu.memory_space<vmem>>)
        tpu.yield
      }) : () -> ()
      %scan3A = arith.constant 0 : i32
      %scan3A_19 = arith.constant 0 : i32
      %scan3A_20 = arith.constant 80 : i32
      %scan3A_21 = arith.addi %scan3A_19, %scan3A_20 : i32
      %scan3A_22 = arith.constant 1 : i32
      scf.for %scan3A_24 = %scan3A_19 to %scan3A_21 step %scan3A_22  : i32 {
        %mul3A_25 = arith.constant 16 : i32
        %mul3A_26 = arith.muli %scan3A_24, %mul3A_25 : i32
        %multiple_of3A_27 = tpu.assume_multiple %mul3A_26, 16 : i32
        %get3A = arith.index_cast %multiple_of3A_27 : i32 to index
        %get3A_28 = tpu.vector_load %arg14[%get3A] {strides = array<i32>} : memref<1280xf32, #tpu.memory_space<vmem>>, vector<16xf32>,
        %get3A_29 = arith.index_cast %multiple_of3A_27 : i32 to index
        %get3A_30 = tpu.vector_load %arg15[%get3A_29] {strides = array<i32>} : memref<1280xf32, #tpu.memory_space<vmem>>, vector<16xf32>,
        %add3A_31 = arith.addf %get3A_28, %get3A_30 : vector<16xf32>
        %swap3A = arith.index_cast %multiple_of3A_27 : i32 to index
        %swap3A_32 = tpu.vector_load %arg14[%swap3A] {strides = array<i32>} : memref<1280xf32, #tpu.memory_space<vmem>>, vector<16xf32>,
        tpu.vector_store %arg14[%swap3A], %add3A_31 {strides = array<i32>} : memref<1280xf32, #tpu.memory_space<vmem>>, vector<16xf32>,
      }
      %scan3A_23 = arith.constant 80 : i32
      "tpu.region"() ({
        %run_scoped3A = tpu.sem_alloc : memref<!tpu.dma_semaphore, #tpu.memory_space<semaphore_mem>>
        %dma_start3A = tpu.memref_slice %arg8[%multiple_of3A] : memref<10240xf32, #tpu.memory_space<hbm>> -> memref<1280xf32, #tpu.memory_space<hbm>>
        %dma_start3A_24 = tpu.memref_slice %arg8[%multiple_of3A] : memref<10240xf32, #tpu.memory_space<hbm>> -> memref<1280xf32, #tpu.memory_space<hbm>>
        tpu.enqueue_dma source(%arg14 : memref<1280xf32, #tpu.memory_space<vmem>>) target(%dma_start3A_24 : memref<1280xf32, #tpu.memory_space<hbm>>) target_semaphore(%run_scoped3A : memref<!tpu.dma_semaphore, #tpu.memory_space<semaphore_mem>>)
        %dma_wait3A = tpu.memref_slice %arg8[%multiple_of3A] : memref<10240xf32, #tpu.memory_space<hbm>> -> memref<1280xf32, #tpu.memory_space<hbm>>
        %dma_wait3A_25 = tpu.memref_slice %arg8[%multiple_of3A] : memref<10240xf32, #tpu.memory_space<hbm>> -> memref<1280xf32, #tpu.memory_space<hbm>>
        tpu.wait_dma2 semaphore(%run_scoped3A : memref<!tpu.dma_semaphore, #tpu.memory_space<semaphore_mem>>) src(%arg14 : memref<1280xf32, #tpu.memory_space<vmem>>) dst(%dma_wait3A_25 : memref<1280xf32, #tpu.memory_space<hbm>>)
        tpu.yield
      }) : () -> ()
    } else {
    }
    %ge3A_8 = arith.constant 9 : i32
    %ge3A_9 = arith.cmpi sge, %add3A, %ge3A_8 : i32
    %le3A_10 = arith.constant 16 : i32
    %le3A_11 = arith.cmpi sle, %add3A, %le3A_10 : i32
    %and3A_12 = arith.andi %ge3A_9, %le3A_11 : i1
    %convert_element_type3A_13 = arith.extui %and3A_12 : i1 to i32
    %cond3A_14 = arith.constant 0 : i32
    %cond3A_15 = arith.cmpi ne, %convert_element_type3A_13, %cond3A_14 : i32
    scf.if %cond3A_15 {
      %sub3A = arith.constant 9 : i32
      %sub3A_16 = arith.subi %add3A, %sub3A : i32
      %mul3A_17 = arith.constant 1280 : i32
      %mul3A_18 = arith.muli %sub3A_16, %mul3A_17 : i32
      %multiple_of3A = tpu.assume_multiple %mul3A_18, 8 : i32
      "tpu.region"() ({
        %run_scoped3A = tpu.sem_alloc : memref<!tpu.dma_semaphore, #tpu.memory_space<semaphore_mem>>
        %dma_start3A = tpu.memref_slice %arg4[%multiple_of3A] : memref<10240xf32, #tpu.memory_space<hbm>> -> memref<1280xf32, #tpu.memory_space<hbm>>
        %dma_start3A_24 = tpu.memref_slice %arg4[%multiple_of3A] : memref<10240xf32, #tpu.memory_space<hbm>> -> memref<1280xf32, #tpu.memory_space<hbm>>
        tpu.enqueue_dma source(%dma_start3A_24 : memref<1280xf32, #tpu.memory_space<hbm>>) target(%arg14 : memref<1280xf32, #tpu.memory_space<vmem>>) target_semaphore(%run_scoped3A : memref<!tpu.dma_semaphore, #tpu.memory_space<semaphore_mem>>)
        %dma_wait3A = tpu.memref_slice %arg4[%multiple_of3A] : memref<10240xf32, #tpu.memory_space<hbm>> -> memref<1280xf32, #tpu.memory_space<hbm>>
        %dma_wait3A_25 = tpu.memref_slice %arg4[%multiple_of3A] : memref<10240xf32, #tpu.memory_space<hbm>> -> memref<1280xf32, #tpu.memory_space<hbm>>
        tpu.wait_dma2 semaphore(%run_scoped3A : memref<!tpu.dma_semaphore, #tpu.memory_space<semaphore_mem>>) src(%dma_wait3A_25 : memref<1280xf32, #tpu.memory_space<hbm>>) dst(%arg14 : memref<1280xf32, #tpu.memory_space<vmem>>)
        tpu.yield
      }) : () -> ()
      "tpu.region"() ({
        %run_scoped3A = tpu.sem_alloc : memref<!tpu.dma_semaphore, #tpu.memory_space<semaphore_mem>>
        %dma_start3A = tpu.memref_slice %arg5[%multiple_of3A] : memref<10240xf32, #tpu.memory_space<hbm>> -> memref<1280xf32, #tpu.memory_space<hbm>>
        %dma_start3A_24 = tpu.memref_slice %arg5[%multiple_of3A] : memref<10240xf32, #tpu.memory_space<hbm>> -> memref<1280xf32, #tpu.memory_space<hbm>>
        tpu.enqueue_dma source(%dma_start3A_24 : memref<1280xf32, #tpu.memory_space<hbm>>) target(%arg15 : memref<1280xf32, #tpu.memory_space<vmem>>) target_semaphore(%run_scoped3A : memref<!tpu.dma_semaphore, #tpu.memory_space<semaphore_mem>>)
        %dma_wait3A = tpu.memref_slice %arg5[%multiple_of3A] : memref<10240xf32, #tpu.memory_space<hbm>> -> memref<1280xf32, #tpu.memory_space<hbm>>
        %dma_wait3A_25 = tpu.memref_slice %arg5[%multiple_of3A] : memref<10240xf32, #tpu.memory_space<hbm>> -> memref<1280xf32, #tpu.memory_space<hbm>>
        tpu.wait_dma2 semaphore(%run_scoped3A : memref<!tpu.dma_semaphore, #tpu.memory_space<semaphore_mem>>) src(%dma_wait3A_25 : memref<1280xf32, #tpu.memory_space<hbm>>) dst(%arg15 : memref<1280xf32, #tpu.memory_space<vmem>>)
        tpu.yield
      }) : () -> ()
      %scan3A = arith.constant 0 : i32
      %scan3A_19 = arith.constant 0 : i32
      %scan3A_20 = arith.constant 80 : i32
      %scan3A_21 = arith.addi %scan3A_19, %scan3A_20 : i32
      %scan3A_22 = arith.constant 1 : i32
      scf.for %scan3A_24 = %scan3A_19 to %scan3A_21 step %scan3A_22  : i32 {
        %mul3A_25 = arith.constant 16 : i32
        %mul3A_26 = arith.muli %scan3A_24, %mul3A_25 : i32
        %multiple_of3A_27 = tpu.assume_multiple %mul3A_26, 16 : i32
        %get3A = arith.index_cast %multiple_of3A_27 : i32 to index
        %get3A_28 = tpu.vector_load %arg14[%get3A] {strides = array<i32>} : memref<1280xf32, #tpu.memory_space<vmem>>, vector<16xf32>,
        %get3A_29 = arith.index_cast %multiple_of3A_27 : i32 to index
        %get3A_30 = tpu.vector_load %arg15[%get3A_29] {strides = array<i32>} : memref<1280xf32, #tpu.memory_space<vmem>>, vector<16xf32>,
        %add3A_31 = arith.addf %get3A_28, %get3A_30 : vector<16xf32>
        %swap3A = arith.index_cast %multiple_of3A_27 : i32 to index
        %swap3A_32 = tpu.vector_load %arg14[%swap3A] {strides = array<i32>} : memref<1280xf32, #tpu.memory_space<vmem>>, vector<16xf32>,
        tpu.vector_store %arg14[%swap3A], %add3A_31 {strides = array<i32>} : memref<1280xf32, #tpu.memory_space<vmem>>, vector<16xf32>,
      }
      %scan3A_23 = arith.constant 80 : i32
      "tpu.region"() ({
        %run_scoped3A = tpu.sem_alloc : memref<!tpu.dma_semaphore, #tpu.memory_space<semaphore_mem>>
        %dma_start3A = tpu.memref_slice %arg9[%multiple_of3A] : memref<10240xf32, #tpu.memory_space<hbm>> -> memref<1280xf32, #tpu.memory_space<hbm>>
        %dma_start3A_24 = tpu.memref_slice %arg9[%multiple_of3A] : memref<10240xf32, #tpu.memory_space<hbm>> -> memref<1280xf32, #tpu.memory_space<hbm>>
        tpu.enqueue_dma source(%arg14 : memref<1280xf32, #tpu.memory_space<vmem>>) target(%dma_start3A_24 : memref<1280xf32, #tpu.memory_space<hbm>>) target_semaphore(%run_scoped3A : memref<!tpu.dma_semaphore, #tpu.memory_space<semaphore_mem>>)
        %dma_wait3A = tpu.memref_slice %arg9[%multiple_of3A] : memref<10240xf32, #tpu.memory_space<hbm>> -> memref<1280xf32, #tpu.memory_space<hbm>>
        %dma_wait3A_25 = tpu.memref_slice %arg9[%multiple_of3A] : memref<10240xf32, #tpu.memory_space<hbm>> -> memref<1280xf32, #tpu.memory_space<hbm>>
        tpu.wait_dma2 semaphore(%run_scoped3A : memref<!tpu.dma_semaphore, #tpu.memory_space<semaphore_mem>>) src(%arg14 : memref<1280xf32, #tpu.memory_space<vmem>>) dst(%dma_wait3A_25 : memref<1280xf32, #tpu.memory_space<hbm>>)
        tpu.yield
      }) : () -> ()
    } else {
    }
    return
  }
}

#map = affine_map<(d0, d1) -> (0, 0)>
#map1 = affine_map<(d0, d1) -> (0)>
#map2 = affine_map<(d0, d1) -> (0, 0, 0)>
module attributes {stable_mosaic.version = 14 : i64} {
  func.func @_sc_aggr_body(%arg0: i32, %arg1: i32, %arg2: memref<2528x128xi32, #tpu.memory_space<hbm>>, %arg3: memref<2528x128xi32, #tpu.memory_space<hbm>>, %arg4: memref<323584xf32, #tpu.memory_space<hbm>>, %arg5: memref<10000x64xf32, #tpu.memory_space<hbm>>, %arg6: memref<2x10000x64xf32, #tpu.memory_space<hbm>>, %arg7: memref<79x128xi32, #tpu.memory_space<vmem>>, %arg8: memref<79x128xi32, #tpu.memory_space<vmem>>, %arg9: memref<10128xf32, #tpu.memory_space<vmem>>, %arg10: memref<2x128x64xf32, #tpu.memory_space<vmem>>, %arg11: memref<2x128x64xf32, #tpu.memory_space<vmem>>, %arg12: memref<10000x64xf32, #tpu.memory_space<vmem_shared>>) attributes {dimension_semantics = [#tpu.dimension_semantics<core_parallel>, #tpu.dimension_semantics<subcore_parallel>], iteration_bounds = array<i64: 2, 16>, scalar_prefetch = 0 : i64, scratch_operands = 6 : i64, tpu.core_type = #tpu.core_type<sc_vector_subcore>, window_params = [{transform_indices = #map}, {transform_indices = #map}, {transform_indices = #map1}, {transform_indices = #map}, {transform_indices = #map2}]} {
    %mul3A = arith.constant 16 : i32
    %mul3A_0 = arith.muli %arg0, %mul3A : i32
    %add3A = arith.addi %mul3A_0, %arg1 : i32
    %broadcast_in_dim3A = arith.constant 0.000000e+00 : f32
    %broadcast_in_dim3A_1 = vector.broadcast %broadcast_in_dim3A : f32 to vector<16xf32>
    %mul3A_2 = arith.constant 79 : i32
    %mul3A_3 = arith.muli %add3A, %mul3A_2 : i32
    "tpu.region"() ({
      %run_scoped3A_50 = tpu.sem_alloc : memref<!tpu.dma_semaphore, #tpu.memory_space<semaphore_mem>>
      %dma_start3A = arith.constant 0 : i32
      %dma_start3A_51 = tpu.memref_slice %arg2[%mul3A_3, %dma_start3A] : memref<2528x128xi32, #tpu.memory_space<hbm>> -> memref<79x128xi32, #tpu.memory_space<hbm>>
      %dma_start3A_52 = arith.constant 0 : i32
      %dma_start3A_53 = tpu.memref_slice %arg2[%mul3A_3, %dma_start3A_52] : memref<2528x128xi32, #tpu.memory_space<hbm>> -> memref<79x128xi32, #tpu.memory_space<hbm>>
      tpu.enqueue_dma source(%dma_start3A_53 : memref<79x128xi32, #tpu.memory_space<hbm>>) target(%arg7 : memref<79x128xi32, #tpu.memory_space<vmem>>) target_semaphore(%run_scoped3A_50 : memref<!tpu.dma_semaphore, #tpu.memory_space<semaphore_mem>>)
      %dma_wait3A = arith.constant 0 : i32
      %dma_wait3A_54 = tpu.memref_slice %arg2[%mul3A_3, %dma_wait3A] : memref<2528x128xi32, #tpu.memory_space<hbm>> -> memref<79x128xi32, #tpu.memory_space<hbm>>
      %dma_wait3A_55 = arith.constant 0 : i32
      %dma_wait3A_56 = tpu.memref_slice %arg2[%mul3A_3, %dma_wait3A_55] : memref<2528x128xi32, #tpu.memory_space<hbm>> -> memref<79x128xi32, #tpu.memory_space<hbm>>
      tpu.wait_dma2 semaphore(%run_scoped3A_50 : memref<!tpu.dma_semaphore, #tpu.memory_space<semaphore_mem>>) src(%dma_wait3A_56 : memref<79x128xi32, #tpu.memory_space<hbm>>) dst(%arg7 : memref<79x128xi32, #tpu.memory_space<vmem>>)
      tpu.yield
    }) : () -> ()
    %mul3A_4 = arith.constant 79 : i32
    %mul3A_5 = arith.muli %add3A, %mul3A_4 : i32
    "tpu.region"() ({
      %run_scoped3A_50 = tpu.sem_alloc : memref<!tpu.dma_semaphore, #tpu.memory_space<semaphore_mem>>
      %dma_start3A = arith.constant 0 : i32
      %dma_start3A_51 = tpu.memref_slice %arg3[%mul3A_5, %dma_start3A] : memref<2528x128xi32, #tpu.memory_space<hbm>> -> memref<79x128xi32, #tpu.memory_space<hbm>>
      %dma_start3A_52 = arith.constant 0 : i32
      %dma_start3A_53 = tpu.memref_slice %arg3[%mul3A_5, %dma_start3A_52] : memref<2528x128xi32, #tpu.memory_space<hbm>> -> memref<79x128xi32, #tpu.memory_space<hbm>>
      tpu.enqueue_dma source(%dma_start3A_53 : memref<79x128xi32, #tpu.memory_space<hbm>>) target(%arg8 : memref<79x128xi32, #tpu.memory_space<vmem>>) target_semaphore(%run_scoped3A_50 : memref<!tpu.dma_semaphore, #tpu.memory_space<semaphore_mem>>)
      %dma_wait3A = arith.constant 0 : i32
      %dma_wait3A_54 = tpu.memref_slice %arg3[%mul3A_5, %dma_wait3A] : memref<2528x128xi32, #tpu.memory_space<hbm>> -> memref<79x128xi32, #tpu.memory_space<hbm>>
      %dma_wait3A_55 = arith.constant 0 : i32
      %dma_wait3A_56 = tpu.memref_slice %arg3[%mul3A_5, %dma_wait3A_55] : memref<2528x128xi32, #tpu.memory_space<hbm>> -> memref<79x128xi32, #tpu.memory_space<hbm>>
      tpu.wait_dma2 semaphore(%run_scoped3A_50 : memref<!tpu.dma_semaphore, #tpu.memory_space<semaphore_mem>>) src(%dma_wait3A_56 : memref<79x128xi32, #tpu.memory_space<hbm>>) dst(%arg8 : memref<79x128xi32, #tpu.memory_space<vmem>>)
      tpu.yield
    }) : () -> ()
    %mul3A_6 = arith.constant 10112 : i32
    %mul3A_7 = arith.muli %add3A, %mul3A_6 : i32
    "tpu.region"() ({
      %run_scoped3A_50 = tpu.sem_alloc : memref<!tpu.dma_semaphore, #tpu.memory_space<semaphore_mem>>
      %dma_start3A = arith.constant 0 : i32
      %dma_start3A_51 = tpu.memref_slice %arg9[%dma_start3A] : memref<10128xf32, #tpu.memory_space<vmem>> -> memref<10112xf32, #tpu.memory_space<vmem>>
      %dma_start3A_52 = tpu.memref_slice %arg4[%mul3A_7] : memref<323584xf32, #tpu.memory_space<hbm>> -> memref<10112xf32, #tpu.memory_space<hbm>>
      %dma_start3A_53 = arith.constant 0 : i32
      %dma_start3A_54 = tpu.memref_slice %arg9[%dma_start3A_53] : memref<10128xf32, #tpu.memory_space<vmem>> -> memref<10112xf32, #tpu.memory_space<vmem>>
      %dma_start3A_55 = tpu.memref_slice %arg4[%mul3A_7] : memref<323584xf32, #tpu.memory_space<hbm>> -> memref<10112xf32, #tpu.memory_space<hbm>>
      tpu.enqueue_dma source(%dma_start3A_55 : memref<10112xf32, #tpu.memory_space<hbm>>) target(%dma_start3A_54 : memref<10112xf32, #tpu.memory_space<vmem>>) target_semaphore(%run_scoped3A_50 : memref<!tpu.dma_semaphore, #tpu.memory_space<semaphore_mem>>)
      %dma_wait3A = arith.constant 0 : i32
      %dma_wait3A_56 = tpu.memref_slice %arg9[%dma_wait3A] : memref<10128xf32, #tpu.memory_space<vmem>> -> memref<10112xf32, #tpu.memory_space<vmem>>
      %dma_wait3A_57 = tpu.memref_slice %arg4[%mul3A_7] : memref<323584xf32, #tpu.memory_space<hbm>> -> memref<10112xf32, #tpu.memory_space<hbm>>
      %dma_wait3A_58 = arith.constant 0 : i32
      %dma_wait3A_59 = tpu.memref_slice %arg9[%dma_wait3A_58] : memref<10128xf32, #tpu.memory_space<vmem>> -> memref<10112xf32, #tpu.memory_space<vmem>>
      %dma_wait3A_60 = tpu.memref_slice %arg4[%mul3A_7] : memref<323584xf32, #tpu.memory_space<hbm>> -> memref<10112xf32, #tpu.memory_space<hbm>>
      tpu.wait_dma2 semaphore(%run_scoped3A_50 : memref<!tpu.dma_semaphore, #tpu.memory_space<semaphore_mem>>) src(%dma_wait3A_60 : memref<10112xf32, #tpu.memory_space<hbm>>) dst(%dma_wait3A_59 : memref<10112xf32, #tpu.memory_space<vmem>>)
      tpu.yield
    }) : () -> ()
    %scan3A = arith.constant 0 : i32
    %scan3A_8 = arith.constant 0 : i32
    %scan3A_9 = arith.constant 128 : i32
    %scan3A_10 = arith.addi %scan3A_8, %scan3A_9 : i32
    %scan3A_11 = arith.constant 1 : i32
    scf.for %scan3A_50 = %scan3A_8 to %scan3A_10 step %scan3A_11  : i32 {
      %swap3A = arith.constant 0 : i32
      %swap3A_51 = arith.index_cast %swap3A : i32 to index
      %swap3A_52 = arith.index_cast %scan3A_50 : i32 to index
      %swap3A_53 = arith.constant 0 : index
      %swap3A_54 = tpu.vector_load %arg11[%swap3A_51, %swap3A_52, %swap3A_53] {strides = array<i32>} : memref<2x128x64xf32, #tpu.memory_space<vmem>>, vector<16xf32>,
      tpu.vector_store %arg11[%swap3A_51, %swap3A_52, %swap3A_53], %broadcast_in_dim3A_1 {strides = array<i32>} : memref<2x128x64xf32, #tpu.memory_space<vmem>>, vector<16xf32>,
      %swap3A_55 = arith.constant 0 : i32
      %swap3A_56 = arith.index_cast %swap3A_55 : i32 to index
      %swap3A_57 = arith.index_cast %scan3A_50 : i32 to index
      %swap3A_58 = arith.constant 16 : index
      %swap3A_59 = tpu.vector_load %arg11[%swap3A_56, %swap3A_57, %swap3A_58] {strides = array<i32>} : memref<2x128x64xf32, #tpu.memory_space<vmem>>, vector<16xf32>,
      tpu.vector_store %arg11[%swap3A_56, %swap3A_57, %swap3A_58], %broadcast_in_dim3A_1 {strides = array<i32>} : memref<2x128x64xf32, #tpu.memory_space<vmem>>, vector<16xf32>,
      %swap3A_60 = arith.constant 0 : i32
      %swap3A_61 = arith.index_cast %swap3A_60 : i32 to index
      %swap3A_62 = arith.index_cast %scan3A_50 : i32 to index
      %swap3A_63 = arith.constant 32 : index
      %swap3A_64 = tpu.vector_load %arg11[%swap3A_61, %swap3A_62, %swap3A_63] {strides = array<i32>} : memref<2x128x64xf32, #tpu.memory_space<vmem>>, vector<16xf32>,
      tpu.vector_store %arg11[%swap3A_61, %swap3A_62, %swap3A_63], %broadcast_in_dim3A_1 {strides = array<i32>} : memref<2x128x64xf32, #tpu.memory_space<vmem>>, vector<16xf32>,
      %swap3A_65 = arith.constant 0 : i32
      %swap3A_66 = arith.index_cast %swap3A_65 : i32 to index
      %swap3A_67 = arith.index_cast %scan3A_50 : i32 to index
      %swap3A_68 = arith.constant 48 : index
      %swap3A_69 = tpu.vector_load %arg11[%swap3A_66, %swap3A_67, %swap3A_68] {strides = array<i32>} : memref<2x128x64xf32, #tpu.memory_space<vmem>>, vector<16xf32>,
      tpu.vector_store %arg11[%swap3A_66, %swap3A_67, %swap3A_68], %broadcast_in_dim3A_1 {strides = array<i32>} : memref<2x128x64xf32, #tpu.memory_space<vmem>>, vector<16xf32>,
    }
    %scan3A_12 = arith.constant 128 : i32
    %mul3A_13 = arith.constant 625 : i32
    %mul3A_14 = arith.muli %arg1, %mul3A_13 : i32
    %add3A_15 = arith.constant 0 : i32
    %add3A_16 = arith.addi %mul3A_14, %add3A_15 : i32
    %multiple_of3A = tpu.assume_multiple %add3A_16, 125 : i32
    %run_scoped3A = arith.constant 0 : i32
    "tpu.region"() ({
      %run_scoped3A_50 = tpu.sem_alloc : memref<!tpu.dma_semaphore, #tpu.memory_space<semaphore_mem>>
      %dma_start3A = arith.constant 0 : i32
      %dma_start3A_51 = arith.constant 0 : i32
      %dma_start3A_52 = tpu.memref_slice %arg11[%run_scoped3A, %dma_start3A, %dma_start3A_51] : memref<2x128x64xf32, #tpu.memory_space<vmem>> -> memref<1x128x64xf32, #tpu.memory_space<vmem>>
      %dma_start3A_53 = tpu.memref_squeeze %dma_start3A_52 : memref<1x128x64xf32, #tpu.memory_space<vmem>> -> memref<128x64xf32, #tpu.memory_space<vmem>>
      %dma_start3A_54 = arith.constant 0 : i32
      %dma_start3A_55 = arith.constant 0 : i32
      %dma_start3A_56 = tpu.memref_slice %dma_start3A_53[%dma_start3A_54, %dma_start3A_55] : memref<128x64xf32, #tpu.memory_space<vmem>> -> memref<125x64xf32, #tpu.memory_space<vmem>>
      %dma_start3A_57 = arith.constant 0 : i32
      %dma_start3A_58 = tpu.memref_slice %arg12[%multiple_of3A, %dma_start3A_57] : memref<10000x64xf32, #tpu.memory_space<vmem_shared>> -> memref<125x64xf32, #tpu.memory_space<vmem_shared>>
      %dma_start3A_59 = arith.constant 0 : i32
      %dma_start3A_60 = tpu.memref_slice %arg12[%multiple_of3A, %dma_start3A_59] : memref<10000x64xf32, #tpu.memory_space<vmem_shared>> -> memref<125x64xf32, #tpu.memory_space<vmem_shared>>
      %dma_start3A_61 = arith.constant 0 : i32
      %dma_start3A_62 = arith.constant 0 : i32
      %dma_start3A_63 = tpu.memref_slice %arg11[%run_scoped3A, %dma_start3A_61, %dma_start3A_62] : memref<2x128x64xf32, #tpu.memory_space<vmem>> -> memref<1x128x64xf32, #tpu.memory_space<vmem>>
      %dma_start3A_64 = tpu.memref_squeeze %dma_start3A_63 : memref<1x128x64xf32, #tpu.memory_space<vmem>> -> memref<128x64xf32, #tpu.memory_space<vmem>>
      %dma_start3A_65 = arith.constant 0 : i32
      %dma_start3A_66 = arith.constant 0 : i32
      %dma_start3A_67 = tpu.memref_slice %dma_start3A_64[%dma_start3A_65, %dma_start3A_66] : memref<128x64xf32, #tpu.memory_space<vmem>> -> memref<125x64xf32, #tpu.memory_space<vmem>>
      tpu.enqueue_dma source(%dma_start3A_67 : memref<125x64xf32, #tpu.memory_space<vmem>>) target(%dma_start3A_60 : memref<125x64xf32, #tpu.memory_space<vmem_shared>>) target_semaphore(%run_scoped3A_50 : memref<!tpu.dma_semaphore, #tpu.memory_space<semaphore_mem>>)
      %dma_wait3A = arith.constant 0 : i32
      %dma_wait3A_68 = arith.constant 0 : i32
      %dma_wait3A_69 = tpu.memref_slice %arg11[%run_scoped3A, %dma_wait3A, %dma_wait3A_68] : memref<2x128x64xf32, #tpu.memory_space<vmem>> -> memref<1x128x64xf32, #tpu.memory_space<vmem>>
      %dma_wait3A_70 = tpu.memref_squeeze %dma_wait3A_69 : memref<1x128x64xf32, #tpu.memory_space<vmem>> -> memref<128x64xf32, #tpu.memory_space<vmem>>
      %dma_wait3A_71 = arith.constant 0 : i32
      %dma_wait3A_72 = arith.constant 0 : i32
      %dma_wait3A_73 = tpu.memref_slice %dma_wait3A_70[%dma_wait3A_71, %dma_wait3A_72] : memref<128x64xf32, #tpu.memory_space<vmem>> -> memref<125x64xf32, #tpu.memory_space<vmem>>
      %dma_wait3A_74 = arith.constant 0 : i32
      %dma_wait3A_75 = tpu.memref_slice %arg12[%multiple_of3A, %dma_wait3A_74] : memref<10000x64xf32, #tpu.memory_space<vmem_shared>> -> memref<125x64xf32, #tpu.memory_space<vmem_shared>>
      %dma_wait3A_76 = arith.constant 0 : i32
      %dma_wait3A_77 = tpu.memref_slice %arg12[%multiple_of3A, %dma_wait3A_76] : memref<10000x64xf32, #tpu.memory_space<vmem_shared>> -> memref<125x64xf32, #tpu.memory_space<vmem_shared>>
      %dma_wait3A_78 = arith.constant 0 : i32
      %dma_wait3A_79 = arith.constant 0 : i32
      %dma_wait3A_80 = tpu.memref_slice %arg11[%run_scoped3A, %dma_wait3A_78, %dma_wait3A_79] : memref<2x128x64xf32, #tpu.memory_space<vmem>> -> memref<1x128x64xf32, #tpu.memory_space<vmem>>
      %dma_wait3A_81 = tpu.memref_squeeze %dma_wait3A_80 : memref<1x128x64xf32, #tpu.memory_space<vmem>> -> memref<128x64xf32, #tpu.memory_space<vmem>>
      %dma_wait3A_82 = arith.constant 0 : i32
      %dma_wait3A_83 = arith.constant 0 : i32
      %dma_wait3A_84 = tpu.memref_slice %dma_wait3A_81[%dma_wait3A_82, %dma_wait3A_83] : memref<128x64xf32, #tpu.memory_space<vmem>> -> memref<125x64xf32, #tpu.memory_space<vmem>>
      tpu.wait_dma2 semaphore(%run_scoped3A_50 : memref<!tpu.dma_semaphore, #tpu.memory_space<semaphore_mem>>) src(%dma_wait3A_84 : memref<125x64xf32, #tpu.memory_space<vmem>>) dst(%dma_wait3A_77 : memref<125x64xf32, #tpu.memory_space<vmem_shared>>)
      tpu.yield
    }) : () -> ()
    %mul3A_17 = arith.constant 625 : i32
    %mul3A_18 = arith.muli %arg1, %mul3A_17 : i32
    %add3A_19 = arith.constant 125 : i32
    %add3A_20 = arith.addi %mul3A_18, %add3A_19 : i32
    %multiple_of3A_21 = tpu.assume_multiple %add3A_20, 125 : i32
    %run_scoped3A_22 = arith.constant 0 : i32
    "tpu.region"() ({
      %run_scoped3A_50 = tpu.sem_alloc : memref<!tpu.dma_semaphore, #tpu.memory_space<semaphore_mem>>
      %dma_start3A = arith.constant 0 : i32
      %dma_start3A_51 = arith.constant 0 : i32
      %dma_start3A_52 = tpu.memref_slice %arg11[%run_scoped3A_22, %dma_start3A, %dma_start3A_51] : memref<2x128x64xf32, #tpu.memory_space<vmem>> -> memref<1x128x64xf32, #tpu.memory_space<vmem>>
      %dma_start3A_53 = tpu.memref_squeeze %dma_start3A_52 : memref<1x128x64xf32, #tpu.memory_space<vmem>> -> memref<128x64xf32, #tpu.memory_space<vmem>>
      %dma_start3A_54 = arith.constant 0 : i32
      %dma_start3A_55 = arith.constant 0 : i32
      %dma_start3A_56 = tpu.memref_slice %dma_start3A_53[%dma_start3A_54, %dma_start3A_55] : memref<128x64xf32, #tpu.memory_space<vmem>> -> memref<125x64xf32, #tpu.memory_space<vmem>>
      %dma_start3A_57 = arith.constant 0 : i32
      %dma_start3A_58 = tpu.memref_slice %arg12[%multiple_of3A_21, %dma_start3A_57] : memref<10000x64xf32, #tpu.memory_space<vmem_shared>> -> memref<125x64xf32, #tpu.memory_space<vmem_shared>>
      %dma_start3A_59 = arith.constant 0 : i32
      %dma_start3A_60 = tpu.memref_slice %arg12[%multiple_of3A_21, %dma_start3A_59] : memref<10000x64xf32, #tpu.memory_space<vmem_shared>> -> memref<125x64xf32, #tpu.memory_space<vmem_shared>>
      %dma_start3A_61 = arith.constant 0 : i32
      %dma_start3A_62 = arith.constant 0 : i32
      %dma_start3A_63 = tpu.memref_slice %arg11[%run_scoped3A_22, %dma_start3A_61, %dma_start3A_62] : memref<2x128x64xf32, #tpu.memory_space<vmem>> -> memref<1x128x64xf32, #tpu.memory_space<vmem>>
      %dma_start3A_64 = tpu.memref_squeeze %dma_start3A_63 : memref<1x128x64xf32, #tpu.memory_space<vmem>> -> memref<128x64xf32, #tpu.memory_space<vmem>>
      %dma_start3A_65 = arith.constant 0 : i32
      %dma_start3A_66 = arith.constant 0 : i32
      %dma_start3A_67 = tpu.memref_slice %dma_start3A_64[%dma_start3A_65, %dma_start3A_66] : memref<128x64xf32, #tpu.memory_space<vmem>> -> memref<125x64xf32, #tpu.memory_space<vmem>>
      tpu.enqueue_dma source(%dma_start3A_67 : memref<125x64xf32, #tpu.memory_space<vmem>>) target(%dma_start3A_60 : memref<125x64xf32, #tpu.memory_space<vmem_shared>>) target_semaphore(%run_scoped3A_50 : memref<!tpu.dma_semaphore, #tpu.memory_space<semaphore_mem>>)
      %dma_wait3A = arith.constant 0 : i32
      %dma_wait3A_68 = arith.constant 0 : i32
      %dma_wait3A_69 = tpu.memref_slice %arg11[%run_scoped3A_22, %dma_wait3A, %dma_wait3A_68] : memref<2x128x64xf32, #tpu.memory_space<vmem>> -> memref<1x128x64xf32, #tpu.memory_space<vmem>>
      %dma_wait3A_70 = tpu.memref_squeeze %dma_wait3A_69 : memref<1x128x64xf32, #tpu.memory_space<vmem>> -> memref<128x64xf32, #tpu.memory_space<vmem>>
      %dma_wait3A_71 = arith.constant 0 : i32
      %dma_wait3A_72 = arith.constant 0 : i32
      %dma_wait3A_73 = tpu.memref_slice %dma_wait3A_70[%dma_wait3A_71, %dma_wait3A_72] : memref<128x64xf32, #tpu.memory_space<vmem>> -> memref<125x64xf32, #tpu.memory_space<vmem>>
      %dma_wait3A_74 = arith.constant 0 : i32
      %dma_wait3A_75 = tpu.memref_slice %arg12[%multiple_of3A_21, %dma_wait3A_74] : memref<10000x64xf32, #tpu.memory_space<vmem_shared>> -> memref<125x64xf32, #tpu.memory_space<vmem_shared>>
      %dma_wait3A_76 = arith.constant 0 : i32
      %dma_wait3A_77 = tpu.memref_slice %arg12[%multiple_of3A_21, %dma_wait3A_76] : memref<10000x64xf32, #tpu.memory_space<vmem_shared>> -> memref<125x64xf32, #tpu.memory_space<vmem_shared>>
      %dma_wait3A_78 = arith.constant 0 : i32
      %dma_wait3A_79 = arith.constant 0 : i32
      %dma_wait3A_80 = tpu.memref_slice %arg11[%run_scoped3A_22, %dma_wait3A_78, %dma_wait3A_79] : memref<2x128x64xf32, #tpu.memory_space<vmem>> -> memref<1x128x64xf32, #tpu.memory_space<vmem>>
      %dma_wait3A_81 = tpu.memref_squeeze %dma_wait3A_80 : memref<1x128x64xf32, #tpu.memory_space<vmem>> -> memref<128x64xf32, #tpu.memory_space<vmem>>
      %dma_wait3A_82 = arith.constant 0 : i32
      %dma_wait3A_83 = arith.constant 0 : i32
      %dma_wait3A_84 = tpu.memref_slice %dma_wait3A_81[%dma_wait3A_82, %dma_wait3A_83] : memref<128x64xf32, #tpu.memory_space<vmem>> -> memref<125x64xf32, #tpu.memory_space<vmem>>
      tpu.wait_dma2 semaphore(%run_scoped3A_50 : memref<!tpu.dma_semaphore, #tpu.memory_space<semaphore_mem>>) src(%dma_wait3A_84 : memref<125x64xf32, #tpu.memory_space<vmem>>) dst(%dma_wait3A_77 : memref<125x64xf32, #tpu.memory_space<vmem_shared>>)
      tpu.yield
    }) : () -> ()
    %mul3A_23 = arith.constant 625 : i32
    %mul3A_24 = arith.muli %arg1, %mul3A_23 : i32
    %add3A_25 = arith.constant 250 : i32
    %add3A_26 = arith.addi %mul3A_24, %add3A_25 : i32
    %multiple_of3A_27 = tpu.assume_multiple %add3A_26, 125 : i32
    %run_scoped3A_28 = arith.constant 0 : i32
    "tpu.region"() ({
      %run_scoped3A_50 = tpu.sem_alloc : memref<!tpu.dma_semaphore, #tpu.memory_space<semaphore_mem>>
      %dma_start3A = arith.constant 0 : i32
      %dma_start3A_51 = arith.constant 0 : i32
      %dma_start3A_52 = tpu.memref_slice %arg11[%run_scoped3A_28, %dma_start3A, %dma_start3A_51] : memref<2x128x64xf32, #tpu.memory_space<vmem>> -> memref<1x128x64xf32, #tpu.memory_space<vmem>>
      %dma_start3A_53 = tpu.memref_squeeze %dma_start3A_52 : memref<1x128x64xf32, #tpu.memory_space<vmem>> -> memref<128x64xf32, #tpu.memory_space<vmem>>
      %dma_start3A_54 = arith.constant 0 : i32
      %dma_start3A_55 = arith.constant 0 : i32
      %dma_start3A_56 = tpu.memref_slice %dma_start3A_53[%dma_start3A_54, %dma_start3A_55] : memref<128x64xf32, #tpu.memory_space<vmem>> -> memref<125x64xf32, #tpu.memory_space<vmem>>
      %dma_start3A_57 = arith.constant 0 : i32
      %dma_start3A_58 = tpu.memref_slice %arg12[%multiple_of3A_27, %dma_start3A_57] : memref<10000x64xf32, #tpu.memory_space<vmem_shared>> -> memref<125x64xf32, #tpu.memory_space<vmem_shared>>
      %dma_start3A_59 = arith.constant 0 : i32
      %dma_start3A_60 = tpu.memref_slice %arg12[%multiple_of3A_27, %dma_start3A_59] : memref<10000x64xf32, #tpu.memory_space<vmem_shared>> -> memref<125x64xf32, #tpu.memory_space<vmem_shared>>
      %dma_start3A_61 = arith.constant 0 : i32
      %dma_start3A_62 = arith.constant 0 : i32
      %dma_start3A_63 = tpu.memref_slice %arg11[%run_scoped3A_28, %dma_start3A_61, %dma_start3A_62] : memref<2x128x64xf32, #tpu.memory_space<vmem>> -> memref<1x128x64xf32, #tpu.memory_space<vmem>>
      %dma_start3A_64 = tpu.memref_squeeze %dma_start3A_63 : memref<1x128x64xf32, #tpu.memory_space<vmem>> -> memref<128x64xf32, #tpu.memory_space<vmem>>
      %dma_start3A_65 = arith.constant 0 : i32
      %dma_start3A_66 = arith.constant 0 : i32
      %dma_start3A_67 = tpu.memref_slice %dma_start3A_64[%dma_start3A_65, %dma_start3A_66] : memref<128x64xf32, #tpu.memory_space<vmem>> -> memref<125x64xf32, #tpu.memory_space<vmem>>
      tpu.enqueue_dma source(%dma_start3A_67 : memref<125x64xf32, #tpu.memory_space<vmem>>) target(%dma_start3A_60 : memref<125x64xf32, #tpu.memory_space<vmem_shared>>) target_semaphore(%run_scoped3A_50 : memref<!tpu.dma_semaphore, #tpu.memory_space<semaphore_mem>>)
      %dma_wait3A = arith.constant 0 : i32
      %dma_wait3A_68 = arith.constant 0 : i32
      %dma_wait3A_69 = tpu.memref_slice %arg11[%run_scoped3A_28, %dma_wait3A, %dma_wait3A_68] : memref<2x128x64xf32, #tpu.memory_space<vmem>> -> memref<1x128x64xf32, #tpu.memory_space<vmem>>
      %dma_wait3A_70 = tpu.memref_squeeze %dma_wait3A_69 : memref<1x128x64xf32, #tpu.memory_space<vmem>> -> memref<128x64xf32, #tpu.memory_space<vmem>>
      %dma_wait3A_71 = arith.constant 0 : i32
      %dma_wait3A_72 = arith.constant 0 : i32
      %dma_wait3A_73 = tpu.memref_slice %dma_wait3A_70[%dma_wait3A_71, %dma_wait3A_72] : memref<128x64xf32, #tpu.memory_space<vmem>> -> memref<125x64xf32, #tpu.memory_space<vmem>>
      %dma_wait3A_74 = arith.constant 0 : i32
      %dma_wait3A_75 = tpu.memref_slice %arg12[%multiple_of3A_27, %dma_wait3A_74] : memref<10000x64xf32, #tpu.memory_space<vmem_shared>> -> memref<125x64xf32, #tpu.memory_space<vmem_shared>>
      %dma_wait3A_76 = arith.constant 0 : i32
      %dma_wait3A_77 = tpu.memref_slice %arg12[%multiple_of3A_27, %dma_wait3A_76] : memref<10000x64xf32, #tpu.memory_space<vmem_shared>> -> memref<125x64xf32, #tpu.memory_space<vmem_shared>>
      %dma_wait3A_78 = arith.constant 0 : i32
      %dma_wait3A_79 = arith.constant 0 : i32
      %dma_wait3A_80 = tpu.memref_slice %arg11[%run_scoped3A_28, %dma_wait3A_78, %dma_wait3A_79] : memref<2x128x64xf32, #tpu.memory_space<vmem>> -> memref<1x128x64xf32, #tpu.memory_space<vmem>>
      %dma_wait3A_81 = tpu.memref_squeeze %dma_wait3A_80 : memref<1x128x64xf32, #tpu.memory_space<vmem>> -> memref<128x64xf32, #tpu.memory_space<vmem>>
      %dma_wait3A_82 = arith.constant 0 : i32
      %dma_wait3A_83 = arith.constant 0 : i32
      %dma_wait3A_84 = tpu.memref_slice %dma_wait3A_81[%dma_wait3A_82, %dma_wait3A_83] : memref<128x64xf32, #tpu.memory_space<vmem>> -> memref<125x64xf32, #tpu.memory_space<vmem>>
      tpu.wait_dma2 semaphore(%run_scoped3A_50 : memref<!tpu.dma_semaphore, #tpu.memory_space<semaphore_mem>>) src(%dma_wait3A_84 : memref<125x64xf32, #tpu.memory_space<vmem>>) dst(%dma_wait3A_77 : memref<125x64xf32, #tpu.memory_space<vmem_shared>>)
      tpu.yield
    }) : () -> ()
    %mul3A_29 = arith.constant 625 : i32
    %mul3A_30 = arith.muli %arg1, %mul3A_29 : i32
    %add3A_31 = arith.constant 375 : i32
    %add3A_32 = arith.addi %mul3A_30, %add3A_31 : i32
    %multiple_of3A_33 = tpu.assume_multiple %add3A_32, 125 : i32
    %run_scoped3A_34 = arith.constant 0 : i32
    "tpu.region"() ({
      %run_scoped3A_50 = tpu.sem_alloc : memref<!tpu.dma_semaphore, #tpu.memory_space<semaphore_mem>>
      %dma_start3A = arith.constant 0 : i32
      %dma_start3A_51 = arith.constant 0 : i32
      %dma_start3A_52 = tpu.memref_slice %arg11[%run_scoped3A_34, %dma_start3A, %dma_start3A_51] : memref<2x128x64xf32, #tpu.memory_space<vmem>> -> memref<1x128x64xf32, #tpu.memory_space<vmem>>
      %dma_start3A_53 = tpu.memref_squeeze %dma_start3A_52 : memref<1x128x64xf32, #tpu.memory_space<vmem>> -> memref<128x64xf32, #tpu.memory_space<vmem>>
      %dma_start3A_54 = arith.constant 0 : i32
      %dma_start3A_55 = arith.constant 0 : i32
      %dma_start3A_56 = tpu.memref_slice %dma_start3A_53[%dma_start3A_54, %dma_start3A_55] : memref<128x64xf32, #tpu.memory_space<vmem>> -> memref<125x64xf32, #tpu.memory_space<vmem>>
      %dma_start3A_57 = arith.constant 0 : i32
      %dma_start3A_58 = tpu.memref_slice %arg12[%multiple_of3A_33, %dma_start3A_57] : memref<10000x64xf32, #tpu.memory_space<vmem_shared>> -> memref<125x64xf32, #tpu.memory_space<vmem_shared>>
      %dma_start3A_59 = arith.constant 0 : i32
      %dma_start3A_60 = tpu.memref_slice %arg12[%multiple_of3A_33, %dma_start3A_59] : memref<10000x64xf32, #tpu.memory_space<vmem_shared>> -> memref<125x64xf32, #tpu.memory_space<vmem_shared>>
      %dma_start3A_61 = arith.constant 0 : i32
      %dma_start3A_62 = arith.constant 0 : i32
      %dma_start3A_63 = tpu.memref_slice %arg11[%run_scoped3A_34, %dma_start3A_61, %dma_start3A_62] : memref<2x128x64xf32, #tpu.memory_space<vmem>> -> memref<1x128x64xf32, #tpu.memory_space<vmem>>
      %dma_start3A_64 = tpu.memref_squeeze %dma_start3A_63 : memref<1x128x64xf32, #tpu.memory_space<vmem>> -> memref<128x64xf32, #tpu.memory_space<vmem>>
      %dma_start3A_65 = arith.constant 0 : i32
      %dma_start3A_66 = arith.constant 0 : i32
      %dma_start3A_67 = tpu.memref_slice %dma_start3A_64[%dma_start3A_65, %dma_start3A_66] : memref<128x64xf32, #tpu.memory_space<vmem>> -> memref<125x64xf32, #tpu.memory_space<vmem>>
      tpu.enqueue_dma source(%dma_start3A_67 : memref<125x64xf32, #tpu.memory_space<vmem>>) target(%dma_start3A_60 : memref<125x64xf32, #tpu.memory_space<vmem_shared>>) target_semaphore(%run_scoped3A_50 : memref<!tpu.dma_semaphore, #tpu.memory_space<semaphore_mem>>)
      %dma_wait3A = arith.constant 0 : i32
      %dma_wait3A_68 = arith.constant 0 : i32
      %dma_wait3A_69 = tpu.memref_slice %arg11[%run_scoped3A_34, %dma_wait3A, %dma_wait3A_68] : memref<2x128x64xf32, #tpu.memory_space<vmem>> -> memref<1x128x64xf32, #tpu.memory_space<vmem>>
      %dma_wait3A_70 = tpu.memref_squeeze %dma_wait3A_69 : memref<1x128x64xf32, #tpu.memory_space<vmem>> -> memref<128x64xf32, #tpu.memory_space<vmem>>
      %dma_wait3A_71 = arith.constant 0 : i32
      %dma_wait3A_72 = arith.constant 0 : i32
      %dma_wait3A_73 = tpu.memref_slice %dma_wait3A_70[%dma_wait3A_71, %dma_wait3A_72] : memref<128x64xf32, #tpu.memory_space<vmem>> -> memref<125x64xf32, #tpu.memory_space<vmem>>
      %dma_wait3A_74 = arith.constant 0 : i32
      %dma_wait3A_75 = tpu.memref_slice %arg12[%multiple_of3A_33, %dma_wait3A_74] : memref<10000x64xf32, #tpu.memory_space<vmem_shared>> -> memref<125x64xf32, #tpu.memory_space<vmem_shared>>
      %dma_wait3A_76 = arith.constant 0 : i32
      %dma_wait3A_77 = tpu.memref_slice %arg12[%multiple_of3A_33, %dma_wait3A_76] : memref<10000x64xf32, #tpu.memory_space<vmem_shared>> -> memref<125x64xf32, #tpu.memory_space<vmem_shared>>
      %dma_wait3A_78 = arith.constant 0 : i32
      %dma_wait3A_79 = arith.constant 0 : i32
      %dma_wait3A_80 = tpu.memref_slice %arg11[%run_scoped3A_34, %dma_wait3A_78, %dma_wait3A_79] : memref<2x128x64xf32, #tpu.memory_space<vmem>> -> memref<1x128x64xf32, #tpu.memory_space<vmem>>
      %dma_wait3A_81 = tpu.memref_squeeze %dma_wait3A_80 : memref<1x128x64xf32, #tpu.memory_space<vmem>> -> memref<128x64xf32, #tpu.memory_space<vmem>>
      %dma_wait3A_82 = arith.constant 0 : i32
      %dma_wait3A_83 = arith.constant 0 : i32
      %dma_wait3A_84 = tpu.memref_slice %dma_wait3A_81[%dma_wait3A_82, %dma_wait3A_83] : memref<128x64xf32, #tpu.memory_space<vmem>> -> memref<125x64xf32, #tpu.memory_space<vmem>>
      tpu.wait_dma2 semaphore(%run_scoped3A_50 : memref<!tpu.dma_semaphore, #tpu.memory_space<semaphore_mem>>) src(%dma_wait3A_84 : memref<125x64xf32, #tpu.memory_space<vmem>>) dst(%dma_wait3A_77 : memref<125x64xf32, #tpu.memory_space<vmem_shared>>)
      tpu.yield
    }) : () -> ()
    %mul3A_35 = arith.constant 625 : i32
    %mul3A_36 = arith.muli %arg1, %mul3A_35 : i32
    %add3A_37 = arith.constant 500 : i32
    %add3A_38 = arith.addi %mul3A_36, %add3A_37 : i32
    %multiple_of3A_39 = tpu.assume_multiple %add3A_38, 125 : i32
    %run_scoped3A_40 = arith.constant 0 : i32
    "tpu.region"() ({
      %run_scoped3A_50 = tpu.sem_alloc : memref<!tpu.dma_semaphore, #tpu.memory_space<semaphore_mem>>
      %dma_start3A = arith.constant 0 : i32
      %dma_start3A_51 = arith.constant 0 : i32
      %dma_start3A_52 = tpu.memref_slice %arg11[%run_scoped3A_40, %dma_start3A, %dma_start3A_51] : memref<2x128x64xf32, #tpu.memory_space<vmem>> -> memref<1x128x64xf32, #tpu.memory_space<vmem>>
      %dma_start3A_53 = tpu.memref_squeeze %dma_start3A_52 : memref<1x128x64xf32, #tpu.memory_space<vmem>> -> memref<128x64xf32, #tpu.memory_space<vmem>>
      %dma_start3A_54 = arith.constant 0 : i32
      %dma_start3A_55 = arith.constant 0 : i32
      %dma_start3A_56 = tpu.memref_slice %dma_start3A_53[%dma_start3A_54, %dma_start3A_55] : memref<128x64xf32, #tpu.memory_space<vmem>> -> memref<125x64xf32, #tpu.memory_space<vmem>>
      %dma_start3A_57 = arith.constant 0 : i32
      %dma_start3A_58 = tpu.memref_slice %arg12[%multiple_of3A_39, %dma_start3A_57] : memref<10000x64xf32, #tpu.memory_space<vmem_shared>> -> memref<125x64xf32, #tpu.memory_space<vmem_shared>>
      %dma_start3A_59 = arith.constant 0 : i32
      %dma_start3A_60 = tpu.memref_slice %arg12[%multiple_of3A_39, %dma_start3A_59] : memref<10000x64xf32, #tpu.memory_space<vmem_shared>> -> memref<125x64xf32, #tpu.memory_space<vmem_shared>>
      %dma_start3A_61 = arith.constant 0 : i32
      %dma_start3A_62 = arith.constant 0 : i32
      %dma_start3A_63 = tpu.memref_slice %arg11[%run_scoped3A_40, %dma_start3A_61, %dma_start3A_62] : memref<2x128x64xf32, #tpu.memory_space<vmem>> -> memref<1x128x64xf32, #tpu.memory_space<vmem>>
      %dma_start3A_64 = tpu.memref_squeeze %dma_start3A_63 : memref<1x128x64xf32, #tpu.memory_space<vmem>> -> memref<128x64xf32, #tpu.memory_space<vmem>>
      %dma_start3A_65 = arith.constant 0 : i32
      %dma_start3A_66 = arith.constant 0 : i32
      %dma_start3A_67 = tpu.memref_slice %dma_start3A_64[%dma_start3A_65, %dma_start3A_66] : memref<128x64xf32, #tpu.memory_space<vmem>> -> memref<125x64xf32, #tpu.memory_space<vmem>>
      tpu.enqueue_dma source(%dma_start3A_67 : memref<125x64xf32, #tpu.memory_space<vmem>>) target(%dma_start3A_60 : memref<125x64xf32, #tpu.memory_space<vmem_shared>>) target_semaphore(%run_scoped3A_50 : memref<!tpu.dma_semaphore, #tpu.memory_space<semaphore_mem>>)
      %dma_wait3A = arith.constant 0 : i32
      %dma_wait3A_68 = arith.constant 0 : i32
      %dma_wait3A_69 = tpu.memref_slice %arg11[%run_scoped3A_40, %dma_wait3A, %dma_wait3A_68] : memref<2x128x64xf32, #tpu.memory_space<vmem>> -> memref<1x128x64xf32, #tpu.memory_space<vmem>>
      %dma_wait3A_70 = tpu.memref_squeeze %dma_wait3A_69 : memref<1x128x64xf32, #tpu.memory_space<vmem>> -> memref<128x64xf32, #tpu.memory_space<vmem>>
      %dma_wait3A_71 = arith.constant 0 : i32
      %dma_wait3A_72 = arith.constant 0 : i32
      %dma_wait3A_73 = tpu.memref_slice %dma_wait3A_70[%dma_wait3A_71, %dma_wait3A_72] : memref<128x64xf32, #tpu.memory_space<vmem>> -> memref<125x64xf32, #tpu.memory_space<vmem>>
      %dma_wait3A_74 = arith.constant 0 : i32
      %dma_wait3A_75 = tpu.memref_slice %arg12[%multiple_of3A_39, %dma_wait3A_74] : memref<10000x64xf32, #tpu.memory_space<vmem_shared>> -> memref<125x64xf32, #tpu.memory_space<vmem_shared>>
      %dma_wait3A_76 = arith.constant 0 : i32
      %dma_wait3A_77 = tpu.memref_slice %arg12[%multiple_of3A_39, %dma_wait3A_76] : memref<10000x64xf32, #tpu.memory_space<vmem_shared>> -> memref<125x64xf32, #tpu.memory_space<vmem_shared>>
      %dma_wait3A_78 = arith.constant 0 : i32
      %dma_wait3A_79 = arith.constant 0 : i32
      %dma_wait3A_80 = tpu.memref_slice %arg11[%run_scoped3A_40, %dma_wait3A_78, %dma_wait3A_79] : memref<2x128x64xf32, #tpu.memory_space<vmem>> -> memref<1x128x64xf32, #tpu.memory_space<vmem>>
      %dma_wait3A_81 = tpu.memref_squeeze %dma_wait3A_80 : memref<1x128x64xf32, #tpu.memory_space<vmem>> -> memref<128x64xf32, #tpu.memory_space<vmem>>
      %dma_wait3A_82 = arith.constant 0 : i32
      %dma_wait3A_83 = arith.constant 0 : i32
      %dma_wait3A_84 = tpu.memref_slice %dma_wait3A_81[%dma_wait3A_82, %dma_wait3A_83] : memref<128x64xf32, #tpu.memory_space<vmem>> -> memref<125x64xf32, #tpu.memory_space<vmem>>
      tpu.wait_dma2 semaphore(%run_scoped3A_50 : memref<!tpu.dma_semaphore, #tpu.memory_space<semaphore_mem>>) src(%dma_wait3A_84 : memref<125x64xf32, #tpu.memory_space<vmem>>) dst(%dma_wait3A_77 : memref<125x64xf32, #tpu.memory_space<vmem_shared>>)
      tpu.yield
    }) : () -> ()
    %barrier3A = arith.constant 0 : index
    tpu.barrier barrier_id(%barrier3A)
    %scan3A_41 = arith.constant 0 : i32
    %scan3A_42 = arith.constant 0 : i32
    %scan3A_43 = arith.constant 79 : i32
    %scan3A_44 = arith.addi %scan3A_42, %scan3A_43 : i32
    %scan3A_45 = arith.constant 1 : i32
    scf.for %scan3A_50 = %scan3A_42 to %scan3A_44 step %scan3A_45  : i32 {
      %run_scoped3A_51 = arith.constant 0 : i32
      "tpu.region"() ({
        %run_scoped3A_59 = tpu.sem_alloc : memref<!tpu.dma_semaphore, #tpu.memory_space<semaphore_mem>>
        %dma_start3A = arith.constant 0 : i32
        %dma_start3A_60 = arith.constant 0 : i32
        %dma_start3A_61 = tpu.memref_slice %arg10[%run_scoped3A_51, %dma_start3A, %dma_start3A_60] : memref<2x128x64xf32, #tpu.memory_space<vmem>> -> memref<1x128x64xf32, #tpu.memory_space<vmem>>
        %dma_start3A_62 = tpu.memref_squeeze %dma_start3A_61 : memref<1x128x64xf32, #tpu.memory_space<vmem>> -> memref<128x64xf32, #tpu.memory_space<vmem>>
        %dma_start3A_63 = arith.constant 0 : i32
        %dma_start3A_64 = tpu.memref_slice %arg8[%scan3A_50, %dma_start3A_63] : memref<79x128xi32, #tpu.memory_space<vmem>> -> memref<1x128xi32, #tpu.memory_space<vmem>>
        %dma_start3A_65 = tpu.memref_squeeze %dma_start3A_64 : memref<1x128xi32, #tpu.memory_space<vmem>> -> memref<128xi32, #tpu.memory_space<vmem>>
        %dma_start3A_66 = arith.constant 0 : i32
        %dma_start3A_67 = arith.constant 0 : i32
        %dma_start3A_68 = tpu.memref_slice %arg5[%dma_start3A_66, %dma_start3A_67] : memref<10000x64xf32, #tpu.memory_space<hbm>> -> memref<10000x64xf32, #tpu.memory_space<hbm>>
        tpu.enqueue_indirect_dma source(%dma_start3A_68 : memref<10000x64xf32, #tpu.memory_space<hbm>>) target(%dma_start3A_62 : memref<128x64xf32, #tpu.memory_space<vmem>>) offsets(%dma_start3A_65 : memref<128xi32, #tpu.memory_space<vmem>>) semaphore(%run_scoped3A_59 : memref<!tpu.dma_semaphore, #tpu.memory_space<semaphore_mem>>)
        %dma_wait3A = arith.constant 0 : i32
        %dma_wait3A_69 = arith.constant 0 : i32
        %dma_wait3A_70 = tpu.memref_slice %arg10[%run_scoped3A_51, %dma_wait3A, %dma_wait3A_69] : memref<2x128x64xf32, #tpu.memory_space<vmem>> -> memref<1x128x64xf32, #tpu.memory_space<vmem>>
        %dma_wait3A_71 = tpu.memref_squeeze %dma_wait3A_70 : memref<1x128x64xf32, #tpu.memory_space<vmem>> -> memref<128x64xf32, #tpu.memory_space<vmem>>
        %dma_wait3A_72 = arith.constant 0 : i32
        %dma_wait3A_73 = tpu.memref_slice %arg8[%scan3A_50, %dma_wait3A_72] : memref<79x128xi32, #tpu.memory_space<vmem>> -> memref<1x128xi32, #tpu.memory_space<vmem>>
        %dma_wait3A_74 = tpu.memref_squeeze %dma_wait3A_73 : memref<1x128xi32, #tpu.memory_space<vmem>> -> memref<128xi32, #tpu.memory_space<vmem>>
        %dma_wait3A_75 = arith.constant 0 : i32
        %dma_wait3A_76 = arith.constant 0 : i32
        %dma_wait3A_77 = tpu.memref_slice %arg5[%dma_wait3A_75, %dma_wait3A_76] : memref<10000x64xf32, #tpu.memory_space<hbm>> -> memref<10000x64xf32, #tpu.memory_space<hbm>>
        tpu.wait_indirect_dma semaphore(%run_scoped3A_59 : memref<!tpu.dma_semaphore, #tpu.memory_space<semaphore_mem>>) src(%dma_wait3A_77 : memref<10000x64xf32, #tpu.memory_space<hbm>>) dst(%dma_wait3A_71 : memref<128x64xf32, #tpu.memory_space<vmem>>)
        tpu.yield
      }) : () -> ()
      %scan3A_52 = arith.constant 0 : i32
      %scan3A_53 = arith.constant 0 : i32
      %scan3A_54 = arith.constant 128 : i32
      %scan3A_55 = arith.addi %scan3A_53, %scan3A_54 : i32
      %scan3A_56 = arith.constant 1 : i32
      scf.for %scan3A_59 = %scan3A_53 to %scan3A_55 step %scan3A_56  : i32 {
        %mul3A_60 = arith.constant 128 : i32
        %mul3A_61 = arith.muli %scan3A_50, %mul3A_60 : i32
        %add3A_62 = arith.addi %mul3A_61, %scan3A_59 : i32
        %get3A = arith.index_cast %add3A_62 : i32 to index
        %get3A_63 = tpu.vector_load %arg9[%get3A] {strides = array<i32>} : memref<10128xf32, #tpu.memory_space<vmem>>, vector<16xf32>,
        %slice3A = vector.extract_strided_slice %get3A_63 {offsets = [0], sizes = [1], strides = [1]} : vector<16xf32> to vector<1xf32>
        %squeeze3A = vector.extract %slice3A[0] : f32 from vector<1xf32>
        %get3A_64 = arith.constant 0 : i32
        %get3A_65 = arith.index_cast %get3A_64 : i32 to index
        %get3A_66 = arith.index_cast %scan3A_59 : i32 to index
        %get3A_67 = arith.constant 0 : index
        %get3A_68 = tpu.vector_load %arg10[%get3A_65, %get3A_66, %get3A_67] {strides = array<i32>} : memref<2x128x64xf32, #tpu.memory_space<vmem>>, vector<16xf32>,
        %mul3A_69 = vector.broadcast %squeeze3A : f32 to vector<16xf32>
        %mul3A_70 = arith.mulf %get3A_68, %mul3A_69 : vector<16xf32>
        %swap3A = arith.constant 0 : i32
        %swap3A_71 = arith.index_cast %swap3A : i32 to index
        %swap3A_72 = arith.index_cast %scan3A_59 : i32 to index
        %swap3A_73 = arith.constant 0 : index
        %swap3A_74 = tpu.vector_load %arg11[%swap3A_71, %swap3A_72, %swap3A_73] {strides = array<i32>} : memref<2x128x64xf32, #tpu.memory_space<vmem>>, vector<16xf32>,
        tpu.vector_store %arg11[%swap3A_71, %swap3A_72, %swap3A_73], %mul3A_70 {strides = array<i32>} : memref<2x128x64xf32, #tpu.memory_space<vmem>>, vector<16xf32>,
        %get3A_75 = arith.constant 0 : i32
        %get3A_76 = arith.index_cast %get3A_75 : i32 to index
        %get3A_77 = arith.index_cast %scan3A_59 : i32 to index
        %get3A_78 = arith.constant 16 : index
        %get3A_79 = tpu.vector_load %arg10[%get3A_76, %get3A_77, %get3A_78] {strides = array<i32>} : memref<2x128x64xf32, #tpu.memory_space<vmem>>, vector<16xf32>,
        %mul3A_80 = vector.broadcast %squeeze3A : f32 to vector<16xf32>
        %mul3A_81 = arith.mulf %get3A_79, %mul3A_80 : vector<16xf32>
        %swap3A_82 = arith.constant 0 : i32
        %swap3A_83 = arith.index_cast %swap3A_82 : i32 to index
        %swap3A_84 = arith.index_cast %scan3A_59 : i32 to index
        %swap3A_85 = arith.constant 16 : index
        %swap3A_86 = tpu.vector_load %arg11[%swap3A_83, %swap3A_84, %swap3A_85] {strides = array<i32>} : memref<2x128x64xf32, #tpu.memory_space<vmem>>, vector<16xf32>,
        tpu.vector_store %arg11[%swap3A_83, %swap3A_84, %swap3A_85], %mul3A_81 {strides = array<i32>} : memref<2x128x64xf32, #tpu.memory_space<vmem>>, vector<16xf32>,
        %get3A_87 = arith.constant 0 : i32
        %get3A_88 = arith.index_cast %get3A_87 : i32 to index
        %get3A_89 = arith.index_cast %scan3A_59 : i32 to index
        %get3A_90 = arith.constant 32 : index
        %get3A_91 = tpu.vector_load %arg10[%get3A_88, %get3A_89, %get3A_90] {strides = array<i32>} : memref<2x128x64xf32, #tpu.memory_space<vmem>>, vector<16xf32>,
        %mul3A_92 = vector.broadcast %squeeze3A : f32 to vector<16xf32>
        %mul3A_93 = arith.mulf %get3A_91, %mul3A_92 : vector<16xf32>
        %swap3A_94 = arith.constant 0 : i32
        %swap3A_95 = arith.index_cast %swap3A_94 : i32 to index
        %swap3A_96 = arith.index_cast %scan3A_59 : i32 to index
        %swap3A_97 = arith.constant 32 : index
        %swap3A_98 = tpu.vector_load %arg11[%swap3A_95, %swap3A_96, %swap3A_97] {strides = array<i32>} : memref<2x128x64xf32, #tpu.memory_space<vmem>>, vector<16xf32>,
        tpu.vector_store %arg11[%swap3A_95, %swap3A_96, %swap3A_97], %mul3A_93 {strides = array<i32>} : memref<2x128x64xf32, #tpu.memory_space<vmem>>, vector<16xf32>,
        %get3A_99 = arith.constant 0 : i32
        %get3A_100 = arith.index_cast %get3A_99 : i32 to index
        %get3A_101 = arith.index_cast %scan3A_59 : i32 to index
        %get3A_102 = arith.constant 48 : index
        %get3A_103 = tpu.vector_load %arg10[%get3A_100, %get3A_101, %get3A_102] {strides = array<i32>} : memref<2x128x64xf32, #tpu.memory_space<vmem>>, vector<16xf32>,
        %mul3A_104 = vector.broadcast %squeeze3A : f32 to vector<16xf32>
        %mul3A_105 = arith.mulf %get3A_103, %mul3A_104 : vector<16xf32>
        %swap3A_106 = arith.constant 0 : i32
        %swap3A_107 = arith.index_cast %swap3A_106 : i32 to index
        %swap3A_108 = arith.index_cast %scan3A_59 : i32 to index
        %swap3A_109 = arith.constant 48 : index
        %swap3A_110 = tpu.vector_load %arg11[%swap3A_107, %swap3A_108, %swap3A_109] {strides = array<i32>} : memref<2x128x64xf32, #tpu.memory_space<vmem>>, vector<16xf32>,
        tpu.vector_store %arg11[%swap3A_107, %swap3A_108, %swap3A_109], %mul3A_105 {strides = array<i32>} : memref<2x128x64xf32, #tpu.memory_space<vmem>>, vector<16xf32>,
      }
      %scan3A_57 = arith.constant 128 : i32
      %run_scoped3A_58 = arith.constant 0 : i32
      "tpu.region"() ({
        %run_scoped3A_59 = tpu.sem_alloc : memref<!tpu.dma_semaphore, #tpu.memory_space<semaphore_mem>>
        %dma_start3A = arith.constant 0 : i32
        %dma_start3A_60 = arith.constant 0 : i32
        %dma_start3A_61 = tpu.memref_slice %arg11[%run_scoped3A_58, %dma_start3A, %dma_start3A_60] : memref<2x128x64xf32, #tpu.memory_space<vmem>> -> memref<1x128x64xf32, #tpu.memory_space<vmem>>
        %dma_start3A_62 = tpu.memref_squeeze %dma_start3A_61 : memref<1x128x64xf32, #tpu.memory_space<vmem>> -> memref<128x64xf32, #tpu.memory_space<vmem>>
        %dma_start3A_63 = arith.constant 0 : i32
        %dma_start3A_64 = tpu.memref_slice %arg7[%scan3A_50, %dma_start3A_63] : memref<79x128xi32, #tpu.memory_space<vmem>> -> memref<1x128xi32, #tpu.memory_space<vmem>>
        %dma_start3A_65 = tpu.memref_squeeze %dma_start3A_64 : memref<1x128xi32, #tpu.memory_space<vmem>> -> memref<128xi32, #tpu.memory_space<vmem>>
        %dma_start3A_66 = arith.constant 0 : i32
        %dma_start3A_67 = arith.constant 0 : i32
        %dma_start3A_68 = tpu.memref_slice %arg12[%dma_start3A_66, %dma_start3A_67] : memref<10000x64xf32, #tpu.memory_space<vmem_shared>> -> memref<10000x64xf32, #tpu.memory_space<vmem_shared>>
        tpu.enqueue_indirect_dma source(%dma_start3A_62 : memref<128x64xf32, #tpu.memory_space<vmem>>) target(%dma_start3A_68 : memref<10000x64xf32, #tpu.memory_space<vmem_shared>>) offsets(%dma_start3A_65 : memref<128xi32, #tpu.memory_space<vmem>>) semaphore(%run_scoped3A_59 : memref<!tpu.dma_semaphore, #tpu.memory_space<semaphore_mem>>) {add = true}
        %dma_wait3A = arith.constant 0 : i32
        %dma_wait3A_69 = arith.constant 0 : i32
        %dma_wait3A_70 = tpu.memref_slice %arg11[%run_scoped3A_58, %dma_wait3A, %dma_wait3A_69] : memref<2x128x64xf32, #tpu.memory_space<vmem>> -> memref<1x128x64xf32, #tpu.memory_space<vmem>>
        %dma_wait3A_71 = tpu.memref_squeeze %dma_wait3A_70 : memref<1x128x64xf32, #tpu.memory_space<vmem>> -> memref<128x64xf32, #tpu.memory_space<vmem>>
        %dma_wait3A_72 = arith.constant 0 : i32
        %dma_wait3A_73 = tpu.memref_slice %arg7[%scan3A_50, %dma_wait3A_72] : memref<79x128xi32, #tpu.memory_space<vmem>> -> memref<1x128xi32, #tpu.memory_space<vmem>>
        %dma_wait3A_74 = tpu.memref_squeeze %dma_wait3A_73 : memref<1x128xi32, #tpu.memory_space<vmem>> -> memref<128xi32, #tpu.memory_space<vmem>>
        %dma_wait3A_75 = arith.constant 0 : i32
        %dma_wait3A_76 = arith.constant 0 : i32
        %dma_wait3A_77 = tpu.memref_slice %arg12[%dma_wait3A_75, %dma_wait3A_76] : memref<10000x64xf32, #tpu.memory_space<vmem_shared>> -> memref<10000x64xf32, #tpu.memory_space<vmem_shared>>
        tpu.wait_indirect_dma semaphore(%run_scoped3A_59 : memref<!tpu.dma_semaphore, #tpu.memory_space<semaphore_mem>>) src(%dma_wait3A_71 : memref<128x64xf32, #tpu.memory_space<vmem>>) dst(%dma_wait3A_77 : memref<10000x64xf32, #tpu.memory_space<vmem_shared>>)
        tpu.yield
      }) : () -> ()
    }
    %scan3A_46 = arith.constant 79 : i32
    %barrier3A_47 = arith.constant 0 : index
    tpu.barrier barrier_id(%barrier3A_47)
    %eq3A = arith.constant 0 : i32
    %eq3A_48 = arith.cmpi eq, %arg1, %eq3A : i32
    %convert_element_type3A = arith.extui %eq3A_48 : i1 to i32
    %cond3A = arith.constant 0 : i32
    %cond3A_49 = arith.cmpi ne, %convert_element_type3A, %cond3A : i32
    scf.if %cond3A_49 {
      "tpu.region"() ({
        %run_scoped3A_50 = tpu.sem_alloc : memref<!tpu.dma_semaphore, #tpu.memory_space<semaphore_mem>>
        %dma_start3A = arith.constant 0 : i32
        %dma_start3A_51 = arith.constant 0 : i32
        %dma_start3A_52 = tpu.memref_slice %arg6[%arg0, %dma_start3A, %dma_start3A_51] : memref<2x10000x64xf32, #tpu.memory_space<hbm>> -> memref<1x10000x64xf32, #tpu.memory_space<hbm>>
        %dma_start3A_53 = tpu.memref_squeeze %dma_start3A_52 : memref<1x10000x64xf32, #tpu.memory_space<hbm>> -> memref<10000x64xf32, #tpu.memory_space<hbm>>
        tpu.enqueue_dma source(%arg12 : memref<10000x64xf32, #tpu.memory_space<vmem_shared>>) target(%dma_start3A_53 : memref<10000x64xf32, #tpu.memory_space<hbm>>) target_semaphore(%run_scoped3A_50 : memref<!tpu.dma_semaphore, #tpu.memory_space<semaphore_mem>>)
        %dma_wait3A = arith.constant 0 : i32
        %dma_wait3A_54 = arith.constant 0 : i32
        %dma_wait3A_55 = tpu.memref_slice %arg6[%arg0, %dma_wait3A, %dma_wait3A_54] : memref<2x10000x64xf32, #tpu.memory_space<hbm>> -> memref<1x10000x64xf32, #tpu.memory_space<hbm>>
        %dma_wait3A_56 = tpu.memref_squeeze %dma_wait3A_55 : memref<1x10000x64xf32, #tpu.memory_space<hbm>> -> memref<10000x64xf32, #tpu.memory_space<hbm>>
        tpu.wait_dma2 semaphore(%run_scoped3A_50 : memref<!tpu.dma_semaphore, #tpu.memory_space<semaphore_mem>>) src(%arg12 : memref<10000x64xf32, #tpu.memory_space<vmem_shared>>) dst(%dma_wait3A_56 : memref<10000x64xf32, #tpu.memory_space<hbm>>)
        tpu.yield
      }) : () -> ()
    } else {
    }
    return
  }
}

module attributes {stable_mosaic.version = 14 : i64} {
  func.func @_tc_t2_body(%arg0: i32, %arg1: memref<8000x16xf32, #tpu.memory_space<vmem>>, %arg2: memref<16x1xf32, #tpu.memory_space<vmem>>, %arg3: memref<8000x1xf32, #tpu.memory_space<vmem>>) attributes {dimension_semantics = [#tpu.dimension_semantics<arbitrary>], iteration_bounds = array<i64: 40>, scalar_prefetch = 0 : i64, scratch_operands = 0 : i64, tpu.core_type = #tpu.core_type<tc>, window_params = [{transform_indices = @transform_0, window_bounds = array<i64: 8000, 16>}, {pipeline_mode = #tpu.pipeline_mode<synchronous>, transform_indices = @transform_1, window_bounds = array<i64: 16, 1>}, {transform_indices = @transform_2, window_bounds = array<i64: 8000, 1>}]} {
    %get3A = arith.constant 0 : index
    %get3A_0 = arith.constant 0 : index
    %get3A_1 = vector.load %arg1[%get3A, %get3A_0] : memref<8000x16xf32, #tpu.memory_space<vmem>>, vector<8000x16xf32>
    %get3A_2 = arith.constant 0 : index
    %get3A_3 = arith.constant 0 : index
    %get3A_4 = vector.load %arg2[%get3A_2, %get3A_3] : memref<16x1xf32, #tpu.memory_space<vmem>>, vector<16x1xf32>
    %dot_general3A = arith.constant dense<0.000000e+00> : vector<8000x1xf32>
    %dot_general3A_5 = tpu.matmul %get3A_1, %get3A_4, %dot_general3A {dimension_numbers = #tpu.dot_dimension_numbers<[1], [0], [0], [1], [0, 0, 1, 1], [], []>, transpose_lhs_hint = false} : vector<8000x16xf32>, vector<16x1xf32>, vector<8000x1xf32> -> vector<8000x1xf32>
    %swap3A = arith.constant 0 : index
    %swap3A_6 = arith.constant 0 : index
    %swap3A_7 = vector.load %arg3[%swap3A, %swap3A_6] : memref<8000x1xf32, #tpu.memory_space<vmem>>, vector<8000x1xf32>
    tpu.vector_store %arg3[%swap3A, %swap3A_6], %dot_general3A_5 {strides = array<i32>} : memref<8000x1xf32, #tpu.memory_space<vmem>>, vector<8000x1xf32>,
    return
  }
  func.func @transform_0(%arg0: i32) -> (i32, i32) {
    %c0_i32 = arith.constant 0 : i32
    %c0_i32_0 = arith.constant 0 : i32
    return %arg0, %c0_i32 : i32, i32
  }
  func.func @transform_1(%arg0: i32) -> (i32, i32) {
    %c0_i32 = arith.constant 0 : i32
    %c0_i32_0 = arith.constant 0 : i32
    %c0_i32_1 = arith.constant 0 : i32
    return %c0_i32, %c0_i32_0 : i32, i32
  }
  func.func @transform_2(%arg0: i32) -> (i32, i32) {
    %c0_i32 = arith.constant 0 : i32
    %c0_i32_0 = arith.constant 0 : i32
    return %arg0, %c0_i32 : i32, i32
  }
}

module attributes {stable_mosaic.version = 14 : i64} {
  func.func @_tc_pre_body(%arg0: memref<10000x128xf32, #tpu.memory_space<vmem>>, %arg1: memref<10000x16xf32, #tpu.memory_space<vmem>>, %arg2: memref<128x64xf32, #tpu.memory_space<vmem>>, %arg3: memref<16x64xf32, #tpu.memory_space<vmem>>, %arg4: memref<64x4xf32, #tpu.memory_space<vmem>>, %arg5: memref<10000x64xf32, #tpu.memory_space<vmem>>, %arg6: memref<10000x64xf32, #tpu.memory_space<vmem>>, %arg7: memref<10000x4xf32, #tpu.memory_space<vmem>>) attributes {dimension_semantics = [], scalar_prefetch = 0 : i64, scratch_operands = 0 : i64, tpu.core_type = #tpu.core_type<tc>} {
    %get3A = arith.constant 0 : index
    %get3A_0 = arith.constant 0 : index
    %get3A_1 = vector.load %arg0[%get3A, %get3A_0] : memref<10000x128xf32, #tpu.memory_space<vmem>>, vector<10000x128xf32>
    %get3A_2 = arith.constant 0 : index
    %get3A_3 = arith.constant 0 : index
    %get3A_4 = vector.load %arg2[%get3A_2, %get3A_3] : memref<128x64xf32, #tpu.memory_space<vmem>>, vector<128x64xf32>
    %dot_general3A = arith.constant dense<0.000000e+00> : vector<10000x64xf32>
    %dot_general3A_5 = tpu.matmul %get3A_1, %get3A_4, %dot_general3A {dimension_numbers = #tpu.dot_dimension_numbers<[1], [0], [0], [1], [0, 0, 1, 1], [], []>, transpose_lhs_hint = false} : vector<10000x128xf32>, vector<128x64xf32>, vector<10000x64xf32> -> vector<10000x64xf32>
    %swap3A = arith.constant 0 : index
    %swap3A_6 = arith.constant 0 : index
    %swap3A_7 = vector.load %arg5[%swap3A, %swap3A_6] : memref<10000x64xf32, #tpu.memory_space<vmem>>, vector<10000x64xf32>
    tpu.vector_store %arg5[%swap3A, %swap3A_6], %dot_general3A_5 {strides = array<i32>} : memref<10000x64xf32, #tpu.memory_space<vmem>>, vector<10000x64xf32>,
    %get3A_8 = arith.constant 0 : index
    %get3A_9 = arith.constant 0 : index
    %get3A_10 = vector.load %arg1[%get3A_8, %get3A_9] : memref<10000x16xf32, #tpu.memory_space<vmem>>, vector<10000x16xf32>
    %get3A_11 = arith.constant 0 : index
    %get3A_12 = arith.constant 0 : index
    %get3A_13 = vector.load %arg3[%get3A_11, %get3A_12] : memref<16x64xf32, #tpu.memory_space<vmem>>, vector<16x64xf32>
    %dot_general3A_14 = arith.constant dense<0.000000e+00> : vector<10000x64xf32>
    %dot_general3A_15 = tpu.matmul %get3A_10, %get3A_13, %dot_general3A_14 {dimension_numbers = #tpu.dot_dimension_numbers<[1], [0], [0], [1], [0, 0, 1, 1], [], []>, transpose_lhs_hint = false} : vector<10000x16xf32>, vector<16x64xf32>, vector<10000x64xf32> -> vector<10000x64xf32>
    %swap3A_16 = arith.constant 0 : index
    %swap3A_17 = arith.constant 0 : index
    %swap3A_18 = vector.load %arg6[%swap3A_16, %swap3A_17] : memref<10000x64xf32, #tpu.memory_space<vmem>>, vector<10000x64xf32>
    tpu.vector_store %arg6[%swap3A_16, %swap3A_17], %dot_general3A_15 {strides = array<i32>} : memref<10000x64xf32, #tpu.memory_space<vmem>>, vector<10000x64xf32>,
    %get3A_19 = arith.constant 0 : index
    %get3A_20 = arith.constant 0 : index
    %get3A_21 = vector.load %arg4[%get3A_19, %get3A_20] : memref<64x4xf32, #tpu.memory_space<vmem>>, vector<64x4xf32>
    %dot_general3A_22 = arith.constant dense<0.000000e+00> : vector<10000x4xf32>
    %dot_general3A_23 = tpu.matmul %dot_general3A_5, %get3A_21, %dot_general3A_22 {dimension_numbers = #tpu.dot_dimension_numbers<[1], [0], [0], [1], [0, 0, 1, 1], [], []>, transpose_lhs_hint = false} : vector<10000x64xf32>, vector<64x4xf32>, vector<10000x4xf32> -> vector<10000x4xf32>
    %swap3A_24 = arith.constant 0 : index
    %swap3A_25 = arith.constant 0 : index
    %swap3A_26 = vector.load %arg7[%swap3A_24, %swap3A_25] : memref<10000x4xf32, #tpu.memory_space<vmem>>, vector<10000x4xf32>
    tpu.vector_store %arg7[%swap3A_24, %swap3A_25], %dot_general3A_23 {strides = array<i32>} : memref<10000x4xf32, #tpu.memory_space<vmem>>, vector<10000x4xf32>,
    return
  }
}

module attributes {stable_mosaic.version = 14 : i64} {
  func.func @_tc_merge_body(%arg0: memref<2x10000x64xf32, #tpu.memory_space<vmem>>, %arg1: memref<2x10000x64xf32, #tpu.memory_space<vmem>>, %arg2: memref<32x4x16xf32, #tpu.memory_space<vmem>>, %arg3: memref<10000x64xf32, #tpu.memory_space<vmem>>, %arg4: memref<10000x64xf32, #tpu.memory_space<vmem>>, %arg5: memref<1x1xf32, #tpu.memory_space<vmem>>, %arg6: memref<1x1xf32, #tpu.memory_space<vmem>>) attributes {dimension_semantics = [], scalar_prefetch = 0 : i64, scratch_operands = 0 : i64, tpu.core_type = #tpu.core_type<tc>} {
    %get3A = arith.constant 0 : index
    %get3A_0 = arith.constant 0 : index
    %get3A_1 = arith.constant 0 : index
    %get3A_2 = vector.load %arg0[%get3A, %get3A_0, %get3A_1] : memref<2x10000x64xf32, #tpu.memory_space<vmem>>, vector<1x10000x64xf32>
    %get3A_3 = vector.shape_cast %get3A_2 : vector<1x10000x64xf32> to vector<10000x64xf32>
    %get3A_4 = arith.constant 1 : index
    %get3A_5 = arith.constant 0 : index
    %get3A_6 = arith.constant 0 : index
    %get3A_7 = vector.load %arg0[%get3A_4, %get3A_5, %get3A_6] : memref<2x10000x64xf32, #tpu.memory_space<vmem>>, vector<1x10000x64xf32>
    %get3A_8 = vector.shape_cast %get3A_7 : vector<1x10000x64xf32> to vector<10000x64xf32>
    %add3A = arith.addf %get3A_3, %get3A_8 : vector<10000x64xf32>
    %swap3A = arith.constant 0 : index
    %swap3A_9 = arith.constant 0 : index
    %swap3A_10 = vector.load %arg3[%swap3A, %swap3A_9] : memref<10000x64xf32, #tpu.memory_space<vmem>>, vector<10000x64xf32>
    tpu.vector_store %arg3[%swap3A, %swap3A_9], %add3A {strides = array<i32>} : memref<10000x64xf32, #tpu.memory_space<vmem>>, vector<10000x64xf32>,
    %get3A_11 = arith.constant 0 : index
    %get3A_12 = arith.constant 0 : index
    %get3A_13 = arith.constant 0 : index
    %get3A_14 = vector.load %arg1[%get3A_11, %get3A_12, %get3A_13] : memref<2x10000x64xf32, #tpu.memory_space<vmem>>, vector<1x10000x64xf32>
    %get3A_15 = vector.shape_cast %get3A_14 : vector<1x10000x64xf32> to vector<10000x64xf32>
    %get3A_16 = arith.constant 1 : index
    %get3A_17 = arith.constant 0 : index
    %get3A_18 = arith.constant 0 : index
    %get3A_19 = vector.load %arg1[%get3A_16, %get3A_17, %get3A_18] : memref<2x10000x64xf32, #tpu.memory_space<vmem>>, vector<1x10000x64xf32>
    %get3A_20 = vector.shape_cast %get3A_19 : vector<1x10000x64xf32> to vector<10000x64xf32>
    %add3A_21 = arith.addf %get3A_15, %get3A_20 : vector<10000x64xf32>
    %swap3A_22 = arith.constant 0 : index
    %swap3A_23 = arith.constant 0 : index
    %swap3A_24 = vector.load %arg4[%swap3A_22, %swap3A_23] : memref<10000x64xf32, #tpu.memory_space<vmem>>, vector<10000x64xf32>
    tpu.vector_store %arg4[%swap3A_22, %swap3A_23], %add3A_21 {strides = array<i32>} : memref<10000x64xf32, #tpu.memory_space<vmem>>, vector<10000x64xf32>,
    %get3A_25 = arith.constant 0 : index
    %get3A_26 = arith.constant 0 : index
    %get3A_27 = arith.constant 0 : index
    %get3A_28 = vector.load %arg2[%get3A_25, %get3A_26, %get3A_27] : memref<32x4x16xf32, #tpu.memory_space<vmem>>, vector<32x4x16xf32>
    %slice3A = vector.extract_strided_slice %get3A_28 {offsets = [0, 0, 0], sizes = [32, 1, 16], strides = [1, 1, 1]} : vector<32x4x16xf32> to vector<32x1x16xf32>
    %squeeze3A = vector.shape_cast %slice3A : vector<32x1x16xf32> to vector<32x16xf32>
    %reduce_sum3A = vector.shape_cast %squeeze3A : vector<32x16xf32> to vector<1x32x16xf32>
    %reduce_sum3A_29 = arith.constant dense<0.000000e+00> : vector<1xf32>
    %reduce_sum3A_30 = vector.multi_reduction <add>, %reduce_sum3A, %reduce_sum3A_29 [1, 2] : vector<1x32x16xf32> to vector<1xf32>
    %reduce_sum3A_31 = vector.shape_cast %reduce_sum3A_30 : vector<1xf32> to vector<1x1x1xf32>
    %reduce_sum3A_32 = vector.extract %reduce_sum3A_31[0, 0, 0] : f32 from vector<1x1x1xf32>
    %slice3A_33 = vector.extract_strided_slice %get3A_28 {offsets = [0, 1, 0], sizes = [32, 1, 16], strides = [1, 1, 1]} : vector<32x4x16xf32> to vector<32x1x16xf32>
    %squeeze3A_34 = vector.shape_cast %slice3A_33 : vector<32x1x16xf32> to vector<32x16xf32>
    %reduce_sum3A_35 = vector.shape_cast %squeeze3A_34 : vector<32x16xf32> to vector<1x32x16xf32>
    %reduce_sum3A_36 = arith.constant dense<0.000000e+00> : vector<1xf32>
    %reduce_sum3A_37 = vector.multi_reduction <add>, %reduce_sum3A_35, %reduce_sum3A_36 [1, 2] : vector<1x32x16xf32> to vector<1xf32>
    %reduce_sum3A_38 = vector.shape_cast %reduce_sum3A_37 : vector<1xf32> to vector<1x1x1xf32>
    %reduce_sum3A_39 = vector.extract %reduce_sum3A_38[0, 0, 0] : f32 from vector<1x1x1xf32>
    %slice3A_40 = vector.extract_strided_slice %get3A_28 {offsets = [0, 2, 0], sizes = [32, 1, 16], strides = [1, 1, 1]} : vector<32x4x16xf32> to vector<32x1x16xf32>
    %squeeze3A_41 = vector.shape_cast %slice3A_40 : vector<32x1x16xf32> to vector<32x16xf32>
    %reduce_sum3A_42 = vector.shape_cast %squeeze3A_41 : vector<32x16xf32> to vector<1x32x16xf32>
    %reduce_sum3A_43 = arith.constant dense<0.000000e+00> : vector<1xf32>
    %reduce_sum3A_44 = vector.multi_reduction <add>, %reduce_sum3A_42, %reduce_sum3A_43 [1, 2] : vector<1x32x16xf32> to vector<1xf32>
    %reduce_sum3A_45 = vector.shape_cast %reduce_sum3A_44 : vector<1xf32> to vector<1x1x1xf32>
    %reduce_sum3A_46 = vector.extract %reduce_sum3A_45[0, 0, 0] : f32 from vector<1x1x1xf32>
    %slice3A_47 = vector.extract_strided_slice %get3A_28 {offsets = [0, 3, 0], sizes = [32, 1, 16], strides = [1, 1, 1]} : vector<32x4x16xf32> to vector<32x1x16xf32>
    %squeeze3A_48 = vector.shape_cast %slice3A_47 : vector<32x1x16xf32> to vector<32x16xf32>
    %reduce_sum3A_49 = vector.shape_cast %squeeze3A_48 : vector<32x16xf32> to vector<1x32x16xf32>
    %reduce_sum3A_50 = arith.constant dense<0.000000e+00> : vector<1xf32>
    %reduce_sum3A_51 = vector.multi_reduction <add>, %reduce_sum3A_49, %reduce_sum3A_50 [1, 2] : vector<1x32x16xf32> to vector<1xf32>
    %reduce_sum3A_52 = vector.shape_cast %reduce_sum3A_51 : vector<1xf32> to vector<1x1x1xf32>
    %reduce_sum3A_53 = vector.extract %reduce_sum3A_52[0, 0, 0] : f32 from vector<1x1x1xf32>
    %mul3A = arith.mulf %reduce_sum3A_32, %reduce_sum3A_32 : f32
    %div3A = arith.constant 3.200000e+05 : f32
    %div3A_54 = arith.divf %mul3A, %div3A : f32
    %sub3A = arith.subf %reduce_sum3A_39, %div3A_54 : f32
    %mul3A_55 = arith.constant 3.1250097E-6 : f32
    %mul3A_56 = arith.mulf %sub3A, %mul3A_55 : f32
    %reshape3A = vector.broadcast %mul3A_56 : f32 to vector<1x1xf32>
    %swap3A_57 = arith.constant 0 : index
    %swap3A_58 = arith.constant 0 : index
    %swap3A_59 = vector.load %arg5[%swap3A_57, %swap3A_58] : memref<1x1xf32, #tpu.memory_space<vmem>>, vector<1x1xf32>
    tpu.vector_store %arg5[%swap3A_57, %swap3A_58], %reshape3A {strides = array<i32>} : memref<1x1xf32, #tpu.memory_space<vmem>>, vector<1x1xf32>,
    %mul3A_60 = arith.mulf %reduce_sum3A_46, %reduce_sum3A_46 : f32
    %div3A_61 = arith.constant 3.200000e+05 : f32
    %div3A_62 = arith.divf %mul3A_60, %div3A_61 : f32
    %sub3A_63 = arith.subf %reduce_sum3A_53, %div3A_62 : f32
    %mul3A_64 = arith.constant 3.1250097E-6 : f32
    %mul3A_65 = arith.mulf %sub3A_63, %mul3A_64 : f32
    %reshape3A_66 = vector.broadcast %mul3A_65 : f32 to vector<1x1xf32>
    %swap3A_67 = arith.constant 0 : index
    %swap3A_68 = arith.constant 0 : index
    %swap3A_69 = vector.load %arg6[%swap3A_67, %swap3A_68] : memref<1x1xf32, #tpu.memory_space<vmem>>, vector<1x1xf32>
    tpu.vector_store %arg6[%swap3A_67, %swap3A_68], %reshape3A_66 {strides = array<i32>} : memref<1x1xf32, #tpu.memory_space<vmem>>, vector<1x1xf32>,
    return
  }
}

</mosaic_0001>

<sc_bundles>
// kernel: kernel.10.cloned.1.call-start
scs
__scs_entry_jumppad:
0x0: {  	(pc) =	sbr.rel $0x88, $3  }
0x1: {  	(tag) =	ssettag $0x0;
	lr =	simm.s32 $0x1  }
0x2: {  	[smem:$0x3F9A] =	sst lr;
	_ =	strace $0xD0000000  }
0x3: {  	_ = 	snop  }
0x4: {  	_ = 	snop  }
0x5: {  	_ = 	snop  }
0x6: {  	_ = 	snop  }
0x7: {  	_ = 	snop  }
__scs_overlays_trampoline_lowered:
0x8: {  	[smem:$0x3FA9] =	sst s0  }
0x9: {  	[smem:$0x3FAA] =	sst s1  }
0xa: {  	[smem:$0x3FAB] =	sst s2  }
0xb: {  	[smem:$0x3FAC] =	sst s3  }
0xc: {  	[smem:$0x3FAD] =	sst s4  }
0xd: {  	[smem:$0x3FAE] =	sst s5  }
0xe: {  	[smem:$0x3FAF] =	sst s6  }
0xf: {  	[smem:$0x3FB0] =	sst s7  }
0x10: {  	[smem:$0x3FB1] =	sst s8  }
0x11: {  	[smem:$0x3FB2] =	sst s9;
	s0 =	simm.s32 @!p0 $0x0  }
0x12: {  	s1 =	sld [smem:$0x3F98];
	s0 =	simm.s32 @p0 $0x1  }
0x13: {  	[smem:$0x3FB3] =	sst s0;
	s0 =	simm.s32 @!p1 $0x0  }
0x14: {  	s2 =	sld [smem:$0x3F97];
	s0 =	simm.s32 @p1 $0x1  }
0x15: {  	[smem:$0x3FB4] =	sst s0;
	s0 =	simm.s32 @!p2 $0x0  }
0x16: {  	s3 =	sld [smem:$0x3FDB];
	s0 =	simm.s32 @p2 $0x1  }
0x17: {  	s4 =	simm.s32 $0x1BF5;
	[smem:$0x3FB6] =	sst s0  }
0x18: {  	s0 =	sld [smem:$0x3F99];
	_ =	swait.ge [sflag:s4], $0x0  }
0x19: {  	s7 =	sld [smem:$0x3F9A]  }
0x1a: {  	s8 =	sadd.s32 $0xFFFFE003, lr  }
0x1b: {  	s9 =	sadd.s32 $0xFFFFFEF7, lr;
	s5 =	simm.s32 $0xFFFFFFFF;
	p2 =	slt.u32 s8, $0xFFFFF086  }
0x1c: {  	p1 =	slt.u32 s9, $0xF7A;
	s5 =	simm.s32 @!p2 $0x0  }
0x1d: {  	s5 =	simm.s32 @p1 $0x1;
	p0 =	seq.s32 s7, s2  }
0x1e: {  	s7 =	smul.u32 @!p0 $0xF7A, s2;
	p2 =	seq.s32 @!p0 s5, $0x0  }
0x1f: {  	s9 =	smul.u32 $0xF7A, s1;
	s8 =	simm.s32 @!p0 $0x1BF5;
	p2 =	por !p2, p0  }
0x20: {  	[sflag:s8] =	ssyncset.s32 @!p0 $0xFFFFF086;
	s6 =	sadd.s32 @!p0 s3, s7;
	s7 =	simm.s32 @!p0 $0x108  }
0x21: {  	s3 =	sadd.s32 s3, s9;
	s6 =	sadd.s32 @!p0 $0x88, s6;
	s7 =	simm.s32 @p2 $0x1082  }
0x22: {  	[simem:s7], [sflag:s8] =	dma.local @!p0 [hbm:s6], $0xF7A  }
0x23: {  	s9 =	sor.u32 $0xD0000000, s2;
	s6 =	simm.s32 $0x108;
	_ =	swait.ge @!p0 [sflag:s8], $0x0  }
0x24: {  	s3 =	sadd.s32 $0x88, s3;
	s6 =	simm.s32 @!p1 $0x1082;
	[sflag:s4] =	ssyncset.s32 $0xFFFFF086  }
0x25: {  	[simem:s6], [sflag:s4] =	dma.local [hbm:s3], $0xF7A  }
0x26: {  	[smem:$0x3F9A] =	sst s1;
	(tag) =	ssettag s2;
	_ =	strace s9  }
0x27: {  	s1 =	sld [smem:$0x3FAA]  }
0x28: {  	s2 =	sld [smem:$0x3FAB]  }
0x29: {  	s4 =	sld [smem:$0x3FAD]  }
0x2a: {  	p0 =	seq.s32 s5, $0x0;
	s5 =	sld [smem:$0x3FAE]  }
0x2b: {  	s6 =	sld [smem:$0x3FAF]  }
0x2c: {  	s7 =	sld [smem:$0x3FB0]  }
0x2d: {  	s3 =	simm.s32 $0x108;
	s8 =	sld [smem:$0x3FB1]  }
0x2e: {  	s3 =	simm.s32 @!p0 $0x1082;
	s9 =	sld [smem:$0x3FB2]  }
0x2f: {  	lr =	sadd.s32 s0, s3;
	s0 =	sld [smem:$0x3FA9]  }
0x30: {  	s3 =	sld [smem:$0x3FAC]  }
0x31: {  	[smem:$0x3FB5] =	sst s10  }
0x32: {  	s10 =	sld [smem:$0x3FB3];
	_ =	sdelay $0x3  }
0x33: {  	p0 =	seq.s32 s10, $0x1;
	s10 =	sld [smem:$0x3FB5];
	_ =	sdelay $0x3  }
0x34: {  	[smem:$0x3FB5] =	sst s10  }
0x35: {  	s10 =	sld [smem:$0x3FB4];
	_ =	sdelay $0x3  }
0x36: {  	p1 =	seq.s32 s10, $0x1;
	s10 =	sld [smem:$0x3FB5];
	_ =	sdelay $0x3  }
0x37: {  	[smem:$0x3FB5] =	sst s10  }
0x38: {  	s10 =	sld [smem:$0x3FB6]  }
0x39: {  	_ = 	snop;
	(pc) =	sbr.ind lr, $3  }
0x3a: {  	_ = 	snop  }
0x3b: {  	_ = 	snop  }
0x3c: {  	p2 =	seq.s32 s10, $0x1;
	s10 =	sld [smem:$0x3FB5]  }
0x3d: {  	_ =	shalt  }
0x3e: {  	_ =	shalt  }
0x3f: {  	_ =	shalt  }
0x40: {  	_ =	shalt  }
0x41: {  	_ =	shalt  }
0x42: {  	_ =	shalt  }
0x43: {  	_ =	shalt  }
0x44: {  	_ =	shalt  }
0x45: {  	_ =	shalt  }
0x46: {  	_ =	shalt  }
0x47: {  	_ =	shalt  }
0x48: {  	_ =	shalt  }
0x49: {  	_ =	shalt  }
0x4a: {  	_ =	shalt  }
0x4b: {  	_ =	shalt  }
0x4c: {  	_ =	shalt  }
0x4d: {  	_ =	shalt  }
0x4e: {  	_ =	shalt  }
0x4f: {  	_ =	shalt  }
0x50: {  	_ =	shalt  }
0x51: {  	_ =	shalt  }
0x52: {  	_ =	shalt  }
0x53: {  	_ =	shalt  }
0x54: {  	_ =	shalt  }
0x55: {  	_ =	shalt  }
0x56: {  	_ =	shalt  }
0x57: {  	_ =	shalt  }
0x58: {  	_ =	shalt  }
0x59: {  	_ =	shalt  }
0x5a: {  	_ =	shalt  }
0x5b: {  	_ =	shalt  }
0x5c: {  	_ =	shalt  }
0x5d: {  	_ =	shalt  }
0x5e: {  	_ =	shalt  }
0x5f: {  	_ =	shalt  }
0x60: {  	_ =	shalt  }
0x61: {  	_ =	shalt  }
0x62: {  	_ =	shalt  }
0x63: {  	_ =	shalt  }
0x64: {  	_ =	shalt  }
0x65: {  	_ =	shalt  }
0x66: {  	_ =	shalt  }
0x67: {  	_ =	shalt  }
0x68: {  	_ =	shalt  }
0x69: {  	_ =	shalt  }
0x6a: {  	_ =	shalt  }
0x6b: {  	_ =	shalt  }
0x6c: {  	_ =	shalt  }
0x6d: {  	_ =	shalt  }
0x6e: {  	_ =	shalt  }
0x6f: {  	_ =	shalt  }
0x70: {  	_ =	shalt  }
0x71: {  	_ =	shalt  }
0x72: {  	_ =	shalt  }
0x73: {  	_ =	shalt  }
0x74: {  	_ =	shalt  }
0x75: {  	_ =	shalt  }
0x76: {  	_ =	shalt  }
0x77: {  	_ =	shalt  }
0x78: {  	_ =	shalt  }
0x79: {  	_ =	shalt  }
0x7a: {  	_ =	shalt  }
0x7b: {  	_ =	shalt  }
0x7c: {  	_ =	shalt  }
0x7d: {  	_ =	shalt  }
0x7e: {  	_ =	shalt  }
0x7f: {  	_ =	shalt  }
0x80: {  	_ =	shalt  }
0x81: {  	_ =	shalt  }
0x82: {  	_ =	shalt  }
0x83: {  	_ =	shalt  }
0x84: {  	_ =	shalt  }
0x85: {  	_ =	shalt  }
0x86: {  	_ =	shalt  }
0x87: {  	_ =	shalt  }
.Lfunc_end0:
.L_simem_size_0:
called_computation_lowered:
.L_overlay_start_0:
0x88: {  	s2 =	sld [smem:$0x3FD9]  }
0x89: {  	s3 =	sld [smem:$0x3FFE];
	_ =	sdelay $0x1  }
0x8a: {  	s1 =	srdreg.scid  }
0x8b: {  	s0 =	sand.u32 $0x1, s1  }
0x8c: {  	s14 =	sshll.u32 s0, $0xA;
	s2 =	sadd.s32 s3, s2  }
0x8d: {  	s2 =	sadd.s32 s2, s14  }
0x8e: {  	[smem:$0x3FC1] =	sst s2  }
0x8f: {  	_ = 	snop  }
0x90: {  	s2 =	sld [smem:$0x3FD0];
	_ =	sdelay $0x2  }
0x91: {  	s15 =	simm.s32 $0xB;
	s4 =	simm.s32 $0x10  }
0x92: {  	[smem:s4], [sflag:s15] =	dma.local [hbm:s2], $0x1  }
0x93: {  	_ =	swait.eq [sflag:s15], $0x1  }
0x94: {  	[sflag:s15] =	ssyncset.done $0x0  }
0x95: {  	s16 =	sld [smem:$0x10];
	[sflag:s15] =	ssyncadd.s32 $0xFFFFFFFF  }
0x96: {  	s17 =	sld [smem:$0x11];
	(tm) =	ssettm $0x1  }
0x97: {  	s18 =	sld [smem:$0x3FFB];
	_ =	sdelay $0x3  }
0x98: {  	_ =	strace s18  }
0x99: {  	s4 =	sld [smem:$0x3FFC];
	_ =	sdelay $0x3  }
0x9a: {  	_ =	strace s4  }
0x9b: {  	s4 =	sld [smem:$0x3FFD];
	_ =	sdelay $0x3  }
0x9c: {  	_ =	strace s4  }
0x9d: {  	_ =	strace $0x8FFFFFFF  }
0x9e: {  	s19 =	sld [smem:$0x3FDB];
	_ =	sdelay $0x1  }
0x9f: {  	s5 =	simm.s32 $_scs_section_size  }
0xa0: {  	s6 =	simm.s32 $_size__tile_overlayer_lowered;
	s7 =	simm.s32 $_tile_overlayer_lowered  }
0xa1: {  	s22 =	simm.s32 $0x1BFF;
	s21 =	sshll.u32 s7, $0x1;
	s4 =	sadd.s32 s5, s19  }
0xa2: {  	s8 =	simm.s32 $0x0;
	s20 =	sshll.u32 s6, $0x1;
	s6 =	sadd.s32 s21, s4  }
0xa3: {  	[timem:s8], [sflag:s22] =	dma.local [hbm:s6], s20  }
0xa4: {  	_ =	swait.ge [sflag:s22], s20  }
0xa5: {  	s5 =	ssub.s32 $0x0, s20;
	[sflag:s22] =	ssyncset.done $0x0  }
0xa6: {  	[sflag:s22] =	ssyncadd.s32 s5;
	_ =	sdelay $0x1  }
0xa7: {  	s23 =	simm.s32 $0x1B8B  }
0xa8: {  	_ =	swait.ge [sflag:s23], $0x1  }
0xa9: {  	[sflag:s23] =	ssyncset.done $0x0  }
0xaa: {  	s25 =	simm.s32 $0x1B8E;
	s24 =	sld [smem:$0x3FFE];
	[sflag:s23] =	ssyncadd.s32 $0xFFFFFFFF  }
0xab: {  	s26 =	simm.s32 $execute0_lowered;
	[smem:$0x3FD2] =	sst s25  }
0xac: {  	s6 =	sshll.u32 s26, $0x1;
	_ =	strace $0x80000046;
	[dreg:$0x1] =	wrdreg $0xFFFFFFFF  }
0xad: {  	s28 =	simm.s32 $_size_execute0_lowered;
	s4 =	sadd.s32 s4, s6;
	[dreg:$0x0] =	wrdreg $0x0  }
0xae: {  	s6 =	sshll.u32 s28, $0x1;
	[dreg:$0x2] =	wrdreg s4  }
0xaf: {  	[dreg:$0x3] =	wrdreg s6  }
0xb0: {  	[dreg:$0x4] =	wrdreg $0xC0  }
0xb1: {  	_ =	task [dreg:s8], $0x5FFFF  }
0xb2: {  	[dreg:$0x1] =	wrdreg $0xFFFFFFFF  }
0xb3: {  	[dreg:$0x0] =	wrdreg $0x60  }
0xb4: {  	[dreg:$0x2] =	wrdreg s16  }
0xb5: {  	[dreg:$0x3] =	wrdreg s17  }
0xb6: {  	[dreg:$0x4] =	wrdreg s24  }
0xb7: {  	[dreg:$0x5] =	wrdreg $0x119900  }
0xb8: {  	[dreg:$0x6] =	wrdreg $0x11C100  }
0xb9: {  	[dreg:$0x7] =	wrdreg $0x11E900  }
0xba: {  	[dreg:$0x8] =	wrdreg $0x9  }
0xbb: {  	_ =	task.clear_ibuf [dreg:s8], $0x9FFFF;
	_ =	strace $0x90000046  }
0xbc: {  	s29 =	simm.s32 $0x9;
	_ =	strace $0x80000048  }
0xbd: {  	_ =	swait.ge [sflag:s29], $0x1  }
0xbe: {  	[sflag:s29] =	ssyncadd.s32 $0xFFFFFFFF  }
0xbf: {  	_ =	strace $0x90000048  }
0xc0: {  	_ =	sfence  }
0xc1: {  	s30 =	sld [smem:$0x0];
	_ =	sdelay $0x2  }
0xc2: {  	s31 =	sshll.u32 s1, $0xD;
	s1 =	sshrl.u32 s1, $0x2  }
0xc3: {  	s3 =	sand.u32 $0x4000, s31;
	s1 =	sadd.s32 s1, s30  }
0xc4: {  	s0 =	sor.u32 s3, s0;
	s1 =	sshll.u32 s1, $0x11  }
0xc5: {  	s0 =	sor.u32 s1, s0  }
0xc6: {  	s0 =	sadd.s32 $0x8F2B, s0  }
0xc7: {  	[sflag:s0] =	ssyncadd.remote.s32 $0x1  }
0xc8: {  	_ =	sfence.sel $0xFFFF  }
0xc9: {  	[dreg:$0x0] =	wrdreg $0xFFFFFFFF;
	(pc) =	sbr.abs _section_cstart, $3  }
0xca: {  	[dreg:$0x1] =	wrdreg $0xFFFFFFFF  }
0xcb: {  	_ =	task.clear_ibuf [dreg:s8], $0x2FFFF;
	_ =	strace $0x9FFFFFFF  }
0xcc: {  	(tm) =	ssettm $0x7FFFFFFF  }
0xcd: {  	_ =	shalt  }
tec
execute0_lowered:
.L_overlay_start_1:
0x0: {  	(tag) =	ssettag $0x1  }
0x1: {  	s0 =	srdreg.scid  }
0x2: {  	s1 =	sand.u32 $0x1, s0  }
0x3: {  	s3 =	stileid.u32;
	s0 =	sshll.u32 s1, $0x4  }
0x4: {  	s5 =	sor.u32 s3, s0  }
0x5: {  	s2 =	rddreg [dreg:$0x0];
	s5 =	smul.u32 $0x2710, s5  }
0x6: {  	s4 =	rddreg [dreg:$0x1]  }
0x7: {  	s6 =	rddreg [dreg:$0x2];
	s0 =	simm.s32 $0x0;
	s5 =	sshrl.u32 s5, $0x3  }
0x8: {  	[smem:$0x7FF] =	sst s0;
	s14 =	sadd.s32 s2, s5  }
0x9: {  	s12 =	sadd.s32 $0xFA, s5;
	s15 =	sadd.s32 s4, s5;
	[dreg:$0x16] =	wrdreg s14  }
0xa: {  	s16 =	sadd.s32 s2, s12;
	[dreg:$0x17] =	wrdreg s15  }
0xb: {  	s7 =	sadd.s32 $0x52800, s6;
	s17 =	sadd.s32 s4, s12;
	[dreg:$0x7] =	wrdreg s16  }
0xc: {  	s8 =	sadd.s32 $0x5E400, s6;
	s18 =	sadd.s32 s7, s12;
	[dreg:$0x8] =	wrdreg s17  }
0xd: {  	s10 =	sadd.s32 $0x68200, s6;
	s13 =	sadd.s32 s8, s12;
	[dreg:$0x9] =	wrdreg s18  }
0xe: {  	s19 =	sadd.s32 $0x1F4, s5;
	s12 =	sadd.s32 s10, s12;
	[dreg:$0xa] =	wrdreg s13  }
0xf: {  	s20 =	sadd.s32 s2, s19;
	[dreg:$0xb] =	wrdreg s12  }
0x10: {  	s9 =	ssub.s32 $0x2, s1;
	s21 =	sadd.s32 s4, s19;
	[dreg:$0xc] =	wrdreg s20  }
0x11: {  	s11 =	sshrl.u32 s9, $0x1;
	s22 =	sadd.s32 s7, s19;
	[dreg:$0xd] =	wrdreg s21  }
0x12: {  	s9 =	ssub.s32 s9, s11;
	s24 =	sadd.s32 s8, s19;
	[dreg:$0xe] =	wrdreg s22  }
0x13: {  	s23 =	sadd.s32 $0x2EE, s5;
	s11 =	sadd.s32 s10, s19;
	[dreg:$0xf] =	wrdreg s24  }
0x14: {  	s25 =	sadd.s32 s2, s23;
	[dreg:$0x10] =	wrdreg s11  }
0x15: {  	s26 =	sadd.s32 s4, s23;
	[dreg:$0x11] =	wrdreg s25  }
0x16: {  	s30 =	sadd.s32 s7, s23;
	[dreg:$0x12] =	wrdreg s26  }
0x17: {  	s28 =	simm.s32 $0x11910;
	s31 =	sadd.s32 s8, s23;
	[dreg:$0x13] =	wrdreg s30  }
0x18: {  	s29 =	simm.s32 $0x0;
	p0 =	sne.s32 s3, $0x0;
	[dreg:$0x14] =	wrdreg s31  }
0x19: {  	s1 =	smul.u32 $0x500, s1;
	s19 =	sadd.s32 s10, s5;
	s16 =	rddreg [dreg:$0x3]  }
0x1a: {  	s14 =	simm.s32 $0x7800;
	s15 =	simm.s32 $0xA000;
	[dreg:$0x1a] =	wrdreg s19  }
0x1b: {  	s13 =	sadd.s32 s10, s23;
	s17 =	sadd.s32 s7, s5;
	s22 =	rddreg [dreg:$0x4]  }
0x1c: {  	s18 =	sadd.s32 s8, s5;
	s5 =	sadd.s32 $0x3E8, s5;
	s26 =	rddreg [dreg:$0x5]  }
0x1d: {  	s25 =	sadd.s32 s1, s6;
	s30 =	sadd.s32 $0x52200, s6;
	s31 =	sadd.s32 $0x51C00, s6  }
0x1e: {  	s1 =	sadd.s32 $0x51600, s6;
	s11 =	simm.s32 $0xF000;
	[dreg:$0x15] =	wrdreg s13  }
0x1f: {  	s12 =	simm.s32 $0xF7D0;
	s19 =	simm.s32 $0x10F40;
	[dreg:$0x18] =	wrdreg s17  }
0x20: {  	[dreg:$0x19] =	wrdreg s18;
	s2 =	sadd.s32 s2, s5;
	s20 =	sadd.s32 s4, s5  }
0x21: {  	s21 =	sadd.s32 s7, s5;
	s23 =	sadd.s32 s8, s5;
	s24 =	sadd.s32 s10, s5  }
0x22: {  	s3 =	sadd.s32 $0x5DA00, s25;
	s4 =	sadd.s32 $0x5D000, s25;
	[dreg:$0x1b] =	wrdreg s2  }
0x23: {  	s5 =	sadd.s32 $0x5C600, s25;
	s7 =	simm.s32 $0x11710;
	[dreg:$0x1c] =	wrdreg s20  }
0x24: {  	s8 =	simm.s32 $0x1;
	s10 =	simm.s32 $0x5000;
	[dreg:$0x1d] =	wrdreg s21  }
0x25: {  	s13 =	simm.s32 $0xFFA0;
	s17 =	simm.s32 $0xC800;
	[dreg:$0x1e] =	wrdreg s23  }
0x26: {  	s18 =	simm.s32 $0x10770;
	s25 =	simm.s32 $0x11890;
	[dreg:$0x1f] =	wrdreg s24  }
0x27: {  	s2 =	sadd.s32 $0x3000, s6;
	s6 =	smax.u32 s9, $0x1;
	s9 =	simm.s32 $0x2800  }
0x28: {  	s20 =	simm.s32 $0x80;
	_ =	strace $0x80000047;
	[smem:$0x7FC] =	sst s30  }
0x29: {  	v0 =	vimm.f32 $0.0e+00;
	v1 =	vimm.s32 $0x0;
	v2 =	vimm.s32 $0x1;
	s21 =	simm.s32 $0x11790;
	s24 =	simm.s32 $0x11810;
	[smem:$0x7FD] =	sst s31  }
.LBB2_1:
0x2a: {  	s30 =	simm.s32 $0x40;
	s31 =	simm.s32 $0x0  }
.LBB2_2:
0x2b: {  	p1 =	sne.s32 s30, $0x9FC0;
	[tilespmem:s31+$0xC800] =	vst v1;
	s23 =	smov.u32 s30;
	s30 =	sadd.s32 $0x40, s30  }
.Ltmp0:
0x2c: {  	[tilespmem:s31+$0x7800] =	vst v0;
	(pc) =	sbr.rel @p1 .LBB2_2-.Ltmp0, $2  }
0x2d: {  	[tilespmem:s31+$0xA000] =	vst v0;
	_ =	sdelay $0x2  }
0x2e: {  	s31 =	sshra.s32 s23, $0x2  }
0x2f: {  	[tilespmem:s31+$0xC800] =	vst v1  }
0x30: {  	[tilespmem:s31+$0x7800] =	vst v0  }
0x31: {  	[tilespmem:s31+$0xA000] =	vst v0  }
0x32: {  	[tilespmem:s7], [sflag:$0x1] =	stream.linear.gather [hbm4b:s2+s0], $0x280, $0x38;
	[tilespmem:$0x12110] =	vst v63  }
0x33: {  	_ =	swait.ge [sflag:s8], $0x280  }
0x34: {  	s23 =	sld [smem:$0x7FC]  }
0x35: {  	[sflag:s8] =	ssyncset.done $0x0  }
0x36: {  	[sflag:s8] =	ssyncadd.s32 $0xFFFFFD80  }
0x37: {  	[tilespmem:s0], [sflag:$0x1] =	stream.linear.gather [hbm4b:s23+s0], $0x2710, $0x38;
	[tilespmem:$0x12110] =	vst v63  }
0x38: {  	_ =	swait.ge [sflag:s8], $0x2710  }
0x39: {  	s31 =	sld [smem:$0x7FD]  }
0x3a: {  	[sflag:s8] =	ssyncset.done $0x0  }
0x3b: {  	[sflag:s8] =	ssyncadd.s32 $0xFFFFD8F0  }
0x3c: {  	[tilespmem:s9], [sflag:$0x1] =	stream.linear.gather [hbm4b:s31+s0], $0x2710, $0x38;
	[tilespmem:$0x12110] =	vst v63  }
0x3d: {  	_ =	swait.ge [sflag:s8], $0x2710  }
0x3e: {  	[sflag:s8] =	ssyncset.done $0x0  }
0x3f: {  	[sflag:s8] =	ssyncadd.s32 $0xFFFFD8F0  }
0x40: {  	[tilespmem:s10], [sflag:$0x1] =	stream.linear.gather [hbm4b:s1+s0], $0x2710, $0x38;
	[tilespmem:$0x12110] =	vst v63  }
0x41: {  	_ =	swait.ge [sflag:s8], $0x2710  }
0x42: {  	[sflag:s8] =	ssyncset.done $0x0  }
0x43: {  	s23 =	simm.s32 @!p0 $0x7800;
	[sflag:s8] =	ssyncadd.s32 $0xFFFFD8F0  }
0x44: {  	[spmem:s16] =	stream.linear.scatter @!p0 [tilespmem:s23], [sflag:$0x1], $0x2800, $0x38;
	[tilespmem:$0x12110] =	vst v63  }
0x45: {  	s23 =	simm.s32 @!p0 $0x1  }
0x46: {  	_ =	swait.ge @!p0 [sflag:s23], $0x2800  }
0x47: {  	[sflag:s23] =	ssyncset.done @!p0 $0x0  }
0x48: {  	s30 =	simm.s32 @!p0 $0xA000;
	[sflag:s23] =	ssyncadd.s32 @!p0 $0xFFFFD800  }
0x49: {  	[spmem:s22] =	stream.linear.scatter @!p0 [tilespmem:s30], [sflag:$0x1], $0x2800, $0x38;
	[tilespmem:$0x12110] =	vst v63  }
0x4a: {  	_ =	swait.ge @!p0 [sflag:s23], $0x2800  }
0x4b: {  	[sflag:s23] =	ssyncset.done @!p0 $0x0  }
0x4c: {  	s30 =	simm.s32 @!p0 $0xC800;
	[sflag:s23] =	ssyncadd.s32 @!p0 $0xFFFFD800  }
0x4d: {  	[spmem:s26] =	stream.linear.scatter @!p0 [tilespmem:s30], [sflag:$0x1], $0x2800, $0x38;
	[tilespmem:$0x12110] =	vst v63  }
0x4e: {  	_ =	swait.ge @!p0 [sflag:s23], $0x2800  }
0x4f: {  	[sflag:s23] =	ssyncset.done @!p0 $0x0  }
0x50: {  	[sflag:s23] =	ssyncadd.s32 @!p0 $0xFFFFD800  }
0x51: {  	[bflag:$0x0] =	sbarrier.arrive $0xFFFF  }
0x52: {  	s31 =	simm.s32 $0x0;
	s30 =	rddreg [dreg:$0x16]  }
0x53: {  	[tilespmem:s11], [sflag:$0x1] =	stream.linear.gather [hbm4b:s30+s31], $0x7D0, $0x38;
	[tilespmem:$0x12110] =	vst v63  }
0x54: {  	_ =	swait.ge [sflag:s8], $0x7D0  }
0x55: {  	[sflag:s8] =	ssyncset.done $0x0  }
0x56: {  	s30 =	rddreg [dreg:$0x17];
	[sflag:s8] =	ssyncadd.s32 $0xFFFFF830  }
0x57: {  	[tilespmem:s12], [sflag:$0x1] =	stream.linear.gather [hbm4b:s30+s31], $0x7D0, $0x38;
	[tilespmem:$0x12110] =	vst v63  }
0x58: {  	_ =	swait.ge [sflag:s8], $0x7D0  }
0x59: {  	[sflag:s8] =	ssyncset.done $0x0  }
0x5a: {  	s30 =	rddreg [dreg:$0x18];
	[sflag:s8] =	ssyncadd.s32 $0xFFFFF830  }
0x5b: {  	[tilespmem:s13], [sflag:$0x1] =	stream.linear.gather [hbm4b:s30+s31], $0x7D0, $0x38;
	[tilespmem:$0x12110] =	vst v63  }
0x5c: {  	_ =	swait.ge [sflag:s8], $0x7D0  }
0x5d: {  	[sflag:s8] =	ssyncset.done $0x0  }
0x5e: {  	s31 =	simm.s32 $0x0;
	[sflag:s8] =	ssyncadd.s32 $0xFFFFF830  }
0x5f: {  	v3 =	vld [tilespmem:s31+$0xF000]  }
0x60: {  	v4 =	vld [tilespmem:s31+$0xF7D0];
	_ =	sdelay $0x5  }
0x61: {  	v5 =	vld [tilespmem:s31+$0xFFA0]  }
0x62: {  	v6 =	vld.idx.msk [tilespmem:v3+s0+$0x0], $0xffff  }
0x63: {  	v4 =	vld.idx.msk [tilespmem:v4+s9+$0x0], $0xffff  }
0x64: {  	v7 =	vld.idx.msk [tilespmem:v3+s10+$0x0], $0xffff;
	_ =	sdelay $0x3  }
0x65: {  	v4 =	vadd.f32 v4, v6  }
0x66: {  	v5 =	vadd.f32 v5, v7  }
0x67: {  	v6 =	vmul.f32 $2.000000030e-01, v4  }
0x68: {  	v7 =	vmul.f32 $2.000000030e-01, v5  }
0x69: {  	v4 =	vmax.f32 v4, v6  }
0x6a: {  	v5 =	vmax.f32 v5, v7;
	v4 =	vmax.f32 v4, $-2.000000000e+00  }
0x6b: {  	v5 =	vmax.f32 v5, $-2.000000000e+00;
	v4 =	vmin.f32 v4, $2.000000000e+00  }
0x6c: {  	v5 =	vmin.f32 v5, $2.000000000e+00;
	v4 =	vmul.f32 $1.442695020e+00, v4  }
0x6d: {  	v5 =	vmul.f32 $1.442695020e+00, v5  }
0x6e: {  	(erf) = vpow2.f32 v4  }
0x6f: {  	(erf) = vpow2.f32 v5;
	_ =	sdelay $0x7  }
0x70: {  	v4 =	vpop (erf)  }
0x71: {  	[tilespmem:s31+$0x10770] =	vst v4;
	v5 =	vpop (erf)  }
0x72: {  	s30 =	simm.s32 $0x40;
	[tilespmem:s31+$0x10F40] =	vst v5  }
.LBB2_4:
0x73: {  	p1 =	sne.s32 s30, $0x1F00;
	[tilespmem:v3+s14+$0x0] =	vst.idx.add.f32.msk $0xffff, v4;
	s23 =	smov.u32 s30;
	s30 =	sadd.s32 $0x40, s30  }
0x74: {  	[tilespmem:v3+s15+$0x0] =	vst.idx.add.f32.msk $0xffff, v5  }
0x75: {  	s23 =	sshra.s32 s23, $0x2;
	[tilespmem:v3+s17+$0x0] =	vst.idx.add.s32.msk $0xffff, v2  }
0x76: {  	v3 =	vld [tilespmem:s23+$0xF000]  }
0x77: {  	v4 =	vld [tilespmem:s23+$0xF7D0];
	_ =	sdelay $0x5  }
0x78: {  	v5 =	vld [tilespmem:s23+$0xFFA0]  }
0x79: {  	v6 =	vld.idx.msk [tilespmem:v3+s0+$0x0], $0xffff  }
0x7a: {  	v4 =	vld.idx.msk [tilespmem:v4+s9+$0x0], $0xffff  }
0x7b: {  	v7 =	vld.idx.msk [tilespmem:v3+s10+$0x0], $0xffff;
	_ =	sdelay $0x4  }
0x7c: {  	v4 =	vadd.f32 v4, v6  }
0x7d: {  	v5 =	vadd.f32 v5, v7  }
0x7e: {  	v6 =	vmul.f32 $2.000000030e-01, v4  }
0x7f: {  	v7 =	vmul.f32 $2.000000030e-01, v5  }
0x80: {  	v4 =	vmax.f32 v4, v6  }
0x81: {  	v4 =	vmax.f32 v4, $-2.000000000e+00;
	v5 =	vmax.f32 v5, v7  }
0x82: {  	v4 =	vmin.f32 v4, $2.000000000e+00;
	v5 =	vmax.f32 v5, $-2.000000000e+00  }
0x83: {  	v4 =	vmul.f32 $1.442695020e+00, v4;
	v5 =	vmin.f32 v5, $2.000000000e+00  }
0x84: {  	v5 =	vmul.f32 $1.442695020e+00, v5  }
0x85: {  	(erf) = vpow2.f32 v4  }
0x86: {  	(erf) = vpow2.f32 v5;
	_ =	sdelay $0x5  }
.Ltmp1:
0x87: {  	(pc) =	sbr.rel @p1 .LBB2_4-.Ltmp1, $4  }
0x88: {  	_ = 	snop  }
0x89: {  	v4 =	vpop (erf)  }
0x8a: {  	[tilespmem:s23+$0x10770] =	vst v4;
	v5 =	vpop (erf)  }
0x8b: {  	[tilespmem:s23+$0x10F40] =	vst v5  }
0x8c: {  	_ =	sdelay $0x3  }
0x8d: {  	[tilespmem:v3+s14+$0x0] =	vst.idx.add.f32.msk $0xffff, v4  }
0x8e: {  	[tilespmem:v3+s15+$0x0] =	vst.idx.add.f32.msk $0xffff, v5  }
0x8f: {  	s23 =	simm.s32 $0x0;
	s30 =	rddreg [dreg:$0x19];
	[tilespmem:v3+s17+$0x0] =	vst.idx.add.s32.msk $0xffff, v2  }
0x90: {  	[hbm4b:s30+s23] =	stream.linear.scatter [tilespmem:s18], [sflag:$0x1], $0x7D0, $0x38;
	[tilespmem:$0x12110] =	vst v63  }
0x91: {  	_ =	swait.ge [sflag:s8], $0x7D0  }
0x92: {  	[sflag:s8] =	ssyncset.done $0x0  }
0x93: {  	s30 =	rddreg [dreg:$0x1a];
	[sflag:s8] =	ssyncadd.s32 $0xFFFFF830  }
0x94: {  	[hbm4b:s30+s23] =	stream.linear.scatter [tilespmem:s19], [sflag:$0x1], $0x7D0, $0x38;
	[tilespmem:$0x12110] =	vst v63  }
0x95: {  	_ =	swait.ge [sflag:s8], $0x7D0  }
0x96: {  	[sflag:s8] =	ssyncset.done $0x0  }
0x97: {  	s30 =	rddreg [dreg:$0x7];
	[sflag:s8] =	ssyncadd.s32 $0xFFFFF830  }
0x98: {  	[tilespmem:s11], [sflag:$0x1] =	stream.linear.gather [hbm4b:s30+s23], $0x7D0, $0x38;
	[tilespmem:$0x12110] =	vst v63  }
0x99: {  	_ =	swait.ge [sflag:s8], $0x7D0  }
0x9a: {  	[sflag:s8] =	ssyncset.done $0x0  }
0x9b: {  	s30 =	rddreg [dreg:$0x8];
	[sflag:s8] =	ssyncadd.s32 $0xFFFFF830  }
0x9c: {  	[tilespmem:s12], [sflag:$0x1] =	stream.linear.gather [hbm4b:s30+s23], $0x7D0, $0x38;
	[tilespmem:$0x12110] =	vst v63  }
0x9d: {  	_ =	swait.ge [sflag:s8], $0x7D0  }
0x9e: {  	[sflag:s8] =	ssyncset.done $0x0  }
0x9f: {  	s30 =	rddreg [dreg:$0x9];
	[sflag:s8] =	ssyncadd.s32 $0xFFFFF830  }
0xa0: {  	[tilespmem:s13], [sflag:$0x1] =	stream.linear.gather [hbm4b:s30+s23], $0x7D0, $0x38;
	[tilespmem:$0x12110] =	vst v63  }
0xa1: {  	_ =	swait.ge [sflag:s8], $0x7D0  }
0xa2: {  	[sflag:s8] =	ssyncset.done $0x0  }
0xa3: {  	s31 =	simm.s32 $0x0;
	[sflag:s8] =	ssyncadd.s32 $0xFFFFF830  }
0xa4: {  	v3 =	vld [tilespmem:s31+$0xF000]  }
0xa5: {  	v4 =	vld [tilespmem:s31+$0xF7D0];
	_ =	sdelay $0x5  }
0xa6: {  	v5 =	vld [tilespmem:s31+$0xFFA0]  }
0xa7: {  	v6 =	vld.idx.msk [tilespmem:v3+s0+$0x0], $0xffff  }
0xa8: {  	v4 =	vld.idx.msk [tilespmem:v4+s9+$0x0], $0xffff  }
0xa9: {  	v7 =	vld.idx.msk [tilespmem:v3+s10+$0x0], $0xffff;
	_ =	sdelay $0x3  }
0xaa: {  	v4 =	vadd.f32 v4, v6  }
0xab: {  	v5 =	vadd.f32 v5, v7  }
0xac: {  	v6 =	vmul.f32 $2.000000030e-01, v4  }
0xad: {  	v7 =	vmul.f32 $2.000000030e-01, v5  }
0xae: {  	v4 =	vmax.f32 v4, v6  }
0xaf: {  	v5 =	vmax.f32 v5, v7;
	v4 =	vmax.f32 v4, $-2.000000000e+00  }
0xb0: {  	v5 =	vmax.f32 v5, $-2.000000000e+00;
	v4 =	vmin.f32 v4, $2.000000000e+00  }
0xb1: {  	v5 =	vmin.f32 v5, $2.000000000e+00;
	v4 =	vmul.f32 $1.442695020e+00, v4  }
0xb2: {  	v5 =	vmul.f32 $1.442695020e+00, v5  }
0xb3: {  	(erf) = vpow2.f32 v4  }
0xb4: {  	(erf) = vpow2.f32 v5;
	_ =	sdelay $0x7  }
0xb5: {  	v4 =	vpop (erf)  }
0xb6: {  	[tilespmem:s31+$0x10770] =	vst v4;
	v5 =	vpop (erf)  }
0xb7: {  	s30 =	simm.s32 $0x40;
	[tilespmem:s31+$0x10F40] =	vst v5  }
.LBB2_6:
0xb8: {  	p1 =	sne.s32 s30, $0x1F00;
	[tilespmem:v3+s14+$0x0] =	vst.idx.add.f32.msk $0xffff, v4;
	s23 =	smov.u32 s30;
	s30 =	sadd.s32 $0x40, s30  }
0xb9: {  	[tilespmem:v3+s15+$0x0] =	vst.idx.add.f32.msk $0xffff, v5  }
0xba: {  	s23 =	sshra.s32 s23, $0x2;
	[tilespmem:v3+s17+$0x0] =	vst.idx.add.s32.msk $0xffff, v2  }
0xbb: {  	v3 =	vld [tilespmem:s23+$0xF000]  }
0xbc: {  	v4 =	vld [tilespmem:s23+$0xF7D0];
	_ =	sdelay $0x5  }
0xbd: {  	v5 =	vld [tilespmem:s23+$0xFFA0]  }
0xbe: {  	v6 =	vld.idx.msk [tilespmem:v3+s0+$0x0], $0xffff  }
0xbf: {  	v4 =	vld.idx.msk [tilespmem:v4+s9+$0x0], $0xffff  }
0xc0: {  	v7 =	vld.idx.msk [tilespmem:v3+s10+$0x0], $0xffff;
	_ =	sdelay $0x4  }
0xc1: {  	v4 =	vadd.f32 v4, v6  }
0xc2: {  	v5 =	vadd.f32 v5, v7  }
0xc3: {  	v6 =	vmul.f32 $2.000000030e-01, v4  }
0xc4: {  	v7 =	vmul.f32 $2.000000030e-01, v5  }
0xc5: {  	v4 =	vmax.f32 v4, v6  }
0xc6: {  	v4 =	vmax.f32 v4, $-2.000000000e+00;
	v5 =	vmax.f32 v5, v7  }
0xc7: {  	v4 =	vmin.f32 v4, $2.000000000e+00;
	v5 =	vmax.f32 v5, $-2.000000000e+00  }
0xc8: {  	v4 =	vmul.f32 $1.442695020e+00, v4;
	v5 =	vmin.f32 v5, $2.000000000e+00  }
0xc9: {  	v5 =	vmul.f32 $1.442695020e+00, v5  }
0xca: {  	(erf) = vpow2.f32 v4  }
0xcb: {  	(erf) = vpow2.f32 v5;
	_ =	sdelay $0x5  }
.Ltmp2:
0xcc: {  	(pc) =	sbr.rel @p1 .LBB2_6-.Ltmp2, $4  }
0xcd: {  	_ = 	snop  }
0xce: {  	v4 =	vpop (erf)  }
0xcf: {  	[tilespmem:s23+$0x10770] =	vst v4;
	v5 =	vpop (erf)  }
0xd0: {  	[tilespmem:s23+$0x10F40] =	vst v5  }
0xd1: {  	_ =	sdelay $0x3  }
0xd2: {  	[tilespmem:v3+s14+$0x0] =	vst.idx.add.f32.msk $0xffff, v4  }
0xd3: {  	[tilespmem:v3+s15+$0x0] =	vst.idx.add.f32.msk $0xffff, v5  }
0xd4: {  	s23 =	simm.s32 $0x0;
	s30 =	rddreg [dreg:$0xa];
	[tilespmem:v3+s17+$0x0] =	vst.idx.add.s32.msk $0xffff, v2  }
0xd5: {  	[hbm4b:s30+s23] =	stream.linear.scatter [tilespmem:s18], [sflag:$0x1], $0x7D0, $0x38;
	[tilespmem:$0x12110] =	vst v63  }
0xd6: {  	_ =	swait.ge [sflag:s8], $0x7D0  }
0xd7: {  	[sflag:s8] =	ssyncset.done $0x0  }
0xd8: {  	s30 =	rddreg [dreg:$0xb];
	[sflag:s8] =	ssyncadd.s32 $0xFFFFF830  }
0xd9: {  	[hbm4b:s30+s23] =	stream.linear.scatter [tilespmem:s19], [sflag:$0x1], $0x7D0, $0x38;
	[tilespmem:$0x12110] =	vst v63  }
0xda: {  	_ =	swait.ge [sflag:s8], $0x7D0  }
0xdb: {  	[sflag:s8] =	ssyncset.done $0x0  }
0xdc: {  	s30 =	rddreg [dreg:$0xc];
	[sflag:s8] =	ssyncadd.s32 $0xFFFFF830  }
0xdd: {  	[tilespmem:s11], [sflag:$0x1] =	stream.linear.gather [hbm4b:s30+s23], $0x7D0, $0x38;
	[tilespmem:$0x12110] =	vst v63  }
0xde: {  	_ =	swait.ge [sflag:s8], $0x7D0  }
0xdf: {  	[sflag:s8] =	ssyncset.done $0x0  }
0xe0: {  	s30 =	rddreg [dreg:$0xd];
	[sflag:s8] =	ssyncadd.s32 $0xFFFFF830  }
0xe1: {  	[tilespmem:s12], [sflag:$0x1] =	stream.linear.gather [hbm4b:s30+s23], $0x7D0, $0x38;
	[tilespmem:$0x12110] =	vst v63  }
0xe2: {  	_ =	swait.ge [sflag:s8], $0x7D0  }
0xe3: {  	[sflag:s8] =	ssyncset.done $0x0  }
0xe4: {  	s30 =	rddreg [dreg:$0xe];
	[sflag:s8] =	ssyncadd.s32 $0xFFFFF830  }
0xe5: {  	[tilespmem:s13], [sflag:$0x1] =	stream.linear.gather [hbm4b:s30+s23], $0x7D0, $0x38;
	[tilespmem:$0x12110] =	vst v63  }
0xe6: {  	_ =	swait.ge [sflag:s8], $0x7D0  }
0xe7: {  	[sflag:s8] =	ssyncset.done $0x0  }
0xe8: {  	s31 =	simm.s32 $0x0;
	[sflag:s8] =	ssyncadd.s32 $0xFFFFF830  }
0xe9: {  	v3 =	vld [tilespmem:s31+$0xF000]  }
0xea: {  	v4 =	vld [tilespmem:s31+$0xF7D0];
	_ =	sdelay $0x5  }
0xeb: {  	v5 =	vld [tilespmem:s31+$0xFFA0]  }
0xec: {  	v6 =	vld.idx.msk [tilespmem:v3+s0+$0x0], $0xffff  }
0xed: {  	v4 =	vld.idx.msk [tilespmem:v4+s9+$0x0], $0xffff  }
0xee: {  	v7 =	vld.idx.msk [tilespmem:v3+s10+$0x0], $0xffff;
	_ =	sdelay $0x3  }
0xef: {  	v4 =	vadd.f32 v4, v6  }
0xf0: {  	v5 =	vadd.f32 v5, v7  }
0xf1: {  	v6 =	vmul.f32 $2.000000030e-01, v4  }
0xf2: {  	v7 =	vmul.f32 $2.000000030e-01, v5  }
0xf3: {  	v4 =	vmax.f32 v4, v6  }
0xf4: {  	v5 =	vmax.f32 v5, v7;
	v4 =	vmax.f32 v4, $-2.000000000e+00  }
0xf5: {  	v5 =	vmax.f32 v5, $-2.000000000e+00;
	v4 =	vmin.f32 v4, $2.000000000e+00  }
0xf6: {  	v5 =	vmin.f32 v5, $2.000000000e+00;
	v4 =	vmul.f32 $1.442695020e+00, v4  }
0xf7: {  	v5 =	vmul.f32 $1.442695020e+00, v5  }
0xf8: {  	(erf) = vpow2.f32 v4  }
0xf9: {  	(erf) = vpow2.f32 v5;
	_ =	sdelay $0x7  }
0xfa: {  	v4 =	vpop (erf)  }
0xfb: {  	[tilespmem:s31+$0x10770] =	vst v4;
	v5 =	vpop (erf)  }
0xfc: {  	s30 =	simm.s32 $0x40;
	[tilespmem:s31+$0x10F40] =	vst v5  }
.LBB2_8:
0xfd: {  	p1 =	sne.s32 s30, $0x1F00;
	[tilespmem:v3+s14+$0x0] =	vst.idx.add.f32.msk $0xffff, v4;
	s23 =	smov.u32 s30;
	s30 =	sadd.s32 $0x40, s30  }
0xfe: {  	[tilespmem:v3+s15+$0x0] =	vst.idx.add.f32.msk $0xffff, v5  }
0xff: {  	s23 =	sshra.s32 s23, $0x2;
	[tilespmem:v3+s17+$0x0] =	vst.idx.add.s32.msk $0xffff, v2  }
0x100: {  	v3 =	vld [tilespmem:s23+$0xF000]  }
0x101: {  	v4 =	vld [tilespmem:s23+$0xF7D0];
	_ =	sdelay $0x5  }
0x102: {  	v5 =	vld [tilespmem:s23+$0xFFA0]  }
0x103: {  	v6 =	vld.idx.msk [tilespmem:v3+s0+$0x0], $0xffff  }
0x104: {  	v4 =	vld.idx.msk [tilespmem:v4+s9+$0x0], $0xffff  }
0x105: {  	v7 =	vld.idx.msk [tilespmem:v3+s10+$0x0], $0xffff;
	_ =	sdelay $0x4  }
0x106: {  	v4 =	vadd.f32 v4, v6  }
0x107: {  	v5 =	vadd.f32 v5, v7  }
0x108: {  	v6 =	vmul.f32 $2.000000030e-01, v4  }
0x109: {  	v7 =	vmul.f32 $2.000000030e-01, v5  }
0x10a: {  	v4 =	vmax.f32 v4, v6  }
0x10b: {  	v4 =	vmax.f32 v4, $-2.000000000e+00;
	v5 =	vmax.f32 v5, v7  }
0x10c: {  	v4 =	vmin.f32 v4, $2.000000000e+00;
	v5 =	vmax.f32 v5, $-2.000000000e+00  }
0x10d: {  	v4 =	vmul.f32 $1.442695020e+00, v4;
	v5 =	vmin.f32 v5, $2.000000000e+00  }
0x10e: {  	v5 =	vmul.f32 $1.442695020e+00, v5  }
0x10f: {  	(erf) = vpow2.f32 v4  }
0x110: {  	(erf) = vpow2.f32 v5;
	_ =	sdelay $0x5  }
.Ltmp3:
0x111: {  	(pc) =	sbr.rel @p1 .LBB2_8-.Ltmp3, $4  }
0x112: {  	_ = 	snop  }
0x113: {  	v4 =	vpop (erf)  }
0x114: {  	[tilespmem:s23+$0x10770] =	vst v4;
	v5 =	vpop (erf)  }
0x115: {  	[tilespmem:s23+$0x10F40] =	vst v5  }
0x116: {  	_ =	sdelay $0x3  }
0x117: {  	[tilespmem:v3+s14+$0x0] =	vst.idx.add.f32.msk $0xffff, v4  }
0x118: {  	[tilespmem:v3+s15+$0x0] =	vst.idx.add.f32.msk $0xffff, v5  }
0x119: {  	s23 =	simm.s32 $0x0;
	s30 =	rddreg [dreg:$0xf];
	[tilespmem:v3+s17+$0x0] =	vst.idx.add.s32.msk $0xffff, v2  }
0x11a: {  	[hbm4b:s30+s23] =	stream.linear.scatter [tilespmem:s18], [sflag:$0x1], $0x7D0, $0x38;
	[tilespmem:$0x12110] =	vst v63  }
0x11b: {  	_ =	swait.ge [sflag:s8], $0x7D0  }
0x11c: {  	[sflag:s8] =	ssyncset.done $0x0  }
0x11d: {  	s30 =	rddreg [dreg:$0x10];
	[sflag:s8] =	ssyncadd.s32 $0xFFFFF830  }
0x11e: {  	[hbm4b:s30+s23] =	stream.linear.scatter [tilespmem:s19], [sflag:$0x1], $0x7D0, $0x38;
	[tilespmem:$0x12110] =	vst v63  }
0x11f: {  	_ =	swait.ge [sflag:s8], $0x7D0  }
0x120: {  	[sflag:s8] =	ssyncset.done $0x0  }
0x121: {  	s30 =	rddreg [dreg:$0x11];
	[sflag:s8] =	ssyncadd.s32 $0xFFFFF830  }
0x122: {  	[tilespmem:s11], [sflag:$0x1] =	stream.linear.gather [hbm4b:s30+s23], $0x7D0, $0x38;
	[tilespmem:$0x12110] =	vst v63  }
0x123: {  	_ =	swait.ge [sflag:s8], $0x7D0  }
0x124: {  	[sflag:s8] =	ssyncset.done $0x0  }
0x125: {  	s30 =	rddreg [dreg:$0x12];
	[sflag:s8] =	ssyncadd.s32 $0xFFFFF830  }
0x126: {  	[tilespmem:s12], [sflag:$0x1] =	stream.linear.gather [hbm4b:s30+s23], $0x7D0, $0x38;
	[tilespmem:$0x12110] =	vst v63  }
0x127: {  	_ =	swait.ge [sflag:s8], $0x7D0  }
0x128: {  	[sflag:s8] =	ssyncset.done $0x0  }
0x129: {  	s30 =	rddreg [dreg:$0x13];
	[sflag:s8] =	ssyncadd.s32 $0xFFFFF830  }
0x12a: {  	[tilespmem:s13], [sflag:$0x1] =	stream.linear.gather [hbm4b:s30+s23], $0x7D0, $0x38;
	[tilespmem:$0x12110] =	vst v63  }
0x12b: {  	_ =	swait.ge [sflag:s8], $0x7D0  }
0x12c: {  	[sflag:s8] =	ssyncset.done $0x0  }
0x12d: {  	s31 =	simm.s32 $0x0;
	[sflag:s8] =	ssyncadd.s32 $0xFFFFF830  }
0x12e: {  	v3 =	vld [tilespmem:s31+$0xF000]  }
0x12f: {  	v4 =	vld [tilespmem:s31+$0xF7D0];
	_ =	sdelay $0x5  }
0x130: {  	v5 =	vld [tilespmem:s31+$0xFFA0]  }
0x131: {  	v6 =	vld.idx.msk [tilespmem:v3+s0+$0x0], $0xffff  }
0x132: {  	v4 =	vld.idx.msk [tilespmem:v4+s9+$0x0], $0xffff  }
0x133: {  	v7 =	vld.idx.msk [tilespmem:v3+s10+$0x0], $0xffff;
	_ =	sdelay $0x3  }
0x134: {  	v4 =	vadd.f32 v4, v6  }
0x135: {  	v5 =	vadd.f32 v5, v7  }
0x136: {  	v6 =	vmul.f32 $2.000000030e-01, v4  }
0x137: {  	v7 =	vmul.f32 $2.000000030e-01, v5  }
0x138: {  	v4 =	vmax.f32 v4, v6  }
0x139: {  	v5 =	vmax.f32 v5, v7;
	v4 =	vmax.f32 v4, $-2.000000000e+00  }
0x13a: {  	v5 =	vmax.f32 v5, $-2.000000000e+00;
	v4 =	vmin.f32 v4, $2.000000000e+00  }
0x13b: {  	v5 =	vmin.f32 v5, $2.000000000e+00;
	v4 =	vmul.f32 $1.442695020e+00, v4  }
0x13c: {  	v5 =	vmul.f32 $1.442695020e+00, v5  }
0x13d: {  	(erf) = vpow2.f32 v4  }
0x13e: {  	(erf) = vpow2.f32 v5;
	_ =	sdelay $0x7  }
0x13f: {  	v4 =	vpop (erf)  }
0x140: {  	[tilespmem:s31+$0x10770] =	vst v4;
	v5 =	vpop (erf)  }
0x141: {  	s30 =	simm.s32 $0x40;
	[tilespmem:s31+$0x10F40] =	vst v5  }
.LBB2_10:
0x142: {  	p1 =	sne.s32 s30, $0x1F00;
	[tilespmem:v3+s14+$0x0] =	vst.idx.add.f32.msk $0xffff, v4;
	s23 =	smov.u32 s30;
	s30 =	sadd.s32 $0x40, s30  }
0x143: {  	[tilespmem:v3+s15+$0x0] =	vst.idx.add.f32.msk $0xffff, v5  }
0x144: {  	s23 =	sshra.s32 s23, $0x2;
	[tilespmem:v3+s17+$0x0] =	vst.idx.add.s32.msk $0xffff, v2  }
0x145: {  	v3 =	vld [tilespmem:s23+$0xF000]  }
0x146: {  	v4 =	vld [tilespmem:s23+$0xF7D0];
	_ =	sdelay $0x5  }
0x147: {  	v5 =	vld [tilespmem:s23+$0xFFA0]  }
0x148: {  	v6 =	vld.idx.msk [tilespmem:v3+s0+$0x0], $0xffff  }
0x149: {  	v4 =	vld.idx.msk [tilespmem:v4+s9+$0x0], $0xffff  }
0x14a: {  	v7 =	vld.idx.msk [tilespmem:v3+s10+$0x0], $0xffff;
	_ =	sdelay $0x4  }
0x14b: {  	v4 =	vadd.f32 v4, v6  }
0x14c: {  	v5 =	vadd.f32 v5, v7  }
0x14d: {  	v6 =	vmul.f32 $2.000000030e-01, v4  }
0x14e: {  	v7 =	vmul.f32 $2.000000030e-01, v5  }
0x14f: {  	v4 =	vmax.f32 v4, v6  }
0x150: {  	v4 =	vmax.f32 v4, $-2.000000000e+00;
	v5 =	vmax.f32 v5, v7  }
0x151: {  	v4 =	vmin.f32 v4, $2.000000000e+00;
	v5 =	vmax.f32 v5, $-2.000000000e+00  }
0x152: {  	v4 =	vmul.f32 $1.442695020e+00, v4;
	v5 =	vmin.f32 v5, $2.000000000e+00  }
0x153: {  	v5 =	vmul.f32 $1.442695020e+00, v5  }
0x154: {  	(erf) = vpow2.f32 v4  }
0x155: {  	(erf) = vpow2.f32 v5;
	_ =	sdelay $0x5  }
.Ltmp4:
0x156: {  	(pc) =	sbr.rel @p1 .LBB2_10-.Ltmp4, $4  }
0x157: {  	_ = 	snop  }
0x158: {  	v4 =	vpop (erf)  }
0x159: {  	[tilespmem:s23+$0x10770] =	vst v4;
	v5 =	vpop (erf)  }
0x15a: {  	[tilespmem:s23+$0x10F40] =	vst v5  }
0x15b: {  	_ =	sdelay $0x3  }
0x15c: {  	[tilespmem:v3+s14+$0x0] =	vst.idx.add.f32.msk $0xffff, v4  }
0x15d: {  	[tilespmem:v3+s15+$0x0] =	vst.idx.add.f32.msk $0xffff, v5  }
0x15e: {  	s23 =	simm.s32 $0x0;
	s30 =	rddreg [dreg:$0x14];
	[tilespmem:v3+s17+$0x0] =	vst.idx.add.s32.msk $0xffff, v2  }
0x15f: {  	[hbm4b:s30+s23] =	stream.linear.scatter [tilespmem:s18], [sflag:$0x1], $0x7D0, $0x38;
	[tilespmem:$0x12110] =	vst v63  }
0x160: {  	_ =	swait.ge [sflag:s8], $0x7D0  }
0x161: {  	[sflag:s8] =	ssyncset.done $0x0  }
0x162: {  	s30 =	rddreg [dreg:$0x15];
	[sflag:s8] =	ssyncadd.s32 $0xFFFFF830  }
0x163: {  	[hbm4b:s30+s23] =	stream.linear.scatter [tilespmem:s19], [sflag:$0x1], $0x7D0, $0x38;
	[tilespmem:$0x12110] =	vst v63  }
0x164: {  	_ =	swait.ge [sflag:s8], $0x7D0  }
0x165: {  	[sflag:s8] =	ssyncset.done $0x0  }
0x166: {  	s30 =	rddreg [dreg:$0x1b];
	[sflag:s8] =	ssyncadd.s32 $0xFFFFF830  }
0x167: {  	[tilespmem:s11], [sflag:$0x1] =	stream.linear.gather [hbm4b:s30+s23], $0x7D0, $0x38;
	[tilespmem:$0x12110] =	vst v63  }
0x168: {  	_ =	swait.ge [sflag:s8], $0x7D0  }
0x169: {  	[sflag:s8] =	ssyncset.done $0x0  }
0x16a: {  	s30 =	rddreg [dreg:$0x1c];
	[sflag:s8] =	ssyncadd.s32 $0xFFFFF830  }
0x16b: {  	[tilespmem:s12], [sflag:$0x1] =	stream.linear.gather [hbm4b:s30+s23], $0x7D0, $0x38;
	[tilespmem:$0x12110] =	vst v63  }
0x16c: {  	_ =	swait.ge [sflag:s8], $0x7D0  }
0x16d: {  	[sflag:s8] =	ssyncset.done $0x0  }
0x16e: {  	s30 =	rddreg [dreg:$0x1d];
	[sflag:s8] =	ssyncadd.s32 $0xFFFFF830  }
0x16f: {  	[tilespmem:s13], [sflag:$0x1] =	stream.linear.gather [hbm4b:s30+s23], $0x7D0, $0x38;
	[tilespmem:$0x12110] =	vst v63  }
0x170: {  	_ =	swait.ge [sflag:s8], $0x7D0  }
0x171: {  	[sflag:s8] =	ssyncset.done $0x0  }
0x172: {  	s31 =	simm.s32 $0x0;
	[sflag:s8] =	ssyncadd.s32 $0xFFFFF830  }
0x173: {  	v3 =	vld [tilespmem:s31+$0xF000]  }
0x174: {  	v4 =	vld [tilespmem:s31+$0xF7D0];
	_ =	sdelay $0x5  }
0x175: {  	v5 =	vld [tilespmem:s31+$0xFFA0]  }
0x176: {  	v6 =	vld.idx.msk [tilespmem:v3+s0+$0x0], $0xffff  }
0x177: {  	v4 =	vld.idx.msk [tilespmem:v4+s9+$0x0], $0xffff  }
0x178: {  	v7 =	vld.idx.msk [tilespmem:v3+s10+$0x0], $0xffff;
	_ =	sdelay $0x3  }
0x179: {  	v4 =	vadd.f32 v4, v6  }
0x17a: {  	v5 =	vadd.f32 v5, v7  }
0x17b: {  	v6 =	vmul.f32 $2.000000030e-01, v4  }
0x17c: {  	v7 =	vmul.f32 $2.000000030e-01, v5  }
0x17d: {  	v4 =	vmax.f32 v4, v6  }
0x17e: {  	v5 =	vmax.f32 v5, v7;
	v4 =	vmax.f32 v4, $-2.000000000e+00  }
0x17f: {  	v5 =	vmax.f32 v5, $-2.000000000e+00;
	v4 =	vmin.f32 v4, $2.000000000e+00  }
0x180: {  	v5 =	vmin.f32 v5, $2.000000000e+00;
	v4 =	vmul.f32 $1.442695020e+00, v4  }
0x181: {  	v5 =	vmul.f32 $1.442695020e+00, v5  }
0x182: {  	(erf) = vpow2.f32 v4  }
0x183: {  	(erf) = vpow2.f32 v5;
	_ =	sdelay $0x7  }
0x184: {  	v4 =	vpop (erf)  }
0x185: {  	[tilespmem:s31+$0x10770] =	vst v4;
	v5 =	vpop (erf)  }
0x186: {  	s30 =	simm.s32 $0x40;
	[tilespmem:s31+$0x10F40] =	vst v5  }
.LBB2_12:
0x187: {  	p1 =	sne.s32 s30, $0x1F00;
	[tilespmem:v3+s14+$0x0] =	vst.idx.add.f32.msk $0xffff, v4;
	s23 =	smov.u32 s30;
	s30 =	sadd.s32 $0x40, s30  }
0x188: {  	[tilespmem:v3+s15+$0x0] =	vst.idx.add.f32.msk $0xffff, v5  }
0x189: {  	s23 =	sshra.s32 s23, $0x2;
	[tilespmem:v3+s17+$0x0] =	vst.idx.add.s32.msk $0xffff, v2  }
0x18a: {  	v3 =	vld [tilespmem:s23+$0xF000]  }
0x18b: {  	v4 =	vld [tilespmem:s23+$0xF7D0];
	_ =	sdelay $0x5  }
0x18c: {  	v5 =	vld [tilespmem:s23+$0xFFA0]  }
0x18d: {  	v6 =	vld.idx.msk [tilespmem:v3+s0+$0x0], $0xffff  }
0x18e: {  	v4 =	vld.idx.msk [tilespmem:v4+s9+$0x0], $0xffff  }
0x18f: {  	v7 =	vld.idx.msk [tilespmem:v3+s10+$0x0], $0xffff;
	_ =	sdelay $0x4  }
0x190: {  	v4 =	vadd.f32 v4, v6  }
0x191: {  	v5 =	vadd.f32 v5, v7  }
0x192: {  	v6 =	vmul.f32 $2.000000030e-01, v4  }
0x193: {  	v7 =	vmul.f32 $2.000000030e-01, v5  }
0x194: {  	v4 =	vmax.f32 v4, v6  }
0x195: {  	v4 =	vmax.f32 v4, $-2.000000000e+00;
	v5 =	vmax.f32 v5, v7  }
0x196: {  	v4 =	vmin.f32 v4, $2.000000000e+00;
	v5 =	vmax.f32 v5, $-2.000000000e+00  }
0x197: {  	v4 =	vmul.f32 $1.442695020e+00, v4;
	v5 =	vmin.f32 v5, $2.000000000e+00  }
0x198: {  	v5 =	vmul.f32 $1.442695020e+00, v5  }
0x199: {  	(erf) = vpow2.f32 v4  }
0x19a: {  	(erf) = vpow2.f32 v5;
	_ =	sdelay $0x5  }
.Ltmp5:
0x19b: {  	(pc) =	sbr.rel @p1 .LBB2_12-.Ltmp5, $4  }
0x19c: {  	_ = 	snop  }
0x19d: {  	v4 =	vpop (erf)  }
0x19e: {  	[tilespmem:s23+$0x10770] =	vst v4;
	v5 =	vpop (erf)  }
0x19f: {  	[tilespmem:s23+$0x10F40] =	vst v5  }
0x1a0: {  	_ =	sdelay $0x3  }
0x1a1: {  	[tilespmem:v3+s14+$0x0] =	vst.idx.add.f32.msk $0xffff, v4  }
0x1a2: {  	[tilespmem:v3+s15+$0x0] =	vst.idx.add.f32.msk $0xffff, v5  }
0x1a3: {  	s23 =	rddreg [dreg:$0x1e];
	[tilespmem:v3+s17+$0x0] =	vst.idx.add.s32.msk $0xffff, v2  }
0x1a4: {  	[hbm4b:s23+s0] =	stream.linear.scatter [tilespmem:s18], [sflag:$0x1], $0x7D0, $0x38;
	[tilespmem:$0x12110] =	vst v63  }
0x1a5: {  	_ =	swait.ge [sflag:s8], $0x7D0  }
0x1a6: {  	[sflag:s8] =	ssyncset.done $0x0  }
0x1a7: {  	s31 =	rddreg [dreg:$0x1f];
	[sflag:s8] =	ssyncadd.s32 $0xFFFFF830  }
0x1a8: {  	[hbm4b:s31+s0] =	stream.linear.scatter [tilespmem:s19], [sflag:$0x1], $0x7D0, $0x38;
	[tilespmem:$0x12110] =	vst v63  }
0x1a9: {  	_ =	swait.ge [sflag:s8], $0x7D0  }
0x1aa: {  	[sflag:s8] =	ssyncset.done $0x0  }
0x1ab: {  	[sflag:s8] =	ssyncadd.s32 $0xFFFFF830  }
0x1ac: {  	[spmem:s16] =	stream.indirect.scatter.add.f32 [tilespmem:s14], [sflag:$0x1], $0x10, s7, s20, $0xb8;
	[tilespmem:$0x12110] =	vst v63  }
0x1ad: {  	_ =	swait.ge [sflag:s8], $0x800  }
0x1ae: {  	[sflag:s8] =	ssyncset.done $0x0  }
0x1af: {  	[sflag:s8] =	ssyncadd.s32 $0xFFFFF800  }
0x1b0: {  	[spmem:s22] =	stream.indirect.scatter.add.f32 [tilespmem:s15], [sflag:$0x1], $0x10, s7, s20, $0xb8;
	[tilespmem:$0x12110] =	vst v63  }
0x1b1: {  	_ =	swait.ge [sflag:s8], $0x800  }
0x1b2: {  	[sflag:s8] =	ssyncset.done $0x0  }
0x1b3: {  	[sflag:s8] =	ssyncadd.s32 $0xFFFFF800  }
0x1b4: {  	[spmem:s26] =	stream.indirect.scatter.add.s32 [tilespmem:s17], [sflag:$0x1], $0x10, s7, s20, $0xb8;
	[tilespmem:$0x12110] =	vst v63  }
0x1b5: {  	_ =	swait.ge [sflag:s8], $0x800  }
0x1b6: {  	[sflag:s8] =	ssyncset.done $0x0  }
0x1b7: {  	s30 =	simm.s32 $0x8000;
	[sflag:s8] =	ssyncadd.s32 $0xFFFFF800  }
0x1b8: {  	[spmem:s16] =	stream.indirect.scatter.add.f32 [tilespmem:s30], [sflag:$0x1], $0x10, s21, s20, $0xb8;
	[tilespmem:$0x12110] =	vst v63  }
0x1b9: {  	_ =	swait.ge [sflag:s8], $0x800  }
0x1ba: {  	[sflag:s8] =	ssyncset.done $0x0  }
0x1bb: {  	s31 =	simm.s32 $0xA800;
	[sflag:s8] =	ssyncadd.s32 $0xFFFFF800  }
0x1bc: {  	[spmem:s22] =	stream.indirect.scatter.add.f32 [tilespmem:s31], [sflag:$0x1], $0x10, s21, s20, $0xb8;
	[tilespmem:$0x12110] =	vst v63  }
0x1bd: {  	_ =	swait.ge [sflag:s8], $0x800  }
0x1be: {  	[sflag:s8] =	ssyncset.done $0x0  }
0x1bf: {  	s30 =	simm.s32 $0xD000;
	[sflag:s8] =	ssyncadd.s32 $0xFFFFF800  }
0x1c0: {  	[spmem:s26] =	stream.indirect.scatter.add.s32 [tilespmem:s30], [sflag:$0x1], $0x10, s21, s20, $0xb8;
	[tilespmem:$0x12110] =	vst v63  }
0x1c1: {  	_ =	swait.ge [sflag:s8], $0x800  }
0x1c2: {  	[sflag:s8] =	ssyncset.done $0x0  }
0x1c3: {  	s31 =	simm.s32 $0x8800;
	[sflag:s8] =	ssyncadd.s32 $0xFFFFF800  }
0x1c4: {  	[spmem:s16] =	stream.indirect.scatter.add.f32 [tilespmem:s31], [sflag:$0x1], $0x10, s24, s20, $0xb8;
	[tilespmem:$0x12110] =	vst v63  }
0x1c5: {  	_ =	swait.ge [sflag:s8], $0x800  }
0x1c6: {  	[sflag:s8] =	ssyncset.done $0x0  }
0x1c7: {  	s30 =	simm.s32 $0xB000;
	[sflag:s8] =	ssyncadd.s32 $0xFFFFF800  }
0x1c8: {  	[spmem:s22] =	stream.indirect.scatter.add.f32 [tilespmem:s30], [sflag:$0x1], $0x10, s24, s20, $0xb8;
	[tilespmem:$0x12110] =	vst v63  }
0x1c9: {  	_ =	swait.ge [sflag:s8], $0x800  }
0x1ca: {  	[sflag:s8] =	ssyncset.done $0x0  }
0x1cb: {  	s31 =	simm.s32 $0xD800;
	[sflag:s8] =	ssyncadd.s32 $0xFFFFF800  }
0x1cc: {  	[spmem:s26] =	stream.indirect.scatter.add.s32 [tilespmem:s31], [sflag:$0x1], $0x10, s24, s20, $0xb8;
	[tilespmem:$0x12110] =	vst v63  }
0x1cd: {  	_ =	swait.ge [sflag:s8], $0x800  }
0x1ce: {  	[sflag:s8] =	ssyncset.done $0x0  }
0x1cf: {  	s30 =	simm.s32 $0x9000;
	[sflag:s8] =	ssyncadd.s32 $0xFFFFF800  }
0x1d0: {  	[spmem:s16] =	stream.indirect.scatter.add.f32 [tilespmem:s30], [sflag:$0x1], $0x10, s25, s20, $0xb8;
	[tilespmem:$0x12110] =	vst v63  }
0x1d1: {  	_ =	swait.ge [sflag:s8], $0x800  }
0x1d2: {  	[sflag:s8] =	ssyncset.done $0x0  }
0x1d3: {  	s31 =	simm.s32 $0xB800;
	[sflag:s8] =	ssyncadd.s32 $0xFFFFF800  }
0x1d4: {  	[spmem:s22] =	stream.indirect.scatter.add.f32 [tilespmem:s31], [sflag:$0x1], $0x10, s25, s20, $0xb8;
	[tilespmem:$0x12110] =	vst v63  }
0x1d5: {  	_ =	swait.ge [sflag:s8], $0x800  }
0x1d6: {  	[sflag:s8] =	ssyncset.done $0x0  }
0x1d7: {  	s30 =	simm.s32 $0xE000;
	[sflag:s8] =	ssyncadd.s32 $0xFFFFF800  }
0x1d8: {  	[spmem:s26] =	stream.indirect.scatter.add.s32 [tilespmem:s30], [sflag:$0x1], $0x10, s25, s20, $0xb8;
	[tilespmem:$0x12110] =	vst v63  }
0x1d9: {  	_ =	swait.ge [sflag:s8], $0x800  }
0x1da: {  	[sflag:s8] =	ssyncset.done $0x0  }
0x1db: {  	s31 =	simm.s32 $0x9800;
	[sflag:s8] =	ssyncadd.s32 $0xFFFFF800  }
0x1dc: {  	[spmem:s16] =	stream.indirect.scatter.add.f32 [tilespmem:s31], [sflag:$0x1], $0x10, s28, s20, $0xb8;
	[tilespmem:$0x12110] =	vst v63  }
0x1dd: {  	_ =	swait.ge [sflag:s8], $0x800  }
0x1de: {  	[sflag:s8] =	ssyncset.done $0x0  }
0x1df: {  	s30 =	simm.s32 $0xC000;
	[sflag:s8] =	ssyncadd.s32 $0xFFFFF800  }
0x1e0: {  	[spmem:s22] =	stream.indirect.scatter.add.f32 [tilespmem:s30], [sflag:$0x1], $0x10, s28, s20, $0xb8;
	[tilespmem:$0x12110] =	vst v63  }
0x1e1: {  	_ =	swait.ge [sflag:s8], $0x800  }
0x1e2: {  	[sflag:s8] =	ssyncset.done $0x0  }
0x1e3: {  	s31 =	simm.s32 $0xE800;
	[sflag:s8] =	ssyncadd.s32 $0xFFFFF800  }
0x1e4: {  	[spmem:s26] =	stream.indirect.scatter.add.s32 [tilespmem:s31], [sflag:$0x1], $0x10, s28, s20, $0xb8;
	[tilespmem:$0x12110] =	vst v63  }
0x1e5: {  	_ =	swait.ge [sflag:s8], $0x800  }
0x1e6: {  	[sflag:s8] =	ssyncset.done $0x0  }
0x1e7: {  	[sflag:s8] =	ssyncadd.s32 $0xFFFFF800  }
0x1e8: {  	s23 =	sshrl.u32 @!p0 s16, $0x3;
	s30 =	simm.s32 @!p0 $0x1C01;
	[bflag:$0x0] =	sbarrier.arrive $0xFFFF  }
0x1e9: {  	[hbm:s3], [sflag:s30] =	dma.local @!p0 [spmem:s23], $0x500  }
0x1ea: {  	s23 =	simm.s32 @!p0 $0x1  }
0x1eb: {  	_ =	swait.ge @!p0 [sflag:s23], $0x500  }
0x1ec: {  	[sflag:s23] =	ssyncset.done @!p0 $0x0  }
0x1ed: {  	s31 =	sshrl.u32 @!p0 s22, $0x3;
	[sflag:s23] =	ssyncadd.s32 @!p0 $0xFFFFFB00  }
0x1ee: {  	[hbm:s4], [sflag:s30] =	dma.local @!p0 [spmem:s31], $0x500  }
0x1ef: {  	s29 =	sadd.s32 $0x1, s29;
	_ =	swait.ge @!p0 [sflag:s23], $0x500  }
0x1f0: {  	p1 =	sne.s32 s29, s6;
	[sflag:s23] =	ssyncset.done @!p0 $0x0  }
.Ltmp6:
0x1f1: {  	s31 =	sshrl.u32 @!p0 s26, $0x3;
	[sflag:s23] =	ssyncadd.s32 @!p0 $0xFFFFFB00;
	(pc) =	sbr.rel @p1 .LBB2_1-.Ltmp6, $4  }
0x1f2: {  	[hbm:s5], [sflag:s30] =	dma.local @!p0 [spmem:s31], $0x500  }
0x1f3: {  	_ =	swait.ge @!p0 [sflag:s23], $0x500  }
0x1f4: {  	[sflag:s23] =	ssyncset.done @!p0 $0x0  }
0x1f5: {  	[sflag:s23] =	ssyncadd.s32 @!p0 $0xFFFFFB00  }
0x1f6: {  	_ =	sfence.sel $0x180000  }
0x1f7: {  	[bflag:$0x0] =	sbarrier.arrive $0xFFFF  }
0x1f8: {  	_ =	strace $0x90000047  }
0x1f9: {  	[bflag:$0x2] =	sbarrier.arrive $0xFFFF  }
0x1fa: {  	s0 =	rddreg [dreg:$0x6]  }
0x1fb: {  	s0 =	sadd.s32 @!p0 $0x100000, s0  }
0x1fc: {  	[sflag:s0] =	ssyncadd.tile.s32 @!p0 $0x1;
	_ =	shalt  }
.Lfunc_end2:
_tile_overlayer_lowered:
.L_overlay_start_2:
0x1fd: {  	(tag) =	ssettag $0x2  }
0x1fe: {  	s0 =	rddreg [dreg:$0x0];
	s2 =	stileid.u32  }
0x1ff: {  	s1 =	rddreg [dreg:$0x1];
	p0 =	sne.s32 s2, $0x0  }
0x200: {  	s3 =	rddreg [dreg:$0x2];
	[bflag:$0x3] =	sbarrier.arrive $0xFFFF;
	s2 =	simm.s32 @!p0 $0x1C01  }
0x201: {  	[timem:s3], [sflag:s2] =	dma.local @!p0 [hbm:s0], s1  }
0x202: {  	s0 =	simm.s32 @!p0 $0x1  }
0x203: {  	_ =	swait.ge @!p0 [sflag:s0], s1  }
0x204: {  	s1 =	ssub.s32 @!p0 $0x0, s1;
	[sflag:s0] =	ssyncset.done @!p0 $0x0  }
0x205: {  	[sflag:s0] =	ssyncadd.s32 @!p0 s1  }
0x206: {  	[bflag:$0x3] =	sbarrier.arrive $0xFFFF  }
0x207: {  	_ =	shalt  }

// kernel: kernel.13.cloned.1.call-start
scs
__scs_entry_jumppad:
0x0: {  	(pc) =	sbr.rel $0x88, $3  }
0x1: {  	(tag) =	ssettag $0x0;
	lr =	simm.s32 $0x1  }
0x2: {  	[smem:$0x3F9A] =	sst lr;
	_ =	strace $0xD0000000  }
0x3: {  	_ = 	snop  }
0x4: {  	_ = 	snop  }
0x5: {  	_ = 	snop  }
0x6: {  	_ = 	snop  }
0x7: {  	_ = 	snop  }
__scs_overlays_trampoline_lowered:
0x8: {  	[smem:$0x3FA9] =	sst s0  }
0x9: {  	[smem:$0x3FAA] =	sst s1  }
0xa: {  	[smem:$0x3FAB] =	sst s2  }
0xb: {  	[smem:$0x3FAC] =	sst s3  }
0xc: {  	[smem:$0x3FAD] =	sst s4  }
0xd: {  	[smem:$0x3FAE] =	sst s5  }
0xe: {  	[smem:$0x3FAF] =	sst s6  }
0xf: {  	[smem:$0x3FB0] =	sst s7  }
0x10: {  	[smem:$0x3FB1] =	sst s8  }
0x11: {  	[smem:$0x3FB2] =	sst s9;
	s0 =	simm.s32 @!p0 $0x0  }
0x12: {  	s1 =	sld [smem:$0x3F98];
	s0 =	simm.s32 @p0 $0x1  }
0x13: {  	[smem:$0x3FB3] =	sst s0;
	s0 =	simm.s32 @!p1 $0x0  }
0x14: {  	s2 =	sld [smem:$0x3F97];
	s0 =	simm.s32 @p1 $0x1  }
0x15: {  	[smem:$0x3FB4] =	sst s0;
	s0 =	simm.s32 @!p2 $0x0  }
0x16: {  	s3 =	sld [smem:$0x3FDB];
	s0 =	simm.s32 @p2 $0x1  }
0x17: {  	s4 =	simm.s32 $0x1BF5;
	[smem:$0x3FB6] =	sst s0  }
0x18: {  	s0 =	sld [smem:$0x3F99];
	_ =	swait.ge [sflag:s4], $0x0  }
0x19: {  	s7 =	sld [smem:$0x3F9A]  }
0x1a: {  	s8 =	sadd.s32 $0xFFFFE003, lr  }
0x1b: {  	s9 =	sadd.s32 $0xFFFFFEF7, lr;
	s5 =	simm.s32 $0xFFFFFFFF;
	p2 =	slt.u32 s8, $0xFFFFF086  }
0x1c: {  	p1 =	slt.u32 s9, $0xF7A;
	s5 =	simm.s32 @!p2 $0x0  }
0x1d: {  	s5 =	simm.s32 @p1 $0x1;
	p0 =	seq.s32 s7, s2  }
0x1e: {  	s7 =	smul.u32 @!p0 $0xF7A, s2;
	p2 =	seq.s32 @!p0 s5, $0x0  }
0x1f: {  	s9 =	smul.u32 $0xF7A, s1;
	s8 =	simm.s32 @!p0 $0x1BF5;
	p2 =	por !p2, p0  }
0x20: {  	[sflag:s8] =	ssyncset.s32 @!p0 $0xFFFFF086;
	s6 =	sadd.s32 @!p0 s3, s7;
	s7 =	simm.s32 @!p0 $0x108  }
0x21: {  	s3 =	sadd.s32 s3, s9;
	s6 =	sadd.s32 @!p0 $0x88, s6;
	s7 =	simm.s32 @p2 $0x1082  }
0x22: {  	[simem:s7], [sflag:s8] =	dma.local @!p0 [hbm:s6], $0xF7A  }
0x23: {  	s9 =	sor.u32 $0xD0000000, s2;
	s6 =	simm.s32 $0x108;
	_ =	swait.ge @!p0 [sflag:s8], $0x0  }
0x24: {  	s3 =	sadd.s32 $0x88, s3;
	s6 =	simm.s32 @!p1 $0x1082;
	[sflag:s4] =	ssyncset.s32 $0xFFFFF086  }
0x25: {  	[simem:s6], [sflag:s4] =	dma.local [hbm:s3], $0xF7A  }
0x26: {  	[smem:$0x3F9A] =	sst s1;
	(tag) =	ssettag s2;
	_ =	strace s9  }
0x27: {  	s1 =	sld [smem:$0x3FAA]  }
0x28: {  	s2 =	sld [smem:$0x3FAB]  }
0x29: {  	s4 =	sld [smem:$0x3FAD]  }
0x2a: {  	p0 =	seq.s32 s5, $0x0;
	s5 =	sld [smem:$0x3FAE]  }
0x2b: {  	s6 =	sld [smem:$0x3FAF]  }
0x2c: {  	s7 =	sld [smem:$0x3FB0]  }
0x2d: {  	s3 =	simm.s32 $0x108;
	s8 =	sld [smem:$0x3FB1]  }
0x2e: {  	s3 =	simm.s32 @!p0 $0x1082;
	s9 =	sld [smem:$0x3FB2]  }
0x2f: {  	lr =	sadd.s32 s0, s3;
	s0 =	sld [smem:$0x3FA9]  }
0x30: {  	s3 =	sld [smem:$0x3FAC]  }
0x31: {  	[smem:$0x3FB5] =	sst s10  }
0x32: {  	s10 =	sld [smem:$0x3FB3];
	_ =	sdelay $0x3  }
0x33: {  	p0 =	seq.s32 s10, $0x1;
	s10 =	sld [smem:$0x3FB5];
	_ =	sdelay $0x3  }
0x34: {  	[smem:$0x3FB5] =	sst s10  }
0x35: {  	s10 =	sld [smem:$0x3FB4];
	_ =	sdelay $0x3  }
0x36: {  	p1 =	seq.s32 s10, $0x1;
	s10 =	sld [smem:$0x3FB5];
	_ =	sdelay $0x3  }
0x37: {  	[smem:$0x3FB5] =	sst s10  }
0x38: {  	s10 =	sld [smem:$0x3FB6]  }
0x39: {  	_ = 	snop;
	(pc) =	sbr.ind lr, $3  }
0x3a: {  	_ = 	snop  }
0x3b: {  	_ = 	snop  }
0x3c: {  	p2 =	seq.s32 s10, $0x1;
	s10 =	sld [smem:$0x3FB5]  }
0x3d: {  	_ =	shalt  }
0x3e: {  	_ =	shalt  }
0x3f: {  	_ =	shalt  }
0x40: {  	_ =	shalt  }
0x41: {  	_ =	shalt  }
0x42: {  	_ =	shalt  }
0x43: {  	_ =	shalt  }
0x44: {  	_ =	shalt  }
0x45: {  	_ =	shalt  }
0x46: {  	_ =	shalt  }
0x47: {  	_ =	shalt  }
0x48: {  	_ =	shalt  }
0x49: {  	_ =	shalt  }
0x4a: {  	_ =	shalt  }
0x4b: {  	_ =	shalt  }
0x4c: {  	_ =	shalt  }
0x4d: {  	_ =	shalt  }
0x4e: {  	_ =	shalt  }
0x4f: {  	_ =	shalt  }
0x50: {  	_ =	shalt  }
0x51: {  	_ =	shalt  }
0x52: {  	_ =	shalt  }
0x53: {  	_ =	shalt  }
0x54: {  	_ =	shalt  }
0x55: {  	_ =	shalt  }
0x56: {  	_ =	shalt  }
0x57: {  	_ =	shalt  }
0x58: {  	_ =	shalt  }
0x59: {  	_ =	shalt  }
0x5a: {  	_ =	shalt  }
0x5b: {  	_ =	shalt  }
0x5c: {  	_ =	shalt  }
0x5d: {  	_ =	shalt  }
0x5e: {  	_ =	shalt  }
0x5f: {  	_ =	shalt  }
0x60: {  	_ =	shalt  }
0x61: {  	_ =	shalt  }
0x62: {  	_ =	shalt  }
0x63: {  	_ =	shalt  }
0x64: {  	_ =	shalt  }
0x65: {  	_ =	shalt  }
0x66: {  	_ =	shalt  }
0x67: {  	_ =	shalt  }
0x68: {  	_ =	shalt  }
0x69: {  	_ =	shalt  }
0x6a: {  	_ =	shalt  }
0x6b: {  	_ =	shalt  }
0x6c: {  	_ =	shalt  }
0x6d: {  	_ =	shalt  }
0x6e: {  	_ =	shalt  }
0x6f: {  	_ =	shalt  }
0x70: {  	_ =	shalt  }
0x71: {  	_ =	shalt  }
0x72: {  	_ =	shalt  }
0x73: {  	_ =	shalt  }
0x74: {  	_ =	shalt  }
0x75: {  	_ =	shalt  }
0x76: {  	_ =	shalt  }
0x77: {  	_ =	shalt  }
0x78: {  	_ =	shalt  }
0x79: {  	_ =	shalt  }
0x7a: {  	_ =	shalt  }
0x7b: {  	_ =	shalt  }
0x7c: {  	_ =	shalt  }
0x7d: {  	_ =	shalt  }
0x7e: {  	_ =	shalt  }
0x7f: {  	_ =	shalt  }
0x80: {  	_ =	shalt  }
0x81: {  	_ =	shalt  }
0x82: {  	_ =	shalt  }
0x83: {  	_ =	shalt  }
0x84: {  	_ =	shalt  }
0x85: {  	_ =	shalt  }
0x86: {  	_ =	shalt  }
0x87: {  	_ =	shalt  }
.Lfunc_end0:
.L_simem_size_0:
called_computation.1_lowered:
.L_overlay_start_0:
0x88: {  	s2 =	sld [smem:$0x3FD9]  }
0x89: {  	s3 =	sld [smem:$0x3FFE];
	_ =	sdelay $0x1  }
0x8a: {  	s1 =	srdreg.scid  }
0x8b: {  	s0 =	sand.u32 $0x1, s1  }
0x8c: {  	s16 =	sshll.u32 s0, $0xA;
	s2 =	sadd.s32 s3, s2  }
0x8d: {  	s2 =	sadd.s32 s2, s16  }
0x8e: {  	[smem:$0x3FC1] =	sst s2  }
0x8f: {  	_ = 	snop  }
0x90: {  	(tm) =	ssettm $0x1  }
0x91: {  	s17 =	sld [smem:$0x3FFB];
	_ =	sdelay $0x3  }
0x92: {  	_ =	strace s17  }
0x93: {  	s2 =	sld [smem:$0x3FFC];
	_ =	sdelay $0x3  }
0x94: {  	_ =	strace s2  }
0x95: {  	s2 =	sld [smem:$0x3FFD];
	_ =	sdelay $0x3  }
0x96: {  	_ =	strace s2  }
0x97: {  	_ =	strace $0x8FFFFFFF  }
0x98: {  	s18 =	sld [smem:$0x3FDB];
	_ =	sdelay $0x1  }
0x99: {  	s19 =	simm.s32 $_scs_section_size  }
0x9a: {  	s4 =	simm.s32 $_size__tile_overlayer_lowered;
	s5 =	simm.s32 $_tile_overlayer_lowered  }
0x9b: {  	s22 =	simm.s32 $0x1BFF;
	s21 =	sshll.u32 s5, $0x1;
	s2 =	sadd.s32 s19, s18  }
0x9c: {  	s6 =	simm.s32 $0x0;
	s20 =	sshll.u32 s4, $0x1;
	s4 =	sadd.s32 s21, s2  }
0x9d: {  	[timem:s6], [sflag:s22] =	dma.local [hbm:s4], s20  }
0x9e: {  	_ =	swait.ge [sflag:s22], s20  }
0x9f: {  	s3 =	ssub.s32 $0x0, s20;
	[sflag:s22] =	ssyncset.done $0x0  }
0xa0: {  	[sflag:s22] =	ssyncadd.s32 s3;
	_ =	sdelay $0x1  }
0xa1: {  	s23 =	simm.s32 $0x1B8B  }
0xa2: {  	_ =	swait.ge [sflag:s23], $0x1  }
0xa3: {  	[sflag:s23] =	ssyncset.done $0x0  }
0xa4: {  	s25 =	simm.s32 $0x1B8E;
	s24 =	sld [smem:$0x3FFE];
	[sflag:s23] =	ssyncadd.s32 $0xFFFFFFFF  }
0xa5: {  	s26 =	simm.s32 $execute0_lowered;
	[smem:$0x3FD2] =	sst s25  }
0xa6: {  	s4 =	sshll.u32 s26, $0x1;
	_ =	strace $0x80000049;
	[dreg:$0x1] =	wrdreg $0xFFFFFFFF  }
0xa7: {  	s28 =	simm.s32 $_size_execute0_lowered;
	s2 =	sadd.s32 s2, s4;
	[dreg:$0x0] =	wrdreg $0x0  }
0xa8: {  	s4 =	sshll.u32 s28, $0x1;
	[dreg:$0x2] =	wrdreg s2  }
0xa9: {  	[dreg:$0x3] =	wrdreg s4  }
0xaa: {  	[dreg:$0x4] =	wrdreg $0xC0  }
0xab: {  	_ =	task [dreg:s6], $0x5FFFF  }
0xac: {  	[dreg:$0x1] =	wrdreg $0xFFFFFFFF  }
0xad: {  	[dreg:$0x0] =	wrdreg $0x60  }
0xae: {  	[dreg:$0x2] =	wrdreg s24  }
0xaf: {  	[dreg:$0x3] =	wrdreg $0x9  }
0xb0: {  	_ =	task.clear_ibuf [dreg:s6], $0x4FFFF;
	_ =	strace $0x90000049  }
0xb1: {  	s29 =	simm.s32 $0x9;
	_ =	strace $0x8000004B  }
0xb2: {  	_ =	swait.ge [sflag:s29], $0x1  }
0xb3: {  	[sflag:s29] =	ssyncadd.s32 $0xFFFFFFFF  }
0xb4: {  	_ =	strace $0x9000004B  }
0xb5: {  	_ =	sfence  }
0xb6: {  	s30 =	sld [smem:$0x0];
	_ =	sdelay $0x2  }
0xb7: {  	s31 =	sshll.u32 s1, $0xD;
	s1 =	sshrl.u32 s1, $0x2  }
0xb8: {  	s3 =	sand.u32 $0x4000, s31;
	s1 =	sadd.s32 s1, s30  }
0xb9: {  	s0 =	sor.u32 s3, s0;
	s1 =	sshll.u32 s1, $0x11  }
0xba: {  	s0 =	sor.u32 s1, s0  }
0xbb: {  	s0 =	sadd.s32 $0x8F2B, s0  }
0xbc: {  	[sflag:s0] =	ssyncadd.remote.s32 $0x1  }
0xbd: {  	_ =	sfence.sel $0xFFFF  }
0xbe: {  	[dreg:$0x0] =	wrdreg $0xFFFFFFFF;
	(pc) =	sbr.abs _section_cstart, $3  }
0xbf: {  	[dreg:$0x1] =	wrdreg $0xFFFFFFFF  }
0xc0: {  	_ =	task.clear_ibuf [dreg:s6], $0x2FFFF;
	_ =	strace $0x9FFFFFFF  }
0xc1: {  	(tm) =	ssettm $0x7FFFFFFF  }
tec
execute0_lowered:
.L_overlay_start_1:
0x0: {  	(tag) =	ssettag $0x1  }
0x1: {  	s0 =	srdreg.scid  }
0x2: {  	s6 =	rddreg [dreg:$0x0];
	s1 =	stileid.u32  }
0x3: {  	s2 =	simm.s32 $0x0;
	s14 =	simm.s32 $0x2800;
	s15 =	simm.s32 $0x5000  }
0x4: {  	s17 =	simm.s32 $0x7D00;
	s5 =	sand.u32 $0x1, s0;
	s0 =	rddreg [dreg:$0x1]  }
0x5: {  	[smem:$0x7FF] =	sst s2;
	s4 =	sadd.s32 $0x52200, s6;
	s3 =	sshll.u32 s5, $0x4  }
0x6: {  	_ =	strace $0x8000004A;
	s9 =	ssub.s32 $0x2, s5;
	s5 =	sadd.s32 $0x54600, s6  }
0x7: {  	s13 =	sor.u32 s1, s3;
	s3 =	sadd.s32 $0x52800, s6;
	s31 =	sshrl.u32 s9, $0x1  }
0x8: {  	s7 =	smul.u32 $0x500, s13;
	s12 =	ssub.s32 s9, s31;
	s16 =	sadd.s32 $0xFFFFFFFF, s13  }
0x9: {  	s18 =	sadd.s32 $0xFFFFFFF7, s13;
	p0 =	sne.s32 s13, $0x0;
	s13 =	simm.s32 $0x1  }
0xa: {  	s12 =	smax.u32 s12, $0x1;
	p1 =	sgt.u32 s16, $0x7;
	s16 =	simm.s32 $0x7800  }
.Ltmp0:
0xb: {  	s8 =	sadd.s32 $0xFFFFFB00, s7;
	s7 =	sadd.s32 $0xFFFFD300, s7;
	(pc) =	sbr.rel .LBB2_1-.Ltmp0, $4  }
0xc: {  	p2 =	sgt.u32 s18, $0x7;
	s8 =	sshrl.u32 s8, $0x3;
	s30 =	sshrl.u32 s7, $0x3  }
0xd: {  	s18 =	simm.s32 $0x0;
	s8 =	sadd.s32 s8, s6;
	s11 =	sadd.s32 s30, s6  }
0xe: {  	s6 =	sadd.s32 $0x53400, s8;
	s7 =	sadd.s32 $0x51600, s8;
	s8 =	sadd.s32 $0x53A00, s8  }
0xf: {  	s9 =	sadd.s32 $0x52E00, s11;
	s10 =	sadd.s32 $0x51C00, s11;
	s11 =	sadd.s32 $0x54000, s11  }
.LBB2_12:
0x10: {  	v1 =	vld [tilespmem:s19+$0x7800];
	_ =	sdelay $0x4  }
0x11: {  	v0 =	vadd.f32 v0, v1;
	_ =	sdelay $0x1  }
0x12: {  	[tilespmem:s19+$0x7800] =	vst v0  }
0x13: {  	[hbm4b:s11+s2] =	stream.linear.scatter [tilespmem:s16], [sflag:$0x1], $0x500, $0x38;
	[tilespmem:$0x8200] =	vst v63  }
0x14: {  	_ =	swait.ge [sflag:s13], $0x500  }
0x15: {  	[sflag:s13] =	ssyncset.done $0x0  }
0x16: {  	[sflag:s13] =	ssyncadd.s32 $0xFFFFFB00  }
.LBB2_13:
0x17: {  	s18 =	sadd.s32 $0x1, s18  }
0x18: {  	p3 =	sne.s32 s18, s12  }
.Ltmp1:
0x19: {  	_ = 	snop;
	(pc) =	sbr.rel @!p3 .LBB2_14-.Ltmp1, $1  }
0x1a: {  	_ =	sdelay $0x3  }
.LBB2_1:
.Ltmp2:
0x1b: {  	(pc) =	sbr.rel @!p0 .LBB2_2-.Ltmp2, $1  }
0x1c: {  	_ =	sdelay $0x3  }
.Ltmp3:
0x1d: {  	(pc) =	sbr.rel @p1 .LBB2_9-.Ltmp3, $1  }
0x1e: {  	_ =	sdelay $0x3  }
0x1f: {  	s19 =	simm.s32 $0x0  }
0x20: {  	[tilespmem:s16], [sflag:$0x1] =	stream.linear.gather [hbm4b:s6+s19], $0x500, $0x38;
	[tilespmem:$0x8200] =	vst v63  }
0x21: {  	_ =	swait.ge [sflag:s13], $0x500  }
0x22: {  	[sflag:s13] =	ssyncset.done $0x0  }
0x23: {  	[sflag:s13] =	ssyncadd.s32 $0xFFFFFB00  }
0x24: {  	[tilespmem:s17], [sflag:$0x1] =	stream.linear.gather [hbm4b:s7+s19], $0x500, $0x38;
	[tilespmem:$0x8200] =	vst v63  }
0x25: {  	_ =	swait.ge [sflag:s13], $0x500  }
0x26: {  	[sflag:s13] =	ssyncset.done $0x0  }
0x27: {  	s19 =	simm.s32 $0x0;
	[sflag:s13] =	ssyncadd.s32 $0xFFFFFB00  }
0x28: {  	s20 =	simm.s32 $0x40;
	v0 =	vld [tilespmem:s19+$0x7D00]  }
.LBB2_7:
0x29: {  	p3 =	sne.s32 s20, $0x13C0;
	v1 =	vld [tilespmem:s19+$0x7800];
	_ =	sdelay $0x2  }
.Ltmp4:
0x2a: {  	(pc) =	sbr.rel @p3 .LBB2_7-.Ltmp4, $4  }
0x2b: {  	_ = 	snop  }
0x2c: {  	v1 =	vadd.f32 v0, v1  }
0x2d: {  	s21 =	sshra.s32 s20, $0x2  }
0x2e: {  	s20 =	sadd.s32 $0x40, s20;
	v0 =	vld [tilespmem:s21+$0x7D00];
	[tilespmem:s19+$0x7800] =	vst v1;
	s19 =	smov.u32 s21  }
0x2f: {  	v1 =	vld [tilespmem:s19+$0x7800];
	_ =	sdelay $0x4  }
0x30: {  	v0 =	vadd.f32 v0, v1;
	_ =	sdelay $0x1  }
0x31: {  	[tilespmem:s19+$0x7800] =	vst v0  }
0x32: {  	[hbm4b:s8+s2] =	stream.linear.scatter [tilespmem:s16], [sflag:$0x1], $0x500, $0x38;
	[tilespmem:$0x8200] =	vst v63  }
0x33: {  	_ =	swait.ge [sflag:s13], $0x500  }
0x34: {  	[sflag:s13] =	ssyncset.done $0x0  }
0x35: {  	[sflag:s13] =	ssyncadd.s32 $0xFFFFFB00  }
.LBB2_9:
.Ltmp5:
0x36: {  	(pc) =	sbr.rel @p2 .LBB2_13-.Ltmp5, $1  }
0x37: {  	_ =	sdelay $0x3  }
0x38: {  	s19 =	simm.s32 $0x0  }
0x39: {  	[tilespmem:s16], [sflag:$0x1] =	stream.linear.gather [hbm4b:s9+s19], $0x500, $0x38;
	[tilespmem:$0x8200] =	vst v63  }
0x3a: {  	_ =	swait.ge [sflag:s13], $0x500  }
0x3b: {  	[sflag:s13] =	ssyncset.done $0x0  }
0x3c: {  	[sflag:s13] =	ssyncadd.s32 $0xFFFFFB00  }
0x3d: {  	[tilespmem:s17], [sflag:$0x1] =	stream.linear.gather [hbm4b:s10+s19], $0x500, $0x38;
	[tilespmem:$0x8200] =	vst v63  }
0x3e: {  	_ =	swait.ge [sflag:s13], $0x500  }
0x3f: {  	[sflag:s13] =	ssyncset.done $0x0  }
0x40: {  	s19 =	simm.s32 $0x0;
	[sflag:s13] =	ssyncadd.s32 $0xFFFFFB00  }
0x41: {  	s20 =	simm.s32 $0x40;
	v0 =	vld [tilespmem:s19+$0x7D00]  }
.LBB2_11:
0x42: {  	p3 =	sne.s32 s20, $0x13C0;
	v1 =	vld [tilespmem:s19+$0x7800];
	_ =	sdelay $0x2  }
.Ltmp6:
0x43: {  	(pc) =	sbr.rel @p3 .LBB2_11-.Ltmp6, $4  }
0x44: {  	_ = 	snop  }
0x45: {  	v1 =	vadd.f32 v0, v1  }
0x46: {  	s21 =	sshra.s32 s20, $0x2  }
0x47: {  	s20 =	sadd.s32 $0x40, s20;
	v0 =	vld [tilespmem:s21+$0x7D00];
	[tilespmem:s19+$0x7800] =	vst v1;
	s19 =	smov.u32 s21  }
.Ltmp7:
0x48: {  	_ = 	snop;
	(pc) =	sbr.rel .LBB2_12-.Ltmp7, $1  }
0x49: {  	_ =	sdelay $0x3  }
.LBB2_2:
0x4a: {  	s19 =	simm.s32 $0x0  }
0x4b: {  	[tilespmem:s19], [sflag:$0x1] =	stream.linear.gather [hbm4b:s3+s19], $0x2800, $0x38;
	[tilespmem:$0x8200] =	vst v63  }
0x4c: {  	_ =	swait.ge [sflag:s13], $0x2800  }
0x4d: {  	[sflag:s13] =	ssyncset.done $0x0  }
0x4e: {  	[sflag:s13] =	ssyncadd.s32 $0xFFFFD800  }
0x4f: {  	[tilespmem:s14], [sflag:$0x1] =	stream.linear.gather [hbm4b:s4+s19], $0x2800, $0x38;
	[tilespmem:$0x8200] =	vst v63  }
0x50: {  	_ =	swait.ge [sflag:s13], $0x2800  }
0x51: {  	[sflag:s13] =	ssyncset.done $0x0  }
0x52: {  	s25 =	simm.s32 $0x0;
	[sflag:s13] =	ssyncadd.s32 $0xFFFFD800  }
0x53: {  	v0 =	vld [tilespmem:s25+$0x0]  }
0x54: {  	v1 =	vld [tilespmem:s25+$0x2800]  }
0x55: {  	s21 =	simm.s32 $0x10  }
0x56: {  	v2 =	vld [tilespmem:s21+$0x0]  }
0x57: {  	s20 =	simm.s32 $0x20;
	v3 =	vld [tilespmem:s21+$0x2800]  }
0x58: {  	v4 =	vld [tilespmem:s20+$0x0]  }
0x59: {  	v5 =	vld [tilespmem:s20+$0x2800];
	v6 =	vadd.s32 v0, v1  }
0x5a: {  	(xrf0) =	vadd.scan.msk.s32 $0xffff, v6;
	_ =	sdelay $0x2  }
0x5b: {  	v1 =	vadd.s32 v2, v3  }
0x5c: {  	s22 =	simm.s32 $0x30;
	v0 =	vadd.s32 v4, v5;
	(xrf0) =	vadd.scan.msk.s32 $0xffff, v1  }
0x5d: {  	v2 =	vld [tilespmem:s22+$0x0];
	(xrf0) =	vadd.scan.msk.s32 $0xffff, v0  }
0x5e: {  	v4 =	vld [tilespmem:s22+$0x2800];
	v7, _, _ =	vpop (xrf0)  }
0x5f: {  	(v2sf) =	vpush v7, $0xF;
	_ =	sdelay $0x2  }
0x60: {  	v3, _, _ =	vpop (xrf0)  }
0x61: {  	v2 =	vadd.s32 v2, v4;
	(v2sf) =	vpush v3, $0xF;
	v4, _, _ =	vpop (xrf0)  }
0x62: {  	(v2sf) =	vpush v4, $0xF;
	_ =	sdelay $0x3  }
0x63: {  	s23 =	simm.s32 $0x40  }
0x64: {  	v5 =	vld [tilespmem:s23+$0x0]  }
0x65: {  	v8 =	vsub.s32 s19, v6;
	v6 =	vld [tilespmem:s23+$0x2800];
	(xrf0) =	vadd.scan.msk.s32 $0xffff, v2;
	_ =	sdelay $0x1  }
0x66: {  	v7 =	vadd.s32 v7, v8  }
0x67: {  	s24 =	simm.s32 $0x140;
	[tilespmem:s25+$0x5000] =	vst v7  }
.LBB2_3:
0x68: {  	s25 =	sshra.s32 s24, $0x2;
	s26 =	spop (v2sf);
	p3 =	sne.s32 s24, $0x9FC0  }
.Ltmp8:
0x69: {  	s24 =	sadd.s32 $0x40, s24;
	v7 =	vadd.s32 v5, v6;
	v5 =	vld [tilespmem:s25+$0x0];
	s19 =	sadd.s32 s19, s26;
	(pc) =	sbr.rel @p3 .LBB2_3-.Ltmp8, $4  }
0x6a: {  	v6 =	vld [tilespmem:s25+$0x2800];
	(xrf0) =	vadd.scan.msk.s32 $0xffff, v7;
	v8, _, _ =	vpop (xrf0);
	v9 =	vsub.s32 s19, v1;
	v1 =	vmov v0;
	v0 =	vmov v2  }
0x6b: {  	v2 =	vmovc v7;
	(v2sf) =	vpush v8, $0xF;
	v9 =	vadd.s32 v3, v9;
	v3 =	vmovc v4;
	v4 =	vmov v8  }
0x6c: {  	[tilespmem:s21+$0x5000] =	vst v9;
	s21 =	smov.u32 s20;
	s20 =	smov.u32 s22;
	s22 =	smov.u32 s23  }
0x6d: {  	s23 =	smov.u32 s25  }
0x6e: {  	_ =	sdelay $0x1  }
0x6f: {  	v5 =	vadd.s32 v5, v6;
	v59, _, _ =	vpop (xrf0)  }
0x70: {  	(xrf0) =	vadd.scan.msk.s32 $0xffff, v5;
	(v2sf) =	vpush v59, $0xF;
	_ =	sdelay $0x5  }
0x71: {  	v7, _, _ =	vpop (xrf0)  }
0x72: {  	(v2sf) =	vpush v7, $0xF;
	_ =	sdelay $0x4  }
0x73: {  	s24 =	spop (v2sf)  }
0x74: {  	s19 =	sadd.s32 s19, s24;
	s28 =	spop (v2sf)  }
0x75: {  	v1 =	vsub.s32 s19, v1;
	s19 =	sadd.s32 s19, s28;
	s29 =	spop (v2sf)  }
0x76: {  	v1 =	vadd.s32 v3, v1;
	v0 =	vsub.s32 s19, v0;
	s19 =	sadd.s32 s19, s29;
	s30 =	spop (v2sf)  }
0x77: {  	[tilespmem:s21+$0x5000] =	vst v1;
	v0 =	vadd.s32 v4, v0;
	v60 =	vsub.s32 s19, v2;
	s19 =	sadd.s32 s19, s30  }
0x78: {  	[tilespmem:s20+$0x5000] =	vst v0;
	v61 =	vadd.s32 v59, v60;
	v62 =	vsub.s32 s19, v5  }
0x79: {  	[tilespmem:s22+$0x5000] =	vst v61;
	v63 =	vadd.s32 v7, v62  }
0x7a: {  	[tilespmem:s23+$0x5000] =	vst v63  }
0x7b: {  	[hbm4b:s5+s2] =	stream.linear.scatter [tilespmem:s15], [sflag:$0x1], $0x2800, $0x38;
	[tilespmem:$0x8200] =	vst v63  }
.Ltmp9:
0x7c: {  	_ = 	snop;
	(pc) =	sbr.rel .LBB2_13-.Ltmp9, $4  }
0x7d: {  	s31 =	spop (v2sf)  }
0x7e: {  	_ =	swait.ge [sflag:s13], $0x2800  }
0x7f: {  	[sflag:s13] =	ssyncset.done $0x0  }
0x80: {  	[sflag:s13] =	ssyncadd.s32 $0xFFFFD800  }
.LBB2_14:
0x81: {  	_ =	sfence.sel $0x180000  }
0x82: {  	[bflag:$0x0] =	sbarrier.arrive $0xFFFF  }
0x83: {  	p0 =	sne.s32 s1, $0x0;
	_ =	strace $0x9000004A  }
0x84: {  	s0 =	sadd.s32 @!p0 $0x100000, s0;
	[bflag:$0x2] =	sbarrier.arrive $0xFFFF  }
0x85: {  	[sflag:s0] =	ssyncadd.tile.s32 @!p0 $0x1;
	_ =	shalt  }
.Lfunc_end2:
_tile_overlayer_lowered:
.L_overlay_start_2:
0x86: {  	(tag) =	ssettag $0x2  }
0x87: {  	s0 =	rddreg [dreg:$0x0];
	s2 =	stileid.u32  }
0x88: {  	s1 =	rddreg [dreg:$0x1];
	p0 =	sne.s32 s2, $0x0  }
0x89: {  	s3 =	rddreg [dreg:$0x2];
	[bflag:$0x3] =	sbarrier.arrive $0xFFFF;
	s2 =	simm.s32 @!p0 $0x1C01  }
0x8a: {  	[timem:s3], [sflag:s2] =	dma.local @!p0 [hbm:s0], s1  }
0x8b: {  	s0 =	simm.s32 @!p0 $0x1  }
0x8c: {  	_ =	swait.ge @!p0 [sflag:s0], s1  }
0x8d: {  	s1 =	ssub.s32 @!p0 $0x0, s1;
	[sflag:s0] =	ssyncset.done @!p0 $0x0  }
0x8e: {  	[sflag:s0] =	ssyncadd.s32 @!p0 s1  }
0x8f: {  	[bflag:$0x3] =	sbarrier.arrive $0xFFFF  }
0x90: {  	_ =	shalt  }

// kernel: kernel.16.cloned.1.call-start
scs
__scs_entry_jumppad:
0x0: {  	(pc) =	sbr.rel $0x88, $3  }
0x1: {  	(tag) =	ssettag $0x0;
	lr =	simm.s32 $0x1  }
0x2: {  	[smem:$0x3F9A] =	sst lr;
	_ =	strace $0xD0000000  }
0x3: {  	_ = 	snop  }
0x4: {  	_ = 	snop  }
0x5: {  	_ = 	snop  }
0x6: {  	_ = 	snop  }
0x7: {  	_ = 	snop  }
__scs_overlays_trampoline_lowered:
0x8: {  	[smem:$0x3FA9] =	sst s0  }
0x9: {  	[smem:$0x3FAA] =	sst s1  }
0xa: {  	[smem:$0x3FAB] =	sst s2  }
0xb: {  	[smem:$0x3FAC] =	sst s3  }
0xc: {  	[smem:$0x3FAD] =	sst s4  }
0xd: {  	[smem:$0x3FAE] =	sst s5  }
0xe: {  	[smem:$0x3FAF] =	sst s6  }
0xf: {  	[smem:$0x3FB0] =	sst s7  }
0x10: {  	[smem:$0x3FB1] =	sst s8  }
0x11: {  	[smem:$0x3FB2] =	sst s9;
	s0 =	simm.s32 @!p0 $0x0  }
0x12: {  	s1 =	sld [smem:$0x3F98];
	s0 =	simm.s32 @p0 $0x1  }
0x13: {  	[smem:$0x3FB3] =	sst s0;
	s0 =	simm.s32 @!p1 $0x0  }
0x14: {  	s2 =	sld [smem:$0x3F97];
	s0 =	simm.s32 @p1 $0x1  }
0x15: {  	[smem:$0x3FB4] =	sst s0;
	s0 =	simm.s32 @!p2 $0x0  }
0x16: {  	s3 =	sld [smem:$0x3FDB];
	s0 =	simm.s32 @p2 $0x1  }
0x17: {  	s4 =	simm.s32 $0x1BF5;
	[smem:$0x3FB6] =	sst s0  }
0x18: {  	s0 =	sld [smem:$0x3F99];
	_ =	swait.ge [sflag:s4], $0x0  }
0x19: {  	s7 =	sld [smem:$0x3F9A]  }
0x1a: {  	s8 =	sadd.s32 $0xFFFFE003, lr  }
0x1b: {  	s9 =	sadd.s32 $0xFFFFFEF7, lr;
	s5 =	simm.s32 $0xFFFFFFFF;
	p2 =	slt.u32 s8, $0xFFFFF086  }
0x1c: {  	p1 =	slt.u32 s9, $0xF7A;
	s5 =	simm.s32 @!p2 $0x0  }
0x1d: {  	s5 =	simm.s32 @p1 $0x1;
	p0 =	seq.s32 s7, s2  }
0x1e: {  	s7 =	smul.u32 @!p0 $0xF7A, s2;
	p2 =	seq.s32 @!p0 s5, $0x0  }
0x1f: {  	s9 =	smul.u32 $0xF7A, s1;
	s8 =	simm.s32 @!p0 $0x1BF5;
	p2 =	por !p2, p0  }
0x20: {  	[sflag:s8] =	ssyncset.s32 @!p0 $0xFFFFF086;
	s6 =	sadd.s32 @!p0 s3, s7;
	s7 =	simm.s32 @!p0 $0x108  }
0x21: {  	s3 =	sadd.s32 s3, s9;
	s6 =	sadd.s32 @!p0 $0x88, s6;
	s7 =	simm.s32 @p2 $0x1082  }
0x22: {  	[simem:s7], [sflag:s8] =	dma.local @!p0 [hbm:s6], $0xF7A  }
0x23: {  	s9 =	sor.u32 $0xD0000000, s2;
	s6 =	simm.s32 $0x108;
	_ =	swait.ge @!p0 [sflag:s8], $0x0  }
0x24: {  	s3 =	sadd.s32 $0x88, s3;
	s6 =	simm.s32 @!p1 $0x1082;
	[sflag:s4] =	ssyncset.s32 $0xFFFFF086  }
0x25: {  	[simem:s6], [sflag:s4] =	dma.local [hbm:s3], $0xF7A  }
0x26: {  	[smem:$0x3F9A] =	sst s1;
	(tag) =	ssettag s2;
	_ =	strace s9  }
0x27: {  	s1 =	sld [smem:$0x3FAA]  }
0x28: {  	s2 =	sld [smem:$0x3FAB]  }
0x29: {  	s4 =	sld [smem:$0x3FAD]  }
0x2a: {  	p0 =	seq.s32 s5, $0x0;
	s5 =	sld [smem:$0x3FAE]  }
0x2b: {  	s6 =	sld [smem:$0x3FAF]  }
0x2c: {  	s7 =	sld [smem:$0x3FB0]  }
0x2d: {  	s3 =	simm.s32 $0x108;
	s8 =	sld [smem:$0x3FB1]  }
0x2e: {  	s3 =	simm.s32 @!p0 $0x1082;
	s9 =	sld [smem:$0x3FB2]  }
0x2f: {  	lr =	sadd.s32 s0, s3;
	s0 =	sld [smem:$0x3FA9]  }
0x30: {  	s3 =	sld [smem:$0x3FAC]  }
0x31: {  	[smem:$0x3FB5] =	sst s10  }
0x32: {  	s10 =	sld [smem:$0x3FB3];
	_ =	sdelay $0x3  }
0x33: {  	p0 =	seq.s32 s10, $0x1;
	s10 =	sld [smem:$0x3FB5];
	_ =	sdelay $0x3  }
0x34: {  	[smem:$0x3FB5] =	sst s10  }
0x35: {  	s10 =	sld [smem:$0x3FB4];
	_ =	sdelay $0x3  }
0x36: {  	p1 =	seq.s32 s10, $0x1;
	s10 =	sld [smem:$0x3FB5];
	_ =	sdelay $0x3  }
0x37: {  	[smem:$0x3FB5] =	sst s10  }
0x38: {  	s10 =	sld [smem:$0x3FB6]  }
0x39: {  	_ = 	snop;
	(pc) =	sbr.ind lr, $3  }
0x3a: {  	_ = 	snop  }
0x3b: {  	_ = 	snop  }
0x3c: {  	p2 =	seq.s32 s10, $0x1;
	s10 =	sld [smem:$0x3FB5]  }
0x3d: {  	_ =	shalt  }
0x3e: {  	_ =	shalt  }
0x3f: {  	_ =	shalt  }
0x40: {  	_ =	shalt  }
0x41: {  	_ =	shalt  }
0x42: {  	_ =	shalt  }
0x43: {  	_ =	shalt  }
0x44: {  	_ =	shalt  }
0x45: {  	_ =	shalt  }
0x46: {  	_ =	shalt  }
0x47: {  	_ =	shalt  }
0x48: {  	_ =	shalt  }
0x49: {  	_ =	shalt  }
0x4a: {  	_ =	shalt  }
0x4b: {  	_ =	shalt  }
0x4c: {  	_ =	shalt  }
0x4d: {  	_ =	shalt  }
0x4e: {  	_ =	shalt  }
0x4f: {  	_ =	shalt  }
0x50: {  	_ =	shalt  }
0x51: {  	_ =	shalt  }
0x52: {  	_ =	shalt  }
0x53: {  	_ =	shalt  }
0x54: {  	_ =	shalt  }
0x55: {  	_ =	shalt  }
0x56: {  	_ =	shalt  }
0x57: {  	_ =	shalt  }
0x58: {  	_ =	shalt  }
0x59: {  	_ =	shalt  }
0x5a: {  	_ =	shalt  }
0x5b: {  	_ =	shalt  }
0x5c: {  	_ =	shalt  }
0x5d: {  	_ =	shalt  }
0x5e: {  	_ =	shalt  }
0x5f: {  	_ =	shalt  }
0x60: {  	_ =	shalt  }
0x61: {  	_ =	shalt  }
0x62: {  	_ =	shalt  }
0x63: {  	_ =	shalt  }
0x64: {  	_ =	shalt  }
0x65: {  	_ =	shalt  }
0x66: {  	_ =	shalt  }
0x67: {  	_ =	shalt  }
0x68: {  	_ =	shalt  }
0x69: {  	_ =	shalt  }
0x6a: {  	_ =	shalt  }
0x6b: {  	_ =	shalt  }
0x6c: {  	_ =	shalt  }
0x6d: {  	_ =	shalt  }
0x6e: {  	_ =	shalt  }
0x6f: {  	_ =	shalt  }
0x70: {  	_ =	shalt  }
0x71: {  	_ =	shalt  }
0x72: {  	_ =	shalt  }
0x73: {  	_ =	shalt  }
0x74: {  	_ =	shalt  }
0x75: {  	_ =	shalt  }
0x76: {  	_ =	shalt  }
0x77: {  	_ =	shalt  }
0x78: {  	_ =	shalt  }
0x79: {  	_ =	shalt  }
0x7a: {  	_ =	shalt  }
0x7b: {  	_ =	shalt  }
0x7c: {  	_ =	shalt  }
0x7d: {  	_ =	shalt  }
0x7e: {  	_ =	shalt  }
0x7f: {  	_ =	shalt  }
0x80: {  	_ =	shalt  }
0x81: {  	_ =	shalt  }
0x82: {  	_ =	shalt  }
0x83: {  	_ =	shalt  }
0x84: {  	_ =	shalt  }
0x85: {  	_ =	shalt  }
0x86: {  	_ =	shalt  }
0x87: {  	_ =	shalt  }
.Lfunc_end0:
.L_simem_size_0:
called_computation.2_lowered:
.L_overlay_start_0:
0x88: {  	s2 =	sld [smem:$0x3FD9]  }
0x89: {  	s3 =	sld [smem:$0x3FFE];
	_ =	sdelay $0x1  }
0x8a: {  	s1 =	srdreg.scid  }
0x8b: {  	s0 =	sand.u32 $0x1, s1  }
0x8c: {  	s16 =	sshll.u32 s0, $0xA;
	s2 =	sadd.s32 s3, s2  }
0x8d: {  	s2 =	sadd.s32 s2, s16  }
0x8e: {  	[smem:$0x3FC1] =	sst s2  }
0x8f: {  	_ = 	snop  }
0x90: {  	(tm) =	ssettm $0x1  }
0x91: {  	s17 =	sld [smem:$0x3FFB];
	_ =	sdelay $0x3  }
0x92: {  	_ =	strace s17  }
0x93: {  	s2 =	sld [smem:$0x3FFC];
	_ =	sdelay $0x3  }
0x94: {  	_ =	strace s2  }
0x95: {  	s2 =	sld [smem:$0x3FFD];
	_ =	sdelay $0x3  }
0x96: {  	_ =	strace s2  }
0x97: {  	_ =	strace $0x8FFFFFFF  }
0x98: {  	s18 =	sld [smem:$0x3FDB];
	_ =	sdelay $0x1  }
0x99: {  	s19 =	simm.s32 $_scs_section_size  }
0x9a: {  	s4 =	simm.s32 $_size__tile_overlayer_lowered;
	s5 =	simm.s32 $_tile_overlayer_lowered  }
0x9b: {  	s22 =	simm.s32 $0x1BFF;
	s21 =	sshll.u32 s5, $0x1;
	s2 =	sadd.s32 s19, s18  }
0x9c: {  	s6 =	simm.s32 $0x0;
	s20 =	sshll.u32 s4, $0x1;
	s4 =	sadd.s32 s21, s2  }
0x9d: {  	[timem:s6], [sflag:s22] =	dma.local [hbm:s4], s20  }
0x9e: {  	_ =	swait.ge [sflag:s22], s20  }
0x9f: {  	s3 =	ssub.s32 $0x0, s20;
	[sflag:s22] =	ssyncset.done $0x0  }
0xa0: {  	[sflag:s22] =	ssyncadd.s32 s3;
	_ =	sdelay $0x1  }
0xa1: {  	s23 =	simm.s32 $0x1B8B  }
0xa2: {  	_ =	swait.ge [sflag:s23], $0x1  }
0xa3: {  	[sflag:s23] =	ssyncset.done $0x0  }
0xa4: {  	s25 =	simm.s32 $0x1B8E;
	s24 =	sld [smem:$0x3FFE];
	[sflag:s23] =	ssyncadd.s32 $0xFFFFFFFF  }
0xa5: {  	s26 =	simm.s32 $execute0_lowered;
	[smem:$0x3FD2] =	sst s25  }
0xa6: {  	s4 =	sshll.u32 s26, $0x1;
	_ =	strace $0x8000004C;
	[dreg:$0x1] =	wrdreg $0xFFFFFFFF  }
0xa7: {  	s28 =	simm.s32 $_size_execute0_lowered;
	s2 =	sadd.s32 s2, s4;
	[dreg:$0x0] =	wrdreg $0x0  }
0xa8: {  	s4 =	sshll.u32 s28, $0x1;
	[dreg:$0x2] =	wrdreg s2  }
0xa9: {  	[dreg:$0x3] =	wrdreg s4  }
0xaa: {  	[dreg:$0x4] =	wrdreg $0xC0  }
0xab: {  	_ =	task [dreg:s6], $0x5FFFF  }
0xac: {  	[dreg:$0x1] =	wrdreg $0xFFFFFFFF  }
0xad: {  	[dreg:$0x0] =	wrdreg $0x60  }
0xae: {  	[dreg:$0x2] =	wrdreg s24  }
0xaf: {  	[dreg:$0x3] =	wrdreg $0x9  }
0xb0: {  	_ =	task.clear_ibuf [dreg:s6], $0x4FFFF;
	_ =	strace $0x9000004C  }
0xb1: {  	s29 =	simm.s32 $0x9;
	_ =	strace $0x8000004E  }
0xb2: {  	_ =	swait.ge [sflag:s29], $0x1  }
0xb3: {  	[sflag:s29] =	ssyncadd.s32 $0xFFFFFFFF  }
0xb4: {  	_ =	strace $0x9000004E  }
0xb5: {  	_ =	sfence  }
0xb6: {  	s30 =	sld [smem:$0x0];
	_ =	sdelay $0x2  }
0xb7: {  	s31 =	sshll.u32 s1, $0xD;
	s1 =	sshrl.u32 s1, $0x2  }
0xb8: {  	s3 =	sand.u32 $0x4000, s31;
	s1 =	sadd.s32 s1, s30  }
0xb9: {  	s0 =	sor.u32 s3, s0;
	s1 =	sshll.u32 s1, $0x11  }
0xba: {  	s0 =	sor.u32 s1, s0  }
0xbb: {  	s0 =	sadd.s32 $0x8F2B, s0  }
0xbc: {  	[sflag:s0] =	ssyncadd.remote.s32 $0x1  }
0xbd: {  	_ =	sfence.sel $0xFFFF  }
0xbe: {  	[dreg:$0x0] =	wrdreg $0xFFFFFFFF;
	(pc) =	sbr.abs _section_cstart, $3  }
0xbf: {  	[dreg:$0x1] =	wrdreg $0xFFFFFFFF  }
0xc0: {  	_ =	task.clear_ibuf [dreg:s6], $0x2FFFF;
	_ =	strace $0x9FFFFFFF  }
0xc1: {  	(tm) =	ssettm $0x7FFFFFFF  }
tec
execute0_lowered:
.L_overlay_start_1:
0x0: {  	(tag) =	ssettag $0x1  }
0x1: {  	s7 =	rddreg [dreg:$0x0];
	s1 =	srdreg.scid  }
0x2: {  	s0 =	rddreg [dreg:$0x1];
	s2 =	simm.s32 $0x0;
	s13 =	simm.s32 $0x1  }
0x3: {  	s14 =	simm.s32 $0x2800;
	s15 =	simm.s32 $0x5000;
	s16 =	simm.s32 $0xA000  }
0x4: {  	s17 =	simm.s32 $0xC710;
	s18 =	simm.s32 $0x7800;
	s19 =	simm.s32 $0xEE20  }
0x5: {  	s21 =	simm.s32 $0x13C40;
	s22 =	simm.s32 $0x0;
	s8 =	sand.u32 $0x1, s1  }
0x6: {  	s1 =	stileid.u32;
	[smem:$0x7FF] =	sst s2;
	s3 =	sshll.u32 s8, $0x4  }
0x7: {  	s4 =	sadd.s32 $0x53A00, s7;
	s5 =	sadd.s32 $0x54000, s7;
	s9 =	sor.u32 s1, s3  }
0x8: {  	s6 =	sadd.s32 $0x54600, s7;
	s8 =	ssub.s32 $0x2, s8;
	s3 =	smul.u32 $0x2710, s9  }
0x9: {  	_ =	strace $0x8000004D;
	s31 =	sshrl.u32 s8, $0x1;
	s9 =	sshll.u32 s9, $0x3  }
0xa: {  	s12 =	ssub.s32 s8, s31;
	s11 =	sadd.s32 s9, s7;
	s10 =	sshrl.u32 s3, $0x3  }
0xb: {  	s12 =	smax.u32 s12, $0x1;
	s20 =	sadd.s32 $0x2710, s3;
	s10 =	sadd.s32 s10, s7  }
0xc: {  	s11 =	sadd.s32 $0x51600, s11;
	v1 =	vmov s20;
	s20 =	simm.s32 $0x11530;
	s7 =	sadd.s32 $0x5E400, s10  }
0xd: {  	v2 =	vimm.s32 $0x0;
	v3 =	vimm.s32 $0x1;
	v0 =	vmov s3;
	s8 =	sadd.s32 $0x68200, s10;
	s9 =	sadd.s32 $0x72000, s10;
	s10 =	sadd.s32 $0x7BE00, s10  }
.LBB2_1:
0xe: {  	[tilespmem:s2], [sflag:$0x1] =	stream.linear.gather [hbm4b:s4+s2], $0x2800, $0x38;
	[tilespmem:$0x13C80] =	vst v63  }
0xf: {  	_ =	swait.ge [sflag:s13], $0x2800  }
0x10: {  	[sflag:s13] =	ssyncset.done $0x0  }
0x11: {  	[sflag:s13] =	ssyncadd.s32 $0xFFFFD800  }
0x12: {  	[tilespmem:s14], [sflag:$0x1] =	stream.linear.gather [hbm4b:s5+s2], $0x2800, $0x38;
	[tilespmem:$0x13C80] =	vst v63  }
0x13: {  	_ =	swait.ge [sflag:s13], $0x2800  }
0x14: {  	[sflag:s13] =	ssyncset.done $0x0  }
0x15: {  	[sflag:s13] =	ssyncadd.s32 $0xFFFFD800  }
0x16: {  	[tilespmem:s15], [sflag:$0x1] =	stream.linear.gather [hbm4b:s6+s2], $0x2800, $0x38;
	[tilespmem:$0x13C80] =	vst v63  }
0x17: {  	_ =	swait.ge [sflag:s13], $0x2800  }
0x18: {  	[sflag:s13] =	ssyncset.done $0x0  }
0x19: {  	[sflag:s13] =	ssyncadd.s32 $0xFFFFD800  }
0x1a: {  	[tilespmem:s16], [sflag:$0x1] =	stream.linear.gather [hbm4b:s7+s2], $0x2710, $0x38;
	[tilespmem:$0x13C80] =	vst v63  }
0x1b: {  	_ =	swait.ge [sflag:s13], $0x2710  }
0x1c: {  	[sflag:s13] =	ssyncset.done $0x0  }
0x1d: {  	[sflag:s13] =	ssyncadd.s32 $0xFFFFD8F0  }
0x1e: {  	[tilespmem:s17], [sflag:$0x1] =	stream.linear.gather [hbm4b:s8+s2], $0x2710, $0x38;
	[tilespmem:$0x13C80] =	vst v63  }
0x1f: {  	_ =	swait.ge [sflag:s13], $0x2710  }
0x20: {  	s23 =	simm.s32 $0x270F;
	s26 =	simm.s32 $0x270F;
	[sflag:s13] =	ssyncset.done $0x0  }
0x21: {  	s24 =	simm.s32 $0xD;
	s25 =	simm.s32 $0x0;
	[sflag:s13] =	ssyncadd.s32 $0xFFFFD8F0  }
.LBB2_2:
0x22: {  	s28 =	smov.u32 s25  }
0x23: {  	p0 =	sne.s32 s24, $0x1;
	s25 =	sadd.s32 $0x1, s26  }
0x24: {  	s26 =	sshrl.u32 s25, $0x1F  }
0x25: {  	s25 =	sadd.s32 s26, s25  }
0x26: {  	s25 =	sshra.s32 s25, $0x1  }
0x27: {  	v4 =	vld [tilespmem:s25+$0x5000];
	_ =	sdelay $0x4  }
0x28: {  	(v2sf) =	vpush v4, $0x0;
	_ =	sdelay $0xd  }
.Ltmp0:
0x29: {  	(pc) =	sbr.rel @p0 .LBB2_2-.Ltmp0, $4  }
0x2a: {  	s26 =	spop (v2sf)  }
0x2b: {  	p1 =	sgt.s32 s26, s3;
	s26 =	sadd.s32 $0xFFFFFFFF, s25  }
0x2c: {  	s25 =	smov.u32 @p1 s28;
	s23 =	smov.u32 @p1 s26  }
0x2d: {  	s24 =	sadd.s32 $0xFFFFFFFF, s24;
	s26 =	sadd.s32 s23, s25  }
0x2e: {  	s23 =	sadd.s32 $0x1, s26  }
0x2f: {  	s24 =	sshrl.u32 s23, $0x1F  }
0x30: {  	s23 =	sadd.s32 s24, s23  }
0x31: {  	s23 =	sshra.s32 s23, $0x1  }
0x32: {  	v4 =	vld [tilespmem:s23+$0x5000];
	_ =	sdelay $0x4  }
0x33: {  	(v2sf) =	vpush v4, $0x0;
	_ =	sdelay $0xe  }
0x34: {  	s31 =	spop (v2sf)  }
0x35: {  	s26 =	simm.s32 $0x0;
	p0 =	sgt.s32 s31, s3  }
0x36: {  	s24 =	simm.s32 $0x0;
	s23 =	smov.u32 @p0 s25;
	s25 =	simm.s32 $0x40  }
.LBB2_4:
0x37: {  	p0 =	sne.s32 s25, $0x9C00;
	[tilespmem:s26+$0x7800] =	vst v2;
	s26 =	smov.u32 s25;
	s25 =	sadd.s32 $0x40, s25  }
.Ltmp1:
0x38: {  	(pc) =	sbr.rel @p0 .LBB2_4-.Ltmp1, $2  }
0x39: {  	_ =	sdelay $0x2  }
0x3a: {  	s26 =	sshra.s32 s26, $0x2  }
0x3b: {  	[tilespmem:s26+$0x7800] =	vst v2  }
.LBB2_6:
0x3c: {  	s25 =	sshra.s32 s24, $0x2  }
0x3d: {  	v4 =	vld [tilespmem:s25+$0x5000];
	_ =	sdelay $0x4  }
0x3e: {  	vm0 =	vgt.s32 v4, v0;
	vm1 =	vlt.s32 v4, v1;
	v5 =	vsub.s32 v4, v0  }
0x3f: {  	v4 =	vand.u32 $0x7, v4;
	vm0 =	vmand vm0, vm1;
	v5 =	vand.u32 $0xFFFFFFF8, v5  }
0x40: {  	p0 =	sne.s32 s24, $0x9FC0;
	v4 =	vor.u32 v4, v5  }
.Ltmp2:
0x41: {  	_ = 	snop;
	(pc) =	sbr.rel @p0 .LBB2_6-.Ltmp2, $2  }
0x42: {  	_ =	sdelay $0x2  }
0x43: {  	s24 =	sadd.s32 $0x40, s24;
	[tilespmem:v4+s18+$0x0] =	vst.idx.add.s32.msk vm0, v3  }
0x44: {  	s28 =	simm.s32 $0x0  }
0x45: {  	v4 =	vld [tilespmem:s28+$0x7800];
	_ =	sdelay $0x4  }
0x46: {  	(xrf0) =	vadd.scan.msk.s32 $0xffff, v4;
	_ =	sdelay $0x5  }
0x47: {  	s24 =	sadd.s32 $0x0, s23;
	v4, _, _ =	vpop (xrf0)  }
0x48: {  	v5 =	vadd.s32 s24, v4  }
0x49: {  	(v2sf) =	vpush v4, $0xF;
	_ =	sdelay $0x3  }
0x4a: {  	v4 =	vld.idx.msk [tilespmem:v5+s2+$0x0], $0xffff  }
0x4b: {  	s24 =	simm.s32 $0x10;
	v5 =	vld.idx.msk [tilespmem:v5+s14+$0x0], $0xffff  }
0x4c: {  	v6 =	vld [tilespmem:s24+$0x7800];
	_ =	sdelay $0x2  }
0x4d: {  	(erf) = vrcp.f32 v4  }
0x4e: {  	(erf) = vrcp.f32 v5  }
0x4f: {  	(xrf0) =	vadd.scan.msk.s32 $0xffff, v6;
	_ =	sdelay $0x2  }
0x50: {  	v4 =	vld [tilespmem:s28+$0xA000]  }
0x51: {  	v5 =	vld [tilespmem:s28+$0xC710];
	s25 =	spop (v2sf)  }
0x52: {  	s25 =	sadd.s32 $0x0, s25  }
0x53: {  	v6, _, _ =	vpop (xrf0);
	s26 =	sadd.s32 s23, s25  }
0x54: {  	(v2sf) =	vpush v6, $0xF;
	v8 =	vadd.s32 s26, v6;
	v7 =	vpop (erf)  }
0x55: {  	v7 =	vmul.f32 v4, v7;
	v9 =	vpop (erf)  }
0x56: {  	v4 =	vimm.f32 $0.0e+00;
	v9 =	vmul.f32 v5, v9  }
0x57: {  	[tilespmem:s28+$0xEE20] =	vst v7;
	v6 =	vadd.f32 v7, v4;
	v10 =	vmul.f32 v7, v7  }
0x58: {  	s26 =	simm.s32 $0x80;
	v7 =	vimm.f32 $0.0e+00;
	[tilespmem:s28+$0x11530] =	vst v9;
	v5 =	vadd.f32 v9, v4;
	v9 =	vmul.f32 v9, v9  }
.LBB2_8:
0x59: {  	p0 =	sne.s32 s26, $0x9C00;
	v11 =	vld.idx.msk [tilespmem:v8+s2+$0x0], $0xffff;
	v4 =	vadd.f32 v10, v4;
	s28 =	smov.u32 s26;
	s26 =	sadd.s32 $0x40, s26  }
0x5a: {  	v8 =	vld.idx.msk [tilespmem:v8+s14+$0x0], $0xffff;
	v7 =	vadd.f32 v9, v7  }
0x5b: {  	s28 =	sshra.s32 s28, $0x2  }
0x5c: {  	v9 =	vld [tilespmem:s28+$0x7800];
	_ =	sdelay $0x2  }
0x5d: {  	(erf) = vrcp.f32 v11  }
0x5e: {  	(erf) = vrcp.f32 v8  }
0x5f: {  	(xrf0) =	vadd.scan.msk.s32 $0xffff, v9;
	_ =	sdelay $0x1  }
0x60: {  	v9 =	vld [tilespmem:s24+$0xC710];
	s29 =	spop (v2sf)  }
0x61: {  	v10 =	vld [tilespmem:s24+$0xA000];
	s25 =	sadd.s32 s25, s29;
	_ =	sdelay $0x2  }
0x62: {  	s29 =	sadd.s32 s23, s25;
	v11, _, _ =	vpop (xrf0)  }
.Ltmp3:
0x63: {  	v8 =	vadd.s32 s29, v11;
	(v2sf) =	vpush v11, $0xF;
	v11 =	vpop (erf);
	(pc) =	sbr.rel @p0 .LBB2_8-.Ltmp3, $4  }
0x64: {  	v10 =	vmul.f32 v10, v11;
	v11 =	vpop (erf)  }
0x65: {  	v9 =	vmul.f32 v9, v11  }
0x66: {  	[tilespmem:s24+$0xEE20] =	vst v10;
	v6 =	vadd.f32 v10, v6;
	v10 =	vmul.f32 v10, v10  }
0x67: {  	[tilespmem:s24+$0x11530] =	vst v9;
	v5 =	vadd.f32 v9, v5;
	v9 =	vmul.f32 v9, v9;
	s24 =	smov.u32 s28  }
0x68: {  	_ =	sdelay $0x3  }
0x69: {  	v11 =	vld.idx.msk [tilespmem:v8+s2+$0x0], $0xffff  }
0x6a: {  	v56 =	vld.idx.msk [tilespmem:v8+s14+$0x0], $0xffff;
	_ =	sdelay $0x3  }
0x6b: {  	(erf) = vrcp.f32 v11  }
0x6c: {  	(erf) = vrcp.f32 v56;
	_ =	sdelay $0x3  }
0x6d: {  	v57 =	vld [tilespmem:s24+$0xA000]  }
0x6e: {  	v58 =	vld [tilespmem:s24+$0xC710];
	_ =	sdelay $0x2  }
0x6f: {  	v12 =	vpop (erf)  }
0x70: {  	v8 =	vmul.f32 v57, v12;
	v59 =	vpop (erf)  }
0x71: {  	v60 =	vmul.f32 v58, v59  }
0x72: {  	v4 =	vadd.f32 v10, v4;
	v61 =	vmul.f32 v8, v8;
	[tilespmem:s24+$0xEE20] =	vst v8;
	v6 =	vadd.f32 v8, v6  }
0x73: {  	v7 =	vadd.f32 v9, v7;
	[tilespmem:s24+$0x11530] =	vst v60;
	v62 =	vmul.f32 v60, v60;
	v5 =	vadd.f32 v60, v5  }
0x74: {  	v4 =	vadd.f32 v61, v4;
	[tilespmem:$0x13C40] =	vst v6  }
0x75: {  	v63 =	vadd.f32 v62, v7;
	[tilespmem:$0x13C60] =	vst v5  }
0x76: {  	[tilespmem:$0x13C50] =	vst v4  }
0x77: {  	s23 =	spop (v2sf);
	[tilespmem:$0x13C70] =	vst v63  }
0x78: {  	[hbm4b:s9+s2] =	stream.linear.scatter [tilespmem:s19], [sflag:$0x1], $0x2710, $0x38;
	[tilespmem:$0x13C80] =	vst v63  }
0x79: {  	_ =	swait.ge [sflag:s13], $0x2710  }
0x7a: {  	[sflag:s13] =	ssyncset.done $0x0  }
0x7b: {  	[sflag:s13] =	ssyncadd.s32 $0xFFFFD8F0  }
0x7c: {  	[hbm4b:s10+s2] =	stream.linear.scatter [tilespmem:s20], [sflag:$0x1], $0x2710, $0x38;
	[tilespmem:$0x13C80] =	vst v63  }
0x7d: {  	s22 =	sadd.s32 $0x1, s22;
	_ =	swait.ge [sflag:s13], $0x2710  }
0x7e: {  	p0 =	sne.s32 s22, s12;
	[sflag:s13] =	ssyncset.done $0x0  }
.Ltmp4:
0x7f: {  	[sflag:s13] =	ssyncadd.s32 $0xFFFFD8F0;
	(pc) =	sbr.rel @p0 .LBB2_1-.Ltmp4, $4  }
0x80: {  	[hbm4b:s11+s2] =	stream.linear.scatter [tilespmem:s21], [sflag:$0x1], $0x40, $0x38;
	[tilespmem:$0x13C80] =	vst v63  }
0x81: {  	_ =	swait.ge [sflag:s13], $0x40  }
0x82: {  	[sflag:s13] =	ssyncset.done $0x0  }
0x83: {  	[sflag:s13] =	ssyncadd.s32 $0xFFFFFFC0  }
0x84: {  	_ =	sfence.sel $0x180000  }
0x85: {  	[bflag:$0x0] =	sbarrier.arrive $0xFFFF  }
0x86: {  	p0 =	sne.s32 s1, $0x0;
	_ =	strace $0x9000004D  }
0x87: {  	s0 =	sadd.s32 @!p0 $0x100000, s0;
	[bflag:$0x2] =	sbarrier.arrive $0xFFFF  }
0x88: {  	[sflag:s0] =	ssyncadd.tile.s32 @!p0 $0x1;
	_ =	shalt  }
.Lfunc_end2:
_tile_overlayer_lowered:
.L_overlay_start_2:
0x89: {  	(tag) =	ssettag $0x2  }
0x8a: {  	s0 =	rddreg [dreg:$0x0];
	s2 =	stileid.u32  }
0x8b: {  	s1 =	rddreg [dreg:$0x1];
	p0 =	sne.s32 s2, $0x0  }
0x8c: {  	s3 =	rddreg [dreg:$0x2];
	[bflag:$0x3] =	sbarrier.arrive $0xFFFF;
	s2 =	simm.s32 @!p0 $0x1C01  }
0x8d: {  	[timem:s3], [sflag:s2] =	dma.local @!p0 [hbm:s0], s1  }
0x8e: {  	s0 =	simm.s32 @!p0 $0x1  }
0x8f: {  	_ =	swait.ge @!p0 [sflag:s0], s1  }
0x90: {  	s1 =	ssub.s32 @!p0 $0x0, s1;
	[sflag:s0] =	ssyncset.done @!p0 $0x0  }
0x91: {  	[sflag:s0] =	ssyncadd.s32 @!p0 s1  }
0x92: {  	[bflag:$0x3] =	sbarrier.arrive $0xFFFF  }
0x93: {  	_ =	shalt  }

// kernel: kernel.19.cloned.1.call-start
scs
__scs_entry_jumppad:
0x0: {  	(pc) =	sbr.rel $0x88, $3  }
0x1: {  	(tag) =	ssettag $0x0;
	lr =	simm.s32 $0x1  }
0x2: {  	[smem:$0x3F9A] =	sst lr;
	_ =	strace $0xD0000000  }
0x3: {  	_ = 	snop  }
0x4: {  	_ = 	snop  }
0x5: {  	_ = 	snop  }
0x6: {  	_ = 	snop  }
0x7: {  	_ = 	snop  }
__scs_overlays_trampoline_lowered:
0x8: {  	[smem:$0x3FA9] =	sst s0  }
0x9: {  	[smem:$0x3FAA] =	sst s1  }
0xa: {  	[smem:$0x3FAB] =	sst s2  }
0xb: {  	[smem:$0x3FAC] =	sst s3  }
0xc: {  	[smem:$0x3FAD] =	sst s4  }
0xd: {  	[smem:$0x3FAE] =	sst s5  }
0xe: {  	[smem:$0x3FAF] =	sst s6  }
0xf: {  	[smem:$0x3FB0] =	sst s7  }
0x10: {  	[smem:$0x3FB1] =	sst s8  }
0x11: {  	[smem:$0x3FB2] =	sst s9;
	s0 =	simm.s32 @!p0 $0x0  }
0x12: {  	s1 =	sld [smem:$0x3F98];
	s0 =	simm.s32 @p0 $0x1  }
0x13: {  	[smem:$0x3FB3] =	sst s0;
	s0 =	simm.s32 @!p1 $0x0  }
0x14: {  	s2 =	sld [smem:$0x3F97];
	s0 =	simm.s32 @p1 $0x1  }
0x15: {  	[smem:$0x3FB4] =	sst s0;
	s0 =	simm.s32 @!p2 $0x0  }
0x16: {  	s3 =	sld [smem:$0x3FDB];
	s0 =	simm.s32 @p2 $0x1  }
0x17: {  	s4 =	simm.s32 $0x1BF5;
	[smem:$0x3FB6] =	sst s0  }
0x18: {  	s0 =	sld [smem:$0x3F99];
	_ =	swait.ge [sflag:s4], $0x0  }
0x19: {  	s7 =	sld [smem:$0x3F9A]  }
0x1a: {  	s8 =	sadd.s32 $0xFFFFE003, lr  }
0x1b: {  	s9 =	sadd.s32 $0xFFFFFEF7, lr;
	s5 =	simm.s32 $0xFFFFFFFF;
	p2 =	slt.u32 s8, $0xFFFFF086  }
0x1c: {  	p1 =	slt.u32 s9, $0xF7A;
	s5 =	simm.s32 @!p2 $0x0  }
0x1d: {  	s5 =	simm.s32 @p1 $0x1;
	p0 =	seq.s32 s7, s2  }
0x1e: {  	s7 =	smul.u32 @!p0 $0xF7A, s2;
	p2 =	seq.s32 @!p0 s5, $0x0  }
0x1f: {  	s9 =	smul.u32 $0xF7A, s1;
	s8 =	simm.s32 @!p0 $0x1BF5;
	p2 =	por !p2, p0  }
0x20: {  	[sflag:s8] =	ssyncset.s32 @!p0 $0xFFFFF086;
	s6 =	sadd.s32 @!p0 s3, s7;
	s7 =	simm.s32 @!p0 $0x108  }
0x21: {  	s3 =	sadd.s32 s3, s9;
	s6 =	sadd.s32 @!p0 $0x88, s6;
	s7 =	simm.s32 @p2 $0x1082  }
0x22: {  	[simem:s7], [sflag:s8] =	dma.local @!p0 [hbm:s6], $0xF7A  }
0x23: {  	s9 =	sor.u32 $0xD0000000, s2;
	s6 =	simm.s32 $0x108;
	_ =	swait.ge @!p0 [sflag:s8], $0x0  }
0x24: {  	s3 =	sadd.s32 $0x88, s3;
	s6 =	simm.s32 @!p1 $0x1082;
	[sflag:s4] =	ssyncset.s32 $0xFFFFF086  }
0x25: {  	[simem:s6], [sflag:s4] =	dma.local [hbm:s3], $0xF7A  }
0x26: {  	[smem:$0x3F9A] =	sst s1;
	(tag) =	ssettag s2;
	_ =	strace s9  }
0x27: {  	s1 =	sld [smem:$0x3FAA]  }
0x28: {  	s2 =	sld [smem:$0x3FAB]  }
0x29: {  	s4 =	sld [smem:$0x3FAD]  }
0x2a: {  	p0 =	seq.s32 s5, $0x0;
	s5 =	sld [smem:$0x3FAE]  }
0x2b: {  	s6 =	sld [smem:$0x3FAF]  }
0x2c: {  	s7 =	sld [smem:$0x3FB0]  }
0x2d: {  	s3 =	simm.s32 $0x108;
	s8 =	sld [smem:$0x3FB1]  }
0x2e: {  	s3 =	simm.s32 @!p0 $0x1082;
	s9 =	sld [smem:$0x3FB2]  }
0x2f: {  	lr =	sadd.s32 s0, s3;
	s0 =	sld [smem:$0x3FA9]  }
0x30: {  	s3 =	sld [smem:$0x3FAC]  }
0x31: {  	[smem:$0x3FB5] =	sst s10  }
0x32: {  	s10 =	sld [smem:$0x3FB3];
	_ =	sdelay $0x3  }
0x33: {  	p0 =	seq.s32 s10, $0x1;
	s10 =	sld [smem:$0x3FB5];
	_ =	sdelay $0x3  }
0x34: {  	[smem:$0x3FB5] =	sst s10  }
0x35: {  	s10 =	sld [smem:$0x3FB4];
	_ =	sdelay $0x3  }
0x36: {  	p1 =	seq.s32 s10, $0x1;
	s10 =	sld [smem:$0x3FB5];
	_ =	sdelay $0x3  }
0x37: {  	[smem:$0x3FB5] =	sst s10  }
0x38: {  	s10 =	sld [smem:$0x3FB6]  }
0x39: {  	_ = 	snop;
	(pc) =	sbr.ind lr, $3  }
0x3a: {  	_ = 	snop  }
0x3b: {  	_ = 	snop  }
0x3c: {  	p2 =	seq.s32 s10, $0x1;
	s10 =	sld [smem:$0x3FB5]  }
0x3d: {  	_ =	shalt  }
0x3e: {  	_ =	shalt  }
0x3f: {  	_ =	shalt  }
0x40: {  	_ =	shalt  }
0x41: {  	_ =	shalt  }
0x42: {  	_ =	shalt  }
0x43: {  	_ =	shalt  }
0x44: {  	_ =	shalt  }
0x45: {  	_ =	shalt  }
0x46: {  	_ =	shalt  }
0x47: {  	_ =	shalt  }
0x48: {  	_ =	shalt  }
0x49: {  	_ =	shalt  }
0x4a: {  	_ =	shalt  }
0x4b: {  	_ =	shalt  }
0x4c: {  	_ =	shalt  }
0x4d: {  	_ =	shalt  }
0x4e: {  	_ =	shalt  }
0x4f: {  	_ =	shalt  }
0x50: {  	_ =	shalt  }
0x51: {  	_ =	shalt  }
0x52: {  	_ =	shalt  }
0x53: {  	_ =	shalt  }
0x54: {  	_ =	shalt  }
0x55: {  	_ =	shalt  }
0x56: {  	_ =	shalt  }
0x57: {  	_ =	shalt  }
0x58: {  	_ =	shalt  }
0x59: {  	_ =	shalt  }
0x5a: {  	_ =	shalt  }
0x5b: {  	_ =	shalt  }
0x5c: {  	_ =	shalt  }
0x5d: {  	_ =	shalt  }
0x5e: {  	_ =	shalt  }
0x5f: {  	_ =	shalt  }
0x60: {  	_ =	shalt  }
0x61: {  	_ =	shalt  }
0x62: {  	_ =	shalt  }
0x63: {  	_ =	shalt  }
0x64: {  	_ =	shalt  }
0x65: {  	_ =	shalt  }
0x66: {  	_ =	shalt  }
0x67: {  	_ =	shalt  }
0x68: {  	_ =	shalt  }
0x69: {  	_ =	shalt  }
0x6a: {  	_ =	shalt  }
0x6b: {  	_ =	shalt  }
0x6c: {  	_ =	shalt  }
0x6d: {  	_ =	shalt  }
0x6e: {  	_ =	shalt  }
0x6f: {  	_ =	shalt  }
0x70: {  	_ =	shalt  }
0x71: {  	_ =	shalt  }
0x72: {  	_ =	shalt  }
0x73: {  	_ =	shalt  }
0x74: {  	_ =	shalt  }
0x75: {  	_ =	shalt  }
0x76: {  	_ =	shalt  }
0x77: {  	_ =	shalt  }
0x78: {  	_ =	shalt  }
0x79: {  	_ =	shalt  }
0x7a: {  	_ =	shalt  }
0x7b: {  	_ =	shalt  }
0x7c: {  	_ =	shalt  }
0x7d: {  	_ =	shalt  }
0x7e: {  	_ =	shalt  }
0x7f: {  	_ =	shalt  }
0x80: {  	_ =	shalt  }
0x81: {  	_ =	shalt  }
0x82: {  	_ =	shalt  }
0x83: {  	_ =	shalt  }
0x84: {  	_ =	shalt  }
0x85: {  	_ =	shalt  }
0x86: {  	_ =	shalt  }
0x87: {  	_ =	shalt  }
.Lfunc_end0:
.L_simem_size_0:
called_computation.3_lowered:
.L_overlay_start_0:
0x88: {  	s2 =	sld [smem:$0x3FD9]  }
0x89: {  	s3 =	sld [smem:$0x3FFE];
	_ =	sdelay $0x1  }
0x8a: {  	s1 =	srdreg.scid  }
0x8b: {  	s0 =	sand.u32 $0x1, s1  }
0x8c: {  	s14 =	sshll.u32 s0, $0xA;
	s2 =	sadd.s32 s3, s2  }
0x8d: {  	s2 =	sadd.s32 s2, s14  }
0x8e: {  	[smem:$0x3FC1] =	sst s2  }
0x8f: {  	_ = 	snop  }
0x90: {  	s2 =	sld [smem:$0x3FD0];
	_ =	sdelay $0x2  }
0x91: {  	s15 =	simm.s32 $0xB;
	s4 =	simm.s32 $0x10  }
0x92: {  	[smem:s4], [sflag:s15] =	dma.local [hbm:s2], $0x1  }
0x93: {  	_ =	swait.eq [sflag:s15], $0x1  }
0x94: {  	[sflag:s15] =	ssyncset.done $0x0  }
0x95: {  	[sflag:s15] =	ssyncadd.s32 $0xFFFFFFFF  }
0x96: {  	s16 =	sld [smem:$0x11];
	(tm) =	ssettm $0x1  }
0x97: {  	s17 =	sld [smem:$0x3FFB];
	_ =	sdelay $0x3  }
0x98: {  	_ =	strace s17  }
0x99: {  	s3 =	sld [smem:$0x3FFC];
	_ =	sdelay $0x3  }
0x9a: {  	_ =	strace s3  }
0x9b: {  	s3 =	sld [smem:$0x3FFD];
	_ =	sdelay $0x3  }
0x9c: {  	_ =	strace s3  }
0x9d: {  	_ =	strace $0x8FFFFFFF  }
0x9e: {  	s18 =	sld [smem:$0x3FDB];
	_ =	sdelay $0x1  }
0x9f: {  	s19 =	simm.s32 $_scs_section_size  }
0xa0: {  	s5 =	simm.s32 $_size__tile_overlayer_lowered;
	s6 =	simm.s32 $_tile_overlayer_lowered  }
0xa1: {  	s22 =	simm.s32 $0x1BFF;
	s21 =	sshll.u32 s6, $0x1;
	s3 =	sadd.s32 s19, s18  }
0xa2: {  	s7 =	simm.s32 $0x0;
	s20 =	sshll.u32 s5, $0x1;
	s5 =	sadd.s32 s21, s3  }
0xa3: {  	[timem:s7], [sflag:s22] =	dma.local [hbm:s5], s20  }
0xa4: {  	_ =	swait.ge [sflag:s22], s20  }
0xa5: {  	s4 =	ssub.s32 $0x0, s20;
	[sflag:s22] =	ssyncset.done $0x0  }
0xa6: {  	[sflag:s22] =	ssyncadd.s32 s4;
	_ =	sdelay $0x1  }
0xa7: {  	s23 =	simm.s32 $0x1B8B  }
0xa8: {  	_ =	swait.ge [sflag:s23], $0x1  }
0xa9: {  	[sflag:s23] =	ssyncset.done $0x0  }
0xaa: {  	s25 =	simm.s32 $0x1B8E;
	s24 =	sld [smem:$0x3FFE];
	[sflag:s23] =	ssyncadd.s32 $0xFFFFFFFF  }
0xab: {  	s26 =	simm.s32 $execute0_lowered;
	[smem:$0x3FD2] =	sst s25  }
0xac: {  	s5 =	sshll.u32 s26, $0x1;
	_ =	strace $0x8000004F;
	[dreg:$0x1] =	wrdreg $0xFFFFFFFF  }
0xad: {  	s28 =	simm.s32 $_size_execute0_lowered;
	s3 =	sadd.s32 s3, s5;
	[dreg:$0x0] =	wrdreg $0x0  }
0xae: {  	s5 =	sshll.u32 s28, $0x1;
	[dreg:$0x2] =	wrdreg s3  }
0xaf: {  	[dreg:$0x3] =	wrdreg s5  }
0xb0: {  	[dreg:$0x4] =	wrdreg $0xC0  }
0xb1: {  	_ =	task [dreg:s7], $0x5FFFF  }
0xb2: {  	[dreg:$0x1] =	wrdreg $0xFFFFFFFF  }
0xb3: {  	[dreg:$0x0] =	wrdreg $0x60  }
0xb4: {  	[dreg:$0x2] =	wrdreg s24  }
0xb5: {  	[dreg:$0x3] =	wrdreg s16  }
0xb6: {  	[dreg:$0x4] =	wrdreg $0xF6900  }
0xb7: {  	[dreg:$0x5] =	wrdreg $0x9  }
0xb8: {  	_ =	task.clear_ibuf [dreg:s7], $0x6FFFF;
	_ =	strace $0x9000004F  }
0xb9: {  	s29 =	simm.s32 $0x9;
	_ =	strace $0x80000051  }
0xba: {  	_ =	swait.ge [sflag:s29], $0x1  }
0xbb: {  	[sflag:s29] =	ssyncadd.s32 $0xFFFFFFFF  }
0xbc: {  	_ =	strace $0x90000051  }
0xbd: {  	_ =	sfence  }
0xbe: {  	s30 =	sld [smem:$0x0];
	_ =	sdelay $0x2  }
0xbf: {  	s31 =	sshll.u32 s1, $0xD;
	s1 =	sshrl.u32 s1, $0x2  }
0xc0: {  	s3 =	sand.u32 $0x4000, s31;
	s1 =	sadd.s32 s1, s30  }
0xc1: {  	s0 =	sor.u32 s3, s0;
	s1 =	sshll.u32 s1, $0x11  }
0xc2: {  	s0 =	sor.u32 s1, s0  }
0xc3: {  	s0 =	sadd.s32 $0x8F2B, s0  }
0xc4: {  	[sflag:s0] =	ssyncadd.remote.s32 $0x1  }
0xc5: {  	_ =	sfence.sel $0xFFFF  }
0xc6: {  	[dreg:$0x0] =	wrdreg $0xFFFFFFFF;
	(pc) =	sbr.abs _section_cstart, $3  }
0xc7: {  	[dreg:$0x1] =	wrdreg $0xFFFFFFFF  }
0xc8: {  	_ =	task.clear_ibuf [dreg:s7], $0x2FFFF;
	_ =	strace $0x9FFFFFFF  }
0xc9: {  	(tm) =	ssettm $0x7FFFFFFF  }
tec
execute0_lowered:
.L_overlay_start_1:
0x0: {  	(tag) =	ssettag $0x1  }
0x1: {  	s5 =	rddreg [dreg:$0x0]  }
0x2: {  	s0 =	srdreg.scid;
	s1 =	rddreg [dreg:$0x1]  }
0x3: {  	s20 =	stileid.u32;
	s2 =	rddreg [dreg:$0x2];
	s3 =	simm.s32 $0x0  }
0x4: {  	s14 =	simm.s32 $0x1;
	s15 =	simm.s32 $0x2780;
	s16 =	simm.s32 $0x4F00  }
0x5: {  	s17 =	simm.s32 $0xB690;
	s18 =	simm.s32 $0x80;
	s19 =	simm.s32 $0x7690  }
0x6: {  	s4 =	sand.u32 $0x1, s0;
	[smem:$0x7FF] =	sst s3;
	s8 =	smul.u32 $0x27100, s20  }
0x7: {  	s0 =	sshll.u32 s4, $0x4;
	s7 =	smul.u32 $0x13880, s4;
	s4 =	ssub.s32 $0x2, s4  }
0x8: {  	p0 =	sne.s32 s20, $0x0;
	s0 =	sor.u32 s20, s0;
	s30 =	sshrl.u32 s4, $0x1  }
0x9: {  	s31 =	sshrl.u32 s8, $0x2;
	s20 =	simm.s32 $0x0;
	s6 =	smul.u32 $0x4F0, s0  }
0xa: {  	s0 =	rddreg [dreg:$0x3];
	_ =	strace $0x80000050;
	s12 =	sadd.s32 s7, s5  }
0xb: {  	s13 =	ssub.s32 s4, s30;
	s12 =	sadd.s32 $0x51800, s12;
	s9 =	sadd.s32 s6, s5  }
0xc: {  	s13 =	smax.u32 s13, $0x1;
	s6 =	sadd.s32 s31, s2;
	s4 =	sadd.s32 $0x34200, s9  }
0xd: {  	s5 =	sadd.s32 $0x2A400, s9;
	s7 =	sadd.s32 $0x3E000, s9;
	s8 =	sadd.s32 $0x1F40, s6  }
0xe: {  	v0 =	vimm.f32 $0.0e+00;
	s9 =	sadd.s32 $0x3E80, s6;
	s10 =	sadd.s32 $0x5DC0, s6;
	s11 =	sadd.s32 $0x7D00, s6  }
.LBB2_1:
0xf: {  	[tilespmem:s3], [sflag:$0x1] =	stream.linear.gather [hbm4b:s4+s3], $0x2780, $0x38;
	[tilespmem:$0x192D0] =	vst v63  }
0x10: {  	_ =	swait.ge [sflag:s14], $0x2780  }
0x11: {  	[sflag:s14] =	ssyncset.done $0x0  }
0x12: {  	[sflag:s14] =	ssyncadd.s32 $0xFFFFD880  }
0x13: {  	[tilespmem:s15], [sflag:$0x1] =	stream.linear.gather [hbm4b:s5+s3], $0x2780, $0x38;
	[tilespmem:$0x192D0] =	vst v63  }
0x14: {  	_ =	swait.ge [sflag:s14], $0x2780  }
0x15: {  	[sflag:s14] =	ssyncset.done $0x0  }
0x16: {  	[sflag:s14] =	ssyncadd.s32 $0xFFFFD880  }
0x17: {  	[tilespmem:s16], [sflag:$0x1] =	stream.linear.gather [hbm4b:s7+s3], $0x2780, $0x38;
	[tilespmem:$0x192D0] =	vst v63  }
0x18: {  	_ =	swait.ge [sflag:s14], $0x2780  }
0x19: {  	[sflag:s14] =	ssyncset.done $0x0  }
0x1a: {  	s22 =	simm.s32 $0x100;
	s21 =	simm.s32 $0x0;
	[sflag:s14] =	ssyncadd.s32 $0xFFFFD880  }
.LBB2_2:
0x1b: {  	p1 =	sne.s32 s22, $0x7F00;
	[tilespmem:s21+$0xB6C0] =	vst v0;
	s23 =	smov.u32 s22;
	s22 =	sadd.s32 $0x100, s22  }
.Ltmp0:
0x1c: {  	[tilespmem:s21+$0xB6B0] =	vst v0;
	(pc) =	sbr.rel @p1 .LBB2_2-.Ltmp0, $3  }
0x1d: {  	[tilespmem:s21+$0xB690] =	vst v0  }
0x1e: {  	[tilespmem:s21+$0xB6A0] =	vst v0;
	_ =	sdelay $0x1  }
0x1f: {  	s21 =	sshra.s32 s23, $0x2  }
0x20: {  	[tilespmem:s21+$0xB6C0] =	vst v0  }
0x21: {  	[tilespmem:s21+$0xB6B0] =	vst v0  }
0x22: {  	[tilespmem:s21+$0xB690] =	vst v0  }
0x23: {  	[tilespmem:s21+$0xB6A0] =	vst v0  }
0x24: {  	[spmem:s6] =	stream.linear.scatter [tilespmem:s17], [sflag:$0x1], $0x1F40, $0x38;
	[tilespmem:$0x192D0] =	vst v63  }
0x25: {  	_ =	swait.ge [sflag:s14], $0x1F40  }
0x26: {  	[sflag:s14] =	ssyncset.done $0x0  }
0x27: {  	[sflag:s14] =	ssyncadd.s32 $0xFFFFE0C0  }
0x28: {  	[spmem:s8] =	stream.linear.scatter [tilespmem:s17], [sflag:$0x1], $0x1F40, $0x38;
	[tilespmem:$0x192D0] =	vst v63  }
0x29: {  	_ =	swait.ge [sflag:s14], $0x1F40  }
0x2a: {  	[sflag:s14] =	ssyncset.done $0x0  }
0x2b: {  	[sflag:s14] =	ssyncadd.s32 $0xFFFFE0C0  }
0x2c: {  	[spmem:s9] =	stream.linear.scatter [tilespmem:s17], [sflag:$0x1], $0x1F40, $0x38;
	[tilespmem:$0x192D0] =	vst v63  }
0x2d: {  	_ =	swait.ge [sflag:s14], $0x1F40  }
0x2e: {  	[sflag:s14] =	ssyncset.done $0x0  }
0x2f: {  	[sflag:s14] =	ssyncadd.s32 $0xFFFFE0C0  }
0x30: {  	[spmem:s10] =	stream.linear.scatter [tilespmem:s17], [sflag:$0x1], $0x1F40, $0x38;
	[tilespmem:$0x192D0] =	vst v63  }
0x31: {  	_ =	swait.ge [sflag:s14], $0x1F40  }
0x32: {  	[sflag:s14] =	ssyncset.done $0x0  }
0x33: {  	[sflag:s14] =	ssyncadd.s32 $0xFFFFE0C0  }
0x34: {  	[spmem:s11] =	stream.linear.scatter [tilespmem:s17], [sflag:$0x1], $0x1F40, $0x38;
	[tilespmem:$0x192D0] =	vst v63  }
0x35: {  	_ =	swait.ge [sflag:s14], $0x1F40  }
0x36: {  	[sflag:s14] =	ssyncset.done $0x0  }
0x37: {  	[sflag:s14] =	ssyncadd.s32 $0xFFFFE0C0  }
0x38: {  	s21 =	simm.s32 $0x0;
	s22 =	simm.s32 $0x4F00;
	[bflag:$0x0] =	sbarrier.arrive $0xFFFF  }
.LBB2_4:
0x39: {  	s23 =	sshll.u32 s21, $0x7  }
0x3a: {  	s24 =	sadd.s32 $0x2780, s23  }
0x3b: {  	[tilespmem:s19], [sflag:$0x1] =	stream.indirect.gather [hbm4b:s1+s18], $0x40, s24, s18, $0xb8;
	[tilespmem:$0x192D0] =	vst v63  }
0x3c: {  	_ =	swait.ge [sflag:s14], $0x2000  }
0x3d: {  	[sflag:s14] =	ssyncset.done $0x0  }
0x3e: {  	s24 =	simm.s32 $0x0;
	[sflag:s14] =	ssyncadd.s32 $0xFFFFE000  }
0x3f: {  	v1 =	vld [tilespmem:s24+$0x7690]  }
0x40: {  	v3 =	vld [tilespmem:s24+$0x76A0]  }
0x41: {  	s25 =	simm.s32 $0x100;
	s26 =	smov.u32 s22;
	v2 =	vld.msk [tilespmem:s22+$0x0 ss:$0x0], $0xffff  }
.LBB2_5:
0x42: {  	p1 =	sne.s32 s25, $0x7F00;
	v4 =	vld [tilespmem:s24+$0x76B0]  }
0x43: {  	v5 =	vld [tilespmem:s24+$0x76C0];
	_ =	sdelay $0x3  }
0x44: {  	v1 =	vmul.f32 v2, v1;
	v3 =	vmul.f32 v3, v2  }
0x45: {  	v4 =	vmul.f32 v4, v2;
	v2 =	vmul.f32 v5, v2  }
.Ltmp1:
0x46: {  	[tilespmem:s24+$0xB690] =	vst v1;
	(pc) =	sbr.rel @p1 .LBB2_5-.Ltmp1, $4  }
0x47: {  	s28 =	sshra.s32 s25, $0x2;
	[tilespmem:s24+$0xB6A0] =	vst v3  }
0x48: {  	v1 =	vld [tilespmem:s28+$0x7690];
	[tilespmem:s24+$0xB6B0] =	vst v4  }
0x49: {  	s26 =	sadd.s32 $0x1, s26;
	v3 =	vld [tilespmem:s28+$0x76A0];
	[tilespmem:s24+$0xB6C0] =	vst v2;
	s24 =	smov.u32 s28  }
0x4a: {  	s25 =	sadd.s32 $0x100, s25;
	v2 =	vld.msk [tilespmem:s26+$0x0 ss:$0x0], $0xffff  }
0x4b: {  	_ = 	snop  }
0x4c: {  	v4 =	vld [tilespmem:s24+$0x76B0]  }
0x4d: {  	v5 =	vld [tilespmem:s24+$0x76C0];
	_ =	sdelay $0x1  }
0x4e: {  	v1 =	vmul.f32 v2, v1  }
0x4f: {  	v3 =	vmul.f32 v3, v2  }
0x50: {  	v4 =	vmul.f32 v4, v2;
	[tilespmem:s24+$0xB690] =	vst v1  }
0x51: {  	s21 =	sadd.s32 $0x1, s21;
	v1 =	vmul.f32 v5, v2;
	[tilespmem:s24+$0xB6A0] =	vst v3  }
0x52: {  	p1 =	sne.s32 s21, $0x4F;
	[tilespmem:s24+$0xB6B0] =	vst v4  }
.Ltmp2:
0x53: {  	[tilespmem:s24+$0xB6C0] =	vst v1;
	(pc) =	sbr.rel @p1 .LBB2_4-.Ltmp2, $4  }
0x54: {  	[spmem:s2] =	stream.indirect.scatter.add.f32 [tilespmem:s17], [sflag:$0x1], $0x40, s23, s18, $0xb8;
	[tilespmem:$0x192D0] =	vst v63  }
0x55: {  	_ =	swait.ge [sflag:s14], $0x2000  }
0x56: {  	[sflag:s14] =	ssyncset.done $0x0  }
0x57: {  	s22 =	sadd.s32 $0x80, s22;
	[sflag:s14] =	ssyncadd.s32 $0xFFFFE000  }
0x58: {  	[bflag:$0x0] =	sbarrier.arrive $0xFFFF  }
0x59: {  	s21 =	sshrl.u32 @!p0 s2, $0x3;
	s22 =	simm.s32 @!p0 $0x1C01;
	s20 =	sadd.s32 $0x1, s20  }
0x5a: {  	[hbm:s12], [sflag:s22] =	dma.local @!p0 [spmem:s21], $0x13880  }
0x5b: {  	p1 =	sne.s32 s20, s13  }
.Ltmp3:
0x5c: {  	_ = 	snop;
	(pc) =	sbr.rel @p1 .LBB2_1-.Ltmp3, $4  }
0x5d: {  	s21 =	simm.s32 @!p0 $0x1  }
0x5e: {  	_ =	swait.ge @!p0 [sflag:s21], $0x13880  }
0x5f: {  	[sflag:s21] =	ssyncset.done @!p0 $0x0  }
0x60: {  	[sflag:s21] =	ssyncadd.s32 @!p0 $0xFFFEC780  }
0x61: {  	_ =	sfence.sel $0x180000  }
0x62: {  	[bflag:$0x0] =	sbarrier.arrive $0xFFFF  }
0x63: {  	_ =	strace $0x90000050  }
0x64: {  	s0 =	sadd.s32 @!p0 $0x100000, s0;
	[bflag:$0x2] =	sbarrier.arrive $0xFFFF  }
0x65: {  	[sflag:s0] =	ssyncadd.tile.s32 @!p0 $0x1;
	_ =	shalt  }
.Lfunc_end2:
_tile_overlayer_lowered:
.L_overlay_start_2:
0x66: {  	(tag) =	ssettag $0x2  }
0x67: {  	s0 =	rddreg [dreg:$0x0];
	s2 =	stileid.u32  }
0x68: {  	s1 =	rddreg [dreg:$0x1];
	p0 =	sne.s32 s2, $0x0  }
0x69: {  	s3 =	rddreg [dreg:$0x2];
	[bflag:$0x3] =	sbarrier.arrive $0xFFFF;
	s2 =	simm.s32 @!p0 $0x1C01  }
0x6a: {  	[timem:s3], [sflag:s2] =	dma.local @!p0 [hbm:s0], s1  }
0x6b: {  	s0 =	simm.s32 @!p0 $0x1  }
0x6c: {  	_ =	swait.ge @!p0 [sflag:s0], s1  }
0x6d: {  	s1 =	ssub.s32 @!p0 $0x0, s1;
	[sflag:s0] =	ssyncset.done @!p0 $0x0  }
0x6e: {  	[sflag:s0] =	ssyncadd.s32 @!p0 s1  }
0x6f: {  	[bflag:$0x3] =	sbarrier.arrive $0xFFFF  }
0x70: {  	_ =	shalt  }

// kernel: kernel.22.cloned.1.call-start
scs
__scs_entry_jumppad:
0x0: {  	(pc) =	sbr.rel $0x88, $3  }
0x1: {  	(tag) =	ssettag $0x0;
	lr =	simm.s32 $0x1  }
0x2: {  	[smem:$0x3F9A] =	sst lr;
	_ =	strace $0xD0000000  }
0x3: {  	_ = 	snop  }
0x4: {  	_ = 	snop  }
0x5: {  	_ = 	snop  }
0x6: {  	_ = 	snop  }
0x7: {  	_ = 	snop  }
__scs_overlays_trampoline_lowered:
0x8: {  	[smem:$0x3FA9] =	sst s0  }
0x9: {  	[smem:$0x3FAA] =	sst s1  }
0xa: {  	[smem:$0x3FAB] =	sst s2  }
0xb: {  	[smem:$0x3FAC] =	sst s3  }
0xc: {  	[smem:$0x3FAD] =	sst s4  }
0xd: {  	[smem:$0x3FAE] =	sst s5  }
0xe: {  	[smem:$0x3FAF] =	sst s6  }
0xf: {  	[smem:$0x3FB0] =	sst s7  }
0x10: {  	[smem:$0x3FB1] =	sst s8  }
0x11: {  	[smem:$0x3FB2] =	sst s9;
	s0 =	simm.s32 @!p0 $0x0  }
0x12: {  	s1 =	sld [smem:$0x3F98];
	s0 =	simm.s32 @p0 $0x1  }
0x13: {  	[smem:$0x3FB3] =	sst s0;
	s0 =	simm.s32 @!p1 $0x0  }
0x14: {  	s2 =	sld [smem:$0x3F97];
	s0 =	simm.s32 @p1 $0x1  }
0x15: {  	[smem:$0x3FB4] =	sst s0;
	s0 =	simm.s32 @!p2 $0x0  }
0x16: {  	s3 =	sld [smem:$0x3FDB];
	s0 =	simm.s32 @p2 $0x1  }
0x17: {  	s4 =	simm.s32 $0x1BF5;
	[smem:$0x3FB6] =	sst s0  }
0x18: {  	s0 =	sld [smem:$0x3F99];
	_ =	swait.ge [sflag:s4], $0x0  }
0x19: {  	s7 =	sld [smem:$0x3F9A]  }
0x1a: {  	s8 =	sadd.s32 $0xFFFFE003, lr  }
0x1b: {  	s9 =	sadd.s32 $0xFFFFFEF7, lr;
	s5 =	simm.s32 $0xFFFFFFFF;
	p2 =	slt.u32 s8, $0xFFFFF086  }
0x1c: {  	p1 =	slt.u32 s9, $0xF7A;
	s5 =	simm.s32 @!p2 $0x0  }
0x1d: {  	s5 =	simm.s32 @p1 $0x1;
	p0 =	seq.s32 s7, s2  }
0x1e: {  	s7 =	smul.u32 @!p0 $0xF7A, s2;
	p2 =	seq.s32 @!p0 s5, $0x0  }
0x1f: {  	s9 =	smul.u32 $0xF7A, s1;
	s8 =	simm.s32 @!p0 $0x1BF5;
	p2 =	por !p2, p0  }
0x20: {  	[sflag:s8] =	ssyncset.s32 @!p0 $0xFFFFF086;
	s6 =	sadd.s32 @!p0 s3, s7;
	s7 =	simm.s32 @!p0 $0x108  }
0x21: {  	s3 =	sadd.s32 s3, s9;
	s6 =	sadd.s32 @!p0 $0x88, s6;
	s7 =	simm.s32 @p2 $0x1082  }
0x22: {  	[simem:s7], [sflag:s8] =	dma.local @!p0 [hbm:s6], $0xF7A  }
0x23: {  	s9 =	sor.u32 $0xD0000000, s2;
	s6 =	simm.s32 $0x108;
	_ =	swait.ge @!p0 [sflag:s8], $0x0  }
0x24: {  	s3 =	sadd.s32 $0x88, s3;
	s6 =	simm.s32 @!p1 $0x1082;
	[sflag:s4] =	ssyncset.s32 $0xFFFFF086  }
0x25: {  	[simem:s6], [sflag:s4] =	dma.local [hbm:s3], $0xF7A  }
0x26: {  	[smem:$0x3F9A] =	sst s1;
	(tag) =	ssettag s2;
	_ =	strace s9  }
0x27: {  	s1 =	sld [smem:$0x3FAA]  }
0x28: {  	s2 =	sld [smem:$0x3FAB]  }
0x29: {  	s4 =	sld [smem:$0x3FAD]  }
0x2a: {  	p0 =	seq.s32 s5, $0x0;
	s5 =	sld [smem:$0x3FAE]  }
0x2b: {  	s6 =	sld [smem:$0x3FAF]  }
0x2c: {  	s7 =	sld [smem:$0x3FB0]  }
0x2d: {  	s3 =	simm.s32 $0x108;
	s8 =	sld [smem:$0x3FB1]  }
0x2e: {  	s3 =	simm.s32 @!p0 $0x1082;
	s9 =	sld [smem:$0x3FB2]  }
0x2f: {  	lr =	sadd.s32 s0, s3;
	s0 =	sld [smem:$0x3FA9]  }
0x30: {  	s3 =	sld [smem:$0x3FAC]  }
0x31: {  	[smem:$0x3FB5] =	sst s10  }
0x32: {  	s10 =	sld [smem:$0x3FB3];
	_ =	sdelay $0x3  }
0x33: {  	p0 =	seq.s32 s10, $0x1;
	s10 =	sld [smem:$0x3FB5];
	_ =	sdelay $0x3  }
0x34: {  	[smem:$0x3FB5] =	sst s10  }
0x35: {  	s10 =	sld [smem:$0x3FB4];
	_ =	sdelay $0x3  }
0x36: {  	p1 =	seq.s32 s10, $0x1;
	s10 =	sld [smem:$0x3FB5];
	_ =	sdelay $0x3  }
0x37: {  	[smem:$0x3FB5] =	sst s10  }
0x38: {  	s10 =	sld [smem:$0x3FB6]  }
0x39: {  	_ = 	snop;
	(pc) =	sbr.ind lr, $3  }
0x3a: {  	_ = 	snop  }
0x3b: {  	_ = 	snop  }
0x3c: {  	p2 =	seq.s32 s10, $0x1;
	s10 =	sld [smem:$0x3FB5]  }
0x3d: {  	_ =	shalt  }
0x3e: {  	_ =	shalt  }
0x3f: {  	_ =	shalt  }
0x40: {  	_ =	shalt  }
0x41: {  	_ =	shalt  }
0x42: {  	_ =	shalt  }
0x43: {  	_ =	shalt  }
0x44: {  	_ =	shalt  }
0x45: {  	_ =	shalt  }
0x46: {  	_ =	shalt  }
0x47: {  	_ =	shalt  }
0x48: {  	_ =	shalt  }
0x49: {  	_ =	shalt  }
0x4a: {  	_ =	shalt  }
0x4b: {  	_ =	shalt  }
0x4c: {  	_ =	shalt  }
0x4d: {  	_ =	shalt  }
0x4e: {  	_ =	shalt  }
0x4f: {  	_ =	shalt  }
0x50: {  	_ =	shalt  }
0x51: {  	_ =	shalt  }
0x52: {  	_ =	shalt  }
0x53: {  	_ =	shalt  }
0x54: {  	_ =	shalt  }
0x55: {  	_ =	shalt  }
0x56: {  	_ =	shalt  }
0x57: {  	_ =	shalt  }
0x58: {  	_ =	shalt  }
0x59: {  	_ =	shalt  }
0x5a: {  	_ =	shalt  }
0x5b: {  	_ =	shalt  }
0x5c: {  	_ =	shalt  }
0x5d: {  	_ =	shalt  }
0x5e: {  	_ =	shalt  }
0x5f: {  	_ =	shalt  }
0x60: {  	_ =	shalt  }
0x61: {  	_ =	shalt  }
0x62: {  	_ =	shalt  }
0x63: {  	_ =	shalt  }
0x64: {  	_ =	shalt  }
0x65: {  	_ =	shalt  }
0x66: {  	_ =	shalt  }
0x67: {  	_ =	shalt  }
0x68: {  	_ =	shalt  }
0x69: {  	_ =	shalt  }
0x6a: {  	_ =	shalt  }
0x6b: {  	_ =	shalt  }
0x6c: {  	_ =	shalt  }
0x6d: {  	_ =	shalt  }
0x6e: {  	_ =	shalt  }
0x6f: {  	_ =	shalt  }
0x70: {  	_ =	shalt  }
0x71: {  	_ =	shalt  }
0x72: {  	_ =	shalt  }
0x73: {  	_ =	shalt  }
0x74: {  	_ =	shalt  }
0x75: {  	_ =	shalt  }
0x76: {  	_ =	shalt  }
0x77: {  	_ =	shalt  }
0x78: {  	_ =	shalt  }
0x79: {  	_ =	shalt  }
0x7a: {  	_ =	shalt  }
0x7b: {  	_ =	shalt  }
0x7c: {  	_ =	shalt  }
0x7d: {  	_ =	shalt  }
0x7e: {  	_ =	shalt  }
0x7f: {  	_ =	shalt  }
0x80: {  	_ =	shalt  }
0x81: {  	_ =	shalt  }
0x82: {  	_ =	shalt  }
0x83: {  	_ =	shalt  }
0x84: {  	_ =	shalt  }
0x85: {  	_ =	shalt  }
0x86: {  	_ =	shalt  }
0x87: {  	_ =	shalt  }
.Lfunc_end0:
.L_simem_size_0:
called_computation.4_lowered:
.L_overlay_start_0:
0x88: {  	s2 =	sld [smem:$0x3FD9]  }
0x89: {  	s3 =	sld [smem:$0x3FFE];
	_ =	sdelay $0x1  }
0x8a: {  	s1 =	srdreg.scid  }
0x8b: {  	s0 =	sand.u32 $0x1, s1  }
0x8c: {  	s15 =	sshll.u32 s0, $0xA;
	s2 =	sadd.s32 s3, s2  }
0x8d: {  	s2 =	sadd.s32 s2, s15  }
0x8e: {  	[smem:$0x3FC1] =	sst s2  }
0x8f: {  	_ = 	snop  }
0x90: {  	s2 =	sld [smem:$0x3FD0];
	_ =	sdelay $0x2  }
0x91: {  	s16 =	simm.s32 $0xB;
	s4 =	simm.s32 $0x10  }
0x92: {  	[smem:s4], [sflag:s16] =	dma.local [hbm:s2], $0x1  }
0x93: {  	_ =	swait.eq [sflag:s16], $0x1  }
0x94: {  	[sflag:s16] =	ssyncset.done $0x0  }
0x95: {  	[sflag:s16] =	ssyncadd.s32 $0xFFFFFFFF  }
0x96: {  	s17 =	sld [smem:$0x10];
	(tm) =	ssettm $0x1  }
0x97: {  	s18 =	sld [smem:$0x3FFB];
	_ =	sdelay $0x3  }
0x98: {  	_ =	strace s18  }
0x99: {  	s2 =	sld [smem:$0x3FFC];
	_ =	sdelay $0x3  }
0x9a: {  	_ =	strace s2  }
0x9b: {  	s2 =	sld [smem:$0x3FFD];
	_ =	sdelay $0x3  }
0x9c: {  	_ =	strace s2  }
0x9d: {  	_ =	strace $0x8FFFFFFF  }
0x9e: {  	s19 =	sld [smem:$0x3FDB];
	_ =	sdelay $0x1  }
0x9f: {  	s20 =	simm.s32 $_scs_section_size  }
0xa0: {  	s5 =	simm.s32 $_size__tile_overlayer_lowered;
	s6 =	simm.s32 $_tile_overlayer_lowered  }
0xa1: {  	s7 =	simm.s32 $0x1BFF;
	s21 =	sshll.u32 s6, $0x1;
	s4 =	sadd.s32 s20, s19  }
0xa2: {  	s22 =	simm.s32 $0x0;
	s5 =	sshll.u32 s5, $0x1;
	s6 =	sadd.s32 s21, s4  }
0xa3: {  	[timem:s22], [sflag:s7] =	dma.local [hbm:s6], s5  }
0xa4: {  	_ =	swait.ge [sflag:s7], s5  }
0xa5: {  	s5 =	ssub.s32 $0x0, s5;
	[sflag:s7] =	ssyncset.done $0x0  }
0xa6: {  	[sflag:s7] =	ssyncadd.s32 s5;
	_ =	sdelay $0x1  }
0xa7: {  	s23 =	simm.s32 $0x1B8B  }
0xa8: {  	_ =	swait.ge [sflag:s23], $0x1  }
0xa9: {  	[sflag:s23] =	ssyncset.done $0x0  }
0xaa: {  	[sflag:s23] =	ssyncadd.s32 $0xFFFFFFFF  }
0xab: {  	s5 =	sld [smem:$0x0]  }
0xac: {  	s6 =	sand.u32 $0xFFFFFFFE, s1  }
0xad: {  	p0 =	sne.s32 s1, s6  }
0xae: {  	s6 =	sshll.u32 @p0 s6, $0xE  }
0xaf: {  	s6 =	sadd.s32 @p0 $0x11B8D, s6;
	s7 =	sshll.u32 @p0 s5, $0x11  }
0xb0: {  	s6 =	sor.u32 @p0 s7, s6  }
0xb1: {  	[sflag:s6] =	ssyncadd.remote.s32 @p0 $0x1;
	_ =	sdelay $0x1  }
0xb2: {  	s6 =	simm.s32 @p0 $0x1B8D  }
0xb3: {  	_ =	swait.eq @p0 [sflag:s6], $0x1  }
0xb4: {  	[sflag:s6] =	ssyncadd.s32 @p0 $0xFFFFFFFF  }
0xb5: {  	s7 =	sshll.u32 @!p0 s1, $0xE  }
0xb6: {  	s7 =	sor.u32 @!p0 $0x4000, s7;
	s6 =	simm.s32 @!p0 $0x1B8D  }
0xb7: {  	s5 =	sshll.u32 @!p0 s5, $0x11;
	s7 =	sadd.s32 @!p0 $0x11B8D, s7;
	_ =	swait.eq @!p0 [sflag:s6], $0x1  }
0xb8: {  	s5 =	sor.u32 @!p0 s5, s7;
	[sflag:s6] =	ssyncadd.s32 @!p0 $0xFFFFFFFF  }
0xb9: {  	s25 =	simm.s32 $0x1B8E;
	s24 =	sld [smem:$0x3FFE];
	[sflag:s5] =	ssyncadd.remote.s32 @!p0 $0x1  }
0xba: {  	s26 =	simm.s32 $execute0_lowered;
	[smem:$0x3FD2] =	sst s25  }
0xbb: {  	s6 =	sshll.u32 s26, $0x1;
	_ =	strace $0x80000052;
	[dreg:$0x1] =	wrdreg $0xFFFFFFFF  }
0xbc: {  	s28 =	simm.s32 $_size_execute0_lowered;
	s4 =	sadd.s32 s4, s6;
	[dreg:$0x0] =	wrdreg $0x0  }
0xbd: {  	s6 =	sshll.u32 s28, $0x1;
	[dreg:$0x2] =	wrdreg s4  }
0xbe: {  	[dreg:$0x3] =	wrdreg s6  }
0xbf: {  	[dreg:$0x4] =	wrdreg $0xC0  }
0xc0: {  	_ =	task [dreg:s22], $0x5FFFF  }
0xc1: {  	[dreg:$0x1] =	wrdreg $0xFFFFFFFF  }
0xc2: {  	[dreg:$0x0] =	wrdreg $0x60  }
0xc3: {  	[dreg:$0x2] =	wrdreg s24  }
0xc4: {  	[dreg:$0x3] =	wrdreg s17  }
0xc5: {  	[dreg:$0x4] =	wrdreg $0xF6900  }
0xc6: {  	[dreg:$0x5] =	wrdreg $0xA  }
0xc7: {  	_ =	task.clear_ibuf [dreg:s22], $0x6FFFF;
	_ =	strace $0x90000052  }
0xc8: {  	s29 =	simm.s32 $0xA;
	_ =	strace $0x80000054  }
0xc9: {  	_ =	swait.ge [sflag:s29], $0x1  }
0xca: {  	[sflag:s29] =	ssyncadd.s32 $0xFFFFFFFF  }
0xcb: {  	_ =	strace $0x90000054  }
0xcc: {  	_ =	sfence  }
0xcd: {  	s30 =	sld [smem:$0x0];
	_ =	sdelay $0x2  }
0xce: {  	s31 =	sshll.u32 s1, $0xD;
	s1 =	sshrl.u32 s1, $0x2  }
0xcf: {  	s4 =	sand.u32 $0x4000, s31;
	s1 =	sadd.s32 s1, s30  }
0xd0: {  	s0 =	sor.u32 s4, s0;
	s1 =	sshll.u32 s1, $0x11  }
0xd1: {  	s0 =	sor.u32 s1, s0  }
0xd2: {  	s0 =	sadd.s32 $0x8F2B, s0  }
0xd3: {  	[sflag:s0] =	ssyncadd.remote.s32 $0x1  }
0xd4: {  	_ =	sfence.sel $0xFFFF  }
0xd5: {  	[dreg:$0x0] =	wrdreg $0xFFFFFFFF;
	(pc) =	sbr.abs _section_cstart, $3  }
0xd6: {  	[dreg:$0x1] =	wrdreg $0xFFFFFFFF  }
0xd7: {  	_ =	task.clear_ibuf [dreg:s22], $0x2FFFF;
	_ =	strace $0x9FFFFFFF  }
0xd8: {  	(tm) =	ssettm $0x7FFFFFFF  }
0xd9: {  	_ =	shalt  }
tec
execute0_lowered:
.L_overlay_start_1:
0x0: {  	(tag) =	ssettag $0x1  }
0x1: {  	s5 =	rddreg [dreg:$0x0]  }
0x2: {  	s0 =	srdreg.scid;
	s1 =	rddreg [dreg:$0x1]  }
0x3: {  	s20 =	stileid.u32;
	s2 =	rddreg [dreg:$0x2];
	s3 =	simm.s32 $0x0  }
0x4: {  	s14 =	simm.s32 $0x1;
	s15 =	simm.s32 $0x2780;
	s16 =	simm.s32 $0x4F00  }
0x5: {  	s17 =	simm.s32 $0xB690;
	s18 =	simm.s32 $0x80;
	s19 =	simm.s32 $0x7690  }
0x6: {  	s4 =	sand.u32 $0x1, s0;
	[smem:$0x7FF] =	sst s3;
	s8 =	smul.u32 $0x27100, s20  }
0x7: {  	s0 =	sshll.u32 s4, $0x4;
	s7 =	smul.u32 $0x13880, s4;
	s4 =	ssub.s32 $0x2, s4  }
0x8: {  	p0 =	sne.s32 s20, $0x0;
	s0 =	sor.u32 s20, s0;
	s30 =	sshrl.u32 s4, $0x1  }
0x9: {  	s31 =	sshrl.u32 s8, $0x2;
	s20 =	simm.s32 $0x0;
	s6 =	smul.u32 $0x4F0, s0  }
0xa: {  	s0 =	rddreg [dreg:$0x3];
	_ =	strace $0x80000053;
	s12 =	sadd.s32 s7, s5  }
0xb: {  	s13 =	ssub.s32 s4, s30;
	s12 =	sadd.s32 $0x78A00, s12;
	s9 =	sadd.s32 s6, s5  }
0xc: {  	s13 =	smax.u32 s13, $0x1;
	s6 =	sadd.s32 s31, s2;
	s4 =	sadd.s32 $0x34200, s9  }
0xd: {  	s5 =	sadd.s32 $0x2A400, s9;
	s7 =	sadd.s32 $0x3000, s9;
	s8 =	sadd.s32 $0x1F40, s6  }
0xe: {  	v0 =	vimm.f32 $0.0e+00;
	s9 =	sadd.s32 $0x3E80, s6;
	s10 =	sadd.s32 $0x5DC0, s6;
	s11 =	sadd.s32 $0x7D00, s6  }
.LBB2_1:
0xf: {  	[tilespmem:s3], [sflag:$0x1] =	stream.linear.gather [hbm4b:s4+s3], $0x2780, $0x38;
	[tilespmem:$0x192D0] =	vst v63  }
0x10: {  	_ =	swait.ge [sflag:s14], $0x2780  }
0x11: {  	[sflag:s14] =	ssyncset.done $0x0  }
0x12: {  	[sflag:s14] =	ssyncadd.s32 $0xFFFFD880  }
0x13: {  	[tilespmem:s15], [sflag:$0x1] =	stream.linear.gather [hbm4b:s5+s3], $0x2780, $0x38;
	[tilespmem:$0x192D0] =	vst v63  }
0x14: {  	_ =	swait.ge [sflag:s14], $0x2780  }
0x15: {  	[sflag:s14] =	ssyncset.done $0x0  }
0x16: {  	[sflag:s14] =	ssyncadd.s32 $0xFFFFD880  }
0x17: {  	[tilespmem:s16], [sflag:$0x1] =	stream.linear.gather [hbm4b:s7+s3], $0x2780, $0x38;
	[tilespmem:$0x192D0] =	vst v63  }
0x18: {  	_ =	swait.ge [sflag:s14], $0x2780  }
0x19: {  	[sflag:s14] =	ssyncset.done $0x0  }
0x1a: {  	s22 =	simm.s32 $0x100;
	s21 =	simm.s32 $0x0;
	[sflag:s14] =	ssyncadd.s32 $0xFFFFD880  }
.LBB2_2:
0x1b: {  	p1 =	sne.s32 s22, $0x7F00;
	[tilespmem:s21+$0xB6C0] =	vst v0;
	s23 =	smov.u32 s22;
	s22 =	sadd.s32 $0x100, s22  }
.Ltmp0:
0x1c: {  	[tilespmem:s21+$0xB6B0] =	vst v0;
	(pc) =	sbr.rel @p1 .LBB2_2-.Ltmp0, $3  }
0x1d: {  	[tilespmem:s21+$0xB690] =	vst v0  }
0x1e: {  	[tilespmem:s21+$0xB6A0] =	vst v0;
	_ =	sdelay $0x1  }
0x1f: {  	s21 =	sshra.s32 s23, $0x2  }
0x20: {  	[tilespmem:s21+$0xB6C0] =	vst v0  }
0x21: {  	[tilespmem:s21+$0xB6B0] =	vst v0  }
0x22: {  	[tilespmem:s21+$0xB690] =	vst v0  }
0x23: {  	[tilespmem:s21+$0xB6A0] =	vst v0  }
0x24: {  	[spmem:s6] =	stream.linear.scatter [tilespmem:s17], [sflag:$0x1], $0x1F40, $0x38;
	[tilespmem:$0x192D0] =	vst v63  }
0x25: {  	_ =	swait.ge [sflag:s14], $0x1F40  }
0x26: {  	[sflag:s14] =	ssyncset.done $0x0  }
0x27: {  	[sflag:s14] =	ssyncadd.s32 $0xFFFFE0C0  }
0x28: {  	[spmem:s8] =	stream.linear.scatter [tilespmem:s17], [sflag:$0x1], $0x1F40, $0x38;
	[tilespmem:$0x192D0] =	vst v63  }
0x29: {  	_ =	swait.ge [sflag:s14], $0x1F40  }
0x2a: {  	[sflag:s14] =	ssyncset.done $0x0  }
0x2b: {  	[sflag:s14] =	ssyncadd.s32 $0xFFFFE0C0  }
0x2c: {  	[spmem:s9] =	stream.linear.scatter [tilespmem:s17], [sflag:$0x1], $0x1F40, $0x38;
	[tilespmem:$0x192D0] =	vst v63  }
0x2d: {  	_ =	swait.ge [sflag:s14], $0x1F40  }
0x2e: {  	[sflag:s14] =	ssyncset.done $0x0  }
0x2f: {  	[sflag:s14] =	ssyncadd.s32 $0xFFFFE0C0  }
0x30: {  	[spmem:s10] =	stream.linear.scatter [tilespmem:s17], [sflag:$0x1], $0x1F40, $0x38;
	[tilespmem:$0x192D0] =	vst v63  }
0x31: {  	_ =	swait.ge [sflag:s14], $0x1F40  }
0x32: {  	[sflag:s14] =	ssyncset.done $0x0  }
0x33: {  	[sflag:s14] =	ssyncadd.s32 $0xFFFFE0C0  }
0x34: {  	[spmem:s11] =	stream.linear.scatter [tilespmem:s17], [sflag:$0x1], $0x1F40, $0x38;
	[tilespmem:$0x192D0] =	vst v63  }
0x35: {  	_ =	swait.ge [sflag:s14], $0x1F40  }
0x36: {  	[sflag:s14] =	ssyncset.done $0x0  }
0x37: {  	[sflag:s14] =	ssyncadd.s32 $0xFFFFE0C0  }
0x38: {  	s21 =	simm.s32 $0x0;
	s22 =	simm.s32 $0x4F00;
	[bflag:$0x0] =	sbarrier.arrive $0xFFFF  }
.LBB2_4:
0x39: {  	s23 =	sshll.u32 s21, $0x7  }
0x3a: {  	s24 =	sadd.s32 $0x2780, s23  }
0x3b: {  	[tilespmem:s19], [sflag:$0x1] =	stream.indirect.gather [hbm4b:s1+s18], $0x40, s24, s18, $0xb8;
	[tilespmem:$0x192D0] =	vst v63  }
0x3c: {  	_ =	swait.ge [sflag:s14], $0x2000  }
0x3d: {  	[sflag:s14] =	ssyncset.done $0x0  }
0x3e: {  	s24 =	simm.s32 $0x0;
	[sflag:s14] =	ssyncadd.s32 $0xFFFFE000  }
0x3f: {  	v1 =	vld [tilespmem:s24+$0x7690]  }
0x40: {  	v3 =	vld [tilespmem:s24+$0x76A0]  }
0x41: {  	s25 =	simm.s32 $0x100;
	s26 =	smov.u32 s22;
	v2 =	vld.msk [tilespmem:s22+$0x0 ss:$0x0], $0xffff  }
.LBB2_5:
0x42: {  	p1 =	sne.s32 s25, $0x7F00;
	v4 =	vld [tilespmem:s24+$0x76B0]  }
0x43: {  	v5 =	vld [tilespmem:s24+$0x76C0];
	_ =	sdelay $0x3  }
0x44: {  	v1 =	vmul.f32 v2, v1;
	v3 =	vmul.f32 v3, v2  }
0x45: {  	v4 =	vmul.f32 v4, v2;
	v2 =	vmul.f32 v5, v2  }
.Ltmp1:
0x46: {  	[tilespmem:s24+$0xB690] =	vst v1;
	(pc) =	sbr.rel @p1 .LBB2_5-.Ltmp1, $4  }
0x47: {  	s28 =	sshra.s32 s25, $0x2;
	[tilespmem:s24+$0xB6A0] =	vst v3  }
0x48: {  	v1 =	vld [tilespmem:s28+$0x7690];
	[tilespmem:s24+$0xB6B0] =	vst v4  }
0x49: {  	s26 =	sadd.s32 $0x1, s26;
	v3 =	vld [tilespmem:s28+$0x76A0];
	[tilespmem:s24+$0xB6C0] =	vst v2;
	s24 =	smov.u32 s28  }
0x4a: {  	s25 =	sadd.s32 $0x100, s25;
	v2 =	vld.msk [tilespmem:s26+$0x0 ss:$0x0], $0xffff  }
0x4b: {  	_ = 	snop  }
0x4c: {  	v4 =	vld [tilespmem:s24+$0x76B0]  }
0x4d: {  	v5 =	vld [tilespmem:s24+$0x76C0];
	_ =	sdelay $0x1  }
0x4e: {  	v1 =	vmul.f32 v2, v1  }
0x4f: {  	v3 =	vmul.f32 v3, v2  }
0x50: {  	v4 =	vmul.f32 v4, v2;
	[tilespmem:s24+$0xB690] =	vst v1  }
0x51: {  	s21 =	sadd.s32 $0x1, s21;
	v1 =	vmul.f32 v5, v2;
	[tilespmem:s24+$0xB6A0] =	vst v3  }
0x52: {  	p1 =	sne.s32 s21, $0x4F;
	[tilespmem:s24+$0xB6B0] =	vst v4  }
.Ltmp2:
0x53: {  	[tilespmem:s24+$0xB6C0] =	vst v1;
	(pc) =	sbr.rel @p1 .LBB2_4-.Ltmp2, $4  }
0x54: {  	[spmem:s2] =	stream.indirect.scatter.add.f32 [tilespmem:s17], [sflag:$0x1], $0x40, s23, s18, $0xb8;
	[tilespmem:$0x192D0] =	vst v63  }
0x55: {  	_ =	swait.ge [sflag:s14], $0x2000  }
0x56: {  	[sflag:s14] =	ssyncset.done $0x0  }
0x57: {  	s22 =	sadd.s32 $0x80, s22;
	[sflag:s14] =	ssyncadd.s32 $0xFFFFE000  }
0x58: {  	[bflag:$0x0] =	sbarrier.arrive $0xFFFF  }
0x59: {  	s21 =	sshrl.u32 @!p0 s2, $0x3;
	s22 =	simm.s32 @!p0 $0x1C01;
	s20 =	sadd.s32 $0x1, s20  }
0x5a: {  	[hbm:s12], [sflag:s22] =	dma.local @!p0 [spmem:s21], $0x13880  }
0x5b: {  	p1 =	sne.s32 s20, s13  }
.Ltmp3:
0x5c: {  	_ = 	snop;
	(pc) =	sbr.rel @p1 .LBB2_1-.Ltmp3, $4  }
0x5d: {  	s21 =	simm.s32 @!p0 $0x1  }
0x5e: {  	_ =	swait.ge @!p0 [sflag:s21], $0x13880  }
0x5f: {  	[sflag:s21] =	ssyncset.done @!p0 $0x0  }
0x60: {  	[sflag:s21] =	ssyncadd.s32 @!p0 $0xFFFEC780  }
0x61: {  	_ =	sfence.sel $0x180000  }
0x62: {  	[bflag:$0x0] =	sbarrier.arrive $0xFFFF  }
0x63: {  	_ =	strace $0x90000053  }
0x64: {  	s0 =	sadd.s32 @!p0 $0x100000, s0;
	[bflag:$0x2] =	sbarrier.arrive $0xFFFF  }
0x65: {  	[sflag:s0] =	ssyncadd.tile.s32 @!p0 $0x1;
	_ =	shalt  }
.Lfunc_end2:
_tile_overlayer_lowered:
.L_overlay_start_2:
0x66: {  	(tag) =	ssettag $0x2  }
0x67: {  	s0 =	rddreg [dreg:$0x0];
	s2 =	stileid.u32  }
0x68: {  	s1 =	rddreg [dreg:$0x1];
	p0 =	sne.s32 s2, $0x0  }
0x69: {  	s3 =	rddreg [dreg:$0x2];
	[bflag:$0x3] =	sbarrier.arrive $0xFFFF;
	s2 =	simm.s32 @!p0 $0x1C01  }
0x6a: {  	[timem:s3], [sflag:s2] =	dma.local @!p0 [hbm:s0], s1  }
0x6b: {  	s0 =	simm.s32 @!p0 $0x1  }
0x6c: {  	_ =	swait.ge @!p0 [sflag:s0], s1  }
0x6d: {  	s1 =	ssub.s32 @!p0 $0x0, s1;
	[sflag:s0] =	ssyncset.done @!p0 $0x0  }
0x6e: {  	[sflag:s0] =	ssyncadd.s32 @!p0 s1  }
0x6f: {  	[bflag:$0x3] =	sbarrier.arrive $0xFFFF  }
0x70: {  	_ =	shalt  }

</sc_bundles>
